<compile_context>
chip_gen: v7x
topology: tpu7x:2x2x1
jax: 0.10.2.dev20260603
libtpu: 0.0.44.dev20260713+nightly
codegen_flags: <defaults>
</compile_context>

<pallas_src>
import functools

import jax
import jax.numpy as jnp
from jax import lax
from jax.experimental import pallas as pl
from jax.experimental.pallas import tpu as pltpu
from jax.experimental.pallas import tpu_sc as plsc

_D = 64
_SCALE = 8.0
_LANES = 128


def _sc_transpose(embT):
    nd, V = embT.shape
    info = plsc.get_sparse_core_info()
    NW = info.num_cores * info.num_subcores
    nfull = V // _LANES
    mesh = plsc.VectorSubcoreMesh(core_axis_name="c", subcore_axis_name="s")

    @functools.partial(
        pl.kernel,
        mesh=mesh,
        compiler_params=pltpu.CompilerParams(
            use_tc_tiling_on_sc=True, needs_layout_passes=False
        ),
        out_type=jax.ShapeDtypeStruct((V // 2, 2 * nd), jnp.float32),
        scratch_types=[
            pltpu.VMEM((3, _D, _LANES), jnp.float32),
            pltpu.VMEM((2, _D, _LANES), jnp.float32),
            pltpu.SemaphoreType.DMA,
            pltpu.SemaphoreType.DMA,
        ],
    )
    def k(embT_hbm, out_hbm, in_v, o_v, isem, osem):
        wid = lax.axis_index("s") * info.num_cores + lax.axis_index("c")
        nb = 244 + jnp.where(wid < nfull - 32 * 244, 1, 0)
        iota16 = lax.iota(jnp.int32, 16)

        def blkid(b):
            return wid + NW * b

        for pb in (0, 1):
            pltpu.async_copy(
                embT_hbm.at[:, pl.ds(blkid(pb) * _LANES, _LANES)],
                in_v.at[pb], isem)

        def transpose_block(obuf, blk, rows, ibuf):
            def kbody(kk, c2):
                qvec = (iota16 + kk) & (rows - 1)
                vals = []
                for g in range(_LANES // 16):
                    rvec = (iota16 + (g % 4) * 16) & (_D - 1)
                    cvec = 2 * qvec + (g // 4)
                    vals.append(
                        plsc.load_gather(in_v.at[ibuf], [rvec, cvec]))
                for g in range(_LANES // 16):
                    plsc.store_scatter(
                        o_v.at[obuf], [qvec, iota16 + g * 16], vals[g])
                return c2

            lax.fori_loop(0, rows, kbody, 0, unroll=4)
            pltpu.async_copy(
                o_v.at[obuf].at[pl.ds(0, rows)],
                out_hbm.at[pl.ds(blk * (_LANES // 2), rows)], osem)

        def bbody(b, c):
            buf = lax.rem(b, 3)
            blk = blkid(b)
            pltpu.make_async_copy(
                embT_hbm.at[:, pl.ds(blk * _LANES, _LANES)],
                in_v.at[buf], isem).wait()

            @pl.when(b + 2 < nb)
            def _():
                pltpu.async_copy(
                    embT_hbm.at[:, pl.ds(blkid(b + 2) * _LANES, _LANES)],
                    in_v.at[lax.rem(b + 2, 3)], isem)

            @pl.when(b >= 2)
            def _():
                pltpu.make_async_copy(
                    o_v.at[lax.rem(b, 2)],
                    out_hbm.at[pl.ds(0, _D)], osem).wait()

            transpose_block(lax.rem(b, 2), blk, _D, buf)
            return c

        lax.fori_loop(0, nb, bbody, 0)

        def drain(t):
            @pl.when(t < nb)
            def _():
                pltpu.make_async_copy(
                    o_v.at[t % 2], out_hbm.at[pl.ds(0, _D)], osem).wait()

        drain(nb - 2)
        drain(nb - 1)

    return k(embT)


def _sc_embed(xT, tab2):
    nr, ntok = xT.shape
    info = plsc.get_sparse_core_info()

    mesh = plsc.VectorSubcoreMesh(core_axis_name="c", subcore_axis_name="s")

    @functools.partial(
        pl.kernel,
        mesh=mesh,
        compiler_params=pltpu.CompilerParams(
            use_tc_tiling_on_sc=True, needs_layout_passes=False
        ),
        out_type=jax.ShapeDtypeStruct((nr, _D, ntok), jnp.float32),
        scratch_types=[
            pltpu.VMEM((nr, _LANES), jnp.int32),
            pltpu.VMEM((nr, _LANES), jnp.int32),
            pltpu.VMEM((3, _LANES, _LANES), jnp.float32),
            pltpu.VMEM((2, _D, _LANES), jnp.float32),
            pltpu.SemaphoreType.DMA,
            pltpu.SemaphoreType.DMA,
        ],
    )
    def k(xT_hbm, tab_hbm, out_hbm, idx_v, hidx_v, rows_v, out_v, gsem, osem):
        wid = lax.axis_index("s") * info.num_cores + lax.axis_index("c")
        a0 = wid * _LANES
        pltpu.sync_copy(xT_hbm.at[:, pl.ds(a0, _LANES)], idx_v)

        def hbody(i, c):
            for g in range(_LANES // 16):
                sl = pl.ds(g * 16, 16)
                hidx_v[i, sl] = lax.shift_right_logical(idx_v[i, sl], 1)
            return c

        lax.fori_loop(0, nr, hbody, 0, unroll=4)

        iota16 = lax.iota(jnp.int32, 16)
        for pr in (0, 1):
            pltpu.async_copy(tab_hbm.at[hidx_v.at[pr]], rows_v.at[pr], gsem)

        def rbody(r, c):
            buf = lax.rem(r, 3)
            obuf = lax.rem(r, 2)
            pltpu.make_async_copy(
                tab_hbm.at[hidx_v.at[r]], rows_v.at[buf], gsem).wait()

            @pl.when(r + 2 < nr)
            def _():
                pltpu.async_copy(
                    tab_hbm.at[hidx_v.at[r + 2]],
                    rows_v.at[lax.rem(r + 2, 3)], gsem)

            @pl.when(r >= 2)
            def _():
                pltpu.make_async_copy(
                    out_v.at[obuf],
                    out_hbm.at[r - 2, :, pl.ds(a0, _LANES)], osem).wait()

            doffs = []
            for g in range(_LANES // 16):
                sl = pl.ds(g * 16, 16)
                doffs.append((idx_v[r, sl] & 1) * _D)

            def kbody(kk, c2):
                dvec = (iota16 + kk) & (_D - 1)
                vals = [
                    plsc.load_gather(
                        rows_v.at[buf], [iota16 + (g * 16), doffs[g] + dvec])
                    for g in range(_LANES // 16)
                ]
                for g in range(_LANES // 16):
                    plsc.store_scatter(
                        out_v.at[obuf], [dvec, iota16 + (g * 16)],
                        vals[g] * _SCALE)
                return c2

            lax.fori_loop(0, _D, kbody, 0, unroll=4)
            pltpu.async_copy(
                out_v.at[obuf], out_hbm.at[r, :, pl.ds(a0, _LANES)], osem)
            return c

        lax.fori_loop(0, nr, rbody, 0)
        for t in (nr - 2, nr - 1):
            pltpu.make_async_copy(
                out_v.at[t % 2], out_hbm.at[t, :, pl.ds(a0, _LANES)],
                osem).wait()

    return k(xT, tab2)


def kernel(x, emb_weight):
    b, s = x.shape
    v, d = emb_weight.shape
    xT = x.T.astype(jnp.int32)
    tab2 = _sc_transpose(emb_weight.T)
    ntail = v % _LANES
    if ntail:
        tail = emb_weight[v - ntail:].reshape(ntail // 2, 2 * d)
        tab2 = lax.dynamic_update_slice(
            tab2, tail, ((v - ntail) // 2, 0))
    outT = _sc_embed(xT, tab2)
    return outT.transpose(2, 0, 1)

# --- scband reference (transcript-rebuilt; emitter-appended) ---
"""Pipeline reference for scband-input-embedding-layer-51290499449274 (READ-ONLY COPY).

The authoritative reference and input builder live on the scoring server;
editing this copy changes nothing except your own understanding.
"""

import jax, jax.numpy as jnp
import numpy as np

VOCAB = 1000000
DIMS = 64

def setup_inputs(seed: int = 0) -> dict:
    key = jax.random.key(seed)
    k1, k2 = jax.random.split(key)
    x = jax.random.randint(k1, (4096, 200), 0, VOCAB, dtype=jnp.int64)
    emb_weight = jax.random.normal(k2, (VOCAB, DIMS), dtype=jnp.float32)
    return {"x": x, "emb_weight": emb_weight}

def reference(x, emb_weight):
    # nn.Embedding lookup followed by scaling by sqrt(dims)
    y = jnp.take(emb_weight, x, axis=0) * (DIMS ** 0.5)
    return y

if __name__ == "__main__":
    import jax
    _d = setup_inputs()
    print(jax.jit(kernel)(*tuple(_d.values())))

</pallas_src>

<mosaic_0001>
#map = affine_map<(d0, d1) -> (0, 0)>
#map1 = affine_map<(d0, d1) -> (0, 0, 0)>
module attributes {stable_mosaic.version = 14 : i64} {
  func.func @k(%arg0: i32, %arg1: i32, %arg2: memref<200x4096xi32, #tpu.memory_space<hbm>>, %arg3: memref<500000x128xf32, #tpu.memory_space<hbm>>, %arg4: memref<200x64x4096xf32, #tpu.memory_space<hbm>>, %arg5: memref<200x128xi32, #tpu.memory_space<vmem>>, %arg6: memref<200x128xi32, #tpu.memory_space<vmem>>, %arg7: memref<3x128x128xf32, #tpu.memory_space<vmem>>, %arg8: memref<2x64x128xf32, #tpu.memory_space<vmem>>, %arg9: memref<!tpu.dma_semaphore, #tpu.memory_space<semaphore_mem>>, %arg10: memref<!tpu.dma_semaphore, #tpu.memory_space<semaphore_mem>>) attributes {dimension_semantics = [#tpu.dimension_semantics<core_parallel>, #tpu.dimension_semantics<subcore_parallel>], iteration_bounds = array<i64: 2, 16>, scalar_prefetch = 0 : i64, scratch_operands = 6 : i64, tpu.core_type = #tpu.core_type<sc_vector_subcore>, window_params = [{transform_indices = #map}, {transform_indices = #map}, {transform_indices = #map1}]} {
    %mul3A = arith.constant 2 : i32
    %mul3A_0 = arith.muli %arg1, %mul3A : i32
    %add3A = arith.addi %mul3A_0, %arg0 : i32
    %mul3A_1 = arith.constant 128 : i32
    %mul3A_2 = arith.muli %add3A, %mul3A_1 : i32
    "tpu.region"() ({
      %run_scoped3A = tpu.sem_alloc : memref<!tpu.dma_semaphore, #tpu.memory_space<semaphore_mem>>
      %dma_start3A_68 = arith.constant 0 : i32
      %dma_start3A_69 = tpu.memref_slice %arg2[%dma_start3A_68, %mul3A_2] : memref<200x4096xi32, #tpu.memory_space<hbm>> -> memref<200x128xi32, #tpu.memory_space<hbm>>
      %dma_start3A_70 = arith.constant 0 : i32
      %dma_start3A_71 = tpu.memref_slice %arg2[%dma_start3A_70, %mul3A_2] : memref<200x4096xi32, #tpu.memory_space<hbm>> -> memref<200x128xi32, #tpu.memory_space<hbm>>
      tpu.enqueue_dma source(%dma_start3A_71 : memref<200x128xi32, #tpu.memory_space<hbm>>) target(%arg5 : memref<200x128xi32, #tpu.memory_space<vmem>>) target_semaphore(%run_scoped3A : memref<!tpu.dma_semaphore, #tpu.memory_space<semaphore_mem>>)
      %dma_wait3A_72 = arith.constant 0 : i32
      %dma_wait3A_73 = tpu.memref_slice %arg2[%dma_wait3A_72, %mul3A_2] : memref<200x4096xi32, #tpu.memory_space<hbm>> -> memref<200x128xi32, #tpu.memory_space<hbm>>
      %dma_wait3A_74 = arith.constant 0 : i32
      %dma_wait3A_75 = tpu.memref_slice %arg2[%dma_wait3A_74, %mul3A_2] : memref<200x4096xi32, #tpu.memory_space<hbm>> -> memref<200x128xi32, #tpu.memory_space<hbm>>
      tpu.wait_dma2 semaphore(%run_scoped3A : memref<!tpu.dma_semaphore, #tpu.memory_space<semaphore_mem>>) src(%dma_wait3A_75 : memref<200x128xi32, #tpu.memory_space<hbm>>) dst(%arg5 : memref<200x128xi32, #tpu.memory_space<vmem>>)
      tpu.yield
    }) : () -> ()
    %scan3A = arith.constant 0 : i32
    %scan3A_3 = arith.constant 0 : i32
    %scan3A_4 = arith.constant 200 : i32
    %scan3A_5 = arith.addi %scan3A_3, %scan3A_4 : i32
    %scan3A_6 = arith.constant 4 : i32
    scf.for %scan3A_68 = %scan3A_3 to %scan3A_5 step %scan3A_6  : i32 {
      %get3A = arith.index_cast %scan3A_68 : i32 to index
      %get3A_69 = arith.constant 0 : index
      %get3A_70 = tpu.vector_load %arg5[%get3A, %get3A_69] {strides = array<i32>} : memref<200x128xi32, #tpu.memory_space<vmem>>, vector<16xi32>,
      %shift_right_logical3A = arith.constant 1 : i32
      %shift_right_logical3A_71 = vector.broadcast %shift_right_logical3A : i32 to vector<16xi32>
      %shift_right_logical3A_72 = arith.shrui %get3A_70, %shift_right_logical3A_71 : vector<16xi32>
      %swap3A = arith.index_cast %scan3A_68 : i32 to index
      %swap3A_73 = arith.constant 0 : index
      %swap3A_74 = tpu.vector_load %arg6[%swap3A, %swap3A_73] {strides = array<i32>} : memref<200x128xi32, #tpu.memory_space<vmem>>, vector<16xi32>,
      tpu.vector_store %arg6[%swap3A, %swap3A_73], %shift_right_logical3A_72 {strides = array<i32>} : memref<200x128xi32, #tpu.memory_space<vmem>>, vector<16xi32>,
      %get3A_75 = arith.index_cast %scan3A_68 : i32 to index
      %get3A_76 = arith.constant 16 : index
      %get3A_77 = tpu.vector_load %arg5[%get3A_75, %get3A_76] {strides = array<i32>} : memref<200x128xi32, #tpu.memory_space<vmem>>, vector<16xi32>,
      %shift_right_logical3A_78 = arith.constant 1 : i32
      %shift_right_logical3A_79 = vector.broadcast %shift_right_logical3A_78 : i32 to vector<16xi32>
      %shift_right_logical3A_80 = arith.shrui %get3A_77, %shift_right_logical3A_79 : vector<16xi32>
      %swap3A_81 = arith.index_cast %scan3A_68 : i32 to index
      %swap3A_82 = arith.constant 16 : index
      %swap3A_83 = tpu.vector_load %arg6[%swap3A_81, %swap3A_82] {strides = array<i32>} : memref<200x128xi32, #tpu.memory_space<vmem>>, vector<16xi32>,
      tpu.vector_store %arg6[%swap3A_81, %swap3A_82], %shift_right_logical3A_80 {strides = array<i32>} : memref<200x128xi32, #tpu.memory_space<vmem>>, vector<16xi32>,
      %get3A_84 = arith.index_cast %scan3A_68 : i32 to index
      %get3A_85 = arith.constant 32 : index
      %get3A_86 = tpu.vector_load %arg5[%get3A_84, %get3A_85] {strides = array<i32>} : memref<200x128xi32, #tpu.memory_space<vmem>>, vector<16xi32>,
      %shift_right_logical3A_87 = arith.constant 1 : i32
      %shift_right_logical3A_88 = vector.broadcast %shift_right_logical3A_87 : i32 to vector<16xi32>
      %shift_right_logical3A_89 = arith.shrui %get3A_86, %shift_right_logical3A_88 : vector<16xi32>
      %swap3A_90 = arith.index_cast %scan3A_68 : i32 to index
      %swap3A_91 = arith.constant 32 : index
      %swap3A_92 = tpu.vector_load %arg6[%swap3A_90, %swap3A_91] {strides = array<i32>} : memref<200x128xi32, #tpu.memory_space<vmem>>, vector<16xi32>,
      tpu.vector_store %arg6[%swap3A_90, %swap3A_91], %shift_right_logical3A_89 {strides = array<i32>} : memref<200x128xi32, #tpu.memory_space<vmem>>, vector<16xi32>,
      %get3A_93 = arith.index_cast %scan3A_68 : i32 to index
      %get3A_94 = arith.constant 48 : index
      %get3A_95 = tpu.vector_load %arg5[%get3A_93, %get3A_94] {strides = array<i32>} : memref<200x128xi32, #tpu.memory_space<vmem>>, vector<16xi32>,
      %shift_right_logical3A_96 = arith.constant 1 : i32
      %shift_right_logical3A_97 = vector.broadcast %shift_right_logical3A_96 : i32 to vector<16xi32>
      %shift_right_logical3A_98 = arith.shrui %get3A_95, %shift_right_logical3A_97 : vector<16xi32>
      %swap3A_99 = arith.index_cast %scan3A_68 : i32 to index
      %swap3A_100 = arith.constant 48 : index
      %swap3A_101 = tpu.vector_load %arg6[%swap3A_99, %swap3A_100] {strides = array<i32>} : memref<200x128xi32, #tpu.memory_space<vmem>>, vector<16xi32>,
      tpu.vector_store %arg6[%swap3A_99, %swap3A_100], %shift_right_logical3A_98 {strides = array<i32>} : memref<200x128xi32, #tpu.memory_space<vmem>>, vector<16xi32>,
      %get3A_102 = arith.index_cast %scan3A_68 : i32 to index
      %get3A_103 = arith.constant 64 : index
      %get3A_104 = tpu.vector_load %arg5[%get3A_102, %get3A_103] {strides = array<i32>} : memref<200x128xi32, #tpu.memory_space<vmem>>, vector<16xi32>,
      %shift_right_logical3A_105 = arith.constant 1 : i32
      %shift_right_logical3A_106 = vector.broadcast %shift_right_logical3A_105 : i32 to vector<16xi32>
      %shift_right_logical3A_107 = arith.shrui %get3A_104, %shift_right_logical3A_106 : vector<16xi32>
      %swap3A_108 = arith.index_cast %scan3A_68 : i32 to index
      %swap3A_109 = arith.constant 64 : index
      %swap3A_110 = tpu.vector_load %arg6[%swap3A_108, %swap3A_109] {strides = array<i32>} : memref<200x128xi32, #tpu.memory_space<vmem>>, vector<16xi32>,
      tpu.vector_store %arg6[%swap3A_108, %swap3A_109], %shift_right_logical3A_107 {strides = array<i32>} : memref<200x128xi32, #tpu.memory_space<vmem>>, vector<16xi32>,
      %get3A_111 = arith.index_cast %scan3A_68 : i32 to index
      %get3A_112 = arith.constant 80 : index
      %get3A_113 = tpu.vector_load %arg5[%get3A_111, %get3A_112] {strides = array<i32>} : memref<200x128xi32, #tpu.memory_space<vmem>>, vector<16xi32>,
      %shift_right_logical3A_114 = arith.constant 1 : i32
      %shift_right_logical3A_115 = vector.broadcast %shift_right_logical3A_114 : i32 to vector<16xi32>
      %shift_right_logical3A_116 = arith.shrui %get3A_113, %shift_right_logical3A_115 : vector<16xi32>
      %swap3A_117 = arith.index_cast %scan3A_68 : i32 to index
      %swap3A_118 = arith.constant 80 : index
      %swap3A_119 = tpu.vector_load %arg6[%swap3A_117, %swap3A_118] {strides = array<i32>} : memref<200x128xi32, #tpu.memory_space<vmem>>, vector<16xi32>,
      tpu.vector_store %arg6[%swap3A_117, %swap3A_118], %shift_right_logical3A_116 {strides = array<i32>} : memref<200x128xi32, #tpu.memory_space<vmem>>, vector<16xi32>,
      %get3A_120 = arith.index_cast %scan3A_68 : i32 to index
      %get3A_121 = arith.constant 96 : index
      %get3A_122 = tpu.vector_load %arg5[%get3A_120, %get3A_121] {strides = array<i32>} : memref<200x128xi32, #tpu.memory_space<vmem>>, vector<16xi32>,
      %shift_right_logical3A_123 = arith.constant 1 : i32
      %shift_right_logical3A_124 = vector.broadcast %shift_right_logical3A_123 : i32 to vector<16xi32>
      %shift_right_logical3A_125 = arith.shrui %get3A_122, %shift_right_logical3A_124 : vector<16xi32>
      %swap3A_126 = arith.index_cast %scan3A_68 : i32 to index
      %swap3A_127 = arith.constant 96 : index
      %swap3A_128 = tpu.vector_load %arg6[%swap3A_126, %swap3A_127] {strides = array<i32>} : memref<200x128xi32, #tpu.memory_space<vmem>>, vector<16xi32>,
      tpu.vector_store %arg6[%swap3A_126, %swap3A_127], %shift_right_logical3A_125 {strides = array<i32>} : memref<200x128xi32, #tpu.memory_space<vmem>>, vector<16xi32>,
      %get3A_129 = arith.index_cast %scan3A_68 : i32 to index
      %get3A_130 = arith.constant 112 : index
      %get3A_131 = tpu.vector_load %arg5[%get3A_129, %get3A_130] {strides = array<i32>} : memref<200x128xi32, #tpu.memory_space<vmem>>, vector<16xi32>,
      %shift_right_logical3A_132 = arith.constant 1 : i32
      %shift_right_logical3A_133 = vector.broadcast %shift_right_logical3A_132 : i32 to vector<16xi32>
      %shift_right_logical3A_134 = arith.shrui %get3A_131, %shift_right_logical3A_133 : vector<16xi32>
      %swap3A_135 = arith.index_cast %scan3A_68 : i32 to index
      %swap3A_136 = arith.constant 112 : index
      %swap3A_137 = tpu.vector_load %arg6[%swap3A_135, %swap3A_136] {strides = array<i32>} : memref<200x128xi32, #tpu.memory_space<vmem>>, vector<16xi32>,
      tpu.vector_store %arg6[%swap3A_135, %swap3A_136], %shift_right_logical3A_134 {strides = array<i32>} : memref<200x128xi32, #tpu.memory_space<vmem>>, vector<16xi32>,
      %scan3A_138 = arith.constant 1 : i32
      %scan3A_139 = arith.addi %scan3A_68, %scan3A_138 : i32
      %get3A_140 = arith.index_cast %scan3A_139 : i32 to index
      %get3A_141 = arith.constant 0 : index
      %get3A_142 = tpu.vector_load %arg5[%get3A_140, %get3A_141] {strides = array<i32>} : memref<200x128xi32, #tpu.memory_space<vmem>>, vector<16xi32>,
      %shift_right_logical3A_143 = arith.constant 1 : i32
      %shift_right_logical3A_144 = vector.broadcast %shift_right_logical3A_143 : i32 to vector<16xi32>
      %shift_right_logical3A_145 = arith.shrui %get3A_142, %shift_right_logical3A_144 : vector<16xi32>
      %swap3A_146 = arith.index_cast %scan3A_139 : i32 to index
      %swap3A_147 = arith.constant 0 : index
      %swap3A_148 = tpu.vector_load %arg6[%swap3A_146, %swap3A_147] {strides = array<i32>} : memref<200x128xi32, #tpu.memory_space<vmem>>, vector<16xi32>,
      tpu.vector_store %arg6[%swap3A_146, %swap3A_147], %shift_right_logical3A_145 {strides = array<i32>} : memref<200x128xi32, #tpu.memory_space<vmem>>, vector<16xi32>,
      %get3A_149 = arith.index_cast %scan3A_139 : i32 to index
      %get3A_150 = arith.constant 16 : index
      %get3A_151 = tpu.vector_load %arg5[%get3A_149, %get3A_150] {strides = array<i32>} : memref<200x128xi32, #tpu.memory_space<vmem>>, vector<16xi32>,
      %shift_right_logical3A_152 = arith.constant 1 : i32
      %shift_right_logical3A_153 = vector.broadcast %shift_right_logical3A_152 : i32 to vector<16xi32>
      %shift_right_logical3A_154 = arith.shrui %get3A_151, %shift_right_logical3A_153 : vector<16xi32>
      %swap3A_155 = arith.index_cast %scan3A_139 : i32 to index
      %swap3A_156 = arith.constant 16 : index
      %swap3A_157 = tpu.vector_load %arg6[%swap3A_155, %swap3A_156] {strides = array<i32>} : memref<200x128xi32, #tpu.memory_space<vmem>>, vector<16xi32>,
      tpu.vector_store %arg6[%swap3A_155, %swap3A_156], %shift_right_logical3A_154 {strides = array<i32>} : memref<200x128xi32, #tpu.memory_space<vmem>>, vector<16xi32>,
      %get3A_158 = arith.index_cast %scan3A_139 : i32 to index
      %get3A_159 = arith.constant 32 : index
      %get3A_160 = tpu.vector_load %arg5[%get3A_158, %get3A_159] {strides = array<i32>} : memref<200x128xi32, #tpu.memory_space<vmem>>, vector<16xi32>,
      %shift_right_logical3A_161 = arith.constant 1 : i32
      %shift_right_logical3A_162 = vector.broadcast %shift_right_logical3A_161 : i32 to vector<16xi32>
      %shift_right_logical3A_163 = arith.shrui %get3A_160, %shift_right_logical3A_162 : vector<16xi32>
      %swap3A_164 = arith.index_cast %scan3A_139 : i32 to index
      %swap3A_165 = arith.constant 32 : index
      %swap3A_166 = tpu.vector_load %arg6[%swap3A_164, %swap3A_165] {strides = array<i32>} : memref<200x128xi32, #tpu.memory_space<vmem>>, vector<16xi32>,
      tpu.vector_store %arg6[%swap3A_164, %swap3A_165], %shift_right_logical3A_163 {strides = array<i32>} : memref<200x128xi32, #tpu.memory_space<vmem>>, vector<16xi32>,
      %get3A_167 = arith.index_cast %scan3A_139 : i32 to index
      %get3A_168 = arith.constant 48 : index
      %get3A_169 = tpu.vector_load %arg5[%get3A_167, %get3A_168] {strides = array<i32>} : memref<200x128xi32, #tpu.memory_space<vmem>>, vector<16xi32>,
      %shift_right_logical3A_170 = arith.constant 1 : i32
      %shift_right_logical3A_171 = vector.broadcast %shift_right_logical3A_170 : i32 to vector<16xi32>
      %shift_right_logical3A_172 = arith.shrui %get3A_169, %shift_right_logical3A_171 : vector<16xi32>
      %swap3A_173 = arith.index_cast %scan3A_139 : i32 to index
      %swap3A_174 = arith.constant 48 : index
      %swap3A_175 = tpu.vector_load %arg6[%swap3A_173, %swap3A_174] {strides = array<i32>} : memref<200x128xi32, #tpu.memory_space<vmem>>, vector<16xi32>,
      tpu.vector_store %arg6[%swap3A_173, %swap3A_174], %shift_right_logical3A_172 {strides = array<i32>} : memref<200x128xi32, #tpu.memory_space<vmem>>, vector<16xi32>,
      %get3A_176 = arith.index_cast %scan3A_139 : i32 to index
      %get3A_177 = arith.constant 64 : index
      %get3A_178 = tpu.vector_load %arg5[%get3A_176, %get3A_177] {strides = array<i32>} : memref<200x128xi32, #tpu.memory_space<vmem>>, vector<16xi32>,
      %shift_right_logical3A_179 = arith.constant 1 : i32
      %shift_right_logical3A_180 = vector.broadcast %shift_right_logical3A_179 : i32 to vector<16xi32>
      %shift_right_logical3A_181 = arith.shrui %get3A_178, %shift_right_logical3A_180 : vector<16xi32>
      %swap3A_182 = arith.index_cast %scan3A_139 : i32 to index
      %swap3A_183 = arith.constant 64 : index
      %swap3A_184 = tpu.vector_load %arg6[%swap3A_182, %swap3A_183] {strides = array<i32>} : memref<200x128xi32, #tpu.memory_space<vmem>>, vector<16xi32>,
      tpu.vector_store %arg6[%swap3A_182, %swap3A_183], %shift_right_logical3A_181 {strides = array<i32>} : memref<200x128xi32, #tpu.memory_space<vmem>>, vector<16xi32>,
      %get3A_185 = arith.index_cast %scan3A_139 : i32 to index
      %get3A_186 = arith.constant 80 : index
      %get3A_187 = tpu.vector_load %arg5[%get3A_185, %get3A_186] {strides = array<i32>} : memref<200x128xi32, #tpu.memory_space<vmem>>, vector<16xi32>,
      %shift_right_logical3A_188 = arith.constant 1 : i32
      %shift_right_logical3A_189 = vector.broadcast %shift_right_logical3A_188 : i32 to vector<16xi32>
      %shift_right_logical3A_190 = arith.shrui %get3A_187, %shift_right_logical3A_189 : vector<16xi32>
      %swap3A_191 = arith.index_cast %scan3A_139 : i32 to index
      %swap3A_192 = arith.constant 80 : index
      %swap3A_193 = tpu.vector_load %arg6[%swap3A_191, %swap3A_192] {strides = array<i32>} : memref<200x128xi32, #tpu.memory_space<vmem>>, vector<16xi32>,
      tpu.vector_store %arg6[%swap3A_191, %swap3A_192], %shift_right_logical3A_190 {strides = array<i32>} : memref<200x128xi32, #tpu.memory_space<vmem>>, vector<16xi32>,
      %get3A_194 = arith.index_cast %scan3A_139 : i32 to index
      %get3A_195 = arith.constant 96 : index
      %get3A_196 = tpu.vector_load %arg5[%get3A_194, %get3A_195] {strides = array<i32>} : memref<200x128xi32, #tpu.memory_space<vmem>>, vector<16xi32>,
      %shift_right_logical3A_197 = arith.constant 1 : i32
      %shift_right_logical3A_198 = vector.broadcast %shift_right_logical3A_197 : i32 to vector<16xi32>
      %shift_right_logical3A_199 = arith.shrui %get3A_196, %shift_right_logical3A_198 : vector<16xi32>
      %swap3A_200 = arith.index_cast %scan3A_139 : i32 to index
      %swap3A_201 = arith.constant 96 : index
      %swap3A_202 = tpu.vector_load %arg6[%swap3A_200, %swap3A_201] {strides = array<i32>} : memref<200x128xi32, #tpu.memory_space<vmem>>, vector<16xi32>,
      tpu.vector_store %arg6[%swap3A_200, %swap3A_201], %shift_right_logical3A_199 {strides = array<i32>} : memref<200x128xi32, #tpu.memory_space<vmem>>, vector<16xi32>,
      %get3A_203 = arith.index_cast %scan3A_139 : i32 to index
      %get3A_204 = arith.constant 112 : index
      %get3A_205 = tpu.vector_load %arg5[%get3A_203, %get3A_204] {strides = array<i32>} : memref<200x128xi32, #tpu.memory_space<vmem>>, vector<16xi32>,
      %shift_right_logical3A_206 = arith.constant 1 : i32
      %shift_right_logical3A_207 = vector.broadcast %shift_right_logical3A_206 : i32 to vector<16xi32>
      %shift_right_logical3A_208 = arith.shrui %get3A_205, %shift_right_logical3A_207 : vector<16xi32>
      %swap3A_209 = arith.index_cast %scan3A_139 : i32 to index
      %swap3A_210 = arith.constant 112 : index
      %swap3A_211 = tpu.vector_load %arg6[%swap3A_209, %swap3A_210] {strides = array<i32>} : memref<200x128xi32, #tpu.memory_space<vmem>>, vector<16xi32>,
      tpu.vector_store %arg6[%swap3A_209, %swap3A_210], %shift_right_logical3A_208 {strides = array<i32>} : memref<200x128xi32, #tpu.memory_space<vmem>>, vector<16xi32>,
      %scan3A_212 = arith.constant 2 : i32
      %scan3A_213 = arith.addi %scan3A_68, %scan3A_212 : i32
      %get3A_214 = arith.index_cast %scan3A_213 : i32 to index
      %get3A_215 = arith.constant 0 : index
      %get3A_216 = tpu.vector_load %arg5[%get3A_214, %get3A_215] {strides = array<i32>} : memref<200x128xi32, #tpu.memory_space<vmem>>, vector<16xi32>,
      %shift_right_logical3A_217 = arith.constant 1 : i32
      %shift_right_logical3A_218 = vector.broadcast %shift_right_logical3A_217 : i32 to vector<16xi32>
      %shift_right_logical3A_219 = arith.shrui %get3A_216, %shift_right_logical3A_218 : vector<16xi32>
      %swap3A_220 = arith.index_cast %scan3A_213 : i32 to index
      %swap3A_221 = arith.constant 0 : index
      %swap3A_222 = tpu.vector_load %arg6[%swap3A_220, %swap3A_221] {strides = array<i32>} : memref<200x128xi32, #tpu.memory_space<vmem>>, vector<16xi32>,
      tpu.vector_store %arg6[%swap3A_220, %swap3A_221], %shift_right_logical3A_219 {strides = array<i32>} : memref<200x128xi32, #tpu.memory_space<vmem>>, vector<16xi32>,
      %get3A_223 = arith.index_cast %scan3A_213 : i32 to index
      %get3A_224 = arith.constant 16 : index
      %get3A_225 = tpu.vector_load %arg5[%get3A_223, %get3A_224] {strides = array<i32>} : memref<200x128xi32, #tpu.memory_space<vmem>>, vector<16xi32>,
      %shift_right_logical3A_226 = arith.constant 1 : i32
      %shift_right_logical3A_227 = vector.broadcast %shift_right_logical3A_226 : i32 to vector<16xi32>
      %shift_right_logical3A_228 = arith.shrui %get3A_225, %shift_right_logical3A_227 : vector<16xi32>
      %swap3A_229 = arith.index_cast %scan3A_213 : i32 to index
      %swap3A_230 = arith.constant 16 : index
      %swap3A_231 = tpu.vector_load %arg6[%swap3A_229, %swap3A_230] {strides = array<i32>} : memref<200x128xi32, #tpu.memory_space<vmem>>, vector<16xi32>,
      tpu.vector_store %arg6[%swap3A_229, %swap3A_230], %shift_right_logical3A_228 {strides = array<i32>} : memref<200x128xi32, #tpu.memory_space<vmem>>, vector<16xi32>,
      %get3A_232 = arith.index_cast %scan3A_213 : i32 to index
      %get3A_233 = arith.constant 32 : index
      %get3A_234 = tpu.vector_load %arg5[%get3A_232, %get3A_233] {strides = array<i32>} : memref<200x128xi32, #tpu.memory_space<vmem>>, vector<16xi32>,
      %shift_right_logical3A_235 = arith.constant 1 : i32
      %shift_right_logical3A_236 = vector.broadcast %shift_right_logical3A_235 : i32 to vector<16xi32>
      %shift_right_logical3A_237 = arith.shrui %get3A_234, %shift_right_logical3A_236 : vector<16xi32>
      %swap3A_238 = arith.index_cast %scan3A_213 : i32 to index
      %swap3A_239 = arith.constant 32 : index
      %swap3A_240 = tpu.vector_load %arg6[%swap3A_238, %swap3A_239] {strides = array<i32>} : memref<200x128xi32, #tpu.memory_space<vmem>>, vector<16xi32>,
      tpu.vector_store %arg6[%swap3A_238, %swap3A_239], %shift_right_logical3A_237 {strides = array<i32>} : memref<200x128xi32, #tpu.memory_space<vmem>>, vector<16xi32>,
      %get3A_241 = arith.index_cast %scan3A_213 : i32 to index
      %get3A_242 = arith.constant 48 : index
      %get3A_243 = tpu.vector_load %arg5[%get3A_241, %get3A_242] {strides = array<i32>} : memref<200x128xi32, #tpu.memory_space<vmem>>, vector<16xi32>,
      %shift_right_logical3A_244 = arith.constant 1 : i32
      %shift_right_logical3A_245 = vector.broadcast %shift_right_logical3A_244 : i32 to vector<16xi32>
      %shift_right_logical3A_246 = arith.shrui %get3A_243, %shift_right_logical3A_245 : vector<16xi32>
      %swap3A_247 = arith.index_cast %scan3A_213 : i32 to index
      %swap3A_248 = arith.constant 48 : index
      %swap3A_249 = tpu.vector_load %arg6[%swap3A_247, %swap3A_248] {strides = array<i32>} : memref<200x128xi32, #tpu.memory_space<vmem>>, vector<16xi32>,
      tpu.vector_store %arg6[%swap3A_247, %swap3A_248], %shift_right_logical3A_246 {strides = array<i32>} : memref<200x128xi32, #tpu.memory_space<vmem>>, vector<16xi32>,
      %get3A_250 = arith.index_cast %scan3A_213 : i32 to index
      %get3A_251 = arith.constant 64 : index
      %get3A_252 = tpu.vector_load %arg5[%get3A_250, %get3A_251] {strides = array<i32>} : memref<200x128xi32, #tpu.memory_space<vmem>>, vector<16xi32>,
      %shift_right_logical3A_253 = arith.constant 1 : i32
      %shift_right_logical3A_254 = vector.broadcast %shift_right_logical3A_253 : i32 to vector<16xi32>
      %shift_right_logical3A_255 = arith.shrui %get3A_252, %shift_right_logical3A_254 : vector<16xi32>
      %swap3A_256 = arith.index_cast %scan3A_213 : i32 to index
      %swap3A_257 = arith.constant 64 : index
      %swap3A_258 = tpu.vector_load %arg6[%swap3A_256, %swap3A_257] {strides = array<i32>} : memref<200x128xi32, #tpu.memory_space<vmem>>, vector<16xi32>,
      tpu.vector_store %arg6[%swap3A_256, %swap3A_257], %shift_right_logical3A_255 {strides = array<i32>} : memref<200x128xi32, #tpu.memory_space<vmem>>, vector<16xi32>,
      %get3A_259 = arith.index_cast %scan3A_213 : i32 to index
      %get3A_260 = arith.constant 80 : index
      %get3A_261 = tpu.vector_load %arg5[%get3A_259, %get3A_260] {strides = array<i32>} : memref<200x128xi32, #tpu.memory_space<vmem>>, vector<16xi32>,
      %shift_right_logical3A_262 = arith.constant 1 : i32
      %shift_right_logical3A_263 = vector.broadcast %shift_right_logical3A_262 : i32 to vector<16xi32>
      %shift_right_logical3A_264 = arith.shrui %get3A_261, %shift_right_logical3A_263 : vector<16xi32>
      %swap3A_265 = arith.index_cast %scan3A_213 : i32 to index
      %swap3A_266 = arith.constant 80 : index
      %swap3A_267 = tpu.vector_load %arg6[%swap3A_265, %swap3A_266] {strides = array<i32>} : memref<200x128xi32, #tpu.memory_space<vmem>>, vector<16xi32>,
      tpu.vector_store %arg6[%swap3A_265, %swap3A_266], %shift_right_logical3A_264 {strides = array<i32>} : memref<200x128xi32, #tpu.memory_space<vmem>>, vector<16xi32>,
      %get3A_268 = arith.index_cast %scan3A_213 : i32 to index
      %get3A_269 = arith.constant 96 : index
      %get3A_270 = tpu.vector_load %arg5[%get3A_268, %get3A_269] {strides = array<i32>} : memref<200x128xi32, #tpu.memory_space<vmem>>, vector<16xi32>,
      %shift_right_logical3A_271 = arith.constant 1 : i32
      %shift_right_logical3A_272 = vector.broadcast %shift_right_logical3A_271 : i32 to vector<16xi32>
      %shift_right_logical3A_273 = arith.shrui %get3A_270, %shift_right_logical3A_272 : vector<16xi32>
      %swap3A_274 = arith.index_cast %scan3A_213 : i32 to index
      %swap3A_275 = arith.constant 96 : index
      %swap3A_276 = tpu.vector_load %arg6[%swap3A_274, %swap3A_275] {strides = array<i32>} : memref<200x128xi32, #tpu.memory_space<vmem>>, vector<16xi32>,
      tpu.vector_store %arg6[%swap3A_274, %swap3A_275], %shift_right_logical3A_273 {strides = array<i32>} : memref<200x128xi32, #tpu.memory_space<vmem>>, vector<16xi32>,
      %get3A_277 = arith.index_cast %scan3A_213 : i32 to index
      %get3A_278 = arith.constant 112 : index
      %get3A_279 = tpu.vector_load %arg5[%get3A_277, %get3A_278] {strides = array<i32>} : memref<200x128xi32, #tpu.memory_space<vmem>>, vector<16xi32>,
      %shift_right_logical3A_280 = arith.constant 1 : i32
      %shift_right_logical3A_281 = vector.broadcast %shift_right_logical3A_280 : i32 to vector<16xi32>
      %shift_right_logical3A_282 = arith.shrui %get3A_279, %shift_right_logical3A_281 : vector<16xi32>
      %swap3A_283 = arith.index_cast %scan3A_213 : i32 to index
      %swap3A_284 = arith.constant 112 : index
      %swap3A_285 = tpu.vector_load %arg6[%swap3A_283, %swap3A_284] {strides = array<i32>} : memref<200x128xi32, #tpu.memory_space<vmem>>, vector<16xi32>,
      tpu.vector_store %arg6[%swap3A_283, %swap3A_284], %shift_right_logical3A_282 {strides = array<i32>} : memref<200x128xi32, #tpu.memory_space<vmem>>, vector<16xi32>,
      %scan3A_286 = arith.constant 3 : i32
      %scan3A_287 = arith.addi %scan3A_68, %scan3A_286 : i32
      %get3A_288 = arith.index_cast %scan3A_287 : i32 to index
      %get3A_289 = arith.constant 0 : index
      %get3A_290 = tpu.vector_load %arg5[%get3A_288, %get3A_289] {strides = array<i32>} : memref<200x128xi32, #tpu.memory_space<vmem>>, vector<16xi32>,
      %shift_right_logical3A_291 = arith.constant 1 : i32
      %shift_right_logical3A_292 = vector.broadcast %shift_right_logical3A_291 : i32 to vector<16xi32>
      %shift_right_logical3A_293 = arith.shrui %get3A_290, %shift_right_logical3A_292 : vector<16xi32>
      %swap3A_294 = arith.index_cast %scan3A_287 : i32 to index
      %swap3A_295 = arith.constant 0 : index
      %swap3A_296 = tpu.vector_load %arg6[%swap3A_294, %swap3A_295] {strides = array<i32>} : memref<200x128xi32, #tpu.memory_space<vmem>>, vector<16xi32>,
      tpu.vector_store %arg6[%swap3A_294, %swap3A_295], %shift_right_logical3A_293 {strides = array<i32>} : memref<200x128xi32, #tpu.memory_space<vmem>>, vector<16xi32>,
      %get3A_297 = arith.index_cast %scan3A_287 : i32 to index
      %get3A_298 = arith.constant 16 : index
      %get3A_299 = tpu.vector_load %arg5[%get3A_297, %get3A_298] {strides = array<i32>} : memref<200x128xi32, #tpu.memory_space<vmem>>, vector<16xi32>,
      %shift_right_logical3A_300 = arith.constant 1 : i32
      %shift_right_logical3A_301 = vector.broadcast %shift_right_logical3A_300 : i32 to vector<16xi32>
      %shift_right_logical3A_302 = arith.shrui %get3A_299, %shift_right_logical3A_301 : vector<16xi32>
      %swap3A_303 = arith.index_cast %scan3A_287 : i32 to index
      %swap3A_304 = arith.constant 16 : index
      %swap3A_305 = tpu.vector_load %arg6[%swap3A_303, %swap3A_304] {strides = array<i32>} : memref<200x128xi32, #tpu.memory_space<vmem>>, vector<16xi32>,
      tpu.vector_store %arg6[%swap3A_303, %swap3A_304], %shift_right_logical3A_302 {strides = array<i32>} : memref<200x128xi32, #tpu.memory_space<vmem>>, vector<16xi32>,
      %get3A_306 = arith.index_cast %scan3A_287 : i32 to index
      %get3A_307 = arith.constant 32 : index
      %get3A_308 = tpu.vector_load %arg5[%get3A_306, %get3A_307] {strides = array<i32>} : memref<200x128xi32, #tpu.memory_space<vmem>>, vector<16xi32>,
      %shift_right_logical3A_309 = arith.constant 1 : i32
      %shift_right_logical3A_310 = vector.broadcast %shift_right_logical3A_309 : i32 to vector<16xi32>
      %shift_right_logical3A_311 = arith.shrui %get3A_308, %shift_right_logical3A_310 : vector<16xi32>
      %swap3A_312 = arith.index_cast %scan3A_287 : i32 to index
      %swap3A_313 = arith.constant 32 : index
      %swap3A_314 = tpu.vector_load %arg6[%swap3A_312, %swap3A_313] {strides = array<i32>} : memref<200x128xi32, #tpu.memory_space<vmem>>, vector<16xi32>,
      tpu.vector_store %arg6[%swap3A_312, %swap3A_313], %shift_right_logical3A_311 {strides = array<i32>} : memref<200x128xi32, #tpu.memory_space<vmem>>, vector<16xi32>,
      %get3A_315 = arith.index_cast %scan3A_287 : i32 to index
      %get3A_316 = arith.constant 48 : index
      %get3A_317 = tpu.vector_load %arg5[%get3A_315, %get3A_316] {strides = array<i32>} : memref<200x128xi32, #tpu.memory_space<vmem>>, vector<16xi32>,
      %shift_right_logical3A_318 = arith.constant 1 : i32
      %shift_right_logical3A_319 = vector.broadcast %shift_right_logical3A_318 : i32 to vector<16xi32>
      %shift_right_logical3A_320 = arith.shrui %get3A_317, %shift_right_logical3A_319 : vector<16xi32>
      %swap3A_321 = arith.index_cast %scan3A_287 : i32 to index
      %swap3A_322 = arith.constant 48 : index
      %swap3A_323 = tpu.vector_load %arg6[%swap3A_321, %swap3A_322] {strides = array<i32>} : memref<200x128xi32, #tpu.memory_space<vmem>>, vector<16xi32>,
      tpu.vector_store %arg6[%swap3A_321, %swap3A_322], %shift_right_logical3A_320 {strides = array<i32>} : memref<200x128xi32, #tpu.memory_space<vmem>>, vector<16xi32>,
      %get3A_324 = arith.index_cast %scan3A_287 : i32 to index
      %get3A_325 = arith.constant 64 : index
      %get3A_326 = tpu.vector_load %arg5[%get3A_324, %get3A_325] {strides = array<i32>} : memref<200x128xi32, #tpu.memory_space<vmem>>, vector<16xi32>,
      %shift_right_logical3A_327 = arith.constant 1 : i32
      %shift_right_logical3A_328 = vector.broadcast %shift_right_logical3A_327 : i32 to vector<16xi32>
      %shift_right_logical3A_329 = arith.shrui %get3A_326, %shift_right_logical3A_328 : vector<16xi32>
      %swap3A_330 = arith.index_cast %scan3A_287 : i32 to index
      %swap3A_331 = arith.constant 64 : index
      %swap3A_332 = tpu.vector_load %arg6[%swap3A_330, %swap3A_331] {strides = array<i32>} : memref<200x128xi32, #tpu.memory_space<vmem>>, vector<16xi32>,
      tpu.vector_store %arg6[%swap3A_330, %swap3A_331], %shift_right_logical3A_329 {strides = array<i32>} : memref<200x128xi32, #tpu.memory_space<vmem>>, vector<16xi32>,
      %get3A_333 = arith.index_cast %scan3A_287 : i32 to index
      %get3A_334 = arith.constant 80 : index
      %get3A_335 = tpu.vector_load %arg5[%get3A_333, %get3A_334] {strides = array<i32>} : memref<200x128xi32, #tpu.memory_space<vmem>>, vector<16xi32>,
      %shift_right_logical3A_336 = arith.constant 1 : i32
      %shift_right_logical3A_337 = vector.broadcast %shift_right_logical3A_336 : i32 to vector<16xi32>
      %shift_right_logical3A_338 = arith.shrui %get3A_335, %shift_right_logical3A_337 : vector<16xi32>
      %swap3A_339 = arith.index_cast %scan3A_287 : i32 to index
      %swap3A_340 = arith.constant 80 : index
      %swap3A_341 = tpu.vector_load %arg6[%swap3A_339, %swap3A_340] {strides = array<i32>} : memref<200x128xi32, #tpu.memory_space<vmem>>, vector<16xi32>,
      tpu.vector_store %arg6[%swap3A_339, %swap3A_340], %shift_right_logical3A_338 {strides = array<i32>} : memref<200x128xi32, #tpu.memory_space<vmem>>, vector<16xi32>,
      %get3A_342 = arith.index_cast %scan3A_287 : i32 to index
      %get3A_343 = arith.constant 96 : index
      %get3A_344 = tpu.vector_load %arg5[%get3A_342, %get3A_343] {strides = array<i32>} : memref<200x128xi32, #tpu.memory_space<vmem>>, vector<16xi32>,
      %shift_right_logical3A_345 = arith.constant 1 : i32
      %shift_right_logical3A_346 = vector.broadcast %shift_right_logical3A_345 : i32 to vector<16xi32>
      %shift_right_logical3A_347 = arith.shrui %get3A_344, %shift_right_logical3A_346 : vector<16xi32>
      %swap3A_348 = arith.index_cast %scan3A_287 : i32 to index
      %swap3A_349 = arith.constant 96 : index
      %swap3A_350 = tpu.vector_load %arg6[%swap3A_348, %swap3A_349] {strides = array<i32>} : memref<200x128xi32, #tpu.memory_space<vmem>>, vector<16xi32>,
      tpu.vector_store %arg6[%swap3A_348, %swap3A_349], %shift_right_logical3A_347 {strides = array<i32>} : memref<200x128xi32, #tpu.memory_space<vmem>>, vector<16xi32>,
      %get3A_351 = arith.index_cast %scan3A_287 : i32 to index
      %get3A_352 = arith.constant 112 : index
      %get3A_353 = tpu.vector_load %arg5[%get3A_351, %get3A_352] {strides = array<i32>} : memref<200x128xi32, #tpu.memory_space<vmem>>, vector<16xi32>,
      %shift_right_logical3A_354 = arith.constant 1 : i32
      %shift_right_logical3A_355 = vector.broadcast %shift_right_logical3A_354 : i32 to vector<16xi32>
      %shift_right_logical3A_356 = arith.shrui %get3A_353, %shift_right_logical3A_355 : vector<16xi32>
      %swap3A_357 = arith.index_cast %scan3A_287 : i32 to index
      %swap3A_358 = arith.constant 112 : index
      %swap3A_359 = tpu.vector_load %arg6[%swap3A_357, %swap3A_358] {strides = array<i32>} : memref<200x128xi32, #tpu.memory_space<vmem>>, vector<16xi32>,
      tpu.vector_store %arg6[%swap3A_357, %swap3A_358], %shift_right_logical3A_356 {strides = array<i32>} : memref<200x128xi32, #tpu.memory_space<vmem>>, vector<16xi32>,
    }
    %scan3A_7 = arith.constant 200 : i32
    %iota3A = tpu.iota {dimensions = array<i32: 0>} : vector<16xi32>
    %dma_start3A = arith.constant 0 : i32
    %dma_start3A_8 = arith.constant 0 : i32
    %dma_start3A_9 = arith.constant 0 : i32
    %dma_start3A_10 = arith.constant 0 : i32
    %dma_start3A_11 = tpu.memref_slice %arg7[%dma_start3A_8, %dma_start3A_9, %dma_start3A_10] : memref<3x128x128xf32, #tpu.memory_space<vmem>> -> memref<1x128x128xf32, #tpu.memory_space<vmem>>
    %dma_start3A_12 = tpu.memref_squeeze %dma_start3A_11 : memref<1x128x128xf32, #tpu.memory_space<vmem>> -> memref<128x128xf32, #tpu.memory_space<vmem>>
    %dma_start3A_13 = arith.constant 0 : i32
    %dma_start3A_14 = tpu.memref_slice %arg6[%dma_start3A, %dma_start3A_13] : memref<200x128xi32, #tpu.memory_space<vmem>> -> memref<1x128xi32, #tpu.memory_space<vmem>>
    %dma_start3A_15 = tpu.memref_squeeze %dma_start3A_14 : memref<1x128xi32, #tpu.memory_space<vmem>> -> memref<128xi32, #tpu.memory_space<vmem>>
    %dma_start3A_16 = arith.constant 0 : i32
    %dma_start3A_17 = arith.constant 0 : i32
    %dma_start3A_18 = tpu.memref_slice %arg3[%dma_start3A_16, %dma_start3A_17] : memref<500000x128xf32, #tpu.memory_space<hbm>> -> memref<500000x128xf32, #tpu.memory_space<hbm>>
    tpu.enqueue_indirect_dma source(%dma_start3A_18 : memref<500000x128xf32, #tpu.memory_space<hbm>>) target(%dma_start3A_12 : memref<128x128xf32, #tpu.memory_space<vmem>>) offsets(%dma_start3A_15 : memref<128xi32, #tpu.memory_space<vmem>>) semaphore(%arg9 : memref<!tpu.dma_semaphore, #tpu.memory_space<semaphore_mem>>)
    %dma_start3A_19 = arith.constant 1 : i32
    %dma_start3A_20 = arith.constant 1 : i32
    %dma_start3A_21 = arith.constant 0 : i32
    %dma_start3A_22 = arith.constant 0 : i32
    %dma_start3A_23 = tpu.memref_slice %arg7[%dma_start3A_20, %dma_start3A_21, %dma_start3A_22] : memref<3x128x128xf32, #tpu.memory_space<vmem>> -> memref<1x128x128xf32, #tpu.memory_space<vmem>>
    %dma_start3A_24 = tpu.memref_squeeze %dma_start3A_23 : memref<1x128x128xf32, #tpu.memory_space<vmem>> -> memref<128x128xf32, #tpu.memory_space<vmem>>
    %dma_start3A_25 = arith.constant 0 : i32
    %dma_start3A_26 = tpu.memref_slice %arg6[%dma_start3A_19, %dma_start3A_25] : memref<200x128xi32, #tpu.memory_space<vmem>> -> memref<1x128xi32, #tpu.memory_space<vmem>>
    %dma_start3A_27 = tpu.memref_squeeze %dma_start3A_26 : memref<1x128xi32, #tpu.memory_space<vmem>> -> memref<128xi32, #tpu.memory_space<vmem>>
    %dma_start3A_28 = arith.constant 0 : i32
    %dma_start3A_29 = arith.constant 0 : i32
    %dma_start3A_30 = tpu.memref_slice %arg3[%dma_start3A_28, %dma_start3A_29] : memref<500000x128xf32, #tpu.memory_space<hbm>> -> memref<500000x128xf32, #tpu.memory_space<hbm>>
    tpu.enqueue_indirect_dma source(%dma_start3A_30 : memref<500000x128xf32, #tpu.memory_space<hbm>>) target(%dma_start3A_24 : memref<128x128xf32, #tpu.memory_space<vmem>>) offsets(%dma_start3A_27 : memref<128xi32, #tpu.memory_space<vmem>>) semaphore(%arg9 : memref<!tpu.dma_semaphore, #tpu.memory_space<semaphore_mem>>)
    %scan3A_31 = arith.constant 0 : i32
    %scan3A_32 = arith.constant 0 : i32
    %scan3A_33 = arith.constant 200 : i32
    %scan3A_34 = arith.addi %scan3A_32, %scan3A_33 : i32
    %scan3A_35 = arith.constant 1 : i32
    scf.for %scan3A_68 = %scan3A_32 to %scan3A_34 step %scan3A_35  : i32 {
      %rem3A = arith.constant 3 : i32
      %rem3A_69 = arith.remsi %scan3A_68, %rem3A : i32
      %rem3A_70 = arith.constant 2 : i32
      %rem3A_71 = arith.remsi %scan3A_68, %rem3A_70 : i32
      %dma_wait3A_72 = arith.constant 0 : i32
      %dma_wait3A_73 = arith.constant 0 : i32
      %dma_wait3A_74 = tpu.memref_slice %arg7[%rem3A_69, %dma_wait3A_72, %dma_wait3A_73] : memref<3x128x128xf32, #tpu.memory_space<vmem>> -> memref<1x128x128xf32, #tpu.memory_space<vmem>>
      %dma_wait3A_75 = tpu.memref_squeeze %dma_wait3A_74 : memref<1x128x128xf32, #tpu.memory_space<vmem>> -> memref<128x128xf32, #tpu.memory_space<vmem>>
      %dma_wait3A_76 = arith.constant 0 : i32
      %dma_wait3A_77 = tpu.memref_slice %arg6[%scan3A_68, %dma_wait3A_76] : memref<200x128xi32, #tpu.memory_space<vmem>> -> memref<1x128xi32, #tpu.memory_space<vmem>>
      %dma_wait3A_78 = tpu.memref_squeeze %dma_wait3A_77 : memref<1x128xi32, #tpu.memory_space<vmem>> -> memref<128xi32, #tpu.memory_space<vmem>>
      %dma_wait3A_79 = arith.constant 0 : i32
      %dma_wait3A_80 = arith.constant 0 : i32
      %dma_wait3A_81 = tpu.memref_slice %arg3[%dma_wait3A_79, %dma_wait3A_80] : memref<500000x128xf32, #tpu.memory_space<hbm>> -> memref<500000x128xf32, #tpu.memory_space<hbm>>
      tpu.wait_indirect_dma semaphore(%arg9 : memref<!tpu.dma_semaphore, #tpu.memory_space<semaphore_mem>>) src(%dma_wait3A_81 : memref<500000x128xf32, #tpu.memory_space<hbm>>) dst(%dma_wait3A_75 : memref<128x128xf32, #tpu.memory_space<vmem>>)
      %add3A_82 = arith.constant 2 : i32
      %add3A_83 = arith.addi %scan3A_68, %add3A_82 : i32
      %lt3A = arith.constant 200 : i32
      %lt3A_84 = arith.cmpi slt, %add3A_83, %lt3A : i32
      %convert_element_type3A = arith.extui %lt3A_84 : i1 to i32
      %cond3A = arith.constant 0 : i32
      %cond3A_85 = arith.cmpi ne, %convert_element_type3A, %cond3A : i32
      scf.if %cond3A_85 {
        %add3A_180 = arith.constant 2 : i32
        %add3A_181 = arith.addi %scan3A_68, %add3A_180 : i32
        %add3A_182 = arith.constant 2 : i32
        %add3A_183 = arith.addi %scan3A_68, %add3A_182 : i32
        %rem3A_184 = arith.constant 3 : i32
        %rem3A_185 = arith.remsi %add3A_183, %rem3A_184 : i32
        %dma_start3A_186 = arith.constant 0 : i32
        %dma_start3A_187 = arith.constant 0 : i32
        %dma_start3A_188 = tpu.memref_slice %arg7[%rem3A_185, %dma_start3A_186, %dma_start3A_187] : memref<3x128x128xf32, #tpu.memory_space<vmem>> -> memref<1x128x128xf32, #tpu.memory_space<vmem>>
        %dma_start3A_189 = tpu.memref_squeeze %dma_start3A_188 : memref<1x128x128xf32, #tpu.memory_space<vmem>> -> memref<128x128xf32, #tpu.memory_space<vmem>>
        %dma_start3A_190 = arith.constant 0 : i32
        %dma_start3A_191 = tpu.memref_slice %arg6[%add3A_181, %dma_start3A_190] : memref<200x128xi32, #tpu.memory_space<vmem>> -> memref<1x128xi32, #tpu.memory_space<vmem>>
        %dma_start3A_192 = tpu.memref_squeeze %dma_start3A_191 : memref<1x128xi32, #tpu.memory_space<vmem>> -> memref<128xi32, #tpu.memory_space<vmem>>
        %dma_start3A_193 = arith.constant 0 : i32
        %dma_start3A_194 = arith.constant 0 : i32
        %dma_start3A_195 = tpu.memref_slice %arg3[%dma_start3A_193, %dma_start3A_194] : memref<500000x128xf32, #tpu.memory_space<hbm>> -> memref<500000x128xf32, #tpu.memory_space<hbm>>
        tpu.enqueue_indirect_dma source(%dma_start3A_195 : memref<500000x128xf32, #tpu.memory_space<hbm>>) target(%dma_start3A_189 : memref<128x128xf32, #tpu.memory_space<vmem>>) offsets(%dma_start3A_192 : memref<128xi32, #tpu.memory_space<vmem>>) semaphore(%arg9 : memref<!tpu.dma_semaphore, #tpu.memory_space<semaphore_mem>>)
      } else {
      }
      %ge3A = arith.constant 2 : i32
      %ge3A_86 = arith.cmpi sge, %scan3A_68, %ge3A : i32
      %convert_element_type3A_87 = arith.extui %ge3A_86 : i1 to i32
      %cond3A_88 = arith.constant 0 : i32
      %cond3A_89 = arith.cmpi ne, %convert_element_type3A_87, %cond3A_88 : i32
      scf.if %cond3A_89 {
        %sub3A = arith.constant 2 : i32
        %sub3A_180 = arith.subi %scan3A_68, %sub3A : i32
        %dma_wait3A_181 = arith.constant 0 : i32
        %dma_wait3A_182 = arith.constant 0 : i32
        %dma_wait3A_183 = tpu.memref_slice %arg8[%rem3A_71, %dma_wait3A_181, %dma_wait3A_182] : memref<2x64x128xf32, #tpu.memory_space<vmem>> -> memref<1x64x128xf32, #tpu.memory_space<vmem>>
        %dma_wait3A_184 = tpu.memref_squeeze %dma_wait3A_183 : memref<1x64x128xf32, #tpu.memory_space<vmem>> -> memref<64x128xf32, #tpu.memory_space<vmem>>
        %dma_wait3A_185 = arith.constant 0 : i32
        %dma_wait3A_186 = tpu.memref_slice %arg4[%sub3A_180, %dma_wait3A_185, %mul3A_2] : memref<200x64x4096xf32, #tpu.memory_space<hbm>> -> memref<1x64x128xf32, #tpu.memory_space<hbm>>
        %dma_wait3A_187 = tpu.memref_squeeze %dma_wait3A_186 : memref<1x64x128xf32, #tpu.memory_space<hbm>> -> memref<64x128xf32, #tpu.memory_space<hbm>>
        %dma_wait3A_188 = arith.constant 0 : i32
        %dma_wait3A_189 = tpu.memref_slice %arg4[%sub3A_180, %dma_wait3A_188, %mul3A_2] : memref<200x64x4096xf32, #tpu.memory_space<hbm>> -> memref<1x64x128xf32, #tpu.memory_space<hbm>>
        %dma_wait3A_190 = tpu.memref_squeeze %dma_wait3A_189 : memref<1x64x128xf32, #tpu.memory_space<hbm>> -> memref<64x128xf32, #tpu.memory_space<hbm>>
        %dma_wait3A_191 = arith.constant 0 : i32
        %dma_wait3A_192 = arith.constant 0 : i32
        %dma_wait3A_193 = tpu.memref_slice %arg8[%rem3A_71, %dma_wait3A_191, %dma_wait3A_192] : memref<2x64x128xf32, #tpu.memory_space<vmem>> -> memref<1x64x128xf32, #tpu.memory_space<vmem>>
        %dma_wait3A_194 = tpu.memref_squeeze %dma_wait3A_193 : memref<1x64x128xf32, #tpu.memory_space<vmem>> -> memref<64x128xf32, #tpu.memory_space<vmem>>
        tpu.wait_dma2 semaphore(%arg10 : memref<!tpu.dma_semaphore, #tpu.memory_space<semaphore_mem>>) src(%dma_wait3A_194 : memref<64x128xf32, #tpu.memory_space<vmem>>) dst(%dma_wait3A_190 : memref<64x128xf32, #tpu.memory_space<hbm>>)
      } else {
      }
      %get3A = arith.index_cast %scan3A_68 : i32 to index
      %get3A_90 = arith.constant 0 : index
      %get3A_91 = tpu.vector_load %arg5[%get3A, %get3A_90] {strides = array<i32>} : memref<200x128xi32, #tpu.memory_space<vmem>>, vector<16xi32>,
      %and3A = arith.constant 1 : i32
      %and3A_92 = vector.broadcast %and3A : i32 to vector<16xi32>
      %and3A_93 = arith.andi %get3A_91, %and3A_92 : vector<16xi32>
      %mul3A_94 = arith.constant 64 : i32
      %mul3A_95 = vector.broadcast %mul3A_94 : i32 to vector<16xi32>
      %mul3A_96 = arith.muli %and3A_93, %mul3A_95 : vector<16xi32>
      %get3A_97 = arith.index_cast %scan3A_68 : i32 to index
      %get3A_98 = arith.constant 16 : index
      %get3A_99 = tpu.vector_load %arg5[%get3A_97, %get3A_98] {strides = array<i32>} : memref<200x128xi32, #tpu.memory_space<vmem>>, vector<16xi32>,
      %and3A_100 = arith.constant 1 : i32
      %and3A_101 = vector.broadcast %and3A_100 : i32 to vector<16xi32>
      %and3A_102 = arith.andi %get3A_99, %and3A_101 : vector<16xi32>
      %mul3A_103 = arith.constant 64 : i32
      %mul3A_104 = vector.broadcast %mul3A_103 : i32 to vector<16xi32>
      %mul3A_105 = arith.muli %and3A_102, %mul3A_104 : vector<16xi32>
      %get3A_106 = arith.index_cast %scan3A_68 : i32 to index
      %get3A_107 = arith.constant 32 : index
      %get3A_108 = tpu.vector_load %arg5[%get3A_106, %get3A_107] {strides = array<i32>} : memref<200x128xi32, #tpu.memory_space<vmem>>, vector<16xi32>,
      %and3A_109 = arith.constant 1 : i32
      %and3A_110 = vector.broadcast %and3A_109 : i32 to vector<16xi32>
      %and3A_111 = arith.andi %get3A_108, %and3A_110 : vector<16xi32>
      %mul3A_112 = arith.constant 64 : i32
      %mul3A_113 = vector.broadcast %mul3A_112 : i32 to vector<16xi32>
      %mul3A_114 = arith.muli %and3A_111, %mul3A_113 : vector<16xi32>
      %get3A_115 = arith.index_cast %scan3A_68 : i32 to index
      %get3A_116 = arith.constant 48 : index
      %get3A_117 = tpu.vector_load %arg5[%get3A_115, %get3A_116] {strides = array<i32>} : memref<200x128xi32, #tpu.memory_space<vmem>>, vector<16xi32>,
      %and3A_118 = arith.constant 1 : i32
      %and3A_119 = vector.broadcast %and3A_118 : i32 to vector<16xi32>
      %and3A_120 = arith.andi %get3A_117, %and3A_119 : vector<16xi32>
      %mul3A_121 = arith.constant 64 : i32
      %mul3A_122 = vector.broadcast %mul3A_121 : i32 to vector<16xi32>
      %mul3A_123 = arith.muli %and3A_120, %mul3A_122 : vector<16xi32>
      %get3A_124 = arith.index_cast %scan3A_68 : i32 to index
      %get3A_125 = arith.constant 64 : index
      %get3A_126 = tpu.vector_load %arg5[%get3A_124, %get3A_125] {strides = array<i32>} : memref<200x128xi32, #tpu.memory_space<vmem>>, vector<16xi32>,
      %and3A_127 = arith.constant 1 : i32
      %and3A_128 = vector.broadcast %and3A_127 : i32 to vector<16xi32>
      %and3A_129 = arith.andi %get3A_126, %and3A_128 : vector<16xi32>
      %mul3A_130 = arith.constant 64 : i32
      %mul3A_131 = vector.broadcast %mul3A_130 : i32 to vector<16xi32>
      %mul3A_132 = arith.muli %and3A_129, %mul3A_131 : vector<16xi32>
      %get3A_133 = arith.index_cast %scan3A_68 : i32 to index
      %get3A_134 = arith.constant 80 : index
      %get3A_135 = tpu.vector_load %arg5[%get3A_133, %get3A_134] {strides = array<i32>} : memref<200x128xi32, #tpu.memory_space<vmem>>, vector<16xi32>,
      %and3A_136 = arith.constant 1 : i32
      %and3A_137 = vector.broadcast %and3A_136 : i32 to vector<16xi32>
      %and3A_138 = arith.andi %get3A_135, %and3A_137 : vector<16xi32>
      %mul3A_139 = arith.constant 64 : i32
      %mul3A_140 = vector.broadcast %mul3A_139 : i32 to vector<16xi32>
      %mul3A_141 = arith.muli %and3A_138, %mul3A_140 : vector<16xi32>
      %get3A_142 = arith.index_cast %scan3A_68 : i32 to index
      %get3A_143 = arith.constant 96 : index
      %get3A_144 = tpu.vector_load %arg5[%get3A_142, %get3A_143] {strides = array<i32>} : memref<200x128xi32, #tpu.memory_space<vmem>>, vector<16xi32>,
      %and3A_145 = arith.constant 1 : i32
      %and3A_146 = vector.broadcast %and3A_145 : i32 to vector<16xi32>
      %and3A_147 = arith.andi %get3A_144, %and3A_146 : vector<16xi32>
      %mul3A_148 = arith.constant 64 : i32
      %mul3A_149 = vector.broadcast %mul3A_148 : i32 to vector<16xi32>
      %mul3A_150 = arith.muli %and3A_147, %mul3A_149 : vector<16xi32>
      %get3A_151 = arith.index_cast %scan3A_68 : i32 to index
      %get3A_152 = arith.constant 112 : index
      %get3A_153 = tpu.vector_load %arg5[%get3A_151, %get3A_152] {strides = array<i32>} : memref<200x128xi32, #tpu.memory_space<vmem>>, vector<16xi32>,
      %and3A_154 = arith.constant 1 : i32
      %and3A_155 = vector.broadcast %and3A_154 : i32 to vector<16xi32>
      %and3A_156 = arith.andi %get3A_153, %and3A_155 : vector<16xi32>
      %mul3A_157 = arith.constant 64 : i32
      %mul3A_158 = vector.broadcast %mul3A_157 : i32 to vector<16xi32>
      %mul3A_159 = arith.muli %and3A_156, %mul3A_158 : vector<16xi32>
      %scan3A_160 = arith.constant 0 : i32
      %scan3A_161 = arith.constant 0 : i32
      %scan3A_162 = arith.constant 64 : i32
      %scan3A_163 = arith.addi %scan3A_161, %scan3A_162 : i32
      %scan3A_164 = arith.constant 4 : i32
      scf.for %scan3A_180 = %scan3A_161 to %scan3A_163 step %scan3A_164  : i32 {
        %add3A_181 = vector.broadcast %scan3A_180 : i32 to vector<16xi32>
        %add3A_182 = arith.addi %iota3A, %add3A_181 : vector<16xi32>
        %and3A_183 = arith.constant 63 : i32
        %and3A_184 = vector.broadcast %and3A_183 : i32 to vector<16xi32>
        %and3A_185 = arith.andi %add3A_182, %and3A_184 : vector<16xi32>
        %add3A_186 = arith.constant 0 : i32
        %add3A_187 = vector.broadcast %add3A_186 : i32 to vector<16xi32>
        %add3A_188 = arith.addi %iota3A, %add3A_187 : vector<16xi32>
        %add3A_189 = arith.addi %mul3A_96, %and3A_185 : vector<16xi32>
        %gather3A = arith.constant 0 : i32
        %gather3A_190 = arith.constant 0 : i32
        %gather3A_191 = tpu.memref_slice %arg7[%rem3A_69, %gather3A, %gather3A_190] : memref<3x128x128xf32, #tpu.memory_space<vmem>> -> memref<1x128x128xf32, #tpu.memory_space<vmem>>
        %gather3A_192 = tpu.memref_squeeze %gather3A_191 : memref<1x128x128xf32, #tpu.memory_space<vmem>> -> memref<128x128xf32, #tpu.memory_space<vmem>>
        %gather3A_193 = tpu.vector_load_idx %gather3A_192[%add3A_188, %add3A_189] : memref<128x128xf32, #tpu.memory_space<vmem>>[vector<16xi32>, vector<16xi32>], vector<16xf32>,
        %add3A_194 = arith.constant 16 : i32
        %add3A_195 = vector.broadcast %add3A_194 : i32 to vector<16xi32>
        %add3A_196 = arith.addi %iota3A, %add3A_195 : vector<16xi32>
        %add3A_197 = arith.addi %mul3A_105, %and3A_185 : vector<16xi32>
        %gather3A_198 = arith.constant 0 : i32
        %gather3A_199 = arith.constant 0 : i32
        %gather3A_200 = tpu.memref_slice %arg7[%rem3A_69, %gather3A_198, %gather3A_199] : memref<3x128x128xf32, #tpu.memory_space<vmem>> -> memref<1x128x128xf32, #tpu.memory_space<vmem>>
        %gather3A_201 = tpu.memref_squeeze %gather3A_200 : memref<1x128x128xf32, #tpu.memory_space<vmem>> -> memref<128x128xf32, #tpu.memory_space<vmem>>
        %gather3A_202 = tpu.vector_load_idx %gather3A_201[%add3A_196, %add3A_197] : memref<128x128xf32, #tpu.memory_space<vmem>>[vector<16xi32>, vector<16xi32>], vector<16xf32>,
        %add3A_203 = arith.constant 32 : i32
        %add3A_204 = vector.broadcast %add3A_203 : i32 to vector<16xi32>
        %add3A_205 = arith.addi %iota3A, %add3A_204 : vector<16xi32>
        %add3A_206 = arith.addi %mul3A_114, %and3A_185 : vector<16xi32>
        %gather3A_207 = arith.constant 0 : i32
        %gather3A_208 = arith.constant 0 : i32
        %gather3A_209 = tpu.memref_slice %arg7[%rem3A_69, %gather3A_207, %gather3A_208] : memref<3x128x128xf32, #tpu.memory_space<vmem>> -> memref<1x128x128xf32, #tpu.memory_space<vmem>>
        %gather3A_210 = tpu.memref_squeeze %gather3A_209 : memref<1x128x128xf32, #tpu.memory_space<vmem>> -> memref<128x128xf32, #tpu.memory_space<vmem>>
        %gather3A_211 = tpu.vector_load_idx %gather3A_210[%add3A_205, %add3A_206] : memref<128x128xf32, #tpu.memory_space<vmem>>[vector<16xi32>, vector<16xi32>], vector<16xf32>,
        %add3A_212 = arith.constant 48 : i32
        %add3A_213 = vector.broadcast %add3A_212 : i32 to vector<16xi32>
        %add3A_214 = arith.addi %iota3A, %add3A_213 : vector<16xi32>
        %add3A_215 = arith.addi %mul3A_123, %and3A_185 : vector<16xi32>
        %gather3A_216 = arith.constant 0 : i32
        %gather3A_217 = arith.constant 0 : i32
        %gather3A_218 = tpu.memref_slice %arg7[%rem3A_69, %gather3A_216, %gather3A_217] : memref<3x128x128xf32, #tpu.memory_space<vmem>> -> memref<1x128x128xf32, #tpu.memory_space<vmem>>
        %gather3A_219 = tpu.memref_squeeze %gather3A_218 : memref<1x128x128xf32, #tpu.memory_space<vmem>> -> memref<128x128xf32, #tpu.memory_space<vmem>>
        %gather3A_220 = tpu.vector_load_idx %gather3A_219[%add3A_214, %add3A_215] : memref<128x128xf32, #tpu.memory_space<vmem>>[vector<16xi32>, vector<16xi32>], vector<16xf32>,
        %add3A_221 = arith.constant 64 : i32
        %add3A_222 = vector.broadcast %add3A_221 : i32 to vector<16xi32>
        %add3A_223 = arith.addi %iota3A, %add3A_222 : vector<16xi32>
        %add3A_224 = arith.addi %mul3A_132, %and3A_185 : vector<16xi32>
        %gather3A_225 = arith.constant 0 : i32
        %gather3A_226 = arith.constant 0 : i32
        %gather3A_227 = tpu.memref_slice %arg7[%rem3A_69, %gather3A_225, %gather3A_226] : memref<3x128x128xf32, #tpu.memory_space<vmem>> -> memref<1x128x128xf32, #tpu.memory_space<vmem>>
        %gather3A_228 = tpu.memref_squeeze %gather3A_227 : memref<1x128x128xf32, #tpu.memory_space<vmem>> -> memref<128x128xf32, #tpu.memory_space<vmem>>
        %gather3A_229 = tpu.vector_load_idx %gather3A_228[%add3A_223, %add3A_224] : memref<128x128xf32, #tpu.memory_space<vmem>>[vector<16xi32>, vector<16xi32>], vector<16xf32>,
        %add3A_230 = arith.constant 80 : i32
        %add3A_231 = vector.broadcast %add3A_230 : i32 to vector<16xi32>
        %add3A_232 = arith.addi %iota3A, %add3A_231 : vector<16xi32>
        %add3A_233 = arith.addi %mul3A_141, %and3A_185 : vector<16xi32>
        %gather3A_234 = arith.constant 0 : i32
        %gather3A_235 = arith.constant 0 : i32
        %gather3A_236 = tpu.memref_slice %arg7[%rem3A_69, %gather3A_234, %gather3A_235] : memref<3x128x128xf32, #tpu.memory_space<vmem>> -> memref<1x128x128xf32, #tpu.memory_space<vmem>>
        %gather3A_237 = tpu.memref_squeeze %gather3A_236 : memref<1x128x128xf32, #tpu.memory_space<vmem>> -> memref<128x128xf32, #tpu.memory_space<vmem>>
        %gather3A_238 = tpu.vector_load_idx %gather3A_237[%add3A_232, %add3A_233] : memref<128x128xf32, #tpu.memory_space<vmem>>[vector<16xi32>, vector<16xi32>], vector<16xf32>,
        %add3A_239 = arith.constant 96 : i32
        %add3A_240 = vector.broadcast %add3A_239 : i32 to vector<16xi32>
        %add3A_241 = arith.addi %iota3A, %add3A_240 : vector<16xi32>
        %add3A_242 = arith.addi %mul3A_150, %and3A_185 : vector<16xi32>
        %gather3A_243 = arith.constant 0 : i32
        %gather3A_244 = arith.constant 0 : i32
        %gather3A_245 = tpu.memref_slice %arg7[%rem3A_69, %gather3A_243, %gather3A_244] : memref<3x128x128xf32, #tpu.memory_space<vmem>> -> memref<1x128x128xf32, #tpu.memory_space<vmem>>
        %gather3A_246 = tpu.memref_squeeze %gather3A_245 : memref<1x128x128xf32, #tpu.memory_space<vmem>> -> memref<128x128xf32, #tpu.memory_space<vmem>>
        %gather3A_247 = tpu.vector_load_idx %gather3A_246[%add3A_241, %add3A_242] : memref<128x128xf32, #tpu.memory_space<vmem>>[vector<16xi32>, vector<16xi32>], vector<16xf32>,
        %add3A_248 = arith.constant 112 : i32
        %add3A_249 = vector.broadcast %add3A_248 : i32 to vector<16xi32>
        %add3A_250 = arith.addi %iota3A, %add3A_249 : vector<16xi32>
        %add3A_251 = arith.addi %mul3A_159, %and3A_185 : vector<16xi32>
        %gather3A_252 = arith.constant 0 : i32
        %gather3A_253 = arith.constant 0 : i32
        %gather3A_254 = tpu.memref_slice %arg7[%rem3A_69, %gather3A_252, %gather3A_253] : memref<3x128x128xf32, #tpu.memory_space<vmem>> -> memref<1x128x128xf32, #tpu.memory_space<vmem>>
        %gather3A_255 = tpu.memref_squeeze %gather3A_254 : memref<1x128x128xf32, #tpu.memory_space<vmem>> -> memref<128x128xf32, #tpu.memory_space<vmem>>
        %gather3A_256 = tpu.vector_load_idx %gather3A_255[%add3A_250, %add3A_251] : memref<128x128xf32, #tpu.memory_space<vmem>>[vector<16xi32>, vector<16xi32>], vector<16xf32>,
        %add3A_257 = arith.constant 0 : i32
        %add3A_258 = vector.broadcast %add3A_257 : i32 to vector<16xi32>
        %add3A_259 = arith.addi %iota3A, %add3A_258 : vector<16xi32>
        %mul3A_260 = arith.constant 8.000000e+00 : f32
        %mul3A_261 = vector.broadcast %mul3A_260 : f32 to vector<16xf32>
        %mul3A_262 = arith.mulf %gather3A_193, %mul3A_261 : vector<16xf32>
        %scatter3A = arith.constant 0 : i32
        %scatter3A_263 = arith.constant 0 : i32
        %scatter3A_264 = tpu.memref_slice %arg8[%rem3A_71, %scatter3A, %scatter3A_263] : memref<2x64x128xf32, #tpu.memory_space<vmem>> -> memref<1x64x128xf32, #tpu.memory_space<vmem>>
        %scatter3A_265 = tpu.memref_squeeze %scatter3A_264 : memref<1x64x128xf32, #tpu.memory_space<vmem>> -> memref<64x128xf32, #tpu.memory_space<vmem>>
        tpu.vector_store_idx %scatter3A_265[%and3A_185, %add3A_259], %mul3A_262 : memref<64x128xf32, #tpu.memory_space<vmem>>[vector<16xi32>, vector<16xi32>], vector<16xf32>,
        %add3A_266 = arith.constant 16 : i32
        %add3A_267 = vector.broadcast %add3A_266 : i32 to vector<16xi32>
        %add3A_268 = arith.addi %iota3A, %add3A_267 : vector<16xi32>
        %mul3A_269 = arith.constant 8.000000e+00 : f32
        %mul3A_270 = vector.broadcast %mul3A_269 : f32 to vector<16xf32>
        %mul3A_271 = arith.mulf %gather3A_202, %mul3A_270 : vector<16xf32>
        %scatter3A_272 = arith.constant 0 : i32
        %scatter3A_273 = arith.constant 0 : i32
        %scatter3A_274 = tpu.memref_slice %arg8[%rem3A_71, %scatter3A_272, %scatter3A_273] : memref<2x64x128xf32, #tpu.memory_space<vmem>> -> memref<1x64x128xf32, #tpu.memory_space<vmem>>
        %scatter3A_275 = tpu.memref_squeeze %scatter3A_274 : memref<1x64x128xf32, #tpu.memory_space<vmem>> -> memref<64x128xf32, #tpu.memory_space<vmem>>
        tpu.vector_store_idx %scatter3A_275[%and3A_185, %add3A_268], %mul3A_271 : memref<64x128xf32, #tpu.memory_space<vmem>>[vector<16xi32>, vector<16xi32>], vector<16xf32>,
        %add3A_276 = arith.constant 32 : i32
        %add3A_277 = vector.broadcast %add3A_276 : i32 to vector<16xi32>
        %add3A_278 = arith.addi %iota3A, %add3A_277 : vector<16xi32>
        %mul3A_279 = arith.constant 8.000000e+00 : f32
        %mul3A_280 = vector.broadcast %mul3A_279 : f32 to vector<16xf32>
        %mul3A_281 = arith.mulf %gather3A_211, %mul3A_280 : vector<16xf32>
        %scatter3A_282 = arith.constant 0 : i32
        %scatter3A_283 = arith.constant 0 : i32
        %scatter3A_284 = tpu.memref_slice %arg8[%rem3A_71, %scatter3A_282, %scatter3A_283] : memref<2x64x128xf32, #tpu.memory_space<vmem>> -> memref<1x64x128xf32, #tpu.memory_space<vmem>>
        %scatter3A_285 = tpu.memref_squeeze %scatter3A_284 : memref<1x64x128xf32, #tpu.memory_space<vmem>> -> memref<64x128xf32, #tpu.memory_space<vmem>>
        tpu.vector_store_idx %scatter3A_285[%and3A_185, %add3A_278], %mul3A_281 : memref<64x128xf32, #tpu.memory_space<vmem>>[vector<16xi32>, vector<16xi32>], vector<16xf32>,
        %add3A_286 = arith.constant 48 : i32
        %add3A_287 = vector.broadcast %add3A_286 : i32 to vector<16xi32>
        %add3A_288 = arith.addi %iota3A, %add3A_287 : vector<16xi32>
        %mul3A_289 = arith.constant 8.000000e+00 : f32
        %mul3A_290 = vector.broadcast %mul3A_289 : f32 to vector<16xf32>
        %mul3A_291 = arith.mulf %gather3A_220, %mul3A_290 : vector<16xf32>
        %scatter3A_292 = arith.constant 0 : i32
        %scatter3A_293 = arith.constant 0 : i32
        %scatter3A_294 = tpu.memref_slice %arg8[%rem3A_71, %scatter3A_292, %scatter3A_293] : memref<2x64x128xf32, #tpu.memory_space<vmem>> -> memref<1x64x128xf32, #tpu.memory_space<vmem>>
        %scatter3A_295 = tpu.memref_squeeze %scatter3A_294 : memref<1x64x128xf32, #tpu.memory_space<vmem>> -> memref<64x128xf32, #tpu.memory_space<vmem>>
        tpu.vector_store_idx %scatter3A_295[%and3A_185, %add3A_288], %mul3A_291 : memref<64x128xf32, #tpu.memory_space<vmem>>[vector<16xi32>, vector<16xi32>], vector<16xf32>,
        %add3A_296 = arith.constant 64 : i32
        %add3A_297 = vector.broadcast %add3A_296 : i32 to vector<16xi32>
        %add3A_298 = arith.addi %iota3A, %add3A_297 : vector<16xi32>
        %mul3A_299 = arith.constant 8.000000e+00 : f32
        %mul3A_300 = vector.broadcast %mul3A_299 : f32 to vector<16xf32>
        %mul3A_301 = arith.mulf %gather3A_229, %mul3A_300 : vector<16xf32>
        %scatter3A_302 = arith.constant 0 : i32
        %scatter3A_303 = arith.constant 0 : i32
        %scatter3A_304 = tpu.memref_slice %arg8[%rem3A_71, %scatter3A_302, %scatter3A_303] : memref<2x64x128xf32, #tpu.memory_space<vmem>> -> memref<1x64x128xf32, #tpu.memory_space<vmem>>
        %scatter3A_305 = tpu.memref_squeeze %scatter3A_304 : memref<1x64x128xf32, #tpu.memory_space<vmem>> -> memref<64x128xf32, #tpu.memory_space<vmem>>
        tpu.vector_store_idx %scatter3A_305[%and3A_185, %add3A_298], %mul3A_301 : memref<64x128xf32, #tpu.memory_space<vmem>>[vector<16xi32>, vector<16xi32>], vector<16xf32>,
        %add3A_306 = arith.constant 80 : i32
        %add3A_307 = vector.broadcast %add3A_306 : i32 to vector<16xi32>
        %add3A_308 = arith.addi %iota3A, %add3A_307 : vector<16xi32>
        %mul3A_309 = arith.constant 8.000000e+00 : f32
        %mul3A_310 = vector.broadcast %mul3A_309 : f32 to vector<16xf32>
        %mul3A_311 = arith.mulf %gather3A_238, %mul3A_310 : vector<16xf32>
        %scatter3A_312 = arith.constant 0 : i32
        %scatter3A_313 = arith.constant 0 : i32
        %scatter3A_314 = tpu.memref_slice %arg8[%rem3A_71, %scatter3A_312, %scatter3A_313] : memref<2x64x128xf32, #tpu.memory_space<vmem>> -> memref<1x64x128xf32, #tpu.memory_space<vmem>>
        %scatter3A_315 = tpu.memref_squeeze %scatter3A_314 : memref<1x64x128xf32, #tpu.memory_space<vmem>> -> memref<64x128xf32, #tpu.memory_space<vmem>>
        tpu.vector_store_idx %scatter3A_315[%and3A_185, %add3A_308], %mul3A_311 : memref<64x128xf32, #tpu.memory_space<vmem>>[vector<16xi32>, vector<16xi32>], vector<16xf32>,
        %add3A_316 = arith.constant 96 : i32
        %add3A_317 = vector.broadcast %add3A_316 : i32 to vector<16xi32>
        %add3A_318 = arith.addi %iota3A, %add3A_317 : vector<16xi32>
        %mul3A_319 = arith.constant 8.000000e+00 : f32
        %mul3A_320 = vector.broadcast %mul3A_319 : f32 to vector<16xf32>
        %mul3A_321 = arith.mulf %gather3A_247, %mul3A_320 : vector<16xf32>
        %scatter3A_322 = arith.constant 0 : i32
        %scatter3A_323 = arith.constant 0 : i32
        %scatter3A_324 = tpu.memref_slice %arg8[%rem3A_71, %scatter3A_322, %scatter3A_323] : memref<2x64x128xf32, #tpu.memory_space<vmem>> -> memref<1x64x128xf32, #tpu.memory_space<vmem>>
        %scatter3A_325 = tpu.memref_squeeze %scatter3A_324 : memref<1x64x128xf32, #tpu.memory_space<vmem>> -> memref<64x128xf32, #tpu.memory_space<vmem>>
        tpu.vector_store_idx %scatter3A_325[%and3A_185, %add3A_318], %mul3A_321 : memref<64x128xf32, #tpu.memory_space<vmem>>[vector<16xi32>, vector<16xi32>], vector<16xf32>,
        %add3A_326 = arith.constant 112 : i32
        %add3A_327 = vector.broadcast %add3A_326 : i32 to vector<16xi32>
        %add3A_328 = arith.addi %iota3A, %add3A_327 : vector<16xi32>
        %mul3A_329 = arith.constant 8.000000e+00 : f32
        %mul3A_330 = vector.broadcast %mul3A_329 : f32 to vector<16xf32>
        %mul3A_331 = arith.mulf %gather3A_256, %mul3A_330 : vector<16xf32>
        %scatter3A_332 = arith.constant 0 : i32
        %scatter3A_333 = arith.constant 0 : i32
        %scatter3A_334 = tpu.memref_slice %arg8[%rem3A_71, %scatter3A_332, %scatter3A_333] : memref<2x64x128xf32, #tpu.memory_space<vmem>> -> memref<1x64x128xf32, #tpu.memory_space<vmem>>
        %scatter3A_335 = tpu.memref_squeeze %scatter3A_334 : memref<1x64x128xf32, #tpu.memory_space<vmem>> -> memref<64x128xf32, #tpu.memory_space<vmem>>
        tpu.vector_store_idx %scatter3A_335[%and3A_185, %add3A_328], %mul3A_331 : memref<64x128xf32, #tpu.memory_space<vmem>>[vector<16xi32>, vector<16xi32>], vector<16xf32>,
        %scan3A_336 = arith.constant 1 : i32
        %scan3A_337 = arith.addi %scan3A_180, %scan3A_336 : i32
        %add3A_338 = vector.broadcast %scan3A_337 : i32 to vector<16xi32>
        %add3A_339 = arith.addi %iota3A, %add3A_338 : vector<16xi32>
        %and3A_340 = arith.constant 63 : i32
        %and3A_341 = vector.broadcast %and3A_340 : i32 to vector<16xi32>
        %and3A_342 = arith.andi %add3A_339, %and3A_341 : vector<16xi32>
        %add3A_343 = arith.constant 0 : i32
        %add3A_344 = vector.broadcast %add3A_343 : i32 to vector<16xi32>
        %add3A_345 = arith.addi %iota3A, %add3A_344 : vector<16xi32>
        %add3A_346 = arith.addi %mul3A_96, %and3A_342 : vector<16xi32>
        %gather3A_347 = arith.constant 0 : i32
        %gather3A_348 = arith.constant 0 : i32
        %gather3A_349 = tpu.memref_slice %arg7[%rem3A_69, %gather3A_347, %gather3A_348] : memref<3x128x128xf32, #tpu.memory_space<vmem>> -> memref<1x128x128xf32, #tpu.memory_space<vmem>>
        %gather3A_350 = tpu.memref_squeeze %gather3A_349 : memref<1x128x128xf32, #tpu.memory_space<vmem>> -> memref<128x128xf32, #tpu.memory_space<vmem>>
        %gather3A_351 = tpu.vector_load_idx %gather3A_350[%add3A_345, %add3A_346] : memref<128x128xf32, #tpu.memory_space<vmem>>[vector<16xi32>, vector<16xi32>], vector<16xf32>,
        %add3A_352 = arith.constant 16 : i32
        %add3A_353 = vector.broadcast %add3A_352 : i32 to vector<16xi32>
        %add3A_354 = arith.addi %iota3A, %add3A_353 : vector<16xi32>
        %add3A_355 = arith.addi %mul3A_105, %and3A_342 : vector<16xi32>
        %gather3A_356 = arith.constant 0 : i32
        %gather3A_357 = arith.constant 0 : i32
        %gather3A_358 = tpu.memref_slice %arg7[%rem3A_69, %gather3A_356, %gather3A_357] : memref<3x128x128xf32, #tpu.memory_space<vmem>> -> memref<1x128x128xf32, #tpu.memory_space<vmem>>
        %gather3A_359 = tpu.memref_squeeze %gather3A_358 : memref<1x128x128xf32, #tpu.memory_space<vmem>> -> memref<128x128xf32, #tpu.memory_space<vmem>>
        %gather3A_360 = tpu.vector_load_idx %gather3A_359[%add3A_354, %add3A_355] : memref<128x128xf32, #tpu.memory_space<vmem>>[vector<16xi32>, vector<16xi32>], vector<16xf32>,
        %add3A_361 = arith.constant 32 : i32
        %add3A_362 = vector.broadcast %add3A_361 : i32 to vector<16xi32>
        %add3A_363 = arith.addi %iota3A, %add3A_362 : vector<16xi32>
        %add3A_364 = arith.addi %mul3A_114, %and3A_342 : vector<16xi32>
        %gather3A_365 = arith.constant 0 : i32
        %gather3A_366 = arith.constant 0 : i32
        %gather3A_367 = tpu.memref_slice %arg7[%rem3A_69, %gather3A_365, %gather3A_366] : memref<3x128x128xf32, #tpu.memory_space<vmem>> -> memref<1x128x128xf32, #tpu.memory_space<vmem>>
        %gather3A_368 = tpu.memref_squeeze %gather3A_367 : memref<1x128x128xf32, #tpu.memory_space<vmem>> -> memref<128x128xf32, #tpu.memory_space<vmem>>
        %gather3A_369 = tpu.vector_load_idx %gather3A_368[%add3A_363, %add3A_364] : memref<128x128xf32, #tpu.memory_space<vmem>>[vector<16xi32>, vector<16xi32>], vector<16xf32>,
        %add3A_370 = arith.constant 48 : i32
        %add3A_371 = vector.broadcast %add3A_370 : i32 to vector<16xi32>
        %add3A_372 = arith.addi %iota3A, %add3A_371 : vector<16xi32>
        %add3A_373 = arith.addi %mul3A_123, %and3A_342 : vector<16xi32>
        %gather3A_374 = arith.constant 0 : i32
        %gather3A_375 = arith.constant 0 : i32
        %gather3A_376 = tpu.memref_slice %arg7[%rem3A_69, %gather3A_374, %gather3A_375] : memref<3x128x128xf32, #tpu.memory_space<vmem>> -> memref<1x128x128xf32, #tpu.memory_space<vmem>>
        %gather3A_377 = tpu.memref_squeeze %gather3A_376 : memref<1x128x128xf32, #tpu.memory_space<vmem>> -> memref<128x128xf32, #tpu.memory_space<vmem>>
        %gather3A_378 = tpu.vector_load_idx %gather3A_377[%add3A_372, %add3A_373] : memref<128x128xf32, #tpu.memory_space<vmem>>[vector<16xi32>, vector<16xi32>], vector<16xf32>,
        %add3A_379 = arith.constant 64 : i32
        %add3A_380 = vector.broadcast %add3A_379 : i32 to vector<16xi32>
        %add3A_381 = arith.addi %iota3A, %add3A_380 : vector<16xi32>
        %add3A_382 = arith.addi %mul3A_132, %and3A_342 : vector<16xi32>
        %gather3A_383 = arith.constant 0 : i32
        %gather3A_384 = arith.constant 0 : i32
        %gather3A_385 = tpu.memref_slice %arg7[%rem3A_69, %gather3A_383, %gather3A_384] : memref<3x128x128xf32, #tpu.memory_space<vmem>> -> memref<1x128x128xf32, #tpu.memory_space<vmem>>
        %gather3A_386 = tpu.memref_squeeze %gather3A_385 : memref<1x128x128xf32, #tpu.memory_space<vmem>> -> memref<128x128xf32, #tpu.memory_space<vmem>>
        %gather3A_387 = tpu.vector_load_idx %gather3A_386[%add3A_381, %add3A_382] : memref<128x128xf32, #tpu.memory_space<vmem>>[vector<16xi32>, vector<16xi32>], vector<16xf32>,
        %add3A_388 = arith.constant 80 : i32
        %add3A_389 = vector.broadcast %add3A_388 : i32 to vector<16xi32>
        %add3A_390 = arith.addi %iota3A, %add3A_389 : vector<16xi32>
        %add3A_391 = arith.addi %mul3A_141, %and3A_342 : vector<16xi32>
        %gather3A_392 = arith.constant 0 : i32
        %gather3A_393 = arith.constant 0 : i32
        %gather3A_394 = tpu.memref_slice %arg7[%rem3A_69, %gather3A_392, %gather3A_393] : memref<3x128x128xf32, #tpu.memory_space<vmem>> -> memref<1x128x128xf32, #tpu.memory_space<vmem>>
        %gather3A_395 = tpu.memref_squeeze %gather3A_394 : memref<1x128x128xf32, #tpu.memory_space<vmem>> -> memref<128x128xf32, #tpu.memory_space<vmem>>
        %gather3A_396 = tpu.vector_load_idx %gather3A_395[%add3A_390, %add3A_391] : memref<128x128xf32, #tpu.memory_space<vmem>>[vector<16xi32>, vector<16xi32>], vector<16xf32>,
        %add3A_397 = arith.constant 96 : i32
        %add3A_398 = vector.broadcast %add3A_397 : i32 to vector<16xi32>
        %add3A_399 = arith.addi %iota3A, %add3A_398 : vector<16xi32>
        %add3A_400 = arith.addi %mul3A_150, %and3A_342 : vector<16xi32>
        %gather3A_401 = arith.constant 0 : i32
        %gather3A_402 = arith.constant 0 : i32
        %gather3A_403 = tpu.memref_slice %arg7[%rem3A_69, %gather3A_401, %gather3A_402] : memref<3x128x128xf32, #tpu.memory_space<vmem>> -> memref<1x128x128xf32, #tpu.memory_space<vmem>>
        %gather3A_404 = tpu.memref_squeeze %gather3A_403 : memref<1x128x128xf32, #tpu.memory_space<vmem>> -> memref<128x128xf32, #tpu.memory_space<vmem>>
        %gather3A_405 = tpu.vector_load_idx %gather3A_404[%add3A_399, %add3A_400] : memref<128x128xf32, #tpu.memory_space<vmem>>[vector<16xi32>, vector<16xi32>], vector<16xf32>,
        %add3A_406 = arith.constant 112 : i32
        %add3A_407 = vector.broadcast %add3A_406 : i32 to vector<16xi32>
        %add3A_408 = arith.addi %iota3A, %add3A_407 : vector<16xi32>
        %add3A_409 = arith.addi %mul3A_159, %and3A_342 : vector<16xi32>
        %gather3A_410 = arith.constant 0 : i32
        %gather3A_411 = arith.constant 0 : i32
        %gather3A_412 = tpu.memref_slice %arg7[%rem3A_69, %gather3A_410, %gather3A_411] : memref<3x128x128xf32, #tpu.memory_space<vmem>> -> memref<1x128x128xf32, #tpu.memory_space<vmem>>
        %gather3A_413 = tpu.memref_squeeze %gather3A_412 : memref<1x128x128xf32, #tpu.memory_space<vmem>> -> memref<128x128xf32, #tpu.memory_space<vmem>>
        %gather3A_414 = tpu.vector_load_idx %gather3A_413[%add3A_408, %add3A_409] : memref<128x128xf32, #tpu.memory_space<vmem>>[vector<16xi32>, vector<16xi32>], vector<16xf32>,
        %add3A_415 = arith.constant 0 : i32
        %add3A_416 = vector.broadcast %add3A_415 : i32 to vector<16xi32>
        %add3A_417 = arith.addi %iota3A, %add3A_416 : vector<16xi32>
        %mul3A_418 = arith.constant 8.000000e+00 : f32
        %mul3A_419 = vector.broadcast %mul3A_418 : f32 to vector<16xf32>
        %mul3A_420 = arith.mulf %gather3A_351, %mul3A_419 : vector<16xf32>
        %scatter3A_421 = arith.constant 0 : i32
        %scatter3A_422 = arith.constant 0 : i32
        %scatter3A_423 = tpu.memref_slice %arg8[%rem3A_71, %scatter3A_421, %scatter3A_422] : memref<2x64x128xf32, #tpu.memory_space<vmem>> -> memref<1x64x128xf32, #tpu.memory_space<vmem>>
        %scatter3A_424 = tpu.memref_squeeze %scatter3A_423 : memref<1x64x128xf32, #tpu.memory_space<vmem>> -> memref<64x128xf32, #tpu.memory_space<vmem>>
        tpu.vector_store_idx %scatter3A_424[%and3A_342, %add3A_417], %mul3A_420 : memref<64x128xf32, #tpu.memory_space<vmem>>[vector<16xi32>, vector<16xi32>], vector<16xf32>,
        %add3A_425 = arith.constant 16 : i32
        %add3A_426 = vector.broadcast %add3A_425 : i32 to vector<16xi32>
        %add3A_427 = arith.addi %iota3A, %add3A_426 : vector<16xi32>
        %mul3A_428 = arith.constant 8.000000e+00 : f32
        %mul3A_429 = vector.broadcast %mul3A_428 : f32 to vector<16xf32>
        %mul3A_430 = arith.mulf %gather3A_360, %mul3A_429 : vector<16xf32>
        %scatter3A_431 = arith.constant 0 : i32
        %scatter3A_432 = arith.constant 0 : i32
        %scatter3A_433 = tpu.memref_slice %arg8[%rem3A_71, %scatter3A_431, %scatter3A_432] : memref<2x64x128xf32, #tpu.memory_space<vmem>> -> memref<1x64x128xf32, #tpu.memory_space<vmem>>
        %scatter3A_434 = tpu.memref_squeeze %scatter3A_433 : memref<1x64x128xf32, #tpu.memory_space<vmem>> -> memref<64x128xf32, #tpu.memory_space<vmem>>
        tpu.vector_store_idx %scatter3A_434[%and3A_342, %add3A_427], %mul3A_430 : memref<64x128xf32, #tpu.memory_space<vmem>>[vector<16xi32>, vector<16xi32>], vector<16xf32>,
        %add3A_435 = arith.constant 32 : i32
        %add3A_436 = vector.broadcast %add3A_435 : i32 to vector<16xi32>
        %add3A_437 = arith.addi %iota3A, %add3A_436 : vector<16xi32>
        %mul3A_438 = arith.constant 8.000000e+00 : f32
        %mul3A_439 = vector.broadcast %mul3A_438 : f32 to vector<16xf32>
        %mul3A_440 = arith.mulf %gather3A_369, %mul3A_439 : vector<16xf32>
        %scatter3A_441 = arith.constant 0 : i32
        %scatter3A_442 = arith.constant 0 : i32
        %scatter3A_443 = tpu.memref_slice %arg8[%rem3A_71, %scatter3A_441, %scatter3A_442] : memref<2x64x128xf32, #tpu.memory_space<vmem>> -> memref<1x64x128xf32, #tpu.memory_space<vmem>>
        %scatter3A_444 = tpu.memref_squeeze %scatter3A_443 : memref<1x64x128xf32, #tpu.memory_space<vmem>> -> memref<64x128xf32, #tpu.memory_space<vmem>>
        tpu.vector_store_idx %scatter3A_444[%and3A_342, %add3A_437], %mul3A_440 : memref<64x128xf32, #tpu.memory_space<vmem>>[vector<16xi32>, vector<16xi32>], vector<16xf32>,
        %add3A_445 = arith.constant 48 : i32
        %add3A_446 = vector.broadcast %add3A_445 : i32 to vector<16xi32>
        %add3A_447 = arith.addi %iota3A, %add3A_446 : vector<16xi32>
        %mul3A_448 = arith.constant 8.000000e+00 : f32
        %mul3A_449 = vector.broadcast %mul3A_448 : f32 to vector<16xf32>
        %mul3A_450 = arith.mulf %gather3A_378, %mul3A_449 : vector<16xf32>
        %scatter3A_451 = arith.constant 0 : i32
        %scatter3A_452 = arith.constant 0 : i32
        %scatter3A_453 = tpu.memref_slice %arg8[%rem3A_71, %scatter3A_451, %scatter3A_452] : memref<2x64x128xf32, #tpu.memory_space<vmem>> -> memref<1x64x128xf32, #tpu.memory_space<vmem>>
        %scatter3A_454 = tpu.memref_squeeze %scatter3A_453 : memref<1x64x128xf32, #tpu.memory_space<vmem>> -> memref<64x128xf32, #tpu.memory_space<vmem>>
        tpu.vector_store_idx %scatter3A_454[%and3A_342, %add3A_447], %mul3A_450 : memref<64x128xf32, #tpu.memory_space<vmem>>[vector<16xi32>, vector<16xi32>], vector<16xf32>,
        %add3A_455 = arith.constant 64 : i32
        %add3A_456 = vector.broadcast %add3A_455 : i32 to vector<16xi32>
        %add3A_457 = arith.addi %iota3A, %add3A_456 : vector<16xi32>
        %mul3A_458 = arith.constant 8.000000e+00 : f32
        %mul3A_459 = vector.broadcast %mul3A_458 : f32 to vector<16xf32>
        %mul3A_460 = arith.mulf %gather3A_387, %mul3A_459 : vector<16xf32>
        %scatter3A_461 = arith.constant 0 : i32
        %scatter3A_462 = arith.constant 0 : i32
        %scatter3A_463 = tpu.memref_slice %arg8[%rem3A_71, %scatter3A_461, %scatter3A_462] : memref<2x64x128xf32, #tpu.memory_space<vmem>> -> memref<1x64x128xf32, #tpu.memory_space<vmem>>
        %scatter3A_464 = tpu.memref_squeeze %scatter3A_463 : memref<1x64x128xf32, #tpu.memory_space<vmem>> -> memref<64x128xf32, #tpu.memory_space<vmem>>
        tpu.vector_store_idx %scatter3A_464[%and3A_342, %add3A_457], %mul3A_460 : memref<64x128xf32, #tpu.memory_space<vmem>>[vector<16xi32>, vector<16xi32>], vector<16xf32>,
        %add3A_465 = arith.constant 80 : i32
        %add3A_466 = vector.broadcast %add3A_465 : i32 to vector<16xi32>
        %add3A_467 = arith.addi %iota3A, %add3A_466 : vector<16xi32>
        %mul3A_468 = arith.constant 8.000000e+00 : f32
        %mul3A_469 = vector.broadcast %mul3A_468 : f32 to vector<16xf32>
        %mul3A_470 = arith.mulf %gather3A_396, %mul3A_469 : vector<16xf32>
        %scatter3A_471 = arith.constant 0 : i32
        %scatter3A_472 = arith.constant 0 : i32
        %scatter3A_473 = tpu.memref_slice %arg8[%rem3A_71, %scatter3A_471, %scatter3A_472] : memref<2x64x128xf32, #tpu.memory_space<vmem>> -> memref<1x64x128xf32, #tpu.memory_space<vmem>>
        %scatter3A_474 = tpu.memref_squeeze %scatter3A_473 : memref<1x64x128xf32, #tpu.memory_space<vmem>> -> memref<64x128xf32, #tpu.memory_space<vmem>>
        tpu.vector_store_idx %scatter3A_474[%and3A_342, %add3A_467], %mul3A_470 : memref<64x128xf32, #tpu.memory_space<vmem>>[vector<16xi32>, vector<16xi32>], vector<16xf32>,
        %add3A_475 = arith.constant 96 : i32
        %add3A_476 = vector.broadcast %add3A_475 : i32 to vector<16xi32>
        %add3A_477 = arith.addi %iota3A, %add3A_476 : vector<16xi32>
        %mul3A_478 = arith.constant 8.000000e+00 : f32
        %mul3A_479 = vector.broadcast %mul3A_478 : f32 to vector<16xf32>
        %mul3A_480 = arith.mulf %gather3A_405, %mul3A_479 : vector<16xf32>
        %scatter3A_481 = arith.constant 0 : i32
        %scatter3A_482 = arith.constant 0 : i32
        %scatter3A_483 = tpu.memref_slice %arg8[%rem3A_71, %scatter3A_481, %scatter3A_482] : memref<2x64x128xf32, #tpu.memory_space<vmem>> -> memref<1x64x128xf32, #tpu.memory_space<vmem>>
        %scatter3A_484 = tpu.memref_squeeze %scatter3A_483 : memref<1x64x128xf32, #tpu.memory_space<vmem>> -> memref<64x128xf32, #tpu.memory_space<vmem>>
        tpu.vector_store_idx %scatter3A_484[%and3A_342, %add3A_477], %mul3A_480 : memref<64x128xf32, #tpu.memory_space<vmem>>[vector<16xi32>, vector<16xi32>], vector<16xf32>,
        %add3A_485 = arith.constant 112 : i32
        %add3A_486 = vector.broadcast %add3A_485 : i32 to vector<16xi32>
        %add3A_487 = arith.addi %iota3A, %add3A_486 : vector<16xi32>
        %mul3A_488 = arith.constant 8.000000e+00 : f32
        %mul3A_489 = vector.broadcast %mul3A_488 : f32 to vector<16xf32>
        %mul3A_490 = arith.mulf %gather3A_414, %mul3A_489 : vector<16xf32>
        %scatter3A_491 = arith.constant 0 : i32
        %scatter3A_492 = arith.constant 0 : i32
        %scatter3A_493 = tpu.memref_slice %arg8[%rem3A_71, %scatter3A_491, %scatter3A_492] : memref<2x64x128xf32, #tpu.memory_space<vmem>> -> memref<1x64x128xf32, #tpu.memory_space<vmem>>
        %scatter3A_494 = tpu.memref_squeeze %scatter3A_493 : memref<1x64x128xf32, #tpu.memory_space<vmem>> -> memref<64x128xf32, #tpu.memory_space<vmem>>
        tpu.vector_store_idx %scatter3A_494[%and3A_342, %add3A_487], %mul3A_490 : memref<64x128xf32, #tpu.memory_space<vmem>>[vector<16xi32>, vector<16xi32>], vector<16xf32>,
        %scan3A_495 = arith.constant 2 : i32
        %scan3A_496 = arith.addi %scan3A_180, %scan3A_495 : i32
        %add3A_497 = vector.broadcast %scan3A_496 : i32 to vector<16xi32>
        %add3A_498 = arith.addi %iota3A, %add3A_497 : vector<16xi32>
        %and3A_499 = arith.constant 63 : i32
        %and3A_500 = vector.broadcast %and3A_499 : i32 to vector<16xi32>
        %and3A_501 = arith.andi %add3A_498, %and3A_500 : vector<16xi32>
        %add3A_502 = arith.constant 0 : i32
        %add3A_503 = vector.broadcast %add3A_502 : i32 to vector<16xi32>
        %add3A_504 = arith.addi %iota3A, %add3A_503 : vector<16xi32>
        %add3A_505 = arith.addi %mul3A_96, %and3A_501 : vector<16xi32>
        %gather3A_506 = arith.constant 0 : i32
        %gather3A_507 = arith.constant 0 : i32
        %gather3A_508 = tpu.memref_slice %arg7[%rem3A_69, %gather3A_506, %gather3A_507] : memref<3x128x128xf32, #tpu.memory_space<vmem>> -> memref<1x128x128xf32, #tpu.memory_space<vmem>>
        %gather3A_509 = tpu.memref_squeeze %gather3A_508 : memref<1x128x128xf32, #tpu.memory_space<vmem>> -> memref<128x128xf32, #tpu.memory_space<vmem>>
        %gather3A_510 = tpu.vector_load_idx %gather3A_509[%add3A_504, %add3A_505] : memref<128x128xf32, #tpu.memory_space<vmem>>[vector<16xi32>, vector<16xi32>], vector<16xf32>,
        %add3A_511 = arith.constant 16 : i32
        %add3A_512 = vector.broadcast %add3A_511 : i32 to vector<16xi32>
        %add3A_513 = arith.addi %iota3A, %add3A_512 : vector<16xi32>
        %add3A_514 = arith.addi %mul3A_105, %and3A_501 : vector<16xi32>
        %gather3A_515 = arith.constant 0 : i32
        %gather3A_516 = arith.constant 0 : i32
        %gather3A_517 = tpu.memref_slice %arg7[%rem3A_69, %gather3A_515, %gather3A_516] : memref<3x128x128xf32, #tpu.memory_space<vmem>> -> memref<1x128x128xf32, #tpu.memory_space<vmem>>
        %gather3A_518 = tpu.memref_squeeze %gather3A_517 : memref<1x128x128xf32, #tpu.memory_space<vmem>> -> memref<128x128xf32, #tpu.memory_space<vmem>>
        %gather3A_519 = tpu.vector_load_idx %gather3A_518[%add3A_513, %add3A_514] : memref<128x128xf32, #tpu.memory_space<vmem>>[vector<16xi32>, vector<16xi32>], vector<16xf32>,
        %add3A_520 = arith.constant 32 : i32
        %add3A_521 = vector.broadcast %add3A_520 : i32 to vector<16xi32>
        %add3A_522 = arith.addi %iota3A, %add3A_521 : vector<16xi32>
        %add3A_523 = arith.addi %mul3A_114, %and3A_501 : vector<16xi32>
        %gather3A_524 = arith.constant 0 : i32
        %gather3A_525 = arith.constant 0 : i32
        %gather3A_526 = tpu.memref_slice %arg7[%rem3A_69, %gather3A_524, %gather3A_525] : memref<3x128x128xf32, #tpu.memory_space<vmem>> -> memref<1x128x128xf32, #tpu.memory_space<vmem>>
        %gather3A_527 = tpu.memref_squeeze %gather3A_526 : memref<1x128x128xf32, #tpu.memory_space<vmem>> -> memref<128x128xf32, #tpu.memory_space<vmem>>
        %gather3A_528 = tpu.vector_load_idx %gather3A_527[%add3A_522, %add3A_523] : memref<128x128xf32, #tpu.memory_space<vmem>>[vector<16xi32>, vector<16xi32>], vector<16xf32>,
        %add3A_529 = arith.constant 48 : i32
        %add3A_530 = vector.broadcast %add3A_529 : i32 to vector<16xi32>
        %add3A_531 = arith.addi %iota3A, %add3A_530 : vector<16xi32>
        %add3A_532 = arith.addi %mul3A_123, %and3A_501 : vector<16xi32>
        %gather3A_533 = arith.constant 0 : i32
        %gather3A_534 = arith.constant 0 : i32
        %gather3A_535 = tpu.memref_slice %arg7[%rem3A_69, %gather3A_533, %gather3A_534] : memref<3x128x128xf32, #tpu.memory_space<vmem>> -> memref<1x128x128xf32, #tpu.memory_space<vmem>>
        %gather3A_536 = tpu.memref_squeeze %gather3A_535 : memref<1x128x128xf32, #tpu.memory_space<vmem>> -> memref<128x128xf32, #tpu.memory_space<vmem>>
        %gather3A_537 = tpu.vector_load_idx %gather3A_536[%add3A_531, %add3A_532] : memref<128x128xf32, #tpu.memory_space<vmem>>[vector<16xi32>, vector<16xi32>], vector<16xf32>,
        %add3A_538 = arith.constant 64 : i32
        %add3A_539 = vector.broadcast %add3A_538 : i32 to vector<16xi32>
        %add3A_540 = arith.addi %iota3A, %add3A_539 : vector<16xi32>
        %add3A_541 = arith.addi %mul3A_132, %and3A_501 : vector<16xi32>
        %gather3A_542 = arith.constant 0 : i32
        %gather3A_543 = arith.constant 0 : i32
        %gather3A_544 = tpu.memref_slice %arg7[%rem3A_69, %gather3A_542, %gather3A_543] : memref<3x128x128xf32, #tpu.memory_space<vmem>> -> memref<1x128x128xf32, #tpu.memory_space<vmem>>
        %gather3A_545 = tpu.memref_squeeze %gather3A_544 : memref<1x128x128xf32, #tpu.memory_space<vmem>> -> memref<128x128xf32, #tpu.memory_space<vmem>>
        %gather3A_546 = tpu.vector_load_idx %gather3A_545[%add3A_540, %add3A_541] : memref<128x128xf32, #tpu.memory_space<vmem>>[vector<16xi32>, vector<16xi32>], vector<16xf32>,
        %add3A_547 = arith.constant 80 : i32
        %add3A_548 = vector.broadcast %add3A_547 : i32 to vector<16xi32>
        %add3A_549 = arith.addi %iota3A, %add3A_548 : vector<16xi32>
        %add3A_550 = arith.addi %mul3A_141, %and3A_501 : vector<16xi32>
        %gather3A_551 = arith.constant 0 : i32
        %gather3A_552 = arith.constant 0 : i32
        %gather3A_553 = tpu.memref_slice %arg7[%rem3A_69, %gather3A_551, %gather3A_552] : memref<3x128x128xf32, #tpu.memory_space<vmem>> -> memref<1x128x128xf32, #tpu.memory_space<vmem>>
        %gather3A_554 = tpu.memref_squeeze %gather3A_553 : memref<1x128x128xf32, #tpu.memory_space<vmem>> -> memref<128x128xf32, #tpu.memory_space<vmem>>
        %gather3A_555 = tpu.vector_load_idx %gather3A_554[%add3A_549, %add3A_550] : memref<128x128xf32, #tpu.memory_space<vmem>>[vector<16xi32>, vector<16xi32>], vector<16xf32>,
        %add3A_556 = arith.constant 96 : i32
        %add3A_557 = vector.broadcast %add3A_556 : i32 to vector<16xi32>
        %add3A_558 = arith.addi %iota3A, %add3A_557 : vector<16xi32>
        %add3A_559 = arith.addi %mul3A_150, %and3A_501 : vector<16xi32>
        %gather3A_560 = arith.constant 0 : i32
        %gather3A_561 = arith.constant 0 : i32
        %gather3A_562 = tpu.memref_slice %arg7[%rem3A_69, %gather3A_560, %gather3A_561] : memref<3x128x128xf32, #tpu.memory_space<vmem>> -> memref<1x128x128xf32, #tpu.memory_space<vmem>>
        %gather3A_563 = tpu.memref_squeeze %gather3A_562 : memref<1x128x128xf32, #tpu.memory_space<vmem>> -> memref<128x128xf32, #tpu.memory_space<vmem>>
        %gather3A_564 = tpu.vector_load_idx %gather3A_563[%add3A_558, %add3A_559] : memref<128x128xf32, #tpu.memory_space<vmem>>[vector<16xi32>, vector<16xi32>], vector<16xf32>,
        %add3A_565 = arith.constant 112 : i32
        %add3A_566 = vector.broadcast %add3A_565 : i32 to vector<16xi32>
        %add3A_567 = arith.addi %iota3A, %add3A_566 : vector<16xi32>
        %add3A_568 = arith.addi %mul3A_159, %and3A_501 : vector<16xi32>
        %gather3A_569 = arith.constant 0 : i32
        %gather3A_570 = arith.constant 0 : i32
        %gather3A_571 = tpu.memref_slice %arg7[%rem3A_69, %gather3A_569, %gather3A_570] : memref<3x128x128xf32, #tpu.memory_space<vmem>> -> memref<1x128x128xf32, #tpu.memory_space<vmem>>
        %gather3A_572 = tpu.memref_squeeze %gather3A_571 : memref<1x128x128xf32, #tpu.memory_space<vmem>> -> memref<128x128xf32, #tpu.memory_space<vmem>>
        %gather3A_573 = tpu.vector_load_idx %gather3A_572[%add3A_567, %add3A_568] : memref<128x128xf32, #tpu.memory_space<vmem>>[vector<16xi32>, vector<16xi32>], vector<16xf32>,
        %add3A_574 = arith.constant 0 : i32
        %add3A_575 = vector.broadcast %add3A_574 : i32 to vector<16xi32>
        %add3A_576 = arith.addi %iota3A, %add3A_575 : vector<16xi32>
        %mul3A_577 = arith.constant 8.000000e+00 : f32
        %mul3A_578 = vector.broadcast %mul3A_577 : f32 to vector<16xf32>
        %mul3A_579 = arith.mulf %gather3A_510, %mul3A_578 : vector<16xf32>
        %scatter3A_580 = arith.constant 0 : i32
        %scatter3A_581 = arith.constant 0 : i32
        %scatter3A_582 = tpu.memref_slice %arg8[%rem3A_71, %scatter3A_580, %scatter3A_581] : memref<2x64x128xf32, #tpu.memory_space<vmem>> -> memref<1x64x128xf32, #tpu.memory_space<vmem>>
        %scatter3A_583 = tpu.memref_squeeze %scatter3A_582 : memref<1x64x128xf32, #tpu.memory_space<vmem>> -> memref<64x128xf32, #tpu.memory_space<vmem>>
        tpu.vector_store_idx %scatter3A_583[%and3A_501, %add3A_576], %mul3A_579 : memref<64x128xf32, #tpu.memory_space<vmem>>[vector<16xi32>, vector<16xi32>], vector<16xf32>,
        %add3A_584 = arith.constant 16 : i32
        %add3A_585 = vector.broadcast %add3A_584 : i32 to vector<16xi32>
        %add3A_586 = arith.addi %iota3A, %add3A_585 : vector<16xi32>
        %mul3A_587 = arith.constant 8.000000e+00 : f32
        %mul3A_588 = vector.broadcast %mul3A_587 : f32 to vector<16xf32>
        %mul3A_589 = arith.mulf %gather3A_519, %mul3A_588 : vector<16xf32>
        %scatter3A_590 = arith.constant 0 : i32
        %scatter3A_591 = arith.constant 0 : i32
        %scatter3A_592 = tpu.memref_slice %arg8[%rem3A_71, %scatter3A_590, %scatter3A_591] : memref<2x64x128xf32, #tpu.memory_space<vmem>> -> memref<1x64x128xf32, #tpu.memory_space<vmem>>
        %scatter3A_593 = tpu.memref_squeeze %scatter3A_592 : memref<1x64x128xf32, #tpu.memory_space<vmem>> -> memref<64x128xf32, #tpu.memory_space<vmem>>
        tpu.vector_store_idx %scatter3A_593[%and3A_501, %add3A_586], %mul3A_589 : memref<64x128xf32, #tpu.memory_space<vmem>>[vector<16xi32>, vector<16xi32>], vector<16xf32>,
        %add3A_594 = arith.constant 32 : i32
        %add3A_595 = vector.broadcast %add3A_594 : i32 to vector<16xi32>
        %add3A_596 = arith.addi %iota3A, %add3A_595 : vector<16xi32>
        %mul3A_597 = arith.constant 8.000000e+00 : f32
        %mul3A_598 = vector.broadcast %mul3A_597 : f32 to vector<16xf32>
        %mul3A_599 = arith.mulf %gather3A_528, %mul3A_598 : vector<16xf32>
        %scatter3A_600 = arith.constant 0 : i32
        %scatter3A_601 = arith.constant 0 : i32
        %scatter3A_602 = tpu.memref_slice %arg8[%rem3A_71, %scatter3A_600, %scatter3A_601] : memref<2x64x128xf32, #tpu.memory_space<vmem>> -> memref<1x64x128xf32, #tpu.memory_space<vmem>>
        %scatter3A_603 = tpu.memref_squeeze %scatter3A_602 : memref<1x64x128xf32, #tpu.memory_space<vmem>> -> memref<64x128xf32, #tpu.memory_space<vmem>>
        tpu.vector_store_idx %scatter3A_603[%and3A_501, %add3A_596], %mul3A_599 : memref<64x128xf32, #tpu.memory_space<vmem>>[vector<16xi32>, vector<16xi32>], vector<16xf32>,
        %add3A_604 = arith.constant 48 : i32
        %add3A_605 = vector.broadcast %add3A_604 : i32 to vector<16xi32>
        %add3A_606 = arith.addi %iota3A, %add3A_605 : vector<16xi32>
        %mul3A_607 = arith.constant 8.000000e+00 : f32
        %mul3A_608 = vector.broadcast %mul3A_607 : f32 to vector<16xf32>
        %mul3A_609 = arith.mulf %gather3A_537, %mul3A_608 : vector<16xf32>
        %scatter3A_610 = arith.constant 0 : i32
        %scatter3A_611 = arith.constant 0 : i32
        %scatter3A_612 = tpu.memref_slice %arg8[%rem3A_71, %scatter3A_610, %scatter3A_611] : memref<2x64x128xf32, #tpu.memory_space<vmem>> -> memref<1x64x128xf32, #tpu.memory_space<vmem>>
        %scatter3A_613 = tpu.memref_squeeze %scatter3A_612 : memref<1x64x128xf32, #tpu.memory_space<vmem>> -> memref<64x128xf32, #tpu.memory_space<vmem>>
        tpu.vector_store_idx %scatter3A_613[%and3A_501, %add3A_606], %mul3A_609 : memref<64x128xf32, #tpu.memory_space<vmem>>[vector<16xi32>, vector<16xi32>], vector<16xf32>,
        %add3A_614 = arith.constant 64 : i32
        %add3A_615 = vector.broadcast %add3A_614 : i32 to vector<16xi32>
        %add3A_616 = arith.addi %iota3A, %add3A_615 : vector<16xi32>
        %mul3A_617 = arith.constant 8.000000e+00 : f32
        %mul3A_618 = vector.broadcast %mul3A_617 : f32 to vector<16xf32>
        %mul3A_619 = arith.mulf %gather3A_546, %mul3A_618 : vector<16xf32>
        %scatter3A_620 = arith.constant 0 : i32
        %scatter3A_621 = arith.constant 0 : i32
        %scatter3A_622 = tpu.memref_slice %arg8[%rem3A_71, %scatter3A_620, %scatter3A_621] : memref<2x64x128xf32, #tpu.memory_space<vmem>> -> memref<1x64x128xf32, #tpu.memory_space<vmem>>
        %scatter3A_623 = tpu.memref_squeeze %scatter3A_622 : memref<1x64x128xf32, #tpu.memory_space<vmem>> -> memref<64x128xf32, #tpu.memory_space<vmem>>
        tpu.vector_store_idx %scatter3A_623[%and3A_501, %add3A_616], %mul3A_619 : memref<64x128xf32, #tpu.memory_space<vmem>>[vector<16xi32>, vector<16xi32>], vector<16xf32>,
        %add3A_624 = arith.constant 80 : i32
        %add3A_625 = vector.broadcast %add3A_624 : i32 to vector<16xi32>
        %add3A_626 = arith.addi %iota3A, %add3A_625 : vector<16xi32>
        %mul3A_627 = arith.constant 8.000000e+00 : f32
        %mul3A_628 = vector.broadcast %mul3A_627 : f32 to vector<16xf32>
        %mul3A_629 = arith.mulf %gather3A_555, %mul3A_628 : vector<16xf32>
        %scatter3A_630 = arith.constant 0 : i32
        %scatter3A_631 = arith.constant 0 : i32
        %scatter3A_632 = tpu.memref_slice %arg8[%rem3A_71, %scatter3A_630, %scatter3A_631] : memref<2x64x128xf32, #tpu.memory_space<vmem>> -> memref<1x64x128xf32, #tpu.memory_space<vmem>>
        %scatter3A_633 = tpu.memref_squeeze %scatter3A_632 : memref<1x64x128xf32, #tpu.memory_space<vmem>> -> memref<64x128xf32, #tpu.memory_space<vmem>>
        tpu.vector_store_idx %scatter3A_633[%and3A_501, %add3A_626], %mul3A_629 : memref<64x128xf32, #tpu.memory_space<vmem>>[vector<16xi32>, vector<16xi32>], vector<16xf32>,
        %add3A_634 = arith.constant 96 : i32
        %add3A_635 = vector.broadcast %add3A_634 : i32 to vector<16xi32>
        %add3A_636 = arith.addi %iota3A, %add3A_635 : vector<16xi32>
        %mul3A_637 = arith.constant 8.000000e+00 : f32
        %mul3A_638 = vector.broadcast %mul3A_637 : f32 to vector<16xf32>
        %mul3A_639 = arith.mulf %gather3A_564, %mul3A_638 : vector<16xf32>
        %scatter3A_640 = arith.constant 0 : i32
        %scatter3A_641 = arith.constant 0 : i32
        %scatter3A_642 = tpu.memref_slice %arg8[%rem3A_71, %scatter3A_640, %scatter3A_641] : memref<2x64x128xf32, #tpu.memory_space<vmem>> -> memref<1x64x128xf32, #tpu.memory_space<vmem>>
        %scatter3A_643 = tpu.memref_squeeze %scatter3A_642 : memref<1x64x128xf32, #tpu.memory_space<vmem>> -> memref<64x128xf32, #tpu.memory_space<vmem>>
        tpu.vector_store_idx %scatter3A_643[%and3A_501, %add3A_636], %mul3A_639 : memref<64x128xf32, #tpu.memory_space<vmem>>[vector<16xi32>, vector<16xi32>], vector<16xf32>,
        %add3A_644 = arith.constant 112 : i32
        %add3A_645 = vector.broadcast %add3A_644 : i32 to vector<16xi32>
        %add3A_646 = arith.addi %iota3A, %add3A_645 : vector<16xi32>
        %mul3A_647 = arith.constant 8.000000e+00 : f32
        %mul3A_648 = vector.broadcast %mul3A_647 : f32 to vector<16xf32>
        %mul3A_649 = arith.mulf %gather3A_573, %mul3A_648 : vector<16xf32>
        %scatter3A_650 = arith.constant 0 : i32
        %scatter3A_651 = arith.constant 0 : i32
        %scatter3A_652 = tpu.memref_slice %arg8[%rem3A_71, %scatter3A_650, %scatter3A_651] : memref<2x64x128xf32, #tpu.memory_space<vmem>> -> memref<1x64x128xf32, #tpu.memory_space<vmem>>
        %scatter3A_653 = tpu.memref_squeeze %scatter3A_652 : memref<1x64x128xf32, #tpu.memory_space<vmem>> -> memref<64x128xf32, #tpu.memory_space<vmem>>
        tpu.vector_store_idx %scatter3A_653[%and3A_501, %add3A_646], %mul3A_649 : memref<64x128xf32, #tpu.memory_space<vmem>>[vector<16xi32>, vector<16xi32>], vector<16xf32>,
        %scan3A_654 = arith.constant 3 : i32
        %scan3A_655 = arith.addi %scan3A_180, %scan3A_654 : i32
        %add3A_656 = vector.broadcast %scan3A_655 : i32 to vector<16xi32>
        %add3A_657 = arith.addi %iota3A, %add3A_656 : vector<16xi32>
        %and3A_658 = arith.constant 63 : i32
        %and3A_659 = vector.broadcast %and3A_658 : i32 to vector<16xi32>
        %and3A_660 = arith.andi %add3A_657, %and3A_659 : vector<16xi32>
        %add3A_661 = arith.constant 0 : i32
        %add3A_662 = vector.broadcast %add3A_661 : i32 to vector<16xi32>
        %add3A_663 = arith.addi %iota3A, %add3A_662 : vector<16xi32>
        %add3A_664 = arith.addi %mul3A_96, %and3A_660 : vector<16xi32>
        %gather3A_665 = arith.constant 0 : i32
        %gather3A_666 = arith.constant 0 : i32
        %gather3A_667 = tpu.memref_slice %arg7[%rem3A_69, %gather3A_665, %gather3A_666] : memref<3x128x128xf32, #tpu.memory_space<vmem>> -> memref<1x128x128xf32, #tpu.memory_space<vmem>>
        %gather3A_668 = tpu.memref_squeeze %gather3A_667 : memref<1x128x128xf32, #tpu.memory_space<vmem>> -> memref<128x128xf32, #tpu.memory_space<vmem>>
        %gather3A_669 = tpu.vector_load_idx %gather3A_668[%add3A_663, %add3A_664] : memref<128x128xf32, #tpu.memory_space<vmem>>[vector<16xi32>, vector<16xi32>], vector<16xf32>,
        %add3A_670 = arith.constant 16 : i32
        %add3A_671 = vector.broadcast %add3A_670 : i32 to vector<16xi32>
        %add3A_672 = arith.addi %iota3A, %add3A_671 : vector<16xi32>
        %add3A_673 = arith.addi %mul3A_105, %and3A_660 : vector<16xi32>
        %gather3A_674 = arith.constant 0 : i32
        %gather3A_675 = arith.constant 0 : i32
        %gather3A_676 = tpu.memref_slice %arg7[%rem3A_69, %gather3A_674, %gather3A_675] : memref<3x128x128xf32, #tpu.memory_space<vmem>> -> memref<1x128x128xf32, #tpu.memory_space<vmem>>
        %gather3A_677 = tpu.memref_squeeze %gather3A_676 : memref<1x128x128xf32, #tpu.memory_space<vmem>> -> memref<128x128xf32, #tpu.memory_space<vmem>>
        %gather3A_678 = tpu.vector_load_idx %gather3A_677[%add3A_672, %add3A_673] : memref<128x128xf32, #tpu.memory_space<vmem>>[vector<16xi32>, vector<16xi32>], vector<16xf32>,
        %add3A_679 = arith.constant 32 : i32
        %add3A_680 = vector.broadcast %add3A_679 : i32 to vector<16xi32>
        %add3A_681 = arith.addi %iota3A, %add3A_680 : vector<16xi32>
        %add3A_682 = arith.addi %mul3A_114, %and3A_660 : vector<16xi32>
        %gather3A_683 = arith.constant 0 : i32
        %gather3A_684 = arith.constant 0 : i32
        %gather3A_685 = tpu.memref_slice %arg7[%rem3A_69, %gather3A_683, %gather3A_684] : memref<3x128x128xf32, #tpu.memory_space<vmem>> -> memref<1x128x128xf32, #tpu.memory_space<vmem>>
        %gather3A_686 = tpu.memref_squeeze %gather3A_685 : memref<1x128x128xf32, #tpu.memory_space<vmem>> -> memref<128x128xf32, #tpu.memory_space<vmem>>
        %gather3A_687 = tpu.vector_load_idx %gather3A_686[%add3A_681, %add3A_682] : memref<128x128xf32, #tpu.memory_space<vmem>>[vector<16xi32>, vector<16xi32>], vector<16xf32>,
        %add3A_688 = arith.constant 48 : i32
        %add3A_689 = vector.broadcast %add3A_688 : i32 to vector<16xi32>
        %add3A_690 = arith.addi %iota3A, %add3A_689 : vector<16xi32>
        %add3A_691 = arith.addi %mul3A_123, %and3A_660 : vector<16xi32>
        %gather3A_692 = arith.constant 0 : i32
        %gather3A_693 = arith.constant 0 : i32
        %gather3A_694 = tpu.memref_slice %arg7[%rem3A_69, %gather3A_692, %gather3A_693] : memref<3x128x128xf32, #tpu.memory_space<vmem>> -> memref<1x128x128xf32, #tpu.memory_space<vmem>>
        %gather3A_695 = tpu.memref_squeeze %gather3A_694 : memref<1x128x128xf32, #tpu.memory_space<vmem>> -> memref<128x128xf32, #tpu.memory_space<vmem>>
        %gather3A_696 = tpu.vector_load_idx %gather3A_695[%add3A_690, %add3A_691] : memref<128x128xf32, #tpu.memory_space<vmem>>[vector<16xi32>, vector<16xi32>], vector<16xf32>,
        %add3A_697 = arith.constant 64 : i32
        %add3A_698 = vector.broadcast %add3A_697 : i32 to vector<16xi32>
        %add3A_699 = arith.addi %iota3A, %add3A_698 : vector<16xi32>
        %add3A_700 = arith.addi %mul3A_132, %and3A_660 : vector<16xi32>
        %gather3A_701 = arith.constant 0 : i32
        %gather3A_702 = arith.constant 0 : i32
        %gather3A_703 = tpu.memref_slice %arg7[%rem3A_69, %gather3A_701, %gather3A_702] : memref<3x128x128xf32, #tpu.memory_space<vmem>> -> memref<1x128x128xf32, #tpu.memory_space<vmem>>
        %gather3A_704 = tpu.memref_squeeze %gather3A_703 : memref<1x128x128xf32, #tpu.memory_space<vmem>> -> memref<128x128xf32, #tpu.memory_space<vmem>>
        %gather3A_705 = tpu.vector_load_idx %gather3A_704[%add3A_699, %add3A_700] : memref<128x128xf32, #tpu.memory_space<vmem>>[vector<16xi32>, vector<16xi32>], vector<16xf32>,
        %add3A_706 = arith.constant 80 : i32
        %add3A_707 = vector.broadcast %add3A_706 : i32 to vector<16xi32>
        %add3A_708 = arith.addi %iota3A, %add3A_707 : vector<16xi32>
        %add3A_709 = arith.addi %mul3A_141, %and3A_660 : vector<16xi32>
        %gather3A_710 = arith.constant 0 : i32
        %gather3A_711 = arith.constant 0 : i32
        %gather3A_712 = tpu.memref_slice %arg7[%rem3A_69, %gather3A_710, %gather3A_711] : memref<3x128x128xf32, #tpu.memory_space<vmem>> -> memref<1x128x128xf32, #tpu.memory_space<vmem>>
        %gather3A_713 = tpu.memref_squeeze %gather3A_712 : memref<1x128x128xf32, #tpu.memory_space<vmem>> -> memref<128x128xf32, #tpu.memory_space<vmem>>
        %gather3A_714 = tpu.vector_load_idx %gather3A_713[%add3A_708, %add3A_709] : memref<128x128xf32, #tpu.memory_space<vmem>>[vector<16xi32>, vector<16xi32>], vector<16xf32>,
        %add3A_715 = arith.constant 96 : i32
        %add3A_716 = vector.broadcast %add3A_715 : i32 to vector<16xi32>
        %add3A_717 = arith.addi %iota3A, %add3A_716 : vector<16xi32>
        %add3A_718 = arith.addi %mul3A_150, %and3A_660 : vector<16xi32>
        %gather3A_719 = arith.constant 0 : i32
        %gather3A_720 = arith.constant 0 : i32
        %gather3A_721 = tpu.memref_slice %arg7[%rem3A_69, %gather3A_719, %gather3A_720] : memref<3x128x128xf32, #tpu.memory_space<vmem>> -> memref<1x128x128xf32, #tpu.memory_space<vmem>>
        %gather3A_722 = tpu.memref_squeeze %gather3A_721 : memref<1x128x128xf32, #tpu.memory_space<vmem>> -> memref<128x128xf32, #tpu.memory_space<vmem>>
        %gather3A_723 = tpu.vector_load_idx %gather3A_722[%add3A_717, %add3A_718] : memref<128x128xf32, #tpu.memory_space<vmem>>[vector<16xi32>, vector<16xi32>], vector<16xf32>,
        %add3A_724 = arith.constant 112 : i32
        %add3A_725 = vector.broadcast %add3A_724 : i32 to vector<16xi32>
        %add3A_726 = arith.addi %iota3A, %add3A_725 : vector<16xi32>
        %add3A_727 = arith.addi %mul3A_159, %and3A_660 : vector<16xi32>
        %gather3A_728 = arith.constant 0 : i32
        %gather3A_729 = arith.constant 0 : i32
        %gather3A_730 = tpu.memref_slice %arg7[%rem3A_69, %gather3A_728, %gather3A_729] : memref<3x128x128xf32, #tpu.memory_space<vmem>> -> memref<1x128x128xf32, #tpu.memory_space<vmem>>
        %gather3A_731 = tpu.memref_squeeze %gather3A_730 : memref<1x128x128xf32, #tpu.memory_space<vmem>> -> memref<128x128xf32, #tpu.memory_space<vmem>>
        %gather3A_732 = tpu.vector_load_idx %gather3A_731[%add3A_726, %add3A_727] : memref<128x128xf32, #tpu.memory_space<vmem>>[vector<16xi32>, vector<16xi32>], vector<16xf32>,
        %add3A_733 = arith.constant 0 : i32
        %add3A_734 = vector.broadcast %add3A_733 : i32 to vector<16xi32>
        %add3A_735 = arith.addi %iota3A, %add3A_734 : vector<16xi32>
        %mul3A_736 = arith.constant 8.000000e+00 : f32
        %mul3A_737 = vector.broadcast %mul3A_736 : f32 to vector<16xf32>
        %mul3A_738 = arith.mulf %gather3A_669, %mul3A_737 : vector<16xf32>
        %scatter3A_739 = arith.constant 0 : i32
        %scatter3A_740 = arith.constant 0 : i32
        %scatter3A_741 = tpu.memref_slice %arg8[%rem3A_71, %scatter3A_739, %scatter3A_740] : memref<2x64x128xf32, #tpu.memory_space<vmem>> -> memref<1x64x128xf32, #tpu.memory_space<vmem>>
        %scatter3A_742 = tpu.memref_squeeze %scatter3A_741 : memref<1x64x128xf32, #tpu.memory_space<vmem>> -> memref<64x128xf32, #tpu.memory_space<vmem>>
        tpu.vector_store_idx %scatter3A_742[%and3A_660, %add3A_735], %mul3A_738 : memref<64x128xf32, #tpu.memory_space<vmem>>[vector<16xi32>, vector<16xi32>], vector<16xf32>,
        %add3A_743 = arith.constant 16 : i32
        %add3A_744 = vector.broadcast %add3A_743 : i32 to vector<16xi32>
        %add3A_745 = arith.addi %iota3A, %add3A_744 : vector<16xi32>
        %mul3A_746 = arith.constant 8.000000e+00 : f32
        %mul3A_747 = vector.broadcast %mul3A_746 : f32 to vector<16xf32>
        %mul3A_748 = arith.mulf %gather3A_678, %mul3A_747 : vector<16xf32>
        %scatter3A_749 = arith.constant 0 : i32
        %scatter3A_750 = arith.constant 0 : i32
        %scatter3A_751 = tpu.memref_slice %arg8[%rem3A_71, %scatter3A_749, %scatter3A_750] : memref<2x64x128xf32, #tpu.memory_space<vmem>> -> memref<1x64x128xf32, #tpu.memory_space<vmem>>
        %scatter3A_752 = tpu.memref_squeeze %scatter3A_751 : memref<1x64x128xf32, #tpu.memory_space<vmem>> -> memref<64x128xf32, #tpu.memory_space<vmem>>
        tpu.vector_store_idx %scatter3A_752[%and3A_660, %add3A_745], %mul3A_748 : memref<64x128xf32, #tpu.memory_space<vmem>>[vector<16xi32>, vector<16xi32>], vector<16xf32>,
        %add3A_753 = arith.constant 32 : i32
        %add3A_754 = vector.broadcast %add3A_753 : i32 to vector<16xi32>
        %add3A_755 = arith.addi %iota3A, %add3A_754 : vector<16xi32>
        %mul3A_756 = arith.constant 8.000000e+00 : f32
        %mul3A_757 = vector.broadcast %mul3A_756 : f32 to vector<16xf32>
        %mul3A_758 = arith.mulf %gather3A_687, %mul3A_757 : vector<16xf32>
        %scatter3A_759 = arith.constant 0 : i32
        %scatter3A_760 = arith.constant 0 : i32
        %scatter3A_761 = tpu.memref_slice %arg8[%rem3A_71, %scatter3A_759, %scatter3A_760] : memref<2x64x128xf32, #tpu.memory_space<vmem>> -> memref<1x64x128xf32, #tpu.memory_space<vmem>>
        %scatter3A_762 = tpu.memref_squeeze %scatter3A_761 : memref<1x64x128xf32, #tpu.memory_space<vmem>> -> memref<64x128xf32, #tpu.memory_space<vmem>>
        tpu.vector_store_idx %scatter3A_762[%and3A_660, %add3A_755], %mul3A_758 : memref<64x128xf32, #tpu.memory_space<vmem>>[vector<16xi32>, vector<16xi32>], vector<16xf32>,
        %add3A_763 = arith.constant 48 : i32
        %add3A_764 = vector.broadcast %add3A_763 : i32 to vector<16xi32>
        %add3A_765 = arith.addi %iota3A, %add3A_764 : vector<16xi32>
        %mul3A_766 = arith.constant 8.000000e+00 : f32
        %mul3A_767 = vector.broadcast %mul3A_766 : f32 to vector<16xf32>
        %mul3A_768 = arith.mulf %gather3A_696, %mul3A_767 : vector<16xf32>
        %scatter3A_769 = arith.constant 0 : i32
        %scatter3A_770 = arith.constant 0 : i32
        %scatter3A_771 = tpu.memref_slice %arg8[%rem3A_71, %scatter3A_769, %scatter3A_770] : memref<2x64x128xf32, #tpu.memory_space<vmem>> -> memref<1x64x128xf32, #tpu.memory_space<vmem>>
        %scatter3A_772 = tpu.memref_squeeze %scatter3A_771 : memref<1x64x128xf32, #tpu.memory_space<vmem>> -> memref<64x128xf32, #tpu.memory_space<vmem>>
        tpu.vector_store_idx %scatter3A_772[%and3A_660, %add3A_765], %mul3A_768 : memref<64x128xf32, #tpu.memory_space<vmem>>[vector<16xi32>, vector<16xi32>], vector<16xf32>,
        %add3A_773 = arith.constant 64 : i32
        %add3A_774 = vector.broadcast %add3A_773 : i32 to vector<16xi32>
        %add3A_775 = arith.addi %iota3A, %add3A_774 : vector<16xi32>
        %mul3A_776 = arith.constant 8.000000e+00 : f32
        %mul3A_777 = vector.broadcast %mul3A_776 : f32 to vector<16xf32>
        %mul3A_778 = arith.mulf %gather3A_705, %mul3A_777 : vector<16xf32>
        %scatter3A_779 = arith.constant 0 : i32
        %scatter3A_780 = arith.constant 0 : i32
        %scatter3A_781 = tpu.memref_slice %arg8[%rem3A_71, %scatter3A_779, %scatter3A_780] : memref<2x64x128xf32, #tpu.memory_space<vmem>> -> memref<1x64x128xf32, #tpu.memory_space<vmem>>
        %scatter3A_782 = tpu.memref_squeeze %scatter3A_781 : memref<1x64x128xf32, #tpu.memory_space<vmem>> -> memref<64x128xf32, #tpu.memory_space<vmem>>
        tpu.vector_store_idx %scatter3A_782[%and3A_660, %add3A_775], %mul3A_778 : memref<64x128xf32, #tpu.memory_space<vmem>>[vector<16xi32>, vector<16xi32>], vector<16xf32>,
        %add3A_783 = arith.constant 80 : i32
        %add3A_784 = vector.broadcast %add3A_783 : i32 to vector<16xi32>
        %add3A_785 = arith.addi %iota3A, %add3A_784 : vector<16xi32>
        %mul3A_786 = arith.constant 8.000000e+00 : f32
        %mul3A_787 = vector.broadcast %mul3A_786 : f32 to vector<16xf32>
        %mul3A_788 = arith.mulf %gather3A_714, %mul3A_787 : vector<16xf32>
        %scatter3A_789 = arith.constant 0 : i32
        %scatter3A_790 = arith.constant 0 : i32
        %scatter3A_791 = tpu.memref_slice %arg8[%rem3A_71, %scatter3A_789, %scatter3A_790] : memref<2x64x128xf32, #tpu.memory_space<vmem>> -> memref<1x64x128xf32, #tpu.memory_space<vmem>>
        %scatter3A_792 = tpu.memref_squeeze %scatter3A_791 : memref<1x64x128xf32, #tpu.memory_space<vmem>> -> memref<64x128xf32, #tpu.memory_space<vmem>>
        tpu.vector_store_idx %scatter3A_792[%and3A_660, %add3A_785], %mul3A_788 : memref<64x128xf32, #tpu.memory_space<vmem>>[vector<16xi32>, vector<16xi32>], vector<16xf32>,
        %add3A_793 = arith.constant 96 : i32
        %add3A_794 = vector.broadcast %add3A_793 : i32 to vector<16xi32>
        %add3A_795 = arith.addi %iota3A, %add3A_794 : vector<16xi32>
        %mul3A_796 = arith.constant 8.000000e+00 : f32
        %mul3A_797 = vector.broadcast %mul3A_796 : f32 to vector<16xf32>
        %mul3A_798 = arith.mulf %gather3A_723, %mul3A_797 : vector<16xf32>
        %scatter3A_799 = arith.constant 0 : i32
        %scatter3A_800 = arith.constant 0 : i32
        %scatter3A_801 = tpu.memref_slice %arg8[%rem3A_71, %scatter3A_799, %scatter3A_800] : memref<2x64x128xf32, #tpu.memory_space<vmem>> -> memref<1x64x128xf32, #tpu.memory_space<vmem>>
        %scatter3A_802 = tpu.memref_squeeze %scatter3A_801 : memref<1x64x128xf32, #tpu.memory_space<vmem>> -> memref<64x128xf32, #tpu.memory_space<vmem>>
        tpu.vector_store_idx %scatter3A_802[%and3A_660, %add3A_795], %mul3A_798 : memref<64x128xf32, #tpu.memory_space<vmem>>[vector<16xi32>, vector<16xi32>], vector<16xf32>,
        %add3A_803 = arith.constant 112 : i32
        %add3A_804 = vector.broadcast %add3A_803 : i32 to vector<16xi32>
        %add3A_805 = arith.addi %iota3A, %add3A_804 : vector<16xi32>
        %mul3A_806 = arith.constant 8.000000e+00 : f32
        %mul3A_807 = vector.broadcast %mul3A_806 : f32 to vector<16xf32>
        %mul3A_808 = arith.mulf %gather3A_732, %mul3A_807 : vector<16xf32>
        %scatter3A_809 = arith.constant 0 : i32
        %scatter3A_810 = arith.constant 0 : i32
        %scatter3A_811 = tpu.memref_slice %arg8[%rem3A_71, %scatter3A_809, %scatter3A_810] : memref<2x64x128xf32, #tpu.memory_space<vmem>> -> memref<1x64x128xf32, #tpu.memory_space<vmem>>
        %scatter3A_812 = tpu.memref_squeeze %scatter3A_811 : memref<1x64x128xf32, #tpu.memory_space<vmem>> -> memref<64x128xf32, #tpu.memory_space<vmem>>
        tpu.vector_store_idx %scatter3A_812[%and3A_660, %add3A_805], %mul3A_808 : memref<64x128xf32, #tpu.memory_space<vmem>>[vector<16xi32>, vector<16xi32>], vector<16xf32>,
      }
      %scan3A_165 = arith.constant 64 : i32
      %dma_start3A_166 = arith.constant 0 : i32
      %dma_start3A_167 = arith.constant 0 : i32
      %dma_start3A_168 = tpu.memref_slice %arg8[%rem3A_71, %dma_start3A_166, %dma_start3A_167] : memref<2x64x128xf32, #tpu.memory_space<vmem>> -> memref<1x64x128xf32, #tpu.memory_space<vmem>>
      %dma_start3A_169 = tpu.memref_squeeze %dma_start3A_168 : memref<1x64x128xf32, #tpu.memory_space<vmem>> -> memref<64x128xf32, #tpu.memory_space<vmem>>
      %dma_start3A_170 = arith.constant 0 : i32
      %dma_start3A_171 = tpu.memref_slice %arg4[%scan3A_68, %dma_start3A_170, %mul3A_2] : memref<200x64x4096xf32, #tpu.memory_space<hbm>> -> memref<1x64x128xf32, #tpu.memory_space<hbm>>
      %dma_start3A_172 = tpu.memref_squeeze %dma_start3A_171 : memref<1x64x128xf32, #tpu.memory_space<hbm>> -> memref<64x128xf32, #tpu.memory_space<hbm>>
      %dma_start3A_173 = arith.constant 0 : i32
      %dma_start3A_174 = tpu.memref_slice %arg4[%scan3A_68, %dma_start3A_173, %mul3A_2] : memref<200x64x4096xf32, #tpu.memory_space<hbm>> -> memref<1x64x128xf32, #tpu.memory_space<hbm>>
      %dma_start3A_175 = tpu.memref_squeeze %dma_start3A_174 : memref<1x64x128xf32, #tpu.memory_space<hbm>> -> memref<64x128xf32, #tpu.memory_space<hbm>>
      %dma_start3A_176 = arith.constant 0 : i32
      %dma_start3A_177 = arith.constant 0 : i32
      %dma_start3A_178 = tpu.memref_slice %arg8[%rem3A_71, %dma_start3A_176, %dma_start3A_177] : memref<2x64x128xf32, #tpu.memory_space<vmem>> -> memref<1x64x128xf32, #tpu.memory_space<vmem>>
      %dma_start3A_179 = tpu.memref_squeeze %dma_start3A_178 : memref<1x64x128xf32, #tpu.memory_space<vmem>> -> memref<64x128xf32, #tpu.memory_space<vmem>>
      tpu.enqueue_dma source(%dma_start3A_179 : memref<64x128xf32, #tpu.memory_space<vmem>>) target(%dma_start3A_175 : memref<64x128xf32, #tpu.memory_space<hbm>>) target_semaphore(%arg10 : memref<!tpu.dma_semaphore, #tpu.memory_space<semaphore_mem>>)
    }
    %scan3A_36 = arith.constant 200 : i32
    %dma_wait3A = arith.constant 0 : i32
    %dma_wait3A_37 = arith.constant 198 : i32
    %dma_wait3A_38 = arith.constant 0 : i32
    %dma_wait3A_39 = arith.constant 0 : i32
    %dma_wait3A_40 = tpu.memref_slice %arg8[%dma_wait3A, %dma_wait3A_38, %dma_wait3A_39] : memref<2x64x128xf32, #tpu.memory_space<vmem>> -> memref<1x64x128xf32, #tpu.memory_space<vmem>>
    %dma_wait3A_41 = tpu.memref_squeeze %dma_wait3A_40 : memref<1x64x128xf32, #tpu.memory_space<vmem>> -> memref<64x128xf32, #tpu.memory_space<vmem>>
    %dma_wait3A_42 = arith.constant 0 : i32
    %dma_wait3A_43 = tpu.memref_slice %arg4[%dma_wait3A_37, %dma_wait3A_42, %mul3A_2] : memref<200x64x4096xf32, #tpu.memory_space<hbm>> -> memref<1x64x128xf32, #tpu.memory_space<hbm>>
    %dma_wait3A_44 = tpu.memref_squeeze %dma_wait3A_43 : memref<1x64x128xf32, #tpu.memory_space<hbm>> -> memref<64x128xf32, #tpu.memory_space<hbm>>
    %dma_wait3A_45 = arith.constant 0 : i32
    %dma_wait3A_46 = tpu.memref_slice %arg4[%dma_wait3A_37, %dma_wait3A_45, %mul3A_2] : memref<200x64x4096xf32, #tpu.memory_space<hbm>> -> memref<1x64x128xf32, #tpu.memory_space<hbm>>
    %dma_wait3A_47 = tpu.memref_squeeze %dma_wait3A_46 : memref<1x64x128xf32, #tpu.memory_space<hbm>> -> memref<64x128xf32, #tpu.memory_space<hbm>>
    %dma_wait3A_48 = arith.constant 0 : i32
    %dma_wait3A_49 = arith.constant 0 : i32
    %dma_wait3A_50 = tpu.memref_slice %arg8[%dma_wait3A, %dma_wait3A_48, %dma_wait3A_49] : memref<2x64x128xf32, #tpu.memory_space<vmem>> -> memref<1x64x128xf32, #tpu.memory_space<vmem>>
    %dma_wait3A_51 = tpu.memref_squeeze %dma_wait3A_50 : memref<1x64x128xf32, #tpu.memory_space<vmem>> -> memref<64x128xf32, #tpu.memory_space<vmem>>
    tpu.wait_dma2 semaphore(%arg10 : memref<!tpu.dma_semaphore, #tpu.memory_space<semaphore_mem>>) src(%dma_wait3A_51 : memref<64x128xf32, #tpu.memory_space<vmem>>) dst(%dma_wait3A_47 : memref<64x128xf32, #tpu.memory_space<hbm>>)
    %dma_wait3A_52 = arith.constant 1 : i32
    %dma_wait3A_53 = arith.constant 199 : i32
    %dma_wait3A_54 = arith.constant 0 : i32
    %dma_wait3A_55 = arith.constant 0 : i32
    %dma_wait3A_56 = tpu.memref_slice %arg8[%dma_wait3A_52, %dma_wait3A_54, %dma_wait3A_55] : memref<2x64x128xf32, #tpu.memory_space<vmem>> -> memref<1x64x128xf32, #tpu.memory_space<vmem>>
    %dma_wait3A_57 = tpu.memref_squeeze %dma_wait3A_56 : memref<1x64x128xf32, #tpu.memory_space<vmem>> -> memref<64x128xf32, #tpu.memory_space<vmem>>
    %dma_wait3A_58 = arith.constant 0 : i32
    %dma_wait3A_59 = tpu.memref_slice %arg4[%dma_wait3A_53, %dma_wait3A_58, %mul3A_2] : memref<200x64x4096xf32, #tpu.memory_space<hbm>> -> memref<1x64x128xf32, #tpu.memory_space<hbm>>
    %dma_wait3A_60 = tpu.memref_squeeze %dma_wait3A_59 : memref<1x64x128xf32, #tpu.memory_space<hbm>> -> memref<64x128xf32, #tpu.memory_space<hbm>>
    %dma_wait3A_61 = arith.constant 0 : i32
    %dma_wait3A_62 = tpu.memref_slice %arg4[%dma_wait3A_53, %dma_wait3A_61, %mul3A_2] : memref<200x64x4096xf32, #tpu.memory_space<hbm>> -> memref<1x64x128xf32, #tpu.memory_space<hbm>>
    %dma_wait3A_63 = tpu.memref_squeeze %dma_wait3A_62 : memref<1x64x128xf32, #tpu.memory_space<hbm>> -> memref<64x128xf32, #tpu.memory_space<hbm>>
    %dma_wait3A_64 = arith.constant 0 : i32
    %dma_wait3A_65 = arith.constant 0 : i32
    %dma_wait3A_66 = tpu.memref_slice %arg8[%dma_wait3A_52, %dma_wait3A_64, %dma_wait3A_65] : memref<2x64x128xf32, #tpu.memory_space<vmem>> -> memref<1x64x128xf32, #tpu.memory_space<vmem>>
    %dma_wait3A_67 = tpu.memref_squeeze %dma_wait3A_66 : memref<1x64x128xf32, #tpu.memory_space<vmem>> -> memref<64x128xf32, #tpu.memory_space<vmem>>
    tpu.wait_dma2 semaphore(%arg10 : memref<!tpu.dma_semaphore, #tpu.memory_space<semaphore_mem>>) src(%dma_wait3A_67 : memref<64x128xf32, #tpu.memory_space<vmem>>) dst(%dma_wait3A_63 : memref<64x128xf32, #tpu.memory_space<hbm>>)
    return
  }
}

#map = affine_map<(d0, d1) -> (0, 0)>
module attributes {stable_mosaic.version = 14 : i64} {
  func.func @k(%arg0: i32, %arg1: i32, %arg2: memref<64x1000000xf32, #tpu.memory_space<hbm>>, %arg3: memref<500000x128xf32, #tpu.memory_space<hbm>>, %arg4: memref<3x64x128xf32, #tpu.memory_space<vmem>>, %arg5: memref<2x64x128xf32, #tpu.memory_space<vmem>>, %arg6: memref<!tpu.dma_semaphore, #tpu.memory_space<semaphore_mem>>, %arg7: memref<!tpu.dma_semaphore, #tpu.memory_space<semaphore_mem>>) attributes {dimension_semantics = [#tpu.dimension_semantics<core_parallel>, #tpu.dimension_semantics<subcore_parallel>], iteration_bounds = array<i64: 2, 16>, scalar_prefetch = 0 : i64, scratch_operands = 4 : i64, tpu.core_type = #tpu.core_type<sc_vector_subcore>, window_params = [{transform_indices = #map}, {transform_indices = #map}]} {
    %mul3A = arith.constant 2 : i32
    %mul3A_0 = arith.muli %arg1, %mul3A : i32
    %add3A = arith.addi %mul3A_0, %arg0 : i32
    %lt3A = arith.constant 4 : i32
    %lt3A_1 = arith.cmpi slt, %add3A, %lt3A : i32
    %jit3A = arith.constant 1 : i32
    %jit3A_2 = arith.constant 0 : i32
    %select_n3A = arith.select %lt3A_1, %jit3A, %jit3A_2 : i32
    %add3A_3 = arith.constant 244 : i32
    %add3A_4 = arith.addi %add3A_3, %select_n3A : i32
    %iota3A = tpu.iota {dimensions = array<i32: 0>} : vector<16xi32>
    %add3A_5 = arith.constant 0 : i32
    %add3A_6 = arith.addi %add3A, %add3A_5 : i32
    %mul3A_7 = arith.constant 128 : i32
    %mul3A_8 = arith.muli %add3A_6, %mul3A_7 : i32
    %dma_start3A = arith.constant 0 : i32
    %dma_start3A_9 = arith.constant 0 : i32
    %dma_start3A_10 = arith.constant 0 : i32
    %dma_start3A_11 = tpu.memref_slice %arg4[%dma_start3A, %dma_start3A_9, %dma_start3A_10] : memref<3x64x128xf32, #tpu.memory_space<vmem>> -> memref<1x64x128xf32, #tpu.memory_space<vmem>>
    %dma_start3A_12 = tpu.memref_squeeze %dma_start3A_11 : memref<1x64x128xf32, #tpu.memory_space<vmem>> -> memref<64x128xf32, #tpu.memory_space<vmem>>
    %dma_start3A_13 = arith.constant 0 : i32
    %dma_start3A_14 = tpu.memref_slice %arg2[%dma_start3A_13, %mul3A_8] : memref<64x1000000xf32, #tpu.memory_space<hbm>> -> memref<64x128xf32, #tpu.memory_space<hbm>>
    %dma_start3A_15 = arith.constant 0 : i32
    %dma_start3A_16 = arith.constant 0 : i32
    %dma_start3A_17 = tpu.memref_slice %arg4[%dma_start3A, %dma_start3A_15, %dma_start3A_16] : memref<3x64x128xf32, #tpu.memory_space<vmem>> -> memref<1x64x128xf32, #tpu.memory_space<vmem>>
    %dma_start3A_18 = tpu.memref_squeeze %dma_start3A_17 : memref<1x64x128xf32, #tpu.memory_space<vmem>> -> memref<64x128xf32, #tpu.memory_space<vmem>>
    %dma_start3A_19 = arith.constant 0 : i32
    %dma_start3A_20 = tpu.memref_slice %arg2[%dma_start3A_19, %mul3A_8] : memref<64x1000000xf32, #tpu.memory_space<hbm>> -> memref<64x128xf32, #tpu.memory_space<hbm>>
    tpu.enqueue_dma source(%dma_start3A_20 : memref<64x128xf32, #tpu.memory_space<hbm>>) target(%dma_start3A_18 : memref<64x128xf32, #tpu.memory_space<vmem>>) target_semaphore(%arg6 : memref<!tpu.dma_semaphore, #tpu.memory_space<semaphore_mem>>)
    %add3A_21 = arith.constant 32 : i32
    %add3A_22 = arith.addi %add3A, %add3A_21 : i32
    %mul3A_23 = arith.constant 128 : i32
    %mul3A_24 = arith.muli %add3A_22, %mul3A_23 : i32
    %dma_start3A_25 = arith.constant 1 : i32
    %dma_start3A_26 = arith.constant 0 : i32
    %dma_start3A_27 = arith.constant 0 : i32
    %dma_start3A_28 = tpu.memref_slice %arg4[%dma_start3A_25, %dma_start3A_26, %dma_start3A_27] : memref<3x64x128xf32, #tpu.memory_space<vmem>> -> memref<1x64x128xf32, #tpu.memory_space<vmem>>
    %dma_start3A_29 = tpu.memref_squeeze %dma_start3A_28 : memref<1x64x128xf32, #tpu.memory_space<vmem>> -> memref<64x128xf32, #tpu.memory_space<vmem>>
    %dma_start3A_30 = arith.constant 0 : i32
    %dma_start3A_31 = tpu.memref_slice %arg2[%dma_start3A_30, %mul3A_24] : memref<64x1000000xf32, #tpu.memory_space<hbm>> -> memref<64x128xf32, #tpu.memory_space<hbm>>
    %dma_start3A_32 = arith.constant 0 : i32
    %dma_start3A_33 = arith.constant 0 : i32
    %dma_start3A_34 = tpu.memref_slice %arg4[%dma_start3A_25, %dma_start3A_32, %dma_start3A_33] : memref<3x64x128xf32, #tpu.memory_space<vmem>> -> memref<1x64x128xf32, #tpu.memory_space<vmem>>
    %dma_start3A_35 = tpu.memref_squeeze %dma_start3A_34 : memref<1x64x128xf32, #tpu.memory_space<vmem>> -> memref<64x128xf32, #tpu.memory_space<vmem>>
    %dma_start3A_36 = arith.constant 0 : i32
    %dma_start3A_37 = tpu.memref_slice %arg2[%dma_start3A_36, %mul3A_24] : memref<64x1000000xf32, #tpu.memory_space<hbm>> -> memref<64x128xf32, #tpu.memory_space<hbm>>
    tpu.enqueue_dma source(%dma_start3A_37 : memref<64x128xf32, #tpu.memory_space<hbm>>) target(%dma_start3A_35 : memref<64x128xf32, #tpu.memory_space<vmem>>) target_semaphore(%arg6 : memref<!tpu.dma_semaphore, #tpu.memory_space<semaphore_mem>>)
    %while3A = arith.constant 0 : i32
    %while3A_38 = arith.constant 0 : i32
    %while3A_39 = arith.subi %add3A_4, %while3A_38 : i32
    %while3A_40 = arith.addi %while3A_38, %while3A_39 : i32
    %while3A_41 = arith.constant 1 : i32
    %while3A_42 = arith.divsi %while3A_39, %while3A_41 : i32
    %while3A_43 = arith.muli %while3A_42, %while3A_41 : i32
    %while3A_44 = arith.addi %while3A_38, %while3A_43 : i32
    %while3A_45 = arith.constant 1 : i32
    scf.for %while3A_56 = %while3A_38 to %while3A_44 step %while3A_45  : i32 {
      %rem3A = arith.constant 3 : i32
      %rem3A_57 = arith.remsi %while3A_56, %rem3A : i32
      %mul3A_58 = arith.constant 32 : i32
      %mul3A_59 = arith.muli %mul3A_58, %while3A_56 : i32
      %add3A_60 = arith.addi %add3A, %mul3A_59 : i32
      %mul3A_61 = arith.constant 128 : i32
      %mul3A_62 = arith.muli %add3A_60, %mul3A_61 : i32
      %dma_wait3A = arith.constant 0 : i32
      %dma_wait3A_63 = arith.constant 0 : i32
      %dma_wait3A_64 = tpu.memref_slice %arg4[%rem3A_57, %dma_wait3A, %dma_wait3A_63] : memref<3x64x128xf32, #tpu.memory_space<vmem>> -> memref<1x64x128xf32, #tpu.memory_space<vmem>>
      %dma_wait3A_65 = tpu.memref_squeeze %dma_wait3A_64 : memref<1x64x128xf32, #tpu.memory_space<vmem>> -> memref<64x128xf32, #tpu.memory_space<vmem>>
      %dma_wait3A_66 = arith.constant 0 : i32
      %dma_wait3A_67 = tpu.memref_slice %arg2[%dma_wait3A_66, %mul3A_62] : memref<64x1000000xf32, #tpu.memory_space<hbm>> -> memref<64x128xf32, #tpu.memory_space<hbm>>
      %dma_wait3A_68 = arith.constant 0 : i32
      %dma_wait3A_69 = arith.constant 0 : i32
      %dma_wait3A_70 = tpu.memref_slice %arg4[%rem3A_57, %dma_wait3A_68, %dma_wait3A_69] : memref<3x64x128xf32, #tpu.memory_space<vmem>> -> memref<1x64x128xf32, #tpu.memory_space<vmem>>
      %dma_wait3A_71 = tpu.memref_squeeze %dma_wait3A_70 : memref<1x64x128xf32, #tpu.memory_space<vmem>> -> memref<64x128xf32, #tpu.memory_space<vmem>>
      %dma_wait3A_72 = arith.constant 0 : i32
      %dma_wait3A_73 = tpu.memref_slice %arg2[%dma_wait3A_72, %mul3A_62] : memref<64x1000000xf32, #tpu.memory_space<hbm>> -> memref<64x128xf32, #tpu.memory_space<hbm>>
      tpu.wait_dma2 semaphore(%arg6 : memref<!tpu.dma_semaphore, #tpu.memory_space<semaphore_mem>>) src(%dma_wait3A_73 : memref<64x128xf32, #tpu.memory_space<hbm>>) dst(%dma_wait3A_71 : memref<64x128xf32, #tpu.memory_space<vmem>>)
      %add3A_74 = arith.constant 2 : i32
      %add3A_75 = arith.addi %while3A_56, %add3A_74 : i32
      %lt3A_76 = arith.cmpi slt, %add3A_75, %add3A_4 : i32
      %convert_element_type3A_77 = arith.extui %lt3A_76 : i1 to i32
      %cond3A_78 = arith.constant 0 : i32
      %cond3A_79 = arith.cmpi ne, %convert_element_type3A_77, %cond3A_78 : i32
      scf.if %cond3A_79 {
        %add3A_111 = arith.constant 2 : i32
        %add3A_112 = arith.addi %while3A_56, %add3A_111 : i32
        %mul3A_113 = arith.constant 32 : i32
        %mul3A_114 = arith.muli %mul3A_113, %add3A_112 : i32
        %add3A_115 = arith.addi %add3A, %mul3A_114 : i32
        %mul3A_116 = arith.constant 128 : i32
        %mul3A_117 = arith.muli %add3A_115, %mul3A_116 : i32
        %add3A_118 = arith.constant 2 : i32
        %add3A_119 = arith.addi %while3A_56, %add3A_118 : i32
        %rem3A_120 = arith.constant 3 : i32
        %rem3A_121 = arith.remsi %add3A_119, %rem3A_120 : i32
        %dma_start3A_122 = arith.constant 0 : i32
        %dma_start3A_123 = arith.constant 0 : i32
        %dma_start3A_124 = tpu.memref_slice %arg4[%rem3A_121, %dma_start3A_122, %dma_start3A_123] : memref<3x64x128xf32, #tpu.memory_space<vmem>> -> memref<1x64x128xf32, #tpu.memory_space<vmem>>
        %dma_start3A_125 = tpu.memref_squeeze %dma_start3A_124 : memref<1x64x128xf32, #tpu.memory_space<vmem>> -> memref<64x128xf32, #tpu.memory_space<vmem>>
        %dma_start3A_126 = arith.constant 0 : i32
        %dma_start3A_127 = tpu.memref_slice %arg2[%dma_start3A_126, %mul3A_117] : memref<64x1000000xf32, #tpu.memory_space<hbm>> -> memref<64x128xf32, #tpu.memory_space<hbm>>
        %dma_start3A_128 = arith.constant 0 : i32
        %dma_start3A_129 = arith.constant 0 : i32
        %dma_start3A_130 = tpu.memref_slice %arg4[%rem3A_121, %dma_start3A_128, %dma_start3A_129] : memref<3x64x128xf32, #tpu.memory_space<vmem>> -> memref<1x64x128xf32, #tpu.memory_space<vmem>>
        %dma_start3A_131 = tpu.memref_squeeze %dma_start3A_130 : memref<1x64x128xf32, #tpu.memory_space<vmem>> -> memref<64x128xf32, #tpu.memory_space<vmem>>
        %dma_start3A_132 = arith.constant 0 : i32
        %dma_start3A_133 = tpu.memref_slice %arg2[%dma_start3A_132, %mul3A_117] : memref<64x1000000xf32, #tpu.memory_space<hbm>> -> memref<64x128xf32, #tpu.memory_space<hbm>>
        tpu.enqueue_dma source(%dma_start3A_133 : memref<64x128xf32, #tpu.memory_space<hbm>>) target(%dma_start3A_131 : memref<64x128xf32, #tpu.memory_space<vmem>>) target_semaphore(%arg6 : memref<!tpu.dma_semaphore, #tpu.memory_space<semaphore_mem>>)
      } else {
      }
      %ge3A = arith.constant 2 : i32
      %ge3A_80 = arith.cmpi sge, %while3A_56, %ge3A : i32
      %convert_element_type3A_81 = arith.extui %ge3A_80 : i1 to i32
      %cond3A_82 = arith.constant 0 : i32
      %cond3A_83 = arith.cmpi ne, %convert_element_type3A_81, %cond3A_82 : i32
      scf.if %cond3A_83 {
        %rem3A_111 = arith.constant 2 : i32
        %rem3A_112 = arith.remsi %while3A_56, %rem3A_111 : i32
        %dma_wait3A_113 = arith.constant 0 : i32
        %dma_wait3A_114 = arith.constant 0 : i32
        %dma_wait3A_115 = tpu.memref_slice %arg5[%rem3A_112, %dma_wait3A_113, %dma_wait3A_114] : memref<2x64x128xf32, #tpu.memory_space<vmem>> -> memref<1x64x128xf32, #tpu.memory_space<vmem>>
        %dma_wait3A_116 = tpu.memref_squeeze %dma_wait3A_115 : memref<1x64x128xf32, #tpu.memory_space<vmem>> -> memref<64x128xf32, #tpu.memory_space<vmem>>
        %dma_wait3A_117 = arith.constant 0 : i32
        %dma_wait3A_118 = arith.constant 0 : i32
        %dma_wait3A_119 = tpu.memref_slice %arg3[%dma_wait3A_117, %dma_wait3A_118] : memref<500000x128xf32, #tpu.memory_space<hbm>> -> memref<64x128xf32, #tpu.memory_space<hbm>>
        %dma_wait3A_120 = arith.constant 0 : i32
        %dma_wait3A_121 = arith.constant 0 : i32
        %dma_wait3A_122 = tpu.memref_slice %arg3[%dma_wait3A_120, %dma_wait3A_121] : memref<500000x128xf32, #tpu.memory_space<hbm>> -> memref<64x128xf32, #tpu.memory_space<hbm>>
        %dma_wait3A_123 = arith.constant 0 : i32
        %dma_wait3A_124 = arith.constant 0 : i32
        %dma_wait3A_125 = tpu.memref_slice %arg5[%rem3A_112, %dma_wait3A_123, %dma_wait3A_124] : memref<2x64x128xf32, #tpu.memory_space<vmem>> -> memref<1x64x128xf32, #tpu.memory_space<vmem>>
        %dma_wait3A_126 = tpu.memref_squeeze %dma_wait3A_125 : memref<1x64x128xf32, #tpu.memory_space<vmem>> -> memref<64x128xf32, #tpu.memory_space<vmem>>
        tpu.wait_dma2 semaphore(%arg7 : memref<!tpu.dma_semaphore, #tpu.memory_space<semaphore_mem>>) src(%dma_wait3A_126 : memref<64x128xf32, #tpu.memory_space<vmem>>) dst(%dma_wait3A_122 : memref<64x128xf32, #tpu.memory_space<hbm>>)
      } else {
      }
      %rem3A_84 = arith.constant 2 : i32
      %rem3A_85 = arith.remsi %while3A_56, %rem3A_84 : i32
      %scan3A = arith.constant 0 : i32
      %scan3A_86 = arith.constant 0 : i32
      %scan3A_87 = arith.constant 64 : i32
      %scan3A_88 = arith.addi %scan3A_86, %scan3A_87 : i32
      %scan3A_89 = arith.constant 4 : i32
      scf.for %scan3A_111 = %scan3A_86 to %scan3A_88 step %scan3A_89  : i32 {
        %add3A_112 = vector.broadcast %scan3A_111 : i32 to vector<16xi32>
        %add3A_113 = arith.addi %iota3A, %add3A_112 : vector<16xi32>
        %and3A = arith.constant 63 : i32
        %and3A_114 = vector.broadcast %and3A : i32 to vector<16xi32>
        %and3A_115 = arith.andi %add3A_113, %and3A_114 : vector<16xi32>
        %add3A_116 = arith.constant 0 : i32
        %add3A_117 = vector.broadcast %add3A_116 : i32 to vector<16xi32>
        %add3A_118 = arith.addi %iota3A, %add3A_117 : vector<16xi32>
        %and3A_119 = arith.constant 63 : i32
        %and3A_120 = vector.broadcast %and3A_119 : i32 to vector<16xi32>
        %and3A_121 = arith.andi %add3A_118, %and3A_120 : vector<16xi32>
        %mul3A_122 = arith.constant 2 : i32
        %mul3A_123 = vector.broadcast %mul3A_122 : i32 to vector<16xi32>
        %mul3A_124 = arith.muli %mul3A_123, %and3A_115 : vector<16xi32>
        %add3A_125 = arith.constant 0 : i32
        %add3A_126 = vector.broadcast %add3A_125 : i32 to vector<16xi32>
        %add3A_127 = arith.addi %mul3A_124, %add3A_126 : vector<16xi32>
        %gather3A = arith.constant 0 : i32
        %gather3A_128 = arith.constant 0 : i32
        %gather3A_129 = tpu.memref_slice %arg4[%rem3A_57, %gather3A, %gather3A_128] : memref<3x64x128xf32, #tpu.memory_space<vmem>> -> memref<1x64x128xf32, #tpu.memory_space<vmem>>
        %gather3A_130 = tpu.memref_squeeze %gather3A_129 : memref<1x64x128xf32, #tpu.memory_space<vmem>> -> memref<64x128xf32, #tpu.memory_space<vmem>>
        %gather3A_131 = tpu.vector_load_idx %gather3A_130[%and3A_121, %add3A_127] : memref<64x128xf32, #tpu.memory_space<vmem>>[vector<16xi32>, vector<16xi32>], vector<16xf32>,
        %add3A_132 = arith.constant 16 : i32
        %add3A_133 = vector.broadcast %add3A_132 : i32 to vector<16xi32>
        %add3A_134 = arith.addi %iota3A, %add3A_133 : vector<16xi32>
        %and3A_135 = arith.constant 63 : i32
        %and3A_136 = vector.broadcast %and3A_135 : i32 to vector<16xi32>
        %and3A_137 = arith.andi %add3A_134, %and3A_136 : vector<16xi32>
        %mul3A_138 = arith.constant 2 : i32
        %mul3A_139 = vector.broadcast %mul3A_138 : i32 to vector<16xi32>
        %mul3A_140 = arith.muli %mul3A_139, %and3A_115 : vector<16xi32>
        %add3A_141 = arith.constant 0 : i32
        %add3A_142 = vector.broadcast %add3A_141 : i32 to vector<16xi32>
        %add3A_143 = arith.addi %mul3A_140, %add3A_142 : vector<16xi32>
        %gather3A_144 = arith.constant 0 : i32
        %gather3A_145 = arith.constant 0 : i32
        %gather3A_146 = tpu.memref_slice %arg4[%rem3A_57, %gather3A_144, %gather3A_145] : memref<3x64x128xf32, #tpu.memory_space<vmem>> -> memref<1x64x128xf32, #tpu.memory_space<vmem>>
        %gather3A_147 = tpu.memref_squeeze %gather3A_146 : memref<1x64x128xf32, #tpu.memory_space<vmem>> -> memref<64x128xf32, #tpu.memory_space<vmem>>
        %gather3A_148 = tpu.vector_load_idx %gather3A_147[%and3A_137, %add3A_143] : memref<64x128xf32, #tpu.memory_space<vmem>>[vector<16xi32>, vector<16xi32>], vector<16xf32>,
        %add3A_149 = arith.constant 32 : i32
        %add3A_150 = vector.broadcast %add3A_149 : i32 to vector<16xi32>
        %add3A_151 = arith.addi %iota3A, %add3A_150 : vector<16xi32>
        %and3A_152 = arith.constant 63 : i32
        %and3A_153 = vector.broadcast %and3A_152 : i32 to vector<16xi32>
        %and3A_154 = arith.andi %add3A_151, %and3A_153 : vector<16xi32>
        %mul3A_155 = arith.constant 2 : i32
        %mul3A_156 = vector.broadcast %mul3A_155 : i32 to vector<16xi32>
        %mul3A_157 = arith.muli %mul3A_156, %and3A_115 : vector<16xi32>
        %add3A_158 = arith.constant 0 : i32
        %add3A_159 = vector.broadcast %add3A_158 : i32 to vector<16xi32>
        %add3A_160 = arith.addi %mul3A_157, %add3A_159 : vector<16xi32>
        %gather3A_161 = arith.constant 0 : i32
        %gather3A_162 = arith.constant 0 : i32
        %gather3A_163 = tpu.memref_slice %arg4[%rem3A_57, %gather3A_161, %gather3A_162] : memref<3x64x128xf32, #tpu.memory_space<vmem>> -> memref<1x64x128xf32, #tpu.memory_space<vmem>>
        %gather3A_164 = tpu.memref_squeeze %gather3A_163 : memref<1x64x128xf32, #tpu.memory_space<vmem>> -> memref<64x128xf32, #tpu.memory_space<vmem>>
        %gather3A_165 = tpu.vector_load_idx %gather3A_164[%and3A_154, %add3A_160] : memref<64x128xf32, #tpu.memory_space<vmem>>[vector<16xi32>, vector<16xi32>], vector<16xf32>,
        %add3A_166 = arith.constant 48 : i32
        %add3A_167 = vector.broadcast %add3A_166 : i32 to vector<16xi32>
        %add3A_168 = arith.addi %iota3A, %add3A_167 : vector<16xi32>
        %and3A_169 = arith.constant 63 : i32
        %and3A_170 = vector.broadcast %and3A_169 : i32 to vector<16xi32>
        %and3A_171 = arith.andi %add3A_168, %and3A_170 : vector<16xi32>
        %mul3A_172 = arith.constant 2 : i32
        %mul3A_173 = vector.broadcast %mul3A_172 : i32 to vector<16xi32>
        %mul3A_174 = arith.muli %mul3A_173, %and3A_115 : vector<16xi32>
        %add3A_175 = arith.constant 0 : i32
        %add3A_176 = vector.broadcast %add3A_175 : i32 to vector<16xi32>
        %add3A_177 = arith.addi %mul3A_174, %add3A_176 : vector<16xi32>
        %gather3A_178 = arith.constant 0 : i32
        %gather3A_179 = arith.constant 0 : i32
        %gather3A_180 = tpu.memref_slice %arg4[%rem3A_57, %gather3A_178, %gather3A_179] : memref<3x64x128xf32, #tpu.memory_space<vmem>> -> memref<1x64x128xf32, #tpu.memory_space<vmem>>
        %gather3A_181 = tpu.memref_squeeze %gather3A_180 : memref<1x64x128xf32, #tpu.memory_space<vmem>> -> memref<64x128xf32, #tpu.memory_space<vmem>>
        %gather3A_182 = tpu.vector_load_idx %gather3A_181[%and3A_171, %add3A_177] : memref<64x128xf32, #tpu.memory_space<vmem>>[vector<16xi32>, vector<16xi32>], vector<16xf32>,
        %add3A_183 = arith.constant 0 : i32
        %add3A_184 = vector.broadcast %add3A_183 : i32 to vector<16xi32>
        %add3A_185 = arith.addi %iota3A, %add3A_184 : vector<16xi32>
        %and3A_186 = arith.constant 63 : i32
        %and3A_187 = vector.broadcast %and3A_186 : i32 to vector<16xi32>
        %and3A_188 = arith.andi %add3A_185, %and3A_187 : vector<16xi32>
        %mul3A_189 = arith.constant 2 : i32
        %mul3A_190 = vector.broadcast %mul3A_189 : i32 to vector<16xi32>
        %mul3A_191 = arith.muli %mul3A_190, %and3A_115 : vector<16xi32>
        %add3A_192 = arith.constant 1 : i32
        %add3A_193 = vector.broadcast %add3A_192 : i32 to vector<16xi32>
        %add3A_194 = arith.addi %mul3A_191, %add3A_193 : vector<16xi32>
        %gather3A_195 = arith.constant 0 : i32
        %gather3A_196 = arith.constant 0 : i32
        %gather3A_197 = tpu.memref_slice %arg4[%rem3A_57, %gather3A_195, %gather3A_196] : memref<3x64x128xf32, #tpu.memory_space<vmem>> -> memref<1x64x128xf32, #tpu.memory_space<vmem>>
        %gather3A_198 = tpu.memref_squeeze %gather3A_197 : memref<1x64x128xf32, #tpu.memory_space<vmem>> -> memref<64x128xf32, #tpu.memory_space<vmem>>
        %gather3A_199 = tpu.vector_load_idx %gather3A_198[%and3A_188, %add3A_194] : memref<64x128xf32, #tpu.memory_space<vmem>>[vector<16xi32>, vector<16xi32>], vector<16xf32>,
        %add3A_200 = arith.constant 16 : i32
        %add3A_201 = vector.broadcast %add3A_200 : i32 to vector<16xi32>
        %add3A_202 = arith.addi %iota3A, %add3A_201 : vector<16xi32>
        %and3A_203 = arith.constant 63 : i32
        %and3A_204 = vector.broadcast %and3A_203 : i32 to vector<16xi32>
        %and3A_205 = arith.andi %add3A_202, %and3A_204 : vector<16xi32>
        %mul3A_206 = arith.constant 2 : i32
        %mul3A_207 = vector.broadcast %mul3A_206 : i32 to vector<16xi32>
        %mul3A_208 = arith.muli %mul3A_207, %and3A_115 : vector<16xi32>
        %add3A_209 = arith.constant 1 : i32
        %add3A_210 = vector.broadcast %add3A_209 : i32 to vector<16xi32>
        %add3A_211 = arith.addi %mul3A_208, %add3A_210 : vector<16xi32>
        %gather3A_212 = arith.constant 0 : i32
        %gather3A_213 = arith.constant 0 : i32
        %gather3A_214 = tpu.memref_slice %arg4[%rem3A_57, %gather3A_212, %gather3A_213] : memref<3x64x128xf32, #tpu.memory_space<vmem>> -> memref<1x64x128xf32, #tpu.memory_space<vmem>>
        %gather3A_215 = tpu.memref_squeeze %gather3A_214 : memref<1x64x128xf32, #tpu.memory_space<vmem>> -> memref<64x128xf32, #tpu.memory_space<vmem>>
        %gather3A_216 = tpu.vector_load_idx %gather3A_215[%and3A_205, %add3A_211] : memref<64x128xf32, #tpu.memory_space<vmem>>[vector<16xi32>, vector<16xi32>], vector<16xf32>,
        %add3A_217 = arith.constant 32 : i32
        %add3A_218 = vector.broadcast %add3A_217 : i32 to vector<16xi32>
        %add3A_219 = arith.addi %iota3A, %add3A_218 : vector<16xi32>
        %and3A_220 = arith.constant 63 : i32
        %and3A_221 = vector.broadcast %and3A_220 : i32 to vector<16xi32>
        %and3A_222 = arith.andi %add3A_219, %and3A_221 : vector<16xi32>
        %mul3A_223 = arith.constant 2 : i32
        %mul3A_224 = vector.broadcast %mul3A_223 : i32 to vector<16xi32>
        %mul3A_225 = arith.muli %mul3A_224, %and3A_115 : vector<16xi32>
        %add3A_226 = arith.constant 1 : i32
        %add3A_227 = vector.broadcast %add3A_226 : i32 to vector<16xi32>
        %add3A_228 = arith.addi %mul3A_225, %add3A_227 : vector<16xi32>
        %gather3A_229 = arith.constant 0 : i32
        %gather3A_230 = arith.constant 0 : i32
        %gather3A_231 = tpu.memref_slice %arg4[%rem3A_57, %gather3A_229, %gather3A_230] : memref<3x64x128xf32, #tpu.memory_space<vmem>> -> memref<1x64x128xf32, #tpu.memory_space<vmem>>
        %gather3A_232 = tpu.memref_squeeze %gather3A_231 : memref<1x64x128xf32, #tpu.memory_space<vmem>> -> memref<64x128xf32, #tpu.memory_space<vmem>>
        %gather3A_233 = tpu.vector_load_idx %gather3A_232[%and3A_222, %add3A_228] : memref<64x128xf32, #tpu.memory_space<vmem>>[vector<16xi32>, vector<16xi32>], vector<16xf32>,
        %add3A_234 = arith.constant 48 : i32
        %add3A_235 = vector.broadcast %add3A_234 : i32 to vector<16xi32>
        %add3A_236 = arith.addi %iota3A, %add3A_235 : vector<16xi32>
        %and3A_237 = arith.constant 63 : i32
        %and3A_238 = vector.broadcast %and3A_237 : i32 to vector<16xi32>
        %and3A_239 = arith.andi %add3A_236, %and3A_238 : vector<16xi32>
        %mul3A_240 = arith.constant 2 : i32
        %mul3A_241 = vector.broadcast %mul3A_240 : i32 to vector<16xi32>
        %mul3A_242 = arith.muli %mul3A_241, %and3A_115 : vector<16xi32>
        %add3A_243 = arith.constant 1 : i32
        %add3A_244 = vector.broadcast %add3A_243 : i32 to vector<16xi32>
        %add3A_245 = arith.addi %mul3A_242, %add3A_244 : vector<16xi32>
        %gather3A_246 = arith.constant 0 : i32
        %gather3A_247 = arith.constant 0 : i32
        %gather3A_248 = tpu.memref_slice %arg4[%rem3A_57, %gather3A_246, %gather3A_247] : memref<3x64x128xf32, #tpu.memory_space<vmem>> -> memref<1x64x128xf32, #tpu.memory_space<vmem>>
        %gather3A_249 = tpu.memref_squeeze %gather3A_248 : memref<1x64x128xf32, #tpu.memory_space<vmem>> -> memref<64x128xf32, #tpu.memory_space<vmem>>
        %gather3A_250 = tpu.vector_load_idx %gather3A_249[%and3A_239, %add3A_245] : memref<64x128xf32, #tpu.memory_space<vmem>>[vector<16xi32>, vector<16xi32>], vector<16xf32>,
        %add3A_251 = arith.constant 0 : i32
        %add3A_252 = vector.broadcast %add3A_251 : i32 to vector<16xi32>
        %add3A_253 = arith.addi %iota3A, %add3A_252 : vector<16xi32>
        %scatter3A = arith.constant 0 : i32
        %scatter3A_254 = arith.constant 0 : i32
        %scatter3A_255 = tpu.memref_slice %arg5[%rem3A_85, %scatter3A, %scatter3A_254] : memref<2x64x128xf32, #tpu.memory_space<vmem>> -> memref<1x64x128xf32, #tpu.memory_space<vmem>>
        %scatter3A_256 = tpu.memref_squeeze %scatter3A_255 : memref<1x64x128xf32, #tpu.memory_space<vmem>> -> memref<64x128xf32, #tpu.memory_space<vmem>>
        tpu.vector_store_idx %scatter3A_256[%and3A_115, %add3A_253], %gather3A_131 : memref<64x128xf32, #tpu.memory_space<vmem>>[vector<16xi32>, vector<16xi32>], vector<16xf32>,
        %add3A_257 = arith.constant 16 : i32
        %add3A_258 = vector.broadcast %add3A_257 : i32 to vector<16xi32>
        %add3A_259 = arith.addi %iota3A, %add3A_258 : vector<16xi32>
        %scatter3A_260 = arith.constant 0 : i32
        %scatter3A_261 = arith.constant 0 : i32
        %scatter3A_262 = tpu.memref_slice %arg5[%rem3A_85, %scatter3A_260, %scatter3A_261] : memref<2x64x128xf32, #tpu.memory_space<vmem>> -> memref<1x64x128xf32, #tpu.memory_space<vmem>>
        %scatter3A_263 = tpu.memref_squeeze %scatter3A_262 : memref<1x64x128xf32, #tpu.memory_space<vmem>> -> memref<64x128xf32, #tpu.memory_space<vmem>>
        tpu.vector_store_idx %scatter3A_263[%and3A_115, %add3A_259], %gather3A_148 : memref<64x128xf32, #tpu.memory_space<vmem>>[vector<16xi32>, vector<16xi32>], vector<16xf32>,
        %add3A_264 = arith.constant 32 : i32
        %add3A_265 = vector.broadcast %add3A_264 : i32 to vector<16xi32>
        %add3A_266 = arith.addi %iota3A, %add3A_265 : vector<16xi32>
        %scatter3A_267 = arith.constant 0 : i32
        %scatter3A_268 = arith.constant 0 : i32
        %scatter3A_269 = tpu.memref_slice %arg5[%rem3A_85, %scatter3A_267, %scatter3A_268] : memref<2x64x128xf32, #tpu.memory_space<vmem>> -> memref<1x64x128xf32, #tpu.memory_space<vmem>>
        %scatter3A_270 = tpu.memref_squeeze %scatter3A_269 : memref<1x64x128xf32, #tpu.memory_space<vmem>> -> memref<64x128xf32, #tpu.memory_space<vmem>>
        tpu.vector_store_idx %scatter3A_270[%and3A_115, %add3A_266], %gather3A_165 : memref<64x128xf32, #tpu.memory_space<vmem>>[vector<16xi32>, vector<16xi32>], vector<16xf32>,
        %add3A_271 = arith.constant 48 : i32
        %add3A_272 = vector.broadcast %add3A_271 : i32 to vector<16xi32>
        %add3A_273 = arith.addi %iota3A, %add3A_272 : vector<16xi32>
        %scatter3A_274 = arith.constant 0 : i32
        %scatter3A_275 = arith.constant 0 : i32
        %scatter3A_276 = tpu.memref_slice %arg5[%rem3A_85, %scatter3A_274, %scatter3A_275] : memref<2x64x128xf32, #tpu.memory_space<vmem>> -> memref<1x64x128xf32, #tpu.memory_space<vmem>>
        %scatter3A_277 = tpu.memref_squeeze %scatter3A_276 : memref<1x64x128xf32, #tpu.memory_space<vmem>> -> memref<64x128xf32, #tpu.memory_space<vmem>>
        tpu.vector_store_idx %scatter3A_277[%and3A_115, %add3A_273], %gather3A_182 : memref<64x128xf32, #tpu.memory_space<vmem>>[vector<16xi32>, vector<16xi32>], vector<16xf32>,
        %add3A_278 = arith.constant 64 : i32
        %add3A_279 = vector.broadcast %add3A_278 : i32 to vector<16xi32>
        %add3A_280 = arith.addi %iota3A, %add3A_279 : vector<16xi32>
        %scatter3A_281 = arith.constant 0 : i32
        %scatter3A_282 = arith.constant 0 : i32
        %scatter3A_283 = tpu.memref_slice %arg5[%rem3A_85, %scatter3A_281, %scatter3A_282] : memref<2x64x128xf32, #tpu.memory_space<vmem>> -> memref<1x64x128xf32, #tpu.memory_space<vmem>>
        %scatter3A_284 = tpu.memref_squeeze %scatter3A_283 : memref<1x64x128xf32, #tpu.memory_space<vmem>> -> memref<64x128xf32, #tpu.memory_space<vmem>>
        tpu.vector_store_idx %scatter3A_284[%and3A_115, %add3A_280], %gather3A_199 : memref<64x128xf32, #tpu.memory_space<vmem>>[vector<16xi32>, vector<16xi32>], vector<16xf32>,
        %add3A_285 = arith.constant 80 : i32
        %add3A_286 = vector.broadcast %add3A_285 : i32 to vector<16xi32>
        %add3A_287 = arith.addi %iota3A, %add3A_286 : vector<16xi32>
        %scatter3A_288 = arith.constant 0 : i32
        %scatter3A_289 = arith.constant 0 : i32
        %scatter3A_290 = tpu.memref_slice %arg5[%rem3A_85, %scatter3A_288, %scatter3A_289] : memref<2x64x128xf32, #tpu.memory_space<vmem>> -> memref<1x64x128xf32, #tpu.memory_space<vmem>>
        %scatter3A_291 = tpu.memref_squeeze %scatter3A_290 : memref<1x64x128xf32, #tpu.memory_space<vmem>> -> memref<64x128xf32, #tpu.memory_space<vmem>>
        tpu.vector_store_idx %scatter3A_291[%and3A_115, %add3A_287], %gather3A_216 : memref<64x128xf32, #tpu.memory_space<vmem>>[vector<16xi32>, vector<16xi32>], vector<16xf32>,
        %add3A_292 = arith.constant 96 : i32
        %add3A_293 = vector.broadcast %add3A_292 : i32 to vector<16xi32>
        %add3A_294 = arith.addi %iota3A, %add3A_293 : vector<16xi32>
        %scatter3A_295 = arith.constant 0 : i32
        %scatter3A_296 = arith.constant 0 : i32
        %scatter3A_297 = tpu.memref_slice %arg5[%rem3A_85, %scatter3A_295, %scatter3A_296] : memref<2x64x128xf32, #tpu.memory_space<vmem>> -> memref<1x64x128xf32, #tpu.memory_space<vmem>>
        %scatter3A_298 = tpu.memref_squeeze %scatter3A_297 : memref<1x64x128xf32, #tpu.memory_space<vmem>> -> memref<64x128xf32, #tpu.memory_space<vmem>>
        tpu.vector_store_idx %scatter3A_298[%and3A_115, %add3A_294], %gather3A_233 : memref<64x128xf32, #tpu.memory_space<vmem>>[vector<16xi32>, vector<16xi32>], vector<16xf32>,
        %add3A_299 = arith.constant 112 : i32
        %add3A_300 = vector.broadcast %add3A_299 : i32 to vector<16xi32>
        %add3A_301 = arith.addi %iota3A, %add3A_300 : vector<16xi32>
        %scatter3A_302 = arith.constant 0 : i32
        %scatter3A_303 = arith.constant 0 : i32
        %scatter3A_304 = tpu.memref_slice %arg5[%rem3A_85, %scatter3A_302, %scatter3A_303] : memref<2x64x128xf32, #tpu.memory_space<vmem>> -> memref<1x64x128xf32, #tpu.memory_space<vmem>>
        %scatter3A_305 = tpu.memref_squeeze %scatter3A_304 : memref<1x64x128xf32, #tpu.memory_space<vmem>> -> memref<64x128xf32, #tpu.memory_space<vmem>>
        tpu.vector_store_idx %scatter3A_305[%and3A_115, %add3A_301], %gather3A_250 : memref<64x128xf32, #tpu.memory_space<vmem>>[vector<16xi32>, vector<16xi32>], vector<16xf32>,
        %scan3A_306 = arith.constant 1 : i32
        %scan3A_307 = arith.addi %scan3A_111, %scan3A_306 : i32
        %add3A_308 = vector.broadcast %scan3A_307 : i32 to vector<16xi32>
        %add3A_309 = arith.addi %iota3A, %add3A_308 : vector<16xi32>
        %and3A_310 = arith.constant 63 : i32
        %and3A_311 = vector.broadcast %and3A_310 : i32 to vector<16xi32>
        %and3A_312 = arith.andi %add3A_309, %and3A_311 : vector<16xi32>
        %add3A_313 = arith.constant 0 : i32
        %add3A_314 = vector.broadcast %add3A_313 : i32 to vector<16xi32>
        %add3A_315 = arith.addi %iota3A, %add3A_314 : vector<16xi32>
        %and3A_316 = arith.constant 63 : i32
        %and3A_317 = vector.broadcast %and3A_316 : i32 to vector<16xi32>
        %and3A_318 = arith.andi %add3A_315, %and3A_317 : vector<16xi32>
        %mul3A_319 = arith.constant 2 : i32
        %mul3A_320 = vector.broadcast %mul3A_319 : i32 to vector<16xi32>
        %mul3A_321 = arith.muli %mul3A_320, %and3A_312 : vector<16xi32>
        %add3A_322 = arith.constant 0 : i32
        %add3A_323 = vector.broadcast %add3A_322 : i32 to vector<16xi32>
        %add3A_324 = arith.addi %mul3A_321, %add3A_323 : vector<16xi32>
        %gather3A_325 = arith.constant 0 : i32
        %gather3A_326 = arith.constant 0 : i32
        %gather3A_327 = tpu.memref_slice %arg4[%rem3A_57, %gather3A_325, %gather3A_326] : memref<3x64x128xf32, #tpu.memory_space<vmem>> -> memref<1x64x128xf32, #tpu.memory_space<vmem>>
        %gather3A_328 = tpu.memref_squeeze %gather3A_327 : memref<1x64x128xf32, #tpu.memory_space<vmem>> -> memref<64x128xf32, #tpu.memory_space<vmem>>
        %gather3A_329 = tpu.vector_load_idx %gather3A_328[%and3A_318, %add3A_324] : memref<64x128xf32, #tpu.memory_space<vmem>>[vector<16xi32>, vector<16xi32>], vector<16xf32>,
        %add3A_330 = arith.constant 16 : i32
        %add3A_331 = vector.broadcast %add3A_330 : i32 to vector<16xi32>
        %add3A_332 = arith.addi %iota3A, %add3A_331 : vector<16xi32>
        %and3A_333 = arith.constant 63 : i32
        %and3A_334 = vector.broadcast %and3A_333 : i32 to vector<16xi32>
        %and3A_335 = arith.andi %add3A_332, %and3A_334 : vector<16xi32>
        %mul3A_336 = arith.constant 2 : i32
        %mul3A_337 = vector.broadcast %mul3A_336 : i32 to vector<16xi32>
        %mul3A_338 = arith.muli %mul3A_337, %and3A_312 : vector<16xi32>
        %add3A_339 = arith.constant 0 : i32
        %add3A_340 = vector.broadcast %add3A_339 : i32 to vector<16xi32>
        %add3A_341 = arith.addi %mul3A_338, %add3A_340 : vector<16xi32>
        %gather3A_342 = arith.constant 0 : i32
        %gather3A_343 = arith.constant 0 : i32
        %gather3A_344 = tpu.memref_slice %arg4[%rem3A_57, %gather3A_342, %gather3A_343] : memref<3x64x128xf32, #tpu.memory_space<vmem>> -> memref<1x64x128xf32, #tpu.memory_space<vmem>>
        %gather3A_345 = tpu.memref_squeeze %gather3A_344 : memref<1x64x128xf32, #tpu.memory_space<vmem>> -> memref<64x128xf32, #tpu.memory_space<vmem>>
        %gather3A_346 = tpu.vector_load_idx %gather3A_345[%and3A_335, %add3A_341] : memref<64x128xf32, #tpu.memory_space<vmem>>[vector<16xi32>, vector<16xi32>], vector<16xf32>,
        %add3A_347 = arith.constant 32 : i32
        %add3A_348 = vector.broadcast %add3A_347 : i32 to vector<16xi32>
        %add3A_349 = arith.addi %iota3A, %add3A_348 : vector<16xi32>
        %and3A_350 = arith.constant 63 : i32
        %and3A_351 = vector.broadcast %and3A_350 : i32 to vector<16xi32>
        %and3A_352 = arith.andi %add3A_349, %and3A_351 : vector<16xi32>
        %mul3A_353 = arith.constant 2 : i32
        %mul3A_354 = vector.broadcast %mul3A_353 : i32 to vector<16xi32>
        %mul3A_355 = arith.muli %mul3A_354, %and3A_312 : vector<16xi32>
        %add3A_356 = arith.constant 0 : i32
        %add3A_357 = vector.broadcast %add3A_356 : i32 to vector<16xi32>
        %add3A_358 = arith.addi %mul3A_355, %add3A_357 : vector<16xi32>
        %gather3A_359 = arith.constant 0 : i32
        %gather3A_360 = arith.constant 0 : i32
        %gather3A_361 = tpu.memref_slice %arg4[%rem3A_57, %gather3A_359, %gather3A_360] : memref<3x64x128xf32, #tpu.memory_space<vmem>> -> memref<1x64x128xf32, #tpu.memory_space<vmem>>
        %gather3A_362 = tpu.memref_squeeze %gather3A_361 : memref<1x64x128xf32, #tpu.memory_space<vmem>> -> memref<64x128xf32, #tpu.memory_space<vmem>>
        %gather3A_363 = tpu.vector_load_idx %gather3A_362[%and3A_352, %add3A_358] : memref<64x128xf32, #tpu.memory_space<vmem>>[vector<16xi32>, vector<16xi32>], vector<16xf32>,
        %add3A_364 = arith.constant 48 : i32
        %add3A_365 = vector.broadcast %add3A_364 : i32 to vector<16xi32>
        %add3A_366 = arith.addi %iota3A, %add3A_365 : vector<16xi32>
        %and3A_367 = arith.constant 63 : i32
        %and3A_368 = vector.broadcast %and3A_367 : i32 to vector<16xi32>
        %and3A_369 = arith.andi %add3A_366, %and3A_368 : vector<16xi32>
        %mul3A_370 = arith.constant 2 : i32
        %mul3A_371 = vector.broadcast %mul3A_370 : i32 to vector<16xi32>
        %mul3A_372 = arith.muli %mul3A_371, %and3A_312 : vector<16xi32>
        %add3A_373 = arith.constant 0 : i32
        %add3A_374 = vector.broadcast %add3A_373 : i32 to vector<16xi32>
        %add3A_375 = arith.addi %mul3A_372, %add3A_374 : vector<16xi32>
        %gather3A_376 = arith.constant 0 : i32
        %gather3A_377 = arith.constant 0 : i32
        %gather3A_378 = tpu.memref_slice %arg4[%rem3A_57, %gather3A_376, %gather3A_377] : memref<3x64x128xf32, #tpu.memory_space<vmem>> -> memref<1x64x128xf32, #tpu.memory_space<vmem>>
        %gather3A_379 = tpu.memref_squeeze %gather3A_378 : memref<1x64x128xf32, #tpu.memory_space<vmem>> -> memref<64x128xf32, #tpu.memory_space<vmem>>
        %gather3A_380 = tpu.vector_load_idx %gather3A_379[%and3A_369, %add3A_375] : memref<64x128xf32, #tpu.memory_space<vmem>>[vector<16xi32>, vector<16xi32>], vector<16xf32>,
        %add3A_381 = arith.constant 0 : i32
        %add3A_382 = vector.broadcast %add3A_381 : i32 to vector<16xi32>
        %add3A_383 = arith.addi %iota3A, %add3A_382 : vector<16xi32>
        %and3A_384 = arith.constant 63 : i32
        %and3A_385 = vector.broadcast %and3A_384 : i32 to vector<16xi32>
        %and3A_386 = arith.andi %add3A_383, %and3A_385 : vector<16xi32>
        %mul3A_387 = arith.constant 2 : i32
        %mul3A_388 = vector.broadcast %mul3A_387 : i32 to vector<16xi32>
        %mul3A_389 = arith.muli %mul3A_388, %and3A_312 : vector<16xi32>
        %add3A_390 = arith.constant 1 : i32
        %add3A_391 = vector.broadcast %add3A_390 : i32 to vector<16xi32>
        %add3A_392 = arith.addi %mul3A_389, %add3A_391 : vector<16xi32>
        %gather3A_393 = arith.constant 0 : i32
        %gather3A_394 = arith.constant 0 : i32
        %gather3A_395 = tpu.memref_slice %arg4[%rem3A_57, %gather3A_393, %gather3A_394] : memref<3x64x128xf32, #tpu.memory_space<vmem>> -> memref<1x64x128xf32, #tpu.memory_space<vmem>>
        %gather3A_396 = tpu.memref_squeeze %gather3A_395 : memref<1x64x128xf32, #tpu.memory_space<vmem>> -> memref<64x128xf32, #tpu.memory_space<vmem>>
        %gather3A_397 = tpu.vector_load_idx %gather3A_396[%and3A_386, %add3A_392] : memref<64x128xf32, #tpu.memory_space<vmem>>[vector<16xi32>, vector<16xi32>], vector<16xf32>,
        %add3A_398 = arith.constant 16 : i32
        %add3A_399 = vector.broadcast %add3A_398 : i32 to vector<16xi32>
        %add3A_400 = arith.addi %iota3A, %add3A_399 : vector<16xi32>
        %and3A_401 = arith.constant 63 : i32
        %and3A_402 = vector.broadcast %and3A_401 : i32 to vector<16xi32>
        %and3A_403 = arith.andi %add3A_400, %and3A_402 : vector<16xi32>
        %mul3A_404 = arith.constant 2 : i32
        %mul3A_405 = vector.broadcast %mul3A_404 : i32 to vector<16xi32>
        %mul3A_406 = arith.muli %mul3A_405, %and3A_312 : vector<16xi32>
        %add3A_407 = arith.constant 1 : i32
        %add3A_408 = vector.broadcast %add3A_407 : i32 to vector<16xi32>
        %add3A_409 = arith.addi %mul3A_406, %add3A_408 : vector<16xi32>
        %gather3A_410 = arith.constant 0 : i32
        %gather3A_411 = arith.constant 0 : i32
        %gather3A_412 = tpu.memref_slice %arg4[%rem3A_57, %gather3A_410, %gather3A_411] : memref<3x64x128xf32, #tpu.memory_space<vmem>> -> memref<1x64x128xf32, #tpu.memory_space<vmem>>
        %gather3A_413 = tpu.memref_squeeze %gather3A_412 : memref<1x64x128xf32, #tpu.memory_space<vmem>> -> memref<64x128xf32, #tpu.memory_space<vmem>>
        %gather3A_414 = tpu.vector_load_idx %gather3A_413[%and3A_403, %add3A_409] : memref<64x128xf32, #tpu.memory_space<vmem>>[vector<16xi32>, vector<16xi32>], vector<16xf32>,
        %add3A_415 = arith.constant 32 : i32
        %add3A_416 = vector.broadcast %add3A_415 : i32 to vector<16xi32>
        %add3A_417 = arith.addi %iota3A, %add3A_416 : vector<16xi32>
        %and3A_418 = arith.constant 63 : i32
        %and3A_419 = vector.broadcast %and3A_418 : i32 to vector<16xi32>
        %and3A_420 = arith.andi %add3A_417, %and3A_419 : vector<16xi32>
        %mul3A_421 = arith.constant 2 : i32
        %mul3A_422 = vector.broadcast %mul3A_421 : i32 to vector<16xi32>
        %mul3A_423 = arith.muli %mul3A_422, %and3A_312 : vector<16xi32>
        %add3A_424 = arith.constant 1 : i32
        %add3A_425 = vector.broadcast %add3A_424 : i32 to vector<16xi32>
        %add3A_426 = arith.addi %mul3A_423, %add3A_425 : vector<16xi32>
        %gather3A_427 = arith.constant 0 : i32
        %gather3A_428 = arith.constant 0 : i32
        %gather3A_429 = tpu.memref_slice %arg4[%rem3A_57, %gather3A_427, %gather3A_428] : memref<3x64x128xf32, #tpu.memory_space<vmem>> -> memref<1x64x128xf32, #tpu.memory_space<vmem>>
        %gather3A_430 = tpu.memref_squeeze %gather3A_429 : memref<1x64x128xf32, #tpu.memory_space<vmem>> -> memref<64x128xf32, #tpu.memory_space<vmem>>
        %gather3A_431 = tpu.vector_load_idx %gather3A_430[%and3A_420, %add3A_426] : memref<64x128xf32, #tpu.memory_space<vmem>>[vector<16xi32>, vector<16xi32>], vector<16xf32>,
        %add3A_432 = arith.constant 48 : i32
        %add3A_433 = vector.broadcast %add3A_432 : i32 to vector<16xi32>
        %add3A_434 = arith.addi %iota3A, %add3A_433 : vector<16xi32>
        %and3A_435 = arith.constant 63 : i32
        %and3A_436 = vector.broadcast %and3A_435 : i32 to vector<16xi32>
        %and3A_437 = arith.andi %add3A_434, %and3A_436 : vector<16xi32>
        %mul3A_438 = arith.constant 2 : i32
        %mul3A_439 = vector.broadcast %mul3A_438 : i32 to vector<16xi32>
        %mul3A_440 = arith.muli %mul3A_439, %and3A_312 : vector<16xi32>
        %add3A_441 = arith.constant 1 : i32
        %add3A_442 = vector.broadcast %add3A_441 : i32 to vector<16xi32>
        %add3A_443 = arith.addi %mul3A_440, %add3A_442 : vector<16xi32>
        %gather3A_444 = arith.constant 0 : i32
        %gather3A_445 = arith.constant 0 : i32
        %gather3A_446 = tpu.memref_slice %arg4[%rem3A_57, %gather3A_444, %gather3A_445] : memref<3x64x128xf32, #tpu.memory_space<vmem>> -> memref<1x64x128xf32, #tpu.memory_space<vmem>>
        %gather3A_447 = tpu.memref_squeeze %gather3A_446 : memref<1x64x128xf32, #tpu.memory_space<vmem>> -> memref<64x128xf32, #tpu.memory_space<vmem>>
        %gather3A_448 = tpu.vector_load_idx %gather3A_447[%and3A_437, %add3A_443] : memref<64x128xf32, #tpu.memory_space<vmem>>[vector<16xi32>, vector<16xi32>], vector<16xf32>,
        %add3A_449 = arith.constant 0 : i32
        %add3A_450 = vector.broadcast %add3A_449 : i32 to vector<16xi32>
        %add3A_451 = arith.addi %iota3A, %add3A_450 : vector<16xi32>
        %scatter3A_452 = arith.constant 0 : i32
        %scatter3A_453 = arith.constant 0 : i32
        %scatter3A_454 = tpu.memref_slice %arg5[%rem3A_85, %scatter3A_452, %scatter3A_453] : memref<2x64x128xf32, #tpu.memory_space<vmem>> -> memref<1x64x128xf32, #tpu.memory_space<vmem>>
        %scatter3A_455 = tpu.memref_squeeze %scatter3A_454 : memref<1x64x128xf32, #tpu.memory_space<vmem>> -> memref<64x128xf32, #tpu.memory_space<vmem>>
        tpu.vector_store_idx %scatter3A_455[%and3A_312, %add3A_451], %gather3A_329 : memref<64x128xf32, #tpu.memory_space<vmem>>[vector<16xi32>, vector<16xi32>], vector<16xf32>,
        %add3A_456 = arith.constant 16 : i32
        %add3A_457 = vector.broadcast %add3A_456 : i32 to vector<16xi32>
        %add3A_458 = arith.addi %iota3A, %add3A_457 : vector<16xi32>
        %scatter3A_459 = arith.constant 0 : i32
        %scatter3A_460 = arith.constant 0 : i32
        %scatter3A_461 = tpu.memref_slice %arg5[%rem3A_85, %scatter3A_459, %scatter3A_460] : memref<2x64x128xf32, #tpu.memory_space<vmem>> -> memref<1x64x128xf32, #tpu.memory_space<vmem>>
        %scatter3A_462 = tpu.memref_squeeze %scatter3A_461 : memref<1x64x128xf32, #tpu.memory_space<vmem>> -> memref<64x128xf32, #tpu.memory_space<vmem>>
        tpu.vector_store_idx %scatter3A_462[%and3A_312, %add3A_458], %gather3A_346 : memref<64x128xf32, #tpu.memory_space<vmem>>[vector<16xi32>, vector<16xi32>], vector<16xf32>,
        %add3A_463 = arith.constant 32 : i32
        %add3A_464 = vector.broadcast %add3A_463 : i32 to vector<16xi32>
        %add3A_465 = arith.addi %iota3A, %add3A_464 : vector<16xi32>
        %scatter3A_466 = arith.constant 0 : i32
        %scatter3A_467 = arith.constant 0 : i32
        %scatter3A_468 = tpu.memref_slice %arg5[%rem3A_85, %scatter3A_466, %scatter3A_467] : memref<2x64x128xf32, #tpu.memory_space<vmem>> -> memref<1x64x128xf32, #tpu.memory_space<vmem>>
        %scatter3A_469 = tpu.memref_squeeze %scatter3A_468 : memref<1x64x128xf32, #tpu.memory_space<vmem>> -> memref<64x128xf32, #tpu.memory_space<vmem>>
        tpu.vector_store_idx %scatter3A_469[%and3A_312, %add3A_465], %gather3A_363 : memref<64x128xf32, #tpu.memory_space<vmem>>[vector<16xi32>, vector<16xi32>], vector<16xf32>,
        %add3A_470 = arith.constant 48 : i32
        %add3A_471 = vector.broadcast %add3A_470 : i32 to vector<16xi32>
        %add3A_472 = arith.addi %iota3A, %add3A_471 : vector<16xi32>
        %scatter3A_473 = arith.constant 0 : i32
        %scatter3A_474 = arith.constant 0 : i32
        %scatter3A_475 = tpu.memref_slice %arg5[%rem3A_85, %scatter3A_473, %scatter3A_474] : memref<2x64x128xf32, #tpu.memory_space<vmem>> -> memref<1x64x128xf32, #tpu.memory_space<vmem>>
        %scatter3A_476 = tpu.memref_squeeze %scatter3A_475 : memref<1x64x128xf32, #tpu.memory_space<vmem>> -> memref<64x128xf32, #tpu.memory_space<vmem>>
        tpu.vector_store_idx %scatter3A_476[%and3A_312, %add3A_472], %gather3A_380 : memref<64x128xf32, #tpu.memory_space<vmem>>[vector<16xi32>, vector<16xi32>], vector<16xf32>,
        %add3A_477 = arith.constant 64 : i32
        %add3A_478 = vector.broadcast %add3A_477 : i32 to vector<16xi32>
        %add3A_479 = arith.addi %iota3A, %add3A_478 : vector<16xi32>
        %scatter3A_480 = arith.constant 0 : i32
        %scatter3A_481 = arith.constant 0 : i32
        %scatter3A_482 = tpu.memref_slice %arg5[%rem3A_85, %scatter3A_480, %scatter3A_481] : memref<2x64x128xf32, #tpu.memory_space<vmem>> -> memref<1x64x128xf32, #tpu.memory_space<vmem>>
        %scatter3A_483 = tpu.memref_squeeze %scatter3A_482 : memref<1x64x128xf32, #tpu.memory_space<vmem>> -> memref<64x128xf32, #tpu.memory_space<vmem>>
        tpu.vector_store_idx %scatter3A_483[%and3A_312, %add3A_479], %gather3A_397 : memref<64x128xf32, #tpu.memory_space<vmem>>[vector<16xi32>, vector<16xi32>], vector<16xf32>,
        %add3A_484 = arith.constant 80 : i32
        %add3A_485 = vector.broadcast %add3A_484 : i32 to vector<16xi32>
        %add3A_486 = arith.addi %iota3A, %add3A_485 : vector<16xi32>
        %scatter3A_487 = arith.constant 0 : i32
        %scatter3A_488 = arith.constant 0 : i32
        %scatter3A_489 = tpu.memref_slice %arg5[%rem3A_85, %scatter3A_487, %scatter3A_488] : memref<2x64x128xf32, #tpu.memory_space<vmem>> -> memref<1x64x128xf32, #tpu.memory_space<vmem>>
        %scatter3A_490 = tpu.memref_squeeze %scatter3A_489 : memref<1x64x128xf32, #tpu.memory_space<vmem>> -> memref<64x128xf32, #tpu.memory_space<vmem>>
        tpu.vector_store_idx %scatter3A_490[%and3A_312, %add3A_486], %gather3A_414 : memref<64x128xf32, #tpu.memory_space<vmem>>[vector<16xi32>, vector<16xi32>], vector<16xf32>,
        %add3A_491 = arith.constant 96 : i32
        %add3A_492 = vector.broadcast %add3A_491 : i32 to vector<16xi32>
        %add3A_493 = arith.addi %iota3A, %add3A_492 : vector<16xi32>
        %scatter3A_494 = arith.constant 0 : i32
        %scatter3A_495 = arith.constant 0 : i32
        %scatter3A_496 = tpu.memref_slice %arg5[%rem3A_85, %scatter3A_494, %scatter3A_495] : memref<2x64x128xf32, #tpu.memory_space<vmem>> -> memref<1x64x128xf32, #tpu.memory_space<vmem>>
        %scatter3A_497 = tpu.memref_squeeze %scatter3A_496 : memref<1x64x128xf32, #tpu.memory_space<vmem>> -> memref<64x128xf32, #tpu.memory_space<vmem>>
        tpu.vector_store_idx %scatter3A_497[%and3A_312, %add3A_493], %gather3A_431 : memref<64x128xf32, #tpu.memory_space<vmem>>[vector<16xi32>, vector<16xi32>], vector<16xf32>,
        %add3A_498 = arith.constant 112 : i32
        %add3A_499 = vector.broadcast %add3A_498 : i32 to vector<16xi32>
        %add3A_500 = arith.addi %iota3A, %add3A_499 : vector<16xi32>
        %scatter3A_501 = arith.constant 0 : i32
        %scatter3A_502 = arith.constant 0 : i32
        %scatter3A_503 = tpu.memref_slice %arg5[%rem3A_85, %scatter3A_501, %scatter3A_502] : memref<2x64x128xf32, #tpu.memory_space<vmem>> -> memref<1x64x128xf32, #tpu.memory_space<vmem>>
        %scatter3A_504 = tpu.memref_squeeze %scatter3A_503 : memref<1x64x128xf32, #tpu.memory_space<vmem>> -> memref<64x128xf32, #tpu.memory_space<vmem>>
        tpu.vector_store_idx %scatter3A_504[%and3A_312, %add3A_500], %gather3A_448 : memref<64x128xf32, #tpu.memory_space<vmem>>[vector<16xi32>, vector<16xi32>], vector<16xf32>,
        %scan3A_505 = arith.constant 2 : i32
        %scan3A_506 = arith.addi %scan3A_111, %scan3A_505 : i32
        %add3A_507 = vector.broadcast %scan3A_506 : i32 to vector<16xi32>
        %add3A_508 = arith.addi %iota3A, %add3A_507 : vector<16xi32>
        %and3A_509 = arith.constant 63 : i32
        %and3A_510 = vector.broadcast %and3A_509 : i32 to vector<16xi32>
        %and3A_511 = arith.andi %add3A_508, %and3A_510 : vector<16xi32>
        %add3A_512 = arith.constant 0 : i32
        %add3A_513 = vector.broadcast %add3A_512 : i32 to vector<16xi32>
        %add3A_514 = arith.addi %iota3A, %add3A_513 : vector<16xi32>
        %and3A_515 = arith.constant 63 : i32
        %and3A_516 = vector.broadcast %and3A_515 : i32 to vector<16xi32>
        %and3A_517 = arith.andi %add3A_514, %and3A_516 : vector<16xi32>
        %mul3A_518 = arith.constant 2 : i32
        %mul3A_519 = vector.broadcast %mul3A_518 : i32 to vector<16xi32>
        %mul3A_520 = arith.muli %mul3A_519, %and3A_511 : vector<16xi32>
        %add3A_521 = arith.constant 0 : i32
        %add3A_522 = vector.broadcast %add3A_521 : i32 to vector<16xi32>
        %add3A_523 = arith.addi %mul3A_520, %add3A_522 : vector<16xi32>
        %gather3A_524 = arith.constant 0 : i32
        %gather3A_525 = arith.constant 0 : i32
        %gather3A_526 = tpu.memref_slice %arg4[%rem3A_57, %gather3A_524, %gather3A_525] : memref<3x64x128xf32, #tpu.memory_space<vmem>> -> memref<1x64x128xf32, #tpu.memory_space<vmem>>
        %gather3A_527 = tpu.memref_squeeze %gather3A_526 : memref<1x64x128xf32, #tpu.memory_space<vmem>> -> memref<64x128xf32, #tpu.memory_space<vmem>>
        %gather3A_528 = tpu.vector_load_idx %gather3A_527[%and3A_517, %add3A_523] : memref<64x128xf32, #tpu.memory_space<vmem>>[vector<16xi32>, vector<16xi32>], vector<16xf32>,
        %add3A_529 = arith.constant 16 : i32
        %add3A_530 = vector.broadcast %add3A_529 : i32 to vector<16xi32>
        %add3A_531 = arith.addi %iota3A, %add3A_530 : vector<16xi32>
        %and3A_532 = arith.constant 63 : i32
        %and3A_533 = vector.broadcast %and3A_532 : i32 to vector<16xi32>
        %and3A_534 = arith.andi %add3A_531, %and3A_533 : vector<16xi32>
        %mul3A_535 = arith.constant 2 : i32
        %mul3A_536 = vector.broadcast %mul3A_535 : i32 to vector<16xi32>
        %mul3A_537 = arith.muli %mul3A_536, %and3A_511 : vector<16xi32>
        %add3A_538 = arith.constant 0 : i32
        %add3A_539 = vector.broadcast %add3A_538 : i32 to vector<16xi32>
        %add3A_540 = arith.addi %mul3A_537, %add3A_539 : vector<16xi32>
        %gather3A_541 = arith.constant 0 : i32
        %gather3A_542 = arith.constant 0 : i32
        %gather3A_543 = tpu.memref_slice %arg4[%rem3A_57, %gather3A_541, %gather3A_542] : memref<3x64x128xf32, #tpu.memory_space<vmem>> -> memref<1x64x128xf32, #tpu.memory_space<vmem>>
        %gather3A_544 = tpu.memref_squeeze %gather3A_543 : memref<1x64x128xf32, #tpu.memory_space<vmem>> -> memref<64x128xf32, #tpu.memory_space<vmem>>
        %gather3A_545 = tpu.vector_load_idx %gather3A_544[%and3A_534, %add3A_540] : memref<64x128xf32, #tpu.memory_space<vmem>>[vector<16xi32>, vector<16xi32>], vector<16xf32>,
        %add3A_546 = arith.constant 32 : i32
        %add3A_547 = vector.broadcast %add3A_546 : i32 to vector<16xi32>
        %add3A_548 = arith.addi %iota3A, %add3A_547 : vector<16xi32>
        %and3A_549 = arith.constant 63 : i32
        %and3A_550 = vector.broadcast %and3A_549 : i32 to vector<16xi32>
        %and3A_551 = arith.andi %add3A_548, %and3A_550 : vector<16xi32>
        %mul3A_552 = arith.constant 2 : i32
        %mul3A_553 = vector.broadcast %mul3A_552 : i32 to vector<16xi32>
        %mul3A_554 = arith.muli %mul3A_553, %and3A_511 : vector<16xi32>
        %add3A_555 = arith.constant 0 : i32
        %add3A_556 = vector.broadcast %add3A_555 : i32 to vector<16xi32>
        %add3A_557 = arith.addi %mul3A_554, %add3A_556 : vector<16xi32>
        %gather3A_558 = arith.constant 0 : i32
        %gather3A_559 = arith.constant 0 : i32
        %gather3A_560 = tpu.memref_slice %arg4[%rem3A_57, %gather3A_558, %gather3A_559] : memref<3x64x128xf32, #tpu.memory_space<vmem>> -> memref<1x64x128xf32, #tpu.memory_space<vmem>>
        %gather3A_561 = tpu.memref_squeeze %gather3A_560 : memref<1x64x128xf32, #tpu.memory_space<vmem>> -> memref<64x128xf32, #tpu.memory_space<vmem>>
        %gather3A_562 = tpu.vector_load_idx %gather3A_561[%and3A_551, %add3A_557] : memref<64x128xf32, #tpu.memory_space<vmem>>[vector<16xi32>, vector<16xi32>], vector<16xf32>,
        %add3A_563 = arith.constant 48 : i32
        %add3A_564 = vector.broadcast %add3A_563 : i32 to vector<16xi32>
        %add3A_565 = arith.addi %iota3A, %add3A_564 : vector<16xi32>
        %and3A_566 = arith.constant 63 : i32
        %and3A_567 = vector.broadcast %and3A_566 : i32 to vector<16xi32>
        %and3A_568 = arith.andi %add3A_565, %and3A_567 : vector<16xi32>
        %mul3A_569 = arith.constant 2 : i32
        %mul3A_570 = vector.broadcast %mul3A_569 : i32 to vector<16xi32>
        %mul3A_571 = arith.muli %mul3A_570, %and3A_511 : vector<16xi32>
        %add3A_572 = arith.constant 0 : i32
        %add3A_573 = vector.broadcast %add3A_572 : i32 to vector<16xi32>
        %add3A_574 = arith.addi %mul3A_571, %add3A_573 : vector<16xi32>
        %gather3A_575 = arith.constant 0 : i32
        %gather3A_576 = arith.constant 0 : i32
        %gather3A_577 = tpu.memref_slice %arg4[%rem3A_57, %gather3A_575, %gather3A_576] : memref<3x64x128xf32, #tpu.memory_space<vmem>> -> memref<1x64x128xf32, #tpu.memory_space<vmem>>
        %gather3A_578 = tpu.memref_squeeze %gather3A_577 : memref<1x64x128xf32, #tpu.memory_space<vmem>> -> memref<64x128xf32, #tpu.memory_space<vmem>>
        %gather3A_579 = tpu.vector_load_idx %gather3A_578[%and3A_568, %add3A_574] : memref<64x128xf32, #tpu.memory_space<vmem>>[vector<16xi32>, vector<16xi32>], vector<16xf32>,
        %add3A_580 = arith.constant 0 : i32
        %add3A_581 = vector.broadcast %add3A_580 : i32 to vector<16xi32>
        %add3A_582 = arith.addi %iota3A, %add3A_581 : vector<16xi32>
        %and3A_583 = arith.constant 63 : i32
        %and3A_584 = vector.broadcast %and3A_583 : i32 to vector<16xi32>
        %and3A_585 = arith.andi %add3A_582, %and3A_584 : vector<16xi32>
        %mul3A_586 = arith.constant 2 : i32
        %mul3A_587 = vector.broadcast %mul3A_586 : i32 to vector<16xi32>
        %mul3A_588 = arith.muli %mul3A_587, %and3A_511 : vector<16xi32>
        %add3A_589 = arith.constant 1 : i32
        %add3A_590 = vector.broadcast %add3A_589 : i32 to vector<16xi32>
        %add3A_591 = arith.addi %mul3A_588, %add3A_590 : vector<16xi32>
        %gather3A_592 = arith.constant 0 : i32
        %gather3A_593 = arith.constant 0 : i32
        %gather3A_594 = tpu.memref_slice %arg4[%rem3A_57, %gather3A_592, %gather3A_593] : memref<3x64x128xf32, #tpu.memory_space<vmem>> -> memref<1x64x128xf32, #tpu.memory_space<vmem>>
        %gather3A_595 = tpu.memref_squeeze %gather3A_594 : memref<1x64x128xf32, #tpu.memory_space<vmem>> -> memref<64x128xf32, #tpu.memory_space<vmem>>
        %gather3A_596 = tpu.vector_load_idx %gather3A_595[%and3A_585, %add3A_591] : memref<64x128xf32, #tpu.memory_space<vmem>>[vector<16xi32>, vector<16xi32>], vector<16xf32>,
        %add3A_597 = arith.constant 16 : i32
        %add3A_598 = vector.broadcast %add3A_597 : i32 to vector<16xi32>
        %add3A_599 = arith.addi %iota3A, %add3A_598 : vector<16xi32>
        %and3A_600 = arith.constant 63 : i32
        %and3A_601 = vector.broadcast %and3A_600 : i32 to vector<16xi32>
        %and3A_602 = arith.andi %add3A_599, %and3A_601 : vector<16xi32>
        %mul3A_603 = arith.constant 2 : i32
        %mul3A_604 = vector.broadcast %mul3A_603 : i32 to vector<16xi32>
        %mul3A_605 = arith.muli %mul3A_604, %and3A_511 : vector<16xi32>
        %add3A_606 = arith.constant 1 : i32
        %add3A_607 = vector.broadcast %add3A_606 : i32 to vector<16xi32>
        %add3A_608 = arith.addi %mul3A_605, %add3A_607 : vector<16xi32>
        %gather3A_609 = arith.constant 0 : i32
        %gather3A_610 = arith.constant 0 : i32
        %gather3A_611 = tpu.memref_slice %arg4[%rem3A_57, %gather3A_609, %gather3A_610] : memref<3x64x128xf32, #tpu.memory_space<vmem>> -> memref<1x64x128xf32, #tpu.memory_space<vmem>>
        %gather3A_612 = tpu.memref_squeeze %gather3A_611 : memref<1x64x128xf32, #tpu.memory_space<vmem>> -> memref<64x128xf32, #tpu.memory_space<vmem>>
        %gather3A_613 = tpu.vector_load_idx %gather3A_612[%and3A_602, %add3A_608] : memref<64x128xf32, #tpu.memory_space<vmem>>[vector<16xi32>, vector<16xi32>], vector<16xf32>,
        %add3A_614 = arith.constant 32 : i32
        %add3A_615 = vector.broadcast %add3A_614 : i32 to vector<16xi32>
        %add3A_616 = arith.addi %iota3A, %add3A_615 : vector<16xi32>
        %and3A_617 = arith.constant 63 : i32
        %and3A_618 = vector.broadcast %and3A_617 : i32 to vector<16xi32>
        %and3A_619 = arith.andi %add3A_616, %and3A_618 : vector<16xi32>
        %mul3A_620 = arith.constant 2 : i32
        %mul3A_621 = vector.broadcast %mul3A_620 : i32 to vector<16xi32>
        %mul3A_622 = arith.muli %mul3A_621, %and3A_511 : vector<16xi32>
        %add3A_623 = arith.constant 1 : i32
        %add3A_624 = vector.broadcast %add3A_623 : i32 to vector<16xi32>
        %add3A_625 = arith.addi %mul3A_622, %add3A_624 : vector<16xi32>
        %gather3A_626 = arith.constant 0 : i32
        %gather3A_627 = arith.constant 0 : i32
        %gather3A_628 = tpu.memref_slice %arg4[%rem3A_57, %gather3A_626, %gather3A_627] : memref<3x64x128xf32, #tpu.memory_space<vmem>> -> memref<1x64x128xf32, #tpu.memory_space<vmem>>
        %gather3A_629 = tpu.memref_squeeze %gather3A_628 : memref<1x64x128xf32, #tpu.memory_space<vmem>> -> memref<64x128xf32, #tpu.memory_space<vmem>>
        %gather3A_630 = tpu.vector_load_idx %gather3A_629[%and3A_619, %add3A_625] : memref<64x128xf32, #tpu.memory_space<vmem>>[vector<16xi32>, vector<16xi32>], vector<16xf32>,
        %add3A_631 = arith.constant 48 : i32
        %add3A_632 = vector.broadcast %add3A_631 : i32 to vector<16xi32>
        %add3A_633 = arith.addi %iota3A, %add3A_632 : vector<16xi32>
        %and3A_634 = arith.constant 63 : i32
        %and3A_635 = vector.broadcast %and3A_634 : i32 to vector<16xi32>
        %and3A_636 = arith.andi %add3A_633, %and3A_635 : vector<16xi32>
        %mul3A_637 = arith.constant 2 : i32
        %mul3A_638 = vector.broadcast %mul3A_637 : i32 to vector<16xi32>
        %mul3A_639 = arith.muli %mul3A_638, %and3A_511 : vector<16xi32>
        %add3A_640 = arith.constant 1 : i32
        %add3A_641 = vector.broadcast %add3A_640 : i32 to vector<16xi32>
        %add3A_642 = arith.addi %mul3A_639, %add3A_641 : vector<16xi32>
        %gather3A_643 = arith.constant 0 : i32
        %gather3A_644 = arith.constant 0 : i32
        %gather3A_645 = tpu.memref_slice %arg4[%rem3A_57, %gather3A_643, %gather3A_644] : memref<3x64x128xf32, #tpu.memory_space<vmem>> -> memref<1x64x128xf32, #tpu.memory_space<vmem>>
        %gather3A_646 = tpu.memref_squeeze %gather3A_645 : memref<1x64x128xf32, #tpu.memory_space<vmem>> -> memref<64x128xf32, #tpu.memory_space<vmem>>
        %gather3A_647 = tpu.vector_load_idx %gather3A_646[%and3A_636, %add3A_642] : memref<64x128xf32, #tpu.memory_space<vmem>>[vector<16xi32>, vector<16xi32>], vector<16xf32>,
        %add3A_648 = arith.constant 0 : i32
        %add3A_649 = vector.broadcast %add3A_648 : i32 to vector<16xi32>
        %add3A_650 = arith.addi %iota3A, %add3A_649 : vector<16xi32>
        %scatter3A_651 = arith.constant 0 : i32
        %scatter3A_652 = arith.constant 0 : i32
        %scatter3A_653 = tpu.memref_slice %arg5[%rem3A_85, %scatter3A_651, %scatter3A_652] : memref<2x64x128xf32, #tpu.memory_space<vmem>> -> memref<1x64x128xf32, #tpu.memory_space<vmem>>
        %scatter3A_654 = tpu.memref_squeeze %scatter3A_653 : memref<1x64x128xf32, #tpu.memory_space<vmem>> -> memref<64x128xf32, #tpu.memory_space<vmem>>
        tpu.vector_store_idx %scatter3A_654[%and3A_511, %add3A_650], %gather3A_528 : memref<64x128xf32, #tpu.memory_space<vmem>>[vector<16xi32>, vector<16xi32>], vector<16xf32>,
        %add3A_655 = arith.constant 16 : i32
        %add3A_656 = vector.broadcast %add3A_655 : i32 to vector<16xi32>
        %add3A_657 = arith.addi %iota3A, %add3A_656 : vector<16xi32>
        %scatter3A_658 = arith.constant 0 : i32
        %scatter3A_659 = arith.constant 0 : i32
        %scatter3A_660 = tpu.memref_slice %arg5[%rem3A_85, %scatter3A_658, %scatter3A_659] : memref<2x64x128xf32, #tpu.memory_space<vmem>> -> memref<1x64x128xf32, #tpu.memory_space<vmem>>
        %scatter3A_661 = tpu.memref_squeeze %scatter3A_660 : memref<1x64x128xf32, #tpu.memory_space<vmem>> -> memref<64x128xf32, #tpu.memory_space<vmem>>
        tpu.vector_store_idx %scatter3A_661[%and3A_511, %add3A_657], %gather3A_545 : memref<64x128xf32, #tpu.memory_space<vmem>>[vector<16xi32>, vector<16xi32>], vector<16xf32>,
        %add3A_662 = arith.constant 32 : i32
        %add3A_663 = vector.broadcast %add3A_662 : i32 to vector<16xi32>
        %add3A_664 = arith.addi %iota3A, %add3A_663 : vector<16xi32>
        %scatter3A_665 = arith.constant 0 : i32
        %scatter3A_666 = arith.constant 0 : i32
        %scatter3A_667 = tpu.memref_slice %arg5[%rem3A_85, %scatter3A_665, %scatter3A_666] : memref<2x64x128xf32, #tpu.memory_space<vmem>> -> memref<1x64x128xf32, #tpu.memory_space<vmem>>
        %scatter3A_668 = tpu.memref_squeeze %scatter3A_667 : memref<1x64x128xf32, #tpu.memory_space<vmem>> -> memref<64x128xf32, #tpu.memory_space<vmem>>
        tpu.vector_store_idx %scatter3A_668[%and3A_511, %add3A_664], %gather3A_562 : memref<64x128xf32, #tpu.memory_space<vmem>>[vector<16xi32>, vector<16xi32>], vector<16xf32>,
        %add3A_669 = arith.constant 48 : i32
        %add3A_670 = vector.broadcast %add3A_669 : i32 to vector<16xi32>
        %add3A_671 = arith.addi %iota3A, %add3A_670 : vector<16xi32>
        %scatter3A_672 = arith.constant 0 : i32
        %scatter3A_673 = arith.constant 0 : i32
        %scatter3A_674 = tpu.memref_slice %arg5[%rem3A_85, %scatter3A_672, %scatter3A_673] : memref<2x64x128xf32, #tpu.memory_space<vmem>> -> memref<1x64x128xf32, #tpu.memory_space<vmem>>
        %scatter3A_675 = tpu.memref_squeeze %scatter3A_674 : memref<1x64x128xf32, #tpu.memory_space<vmem>> -> memref<64x128xf32, #tpu.memory_space<vmem>>
        tpu.vector_store_idx %scatter3A_675[%and3A_511, %add3A_671], %gather3A_579 : memref<64x128xf32, #tpu.memory_space<vmem>>[vector<16xi32>, vector<16xi32>], vector<16xf32>,
        %add3A_676 = arith.constant 64 : i32
        %add3A_677 = vector.broadcast %add3A_676 : i32 to vector<16xi32>
        %add3A_678 = arith.addi %iota3A, %add3A_677 : vector<16xi32>
        %scatter3A_679 = arith.constant 0 : i32
        %scatter3A_680 = arith.constant 0 : i32
        %scatter3A_681 = tpu.memref_slice %arg5[%rem3A_85, %scatter3A_679, %scatter3A_680] : memref<2x64x128xf32, #tpu.memory_space<vmem>> -> memref<1x64x128xf32, #tpu.memory_space<vmem>>
        %scatter3A_682 = tpu.memref_squeeze %scatter3A_681 : memref<1x64x128xf32, #tpu.memory_space<vmem>> -> memref<64x128xf32, #tpu.memory_space<vmem>>
        tpu.vector_store_idx %scatter3A_682[%and3A_511, %add3A_678], %gather3A_596 : memref<64x128xf32, #tpu.memory_space<vmem>>[vector<16xi32>, vector<16xi32>], vector<16xf32>,
        %add3A_683 = arith.constant 80 : i32
        %add3A_684 = vector.broadcast %add3A_683 : i32 to vector<16xi32>
        %add3A_685 = arith.addi %iota3A, %add3A_684 : vector<16xi32>
        %scatter3A_686 = arith.constant 0 : i32
        %scatter3A_687 = arith.constant 0 : i32
        %scatter3A_688 = tpu.memref_slice %arg5[%rem3A_85, %scatter3A_686, %scatter3A_687] : memref<2x64x128xf32, #tpu.memory_space<vmem>> -> memref<1x64x128xf32, #tpu.memory_space<vmem>>
        %scatter3A_689 = tpu.memref_squeeze %scatter3A_688 : memref<1x64x128xf32, #tpu.memory_space<vmem>> -> memref<64x128xf32, #tpu.memory_space<vmem>>
        tpu.vector_store_idx %scatter3A_689[%and3A_511, %add3A_685], %gather3A_613 : memref<64x128xf32, #tpu.memory_space<vmem>>[vector<16xi32>, vector<16xi32>], vector<16xf32>,
        %add3A_690 = arith.constant 96 : i32
        %add3A_691 = vector.broadcast %add3A_690 : i32 to vector<16xi32>
        %add3A_692 = arith.addi %iota3A, %add3A_691 : vector<16xi32>
        %scatter3A_693 = arith.constant 0 : i32
        %scatter3A_694 = arith.constant 0 : i32
        %scatter3A_695 = tpu.memref_slice %arg5[%rem3A_85, %scatter3A_693, %scatter3A_694] : memref<2x64x128xf32, #tpu.memory_space<vmem>> -> memref<1x64x128xf32, #tpu.memory_space<vmem>>
        %scatter3A_696 = tpu.memref_squeeze %scatter3A_695 : memref<1x64x128xf32, #tpu.memory_space<vmem>> -> memref<64x128xf32, #tpu.memory_space<vmem>>
        tpu.vector_store_idx %scatter3A_696[%and3A_511, %add3A_692], %gather3A_630 : memref<64x128xf32, #tpu.memory_space<vmem>>[vector<16xi32>, vector<16xi32>], vector<16xf32>,
        %add3A_697 = arith.constant 112 : i32
        %add3A_698 = vector.broadcast %add3A_697 : i32 to vector<16xi32>
        %add3A_699 = arith.addi %iota3A, %add3A_698 : vector<16xi32>
        %scatter3A_700 = arith.constant 0 : i32
        %scatter3A_701 = arith.constant 0 : i32
        %scatter3A_702 = tpu.memref_slice %arg5[%rem3A_85, %scatter3A_700, %scatter3A_701] : memref<2x64x128xf32, #tpu.memory_space<vmem>> -> memref<1x64x128xf32, #tpu.memory_space<vmem>>
        %scatter3A_703 = tpu.memref_squeeze %scatter3A_702 : memref<1x64x128xf32, #tpu.memory_space<vmem>> -> memref<64x128xf32, #tpu.memory_space<vmem>>
        tpu.vector_store_idx %scatter3A_703[%and3A_511, %add3A_699], %gather3A_647 : memref<64x128xf32, #tpu.memory_space<vmem>>[vector<16xi32>, vector<16xi32>], vector<16xf32>,
        %scan3A_704 = arith.constant 3 : i32
        %scan3A_705 = arith.addi %scan3A_111, %scan3A_704 : i32
        %add3A_706 = vector.broadcast %scan3A_705 : i32 to vector<16xi32>
        %add3A_707 = arith.addi %iota3A, %add3A_706 : vector<16xi32>
        %and3A_708 = arith.constant 63 : i32
        %and3A_709 = vector.broadcast %and3A_708 : i32 to vector<16xi32>
        %and3A_710 = arith.andi %add3A_707, %and3A_709 : vector<16xi32>
        %add3A_711 = arith.constant 0 : i32
        %add3A_712 = vector.broadcast %add3A_711 : i32 to vector<16xi32>
        %add3A_713 = arith.addi %iota3A, %add3A_712 : vector<16xi32>
        %and3A_714 = arith.constant 63 : i32
        %and3A_715 = vector.broadcast %and3A_714 : i32 to vector<16xi32>
        %and3A_716 = arith.andi %add3A_713, %and3A_715 : vector<16xi32>
        %mul3A_717 = arith.constant 2 : i32
        %mul3A_718 = vector.broadcast %mul3A_717 : i32 to vector<16xi32>
        %mul3A_719 = arith.muli %mul3A_718, %and3A_710 : vector<16xi32>
        %add3A_720 = arith.constant 0 : i32
        %add3A_721 = vector.broadcast %add3A_720 : i32 to vector<16xi32>
        %add3A_722 = arith.addi %mul3A_719, %add3A_721 : vector<16xi32>
        %gather3A_723 = arith.constant 0 : i32
        %gather3A_724 = arith.constant 0 : i32
        %gather3A_725 = tpu.memref_slice %arg4[%rem3A_57, %gather3A_723, %gather3A_724] : memref<3x64x128xf32, #tpu.memory_space<vmem>> -> memref<1x64x128xf32, #tpu.memory_space<vmem>>
        %gather3A_726 = tpu.memref_squeeze %gather3A_725 : memref<1x64x128xf32, #tpu.memory_space<vmem>> -> memref<64x128xf32, #tpu.memory_space<vmem>>
        %gather3A_727 = tpu.vector_load_idx %gather3A_726[%and3A_716, %add3A_722] : memref<64x128xf32, #tpu.memory_space<vmem>>[vector<16xi32>, vector<16xi32>], vector<16xf32>,
        %add3A_728 = arith.constant 16 : i32
        %add3A_729 = vector.broadcast %add3A_728 : i32 to vector<16xi32>
        %add3A_730 = arith.addi %iota3A, %add3A_729 : vector<16xi32>
        %and3A_731 = arith.constant 63 : i32
        %and3A_732 = vector.broadcast %and3A_731 : i32 to vector<16xi32>
        %and3A_733 = arith.andi %add3A_730, %and3A_732 : vector<16xi32>
        %mul3A_734 = arith.constant 2 : i32
        %mul3A_735 = vector.broadcast %mul3A_734 : i32 to vector<16xi32>
        %mul3A_736 = arith.muli %mul3A_735, %and3A_710 : vector<16xi32>
        %add3A_737 = arith.constant 0 : i32
        %add3A_738 = vector.broadcast %add3A_737 : i32 to vector<16xi32>
        %add3A_739 = arith.addi %mul3A_736, %add3A_738 : vector<16xi32>
        %gather3A_740 = arith.constant 0 : i32
        %gather3A_741 = arith.constant 0 : i32
        %gather3A_742 = tpu.memref_slice %arg4[%rem3A_57, %gather3A_740, %gather3A_741] : memref<3x64x128xf32, #tpu.memory_space<vmem>> -> memref<1x64x128xf32, #tpu.memory_space<vmem>>
        %gather3A_743 = tpu.memref_squeeze %gather3A_742 : memref<1x64x128xf32, #tpu.memory_space<vmem>> -> memref<64x128xf32, #tpu.memory_space<vmem>>
        %gather3A_744 = tpu.vector_load_idx %gather3A_743[%and3A_733, %add3A_739] : memref<64x128xf32, #tpu.memory_space<vmem>>[vector<16xi32>, vector<16xi32>], vector<16xf32>,
        %add3A_745 = arith.constant 32 : i32
        %add3A_746 = vector.broadcast %add3A_745 : i32 to vector<16xi32>
        %add3A_747 = arith.addi %iota3A, %add3A_746 : vector<16xi32>
        %and3A_748 = arith.constant 63 : i32
        %and3A_749 = vector.broadcast %and3A_748 : i32 to vector<16xi32>
        %and3A_750 = arith.andi %add3A_747, %and3A_749 : vector<16xi32>
        %mul3A_751 = arith.constant 2 : i32
        %mul3A_752 = vector.broadcast %mul3A_751 : i32 to vector<16xi32>
        %mul3A_753 = arith.muli %mul3A_752, %and3A_710 : vector<16xi32>
        %add3A_754 = arith.constant 0 : i32
        %add3A_755 = vector.broadcast %add3A_754 : i32 to vector<16xi32>
        %add3A_756 = arith.addi %mul3A_753, %add3A_755 : vector<16xi32>
        %gather3A_757 = arith.constant 0 : i32
        %gather3A_758 = arith.constant 0 : i32
        %gather3A_759 = tpu.memref_slice %arg4[%rem3A_57, %gather3A_757, %gather3A_758] : memref<3x64x128xf32, #tpu.memory_space<vmem>> -> memref<1x64x128xf32, #tpu.memory_space<vmem>>
        %gather3A_760 = tpu.memref_squeeze %gather3A_759 : memref<1x64x128xf32, #tpu.memory_space<vmem>> -> memref<64x128xf32, #tpu.memory_space<vmem>>
        %gather3A_761 = tpu.vector_load_idx %gather3A_760[%and3A_750, %add3A_756] : memref<64x128xf32, #tpu.memory_space<vmem>>[vector<16xi32>, vector<16xi32>], vector<16xf32>,
        %add3A_762 = arith.constant 48 : i32
        %add3A_763 = vector.broadcast %add3A_762 : i32 to vector<16xi32>
        %add3A_764 = arith.addi %iota3A, %add3A_763 : vector<16xi32>
        %and3A_765 = arith.constant 63 : i32
        %and3A_766 = vector.broadcast %and3A_765 : i32 to vector<16xi32>
        %and3A_767 = arith.andi %add3A_764, %and3A_766 : vector<16xi32>
        %mul3A_768 = arith.constant 2 : i32
        %mul3A_769 = vector.broadcast %mul3A_768 : i32 to vector<16xi32>
        %mul3A_770 = arith.muli %mul3A_769, %and3A_710 : vector<16xi32>
        %add3A_771 = arith.constant 0 : i32
        %add3A_772 = vector.broadcast %add3A_771 : i32 to vector<16xi32>
        %add3A_773 = arith.addi %mul3A_770, %add3A_772 : vector<16xi32>
        %gather3A_774 = arith.constant 0 : i32
        %gather3A_775 = arith.constant 0 : i32
        %gather3A_776 = tpu.memref_slice %arg4[%rem3A_57, %gather3A_774, %gather3A_775] : memref<3x64x128xf32, #tpu.memory_space<vmem>> -> memref<1x64x128xf32, #tpu.memory_space<vmem>>
        %gather3A_777 = tpu.memref_squeeze %gather3A_776 : memref<1x64x128xf32, #tpu.memory_space<vmem>> -> memref<64x128xf32, #tpu.memory_space<vmem>>
        %gather3A_778 = tpu.vector_load_idx %gather3A_777[%and3A_767, %add3A_773] : memref<64x128xf32, #tpu.memory_space<vmem>>[vector<16xi32>, vector<16xi32>], vector<16xf32>,
        %add3A_779 = arith.constant 0 : i32
        %add3A_780 = vector.broadcast %add3A_779 : i32 to vector<16xi32>
        %add3A_781 = arith.addi %iota3A, %add3A_780 : vector<16xi32>
        %and3A_782 = arith.constant 63 : i32
        %and3A_783 = vector.broadcast %and3A_782 : i32 to vector<16xi32>
        %and3A_784 = arith.andi %add3A_781, %and3A_783 : vector<16xi32>
        %mul3A_785 = arith.constant 2 : i32
        %mul3A_786 = vector.broadcast %mul3A_785 : i32 to vector<16xi32>
        %mul3A_787 = arith.muli %mul3A_786, %and3A_710 : vector<16xi32>
        %add3A_788 = arith.constant 1 : i32
        %add3A_789 = vector.broadcast %add3A_788 : i32 to vector<16xi32>
        %add3A_790 = arith.addi %mul3A_787, %add3A_789 : vector<16xi32>
        %gather3A_791 = arith.constant 0 : i32
        %gather3A_792 = arith.constant 0 : i32
        %gather3A_793 = tpu.memref_slice %arg4[%rem3A_57, %gather3A_791, %gather3A_792] : memref<3x64x128xf32, #tpu.memory_space<vmem>> -> memref<1x64x128xf32, #tpu.memory_space<vmem>>
        %gather3A_794 = tpu.memref_squeeze %gather3A_793 : memref<1x64x128xf32, #tpu.memory_space<vmem>> -> memref<64x128xf32, #tpu.memory_space<vmem>>
        %gather3A_795 = tpu.vector_load_idx %gather3A_794[%and3A_784, %add3A_790] : memref<64x128xf32, #tpu.memory_space<vmem>>[vector<16xi32>, vector<16xi32>], vector<16xf32>,
        %add3A_796 = arith.constant 16 : i32
        %add3A_797 = vector.broadcast %add3A_796 : i32 to vector<16xi32>
        %add3A_798 = arith.addi %iota3A, %add3A_797 : vector<16xi32>
        %and3A_799 = arith.constant 63 : i32
        %and3A_800 = vector.broadcast %and3A_799 : i32 to vector<16xi32>
        %and3A_801 = arith.andi %add3A_798, %and3A_800 : vector<16xi32>
        %mul3A_802 = arith.constant 2 : i32
        %mul3A_803 = vector.broadcast %mul3A_802 : i32 to vector<16xi32>
        %mul3A_804 = arith.muli %mul3A_803, %and3A_710 : vector<16xi32>
        %add3A_805 = arith.constant 1 : i32
        %add3A_806 = vector.broadcast %add3A_805 : i32 to vector<16xi32>
        %add3A_807 = arith.addi %mul3A_804, %add3A_806 : vector<16xi32>
        %gather3A_808 = arith.constant 0 : i32
        %gather3A_809 = arith.constant 0 : i32
        %gather3A_810 = tpu.memref_slice %arg4[%rem3A_57, %gather3A_808, %gather3A_809] : memref<3x64x128xf32, #tpu.memory_space<vmem>> -> memref<1x64x128xf32, #tpu.memory_space<vmem>>
        %gather3A_811 = tpu.memref_squeeze %gather3A_810 : memref<1x64x128xf32, #tpu.memory_space<vmem>> -> memref<64x128xf32, #tpu.memory_space<vmem>>
        %gather3A_812 = tpu.vector_load_idx %gather3A_811[%and3A_801, %add3A_807] : memref<64x128xf32, #tpu.memory_space<vmem>>[vector<16xi32>, vector<16xi32>], vector<16xf32>,
        %add3A_813 = arith.constant 32 : i32
        %add3A_814 = vector.broadcast %add3A_813 : i32 to vector<16xi32>
        %add3A_815 = arith.addi %iota3A, %add3A_814 : vector<16xi32>
        %and3A_816 = arith.constant 63 : i32
        %and3A_817 = vector.broadcast %and3A_816 : i32 to vector<16xi32>
        %and3A_818 = arith.andi %add3A_815, %and3A_817 : vector<16xi32>
        %mul3A_819 = arith.constant 2 : i32
        %mul3A_820 = vector.broadcast %mul3A_819 : i32 to vector<16xi32>
        %mul3A_821 = arith.muli %mul3A_820, %and3A_710 : vector<16xi32>
        %add3A_822 = arith.constant 1 : i32
        %add3A_823 = vector.broadcast %add3A_822 : i32 to vector<16xi32>
        %add3A_824 = arith.addi %mul3A_821, %add3A_823 : vector<16xi32>
        %gather3A_825 = arith.constant 0 : i32
        %gather3A_826 = arith.constant 0 : i32
        %gather3A_827 = tpu.memref_slice %arg4[%rem3A_57, %gather3A_825, %gather3A_826] : memref<3x64x128xf32, #tpu.memory_space<vmem>> -> memref<1x64x128xf32, #tpu.memory_space<vmem>>
        %gather3A_828 = tpu.memref_squeeze %gather3A_827 : memref<1x64x128xf32, #tpu.memory_space<vmem>> -> memref<64x128xf32, #tpu.memory_space<vmem>>
        %gather3A_829 = tpu.vector_load_idx %gather3A_828[%and3A_818, %add3A_824] : memref<64x128xf32, #tpu.memory_space<vmem>>[vector<16xi32>, vector<16xi32>], vector<16xf32>,
        %add3A_830 = arith.constant 48 : i32
        %add3A_831 = vector.broadcast %add3A_830 : i32 to vector<16xi32>
        %add3A_832 = arith.addi %iota3A, %add3A_831 : vector<16xi32>
        %and3A_833 = arith.constant 63 : i32
        %and3A_834 = vector.broadcast %and3A_833 : i32 to vector<16xi32>
        %and3A_835 = arith.andi %add3A_832, %and3A_834 : vector<16xi32>
        %mul3A_836 = arith.constant 2 : i32
        %mul3A_837 = vector.broadcast %mul3A_836 : i32 to vector<16xi32>
        %mul3A_838 = arith.muli %mul3A_837, %and3A_710 : vector<16xi32>
        %add3A_839 = arith.constant 1 : i32
        %add3A_840 = vector.broadcast %add3A_839 : i32 to vector<16xi32>
        %add3A_841 = arith.addi %mul3A_838, %add3A_840 : vector<16xi32>
        %gather3A_842 = arith.constant 0 : i32
        %gather3A_843 = arith.constant 0 : i32
        %gather3A_844 = tpu.memref_slice %arg4[%rem3A_57, %gather3A_842, %gather3A_843] : memref<3x64x128xf32, #tpu.memory_space<vmem>> -> memref<1x64x128xf32, #tpu.memory_space<vmem>>
        %gather3A_845 = tpu.memref_squeeze %gather3A_844 : memref<1x64x128xf32, #tpu.memory_space<vmem>> -> memref<64x128xf32, #tpu.memory_space<vmem>>
        %gather3A_846 = tpu.vector_load_idx %gather3A_845[%and3A_835, %add3A_841] : memref<64x128xf32, #tpu.memory_space<vmem>>[vector<16xi32>, vector<16xi32>], vector<16xf32>,
        %add3A_847 = arith.constant 0 : i32
        %add3A_848 = vector.broadcast %add3A_847 : i32 to vector<16xi32>
        %add3A_849 = arith.addi %iota3A, %add3A_848 : vector<16xi32>
        %scatter3A_850 = arith.constant 0 : i32
        %scatter3A_851 = arith.constant 0 : i32
        %scatter3A_852 = tpu.memref_slice %arg5[%rem3A_85, %scatter3A_850, %scatter3A_851] : memref<2x64x128xf32, #tpu.memory_space<vmem>> -> memref<1x64x128xf32, #tpu.memory_space<vmem>>
        %scatter3A_853 = tpu.memref_squeeze %scatter3A_852 : memref<1x64x128xf32, #tpu.memory_space<vmem>> -> memref<64x128xf32, #tpu.memory_space<vmem>>
        tpu.vector_store_idx %scatter3A_853[%and3A_710, %add3A_849], %gather3A_727 : memref<64x128xf32, #tpu.memory_space<vmem>>[vector<16xi32>, vector<16xi32>], vector<16xf32>,
        %add3A_854 = arith.constant 16 : i32
        %add3A_855 = vector.broadcast %add3A_854 : i32 to vector<16xi32>
        %add3A_856 = arith.addi %iota3A, %add3A_855 : vector<16xi32>
        %scatter3A_857 = arith.constant 0 : i32
        %scatter3A_858 = arith.constant 0 : i32
        %scatter3A_859 = tpu.memref_slice %arg5[%rem3A_85, %scatter3A_857, %scatter3A_858] : memref<2x64x128xf32, #tpu.memory_space<vmem>> -> memref<1x64x128xf32, #tpu.memory_space<vmem>>
        %scatter3A_860 = tpu.memref_squeeze %scatter3A_859 : memref<1x64x128xf32, #tpu.memory_space<vmem>> -> memref<64x128xf32, #tpu.memory_space<vmem>>
        tpu.vector_store_idx %scatter3A_860[%and3A_710, %add3A_856], %gather3A_744 : memref<64x128xf32, #tpu.memory_space<vmem>>[vector<16xi32>, vector<16xi32>], vector<16xf32>,
        %add3A_861 = arith.constant 32 : i32
        %add3A_862 = vector.broadcast %add3A_861 : i32 to vector<16xi32>
        %add3A_863 = arith.addi %iota3A, %add3A_862 : vector<16xi32>
        %scatter3A_864 = arith.constant 0 : i32
        %scatter3A_865 = arith.constant 0 : i32
        %scatter3A_866 = tpu.memref_slice %arg5[%rem3A_85, %scatter3A_864, %scatter3A_865] : memref<2x64x128xf32, #tpu.memory_space<vmem>> -> memref<1x64x128xf32, #tpu.memory_space<vmem>>
        %scatter3A_867 = tpu.memref_squeeze %scatter3A_866 : memref<1x64x128xf32, #tpu.memory_space<vmem>> -> memref<64x128xf32, #tpu.memory_space<vmem>>
        tpu.vector_store_idx %scatter3A_867[%and3A_710, %add3A_863], %gather3A_761 : memref<64x128xf32, #tpu.memory_space<vmem>>[vector<16xi32>, vector<16xi32>], vector<16xf32>,
        %add3A_868 = arith.constant 48 : i32
        %add3A_869 = vector.broadcast %add3A_868 : i32 to vector<16xi32>
        %add3A_870 = arith.addi %iota3A, %add3A_869 : vector<16xi32>
        %scatter3A_871 = arith.constant 0 : i32
        %scatter3A_872 = arith.constant 0 : i32
        %scatter3A_873 = tpu.memref_slice %arg5[%rem3A_85, %scatter3A_871, %scatter3A_872] : memref<2x64x128xf32, #tpu.memory_space<vmem>> -> memref<1x64x128xf32, #tpu.memory_space<vmem>>
        %scatter3A_874 = tpu.memref_squeeze %scatter3A_873 : memref<1x64x128xf32, #tpu.memory_space<vmem>> -> memref<64x128xf32, #tpu.memory_space<vmem>>
        tpu.vector_store_idx %scatter3A_874[%and3A_710, %add3A_870], %gather3A_778 : memref<64x128xf32, #tpu.memory_space<vmem>>[vector<16xi32>, vector<16xi32>], vector<16xf32>,
        %add3A_875 = arith.constant 64 : i32
        %add3A_876 = vector.broadcast %add3A_875 : i32 to vector<16xi32>
        %add3A_877 = arith.addi %iota3A, %add3A_876 : vector<16xi32>
        %scatter3A_878 = arith.constant 0 : i32
        %scatter3A_879 = arith.constant 0 : i32
        %scatter3A_880 = tpu.memref_slice %arg5[%rem3A_85, %scatter3A_878, %scatter3A_879] : memref<2x64x128xf32, #tpu.memory_space<vmem>> -> memref<1x64x128xf32, #tpu.memory_space<vmem>>
        %scatter3A_881 = tpu.memref_squeeze %scatter3A_880 : memref<1x64x128xf32, #tpu.memory_space<vmem>> -> memref<64x128xf32, #tpu.memory_space<vmem>>
        tpu.vector_store_idx %scatter3A_881[%and3A_710, %add3A_877], %gather3A_795 : memref<64x128xf32, #tpu.memory_space<vmem>>[vector<16xi32>, vector<16xi32>], vector<16xf32>,
        %add3A_882 = arith.constant 80 : i32
        %add3A_883 = vector.broadcast %add3A_882 : i32 to vector<16xi32>
        %add3A_884 = arith.addi %iota3A, %add3A_883 : vector<16xi32>
        %scatter3A_885 = arith.constant 0 : i32
        %scatter3A_886 = arith.constant 0 : i32
        %scatter3A_887 = tpu.memref_slice %arg5[%rem3A_85, %scatter3A_885, %scatter3A_886] : memref<2x64x128xf32, #tpu.memory_space<vmem>> -> memref<1x64x128xf32, #tpu.memory_space<vmem>>
        %scatter3A_888 = tpu.memref_squeeze %scatter3A_887 : memref<1x64x128xf32, #tpu.memory_space<vmem>> -> memref<64x128xf32, #tpu.memory_space<vmem>>
        tpu.vector_store_idx %scatter3A_888[%and3A_710, %add3A_884], %gather3A_812 : memref<64x128xf32, #tpu.memory_space<vmem>>[vector<16xi32>, vector<16xi32>], vector<16xf32>,
        %add3A_889 = arith.constant 96 : i32
        %add3A_890 = vector.broadcast %add3A_889 : i32 to vector<16xi32>
        %add3A_891 = arith.addi %iota3A, %add3A_890 : vector<16xi32>
        %scatter3A_892 = arith.constant 0 : i32
        %scatter3A_893 = arith.constant 0 : i32
        %scatter3A_894 = tpu.memref_slice %arg5[%rem3A_85, %scatter3A_892, %scatter3A_893] : memref<2x64x128xf32, #tpu.memory_space<vmem>> -> memref<1x64x128xf32, #tpu.memory_space<vmem>>
        %scatter3A_895 = tpu.memref_squeeze %scatter3A_894 : memref<1x64x128xf32, #tpu.memory_space<vmem>> -> memref<64x128xf32, #tpu.memory_space<vmem>>
        tpu.vector_store_idx %scatter3A_895[%and3A_710, %add3A_891], %gather3A_829 : memref<64x128xf32, #tpu.memory_space<vmem>>[vector<16xi32>, vector<16xi32>], vector<16xf32>,
        %add3A_896 = arith.constant 112 : i32
        %add3A_897 = vector.broadcast %add3A_896 : i32 to vector<16xi32>
        %add3A_898 = arith.addi %iota3A, %add3A_897 : vector<16xi32>
        %scatter3A_899 = arith.constant 0 : i32
        %scatter3A_900 = arith.constant 0 : i32
        %scatter3A_901 = tpu.memref_slice %arg5[%rem3A_85, %scatter3A_899, %scatter3A_900] : memref<2x64x128xf32, #tpu.memory_space<vmem>> -> memref<1x64x128xf32, #tpu.memory_space<vmem>>
        %scatter3A_902 = tpu.memref_squeeze %scatter3A_901 : memref<1x64x128xf32, #tpu.memory_space<vmem>> -> memref<64x128xf32, #tpu.memory_space<vmem>>
        tpu.vector_store_idx %scatter3A_902[%and3A_710, %add3A_898], %gather3A_846 : memref<64x128xf32, #tpu.memory_space<vmem>>[vector<16xi32>, vector<16xi32>], vector<16xf32>,
      }
      %scan3A_90 = arith.constant 64 : i32
      %mul3A_91 = arith.constant 64 : i32
      %mul3A_92 = arith.muli %add3A_60, %mul3A_91 : i32
      %dma_start3A_93 = arith.constant 0 : i32
      %dma_start3A_94 = arith.constant 0 : i32
      %dma_start3A_95 = tpu.memref_slice %arg5[%rem3A_85, %dma_start3A_93, %dma_start3A_94] : memref<2x64x128xf32, #tpu.memory_space<vmem>> -> memref<1x64x128xf32, #tpu.memory_space<vmem>>
      %dma_start3A_96 = tpu.memref_squeeze %dma_start3A_95 : memref<1x64x128xf32, #tpu.memory_space<vmem>> -> memref<64x128xf32, #tpu.memory_space<vmem>>
      %dma_start3A_97 = arith.constant 0 : i32
      %dma_start3A_98 = arith.constant 0 : i32
      %dma_start3A_99 = tpu.memref_slice %dma_start3A_96[%dma_start3A_97, %dma_start3A_98] : memref<64x128xf32, #tpu.memory_space<vmem>> -> memref<64x128xf32, #tpu.memory_space<vmem>>
      %dma_start3A_100 = arith.constant 0 : i32
      %dma_start3A_101 = tpu.memref_slice %arg3[%mul3A_92, %dma_start3A_100] : memref<500000x128xf32, #tpu.memory_space<hbm>> -> memref<64x128xf32, #tpu.memory_space<hbm>>
      %dma_start3A_102 = arith.constant 0 : i32
      %dma_start3A_103 = tpu.memref_slice %arg3[%mul3A_92, %dma_start3A_102] : memref<500000x128xf32, #tpu.memory_space<hbm>> -> memref<64x128xf32, #tpu.memory_space<hbm>>
      %dma_start3A_104 = arith.constant 0 : i32
      %dma_start3A_105 = arith.constant 0 : i32
      %dma_start3A_106 = tpu.memref_slice %arg5[%rem3A_85, %dma_start3A_104, %dma_start3A_105] : memref<2x64x128xf32, #tpu.memory_space<vmem>> -> memref<1x64x128xf32, #tpu.memory_space<vmem>>
      %dma_start3A_107 = tpu.memref_squeeze %dma_start3A_106 : memref<1x64x128xf32, #tpu.memory_space<vmem>> -> memref<64x128xf32, #tpu.memory_space<vmem>>
      %dma_start3A_108 = arith.constant 0 : i32
      %dma_start3A_109 = arith.constant 0 : i32
      %dma_start3A_110 = tpu.memref_slice %dma_start3A_107[%dma_start3A_108, %dma_start3A_109] : memref<64x128xf32, #tpu.memory_space<vmem>> -> memref<64x128xf32, #tpu.memory_space<vmem>>
      tpu.enqueue_dma source(%dma_start3A_110 : memref<64x128xf32, #tpu.memory_space<vmem>>) target(%dma_start3A_103 : memref<64x128xf32, #tpu.memory_space<hbm>>) target_semaphore(%arg7 : memref<!tpu.dma_semaphore, #tpu.memory_space<semaphore_mem>>)
    }
    %while3A_46 = arith.constant 1 : i32
    scf.for %while3A_56 = %while3A_44 to %while3A_40 step %while3A_46  : i32 {
      %rem3A = arith.constant 3 : i32
      %rem3A_57 = arith.remsi %while3A_56, %rem3A : i32
      %mul3A_58 = arith.constant 32 : i32
      %mul3A_59 = arith.muli %mul3A_58, %while3A_56 : i32
      %add3A_60 = arith.addi %add3A, %mul3A_59 : i32
      %mul3A_61 = arith.constant 128 : i32
      %mul3A_62 = arith.muli %add3A_60, %mul3A_61 : i32
      %dma_wait3A = arith.constant 0 : i32
      %dma_wait3A_63 = arith.constant 0 : i32
      %dma_wait3A_64 = tpu.memref_slice %arg4[%rem3A_57, %dma_wait3A, %dma_wait3A_63] : memref<3x64x128xf32, #tpu.memory_space<vmem>> -> memref<1x64x128xf32, #tpu.memory_space<vmem>>
      %dma_wait3A_65 = tpu.memref_squeeze %dma_wait3A_64 : memref<1x64x128xf32, #tpu.memory_space<vmem>> -> memref<64x128xf32, #tpu.memory_space<vmem>>
      %dma_wait3A_66 = arith.constant 0 : i32
      %dma_wait3A_67 = tpu.memref_slice %arg2[%dma_wait3A_66, %mul3A_62] : memref<64x1000000xf32, #tpu.memory_space<hbm>> -> memref<64x128xf32, #tpu.memory_space<hbm>>
      %dma_wait3A_68 = arith.constant 0 : i32
      %dma_wait3A_69 = arith.constant 0 : i32
      %dma_wait3A_70 = tpu.memref_slice %arg4[%rem3A_57, %dma_wait3A_68, %dma_wait3A_69] : memref<3x64x128xf32, #tpu.memory_space<vmem>> -> memref<1x64x128xf32, #tpu.memory_space<vmem>>
      %dma_wait3A_71 = tpu.memref_squeeze %dma_wait3A_70 : memref<1x64x128xf32, #tpu.memory_space<vmem>> -> memref<64x128xf32, #tpu.memory_space<vmem>>
      %dma_wait3A_72 = arith.constant 0 : i32
      %dma_wait3A_73 = tpu.memref_slice %arg2[%dma_wait3A_72, %mul3A_62] : memref<64x1000000xf32, #tpu.memory_space<hbm>> -> memref<64x128xf32, #tpu.memory_space<hbm>>
      tpu.wait_dma2 semaphore(%arg6 : memref<!tpu.dma_semaphore, #tpu.memory_space<semaphore_mem>>) src(%dma_wait3A_73 : memref<64x128xf32, #tpu.memory_space<hbm>>) dst(%dma_wait3A_71 : memref<64x128xf32, #tpu.memory_space<vmem>>)
      %add3A_74 = arith.constant 2 : i32
      %add3A_75 = arith.addi %while3A_56, %add3A_74 : i32
      %lt3A_76 = arith.cmpi slt, %add3A_75, %add3A_4 : i32
      %convert_element_type3A_77 = arith.extui %lt3A_76 : i1 to i32
      %cond3A_78 = arith.constant 0 : i32
      %cond3A_79 = arith.cmpi ne, %convert_element_type3A_77, %cond3A_78 : i32
      scf.if %cond3A_79 {
        %add3A_111 = arith.constant 2 : i32
        %add3A_112 = arith.addi %while3A_56, %add3A_111 : i32
        %mul3A_113 = arith.constant 32 : i32
        %mul3A_114 = arith.muli %mul3A_113, %add3A_112 : i32
        %add3A_115 = arith.addi %add3A, %mul3A_114 : i32
        %mul3A_116 = arith.constant 128 : i32
        %mul3A_117 = arith.muli %add3A_115, %mul3A_116 : i32
        %add3A_118 = arith.constant 2 : i32
        %add3A_119 = arith.addi %while3A_56, %add3A_118 : i32
        %rem3A_120 = arith.constant 3 : i32
        %rem3A_121 = arith.remsi %add3A_119, %rem3A_120 : i32
        %dma_start3A_122 = arith.constant 0 : i32
        %dma_start3A_123 = arith.constant 0 : i32
        %dma_start3A_124 = tpu.memref_slice %arg4[%rem3A_121, %dma_start3A_122, %dma_start3A_123] : memref<3x64x128xf32, #tpu.memory_space<vmem>> -> memref<1x64x128xf32, #tpu.memory_space<vmem>>
        %dma_start3A_125 = tpu.memref_squeeze %dma_start3A_124 : memref<1x64x128xf32, #tpu.memory_space<vmem>> -> memref<64x128xf32, #tpu.memory_space<vmem>>
        %dma_start3A_126 = arith.constant 0 : i32
        %dma_start3A_127 = tpu.memref_slice %arg2[%dma_start3A_126, %mul3A_117] : memref<64x1000000xf32, #tpu.memory_space<hbm>> -> memref<64x128xf32, #tpu.memory_space<hbm>>
        %dma_start3A_128 = arith.constant 0 : i32
        %dma_start3A_129 = arith.constant 0 : i32
        %dma_start3A_130 = tpu.memref_slice %arg4[%rem3A_121, %dma_start3A_128, %dma_start3A_129] : memref<3x64x128xf32, #tpu.memory_space<vmem>> -> memref<1x64x128xf32, #tpu.memory_space<vmem>>
        %dma_start3A_131 = tpu.memref_squeeze %dma_start3A_130 : memref<1x64x128xf32, #tpu.memory_space<vmem>> -> memref<64x128xf32, #tpu.memory_space<vmem>>
        %dma_start3A_132 = arith.constant 0 : i32
        %dma_start3A_133 = tpu.memref_slice %arg2[%dma_start3A_132, %mul3A_117] : memref<64x1000000xf32, #tpu.memory_space<hbm>> -> memref<64x128xf32, #tpu.memory_space<hbm>>
        tpu.enqueue_dma source(%dma_start3A_133 : memref<64x128xf32, #tpu.memory_space<hbm>>) target(%dma_start3A_131 : memref<64x128xf32, #tpu.memory_space<vmem>>) target_semaphore(%arg6 : memref<!tpu.dma_semaphore, #tpu.memory_space<semaphore_mem>>)
      } else {
      }
      %ge3A = arith.constant 2 : i32
      %ge3A_80 = arith.cmpi sge, %while3A_56, %ge3A : i32
      %convert_element_type3A_81 = arith.extui %ge3A_80 : i1 to i32
      %cond3A_82 = arith.constant 0 : i32
      %cond3A_83 = arith.cmpi ne, %convert_element_type3A_81, %cond3A_82 : i32
      scf.if %cond3A_83 {
        %rem3A_111 = arith.constant 2 : i32
        %rem3A_112 = arith.remsi %while3A_56, %rem3A_111 : i32
        %dma_wait3A_113 = arith.constant 0 : i32
        %dma_wait3A_114 = arith.constant 0 : i32
        %dma_wait3A_115 = tpu.memref_slice %arg5[%rem3A_112, %dma_wait3A_113, %dma_wait3A_114] : memref<2x64x128xf32, #tpu.memory_space<vmem>> -> memref<1x64x128xf32, #tpu.memory_space<vmem>>
        %dma_wait3A_116 = tpu.memref_squeeze %dma_wait3A_115 : memref<1x64x128xf32, #tpu.memory_space<vmem>> -> memref<64x128xf32, #tpu.memory_space<vmem>>
        %dma_wait3A_117 = arith.constant 0 : i32
        %dma_wait3A_118 = arith.constant 0 : i32
        %dma_wait3A_119 = tpu.memref_slice %arg3[%dma_wait3A_117, %dma_wait3A_118] : memref<500000x128xf32, #tpu.memory_space<hbm>> -> memref<64x128xf32, #tpu.memory_space<hbm>>
        %dma_wait3A_120 = arith.constant 0 : i32
        %dma_wait3A_121 = arith.constant 0 : i32
        %dma_wait3A_122 = tpu.memref_slice %arg3[%dma_wait3A_120, %dma_wait3A_121] : memref<500000x128xf32, #tpu.memory_space<hbm>> -> memref<64x128xf32, #tpu.memory_space<hbm>>
        %dma_wait3A_123 = arith.constant 0 : i32
        %dma_wait3A_124 = arith.constant 0 : i32
        %dma_wait3A_125 = tpu.memref_slice %arg5[%rem3A_112, %dma_wait3A_123, %dma_wait3A_124] : memref<2x64x128xf32, #tpu.memory_space<vmem>> -> memref<1x64x128xf32, #tpu.memory_space<vmem>>
        %dma_wait3A_126 = tpu.memref_squeeze %dma_wait3A_125 : memref<1x64x128xf32, #tpu.memory_space<vmem>> -> memref<64x128xf32, #tpu.memory_space<vmem>>
        tpu.wait_dma2 semaphore(%arg7 : memref<!tpu.dma_semaphore, #tpu.memory_space<semaphore_mem>>) src(%dma_wait3A_126 : memref<64x128xf32, #tpu.memory_space<vmem>>) dst(%dma_wait3A_122 : memref<64x128xf32, #tpu.memory_space<hbm>>)
      } else {
      }
      %rem3A_84 = arith.constant 2 : i32
      %rem3A_85 = arith.remsi %while3A_56, %rem3A_84 : i32
      %scan3A = arith.constant 0 : i32
      %scan3A_86 = arith.constant 0 : i32
      %scan3A_87 = arith.constant 64 : i32
      %scan3A_88 = arith.addi %scan3A_86, %scan3A_87 : i32
      %scan3A_89 = arith.constant 4 : i32
      scf.for %scan3A_111 = %scan3A_86 to %scan3A_88 step %scan3A_89  : i32 {
        %add3A_112 = vector.broadcast %scan3A_111 : i32 to vector<16xi32>
        %add3A_113 = arith.addi %iota3A, %add3A_112 : vector<16xi32>
        %and3A = arith.constant 63 : i32
        %and3A_114 = vector.broadcast %and3A : i32 to vector<16xi32>
        %and3A_115 = arith.andi %add3A_113, %and3A_114 : vector<16xi32>
        %add3A_116 = arith.constant 0 : i32
        %add3A_117 = vector.broadcast %add3A_116 : i32 to vector<16xi32>
        %add3A_118 = arith.addi %iota3A, %add3A_117 : vector<16xi32>
        %and3A_119 = arith.constant 63 : i32
        %and3A_120 = vector.broadcast %and3A_119 : i32 to vector<16xi32>
        %and3A_121 = arith.andi %add3A_118, %and3A_120 : vector<16xi32>
        %mul3A_122 = arith.constant 2 : i32
        %mul3A_123 = vector.broadcast %mul3A_122 : i32 to vector<16xi32>
        %mul3A_124 = arith.muli %mul3A_123, %and3A_115 : vector<16xi32>
        %add3A_125 = arith.constant 0 : i32
        %add3A_126 = vector.broadcast %add3A_125 : i32 to vector<16xi32>
        %add3A_127 = arith.addi %mul3A_124, %add3A_126 : vector<16xi32>
        %gather3A = arith.constant 0 : i32
        %gather3A_128 = arith.constant 0 : i32
        %gather3A_129 = tpu.memref_slice %arg4[%rem3A_57, %gather3A, %gather3A_128] : memref<3x64x128xf32, #tpu.memory_space<vmem>> -> memref<1x64x128xf32, #tpu.memory_space<vmem>>
        %gather3A_130 = tpu.memref_squeeze %gather3A_129 : memref<1x64x128xf32, #tpu.memory_space<vmem>> -> memref<64x128xf32, #tpu.memory_space<vmem>>
        %gather3A_131 = tpu.vector_load_idx %gather3A_130[%and3A_121, %add3A_127] : memref<64x128xf32, #tpu.memory_space<vmem>>[vector<16xi32>, vector<16xi32>], vector<16xf32>,
        %add3A_132 = arith.constant 16 : i32
        %add3A_133 = vector.broadcast %add3A_132 : i32 to vector<16xi32>
        %add3A_134 = arith.addi %iota3A, %add3A_133 : vector<16xi32>
        %and3A_135 = arith.constant 63 : i32
        %and3A_136 = vector.broadcast %and3A_135 : i32 to vector<16xi32>
        %and3A_137 = arith.andi %add3A_134, %and3A_136 : vector<16xi32>
        %mul3A_138 = arith.constant 2 : i32
        %mul3A_139 = vector.broadcast %mul3A_138 : i32 to vector<16xi32>
        %mul3A_140 = arith.muli %mul3A_139, %and3A_115 : vector<16xi32>
        %add3A_141 = arith.constant 0 : i32
        %add3A_142 = vector.broadcast %add3A_141 : i32 to vector<16xi32>
        %add3A_143 = arith.addi %mul3A_140, %add3A_142 : vector<16xi32>
        %gather3A_144 = arith.constant 0 : i32
        %gather3A_145 = arith.constant 0 : i32
        %gather3A_146 = tpu.memref_slice %arg4[%rem3A_57, %gather3A_144, %gather3A_145] : memref<3x64x128xf32, #tpu.memory_space<vmem>> -> memref<1x64x128xf32, #tpu.memory_space<vmem>>
        %gather3A_147 = tpu.memref_squeeze %gather3A_146 : memref<1x64x128xf32, #tpu.memory_space<vmem>> -> memref<64x128xf32, #tpu.memory_space<vmem>>
        %gather3A_148 = tpu.vector_load_idx %gather3A_147[%and3A_137, %add3A_143] : memref<64x128xf32, #tpu.memory_space<vmem>>[vector<16xi32>, vector<16xi32>], vector<16xf32>,
        %add3A_149 = arith.constant 32 : i32
        %add3A_150 = vector.broadcast %add3A_149 : i32 to vector<16xi32>
        %add3A_151 = arith.addi %iota3A, %add3A_150 : vector<16xi32>
        %and3A_152 = arith.constant 63 : i32
        %and3A_153 = vector.broadcast %and3A_152 : i32 to vector<16xi32>
        %and3A_154 = arith.andi %add3A_151, %and3A_153 : vector<16xi32>
        %mul3A_155 = arith.constant 2 : i32
        %mul3A_156 = vector.broadcast %mul3A_155 : i32 to vector<16xi32>
        %mul3A_157 = arith.muli %mul3A_156, %and3A_115 : vector<16xi32>
        %add3A_158 = arith.constant 0 : i32
        %add3A_159 = vector.broadcast %add3A_158 : i32 to vector<16xi32>
        %add3A_160 = arith.addi %mul3A_157, %add3A_159 : vector<16xi32>
        %gather3A_161 = arith.constant 0 : i32
        %gather3A_162 = arith.constant 0 : i32
        %gather3A_163 = tpu.memref_slice %arg4[%rem3A_57, %gather3A_161, %gather3A_162] : memref<3x64x128xf32, #tpu.memory_space<vmem>> -> memref<1x64x128xf32, #tpu.memory_space<vmem>>
        %gather3A_164 = tpu.memref_squeeze %gather3A_163 : memref<1x64x128xf32, #tpu.memory_space<vmem>> -> memref<64x128xf32, #tpu.memory_space<vmem>>
        %gather3A_165 = tpu.vector_load_idx %gather3A_164[%and3A_154, %add3A_160] : memref<64x128xf32, #tpu.memory_space<vmem>>[vector<16xi32>, vector<16xi32>], vector<16xf32>,
        %add3A_166 = arith.constant 48 : i32
        %add3A_167 = vector.broadcast %add3A_166 : i32 to vector<16xi32>
        %add3A_168 = arith.addi %iota3A, %add3A_167 : vector<16xi32>
        %and3A_169 = arith.constant 63 : i32
        %and3A_170 = vector.broadcast %and3A_169 : i32 to vector<16xi32>
        %and3A_171 = arith.andi %add3A_168, %and3A_170 : vector<16xi32>
        %mul3A_172 = arith.constant 2 : i32
        %mul3A_173 = vector.broadcast %mul3A_172 : i32 to vector<16xi32>
        %mul3A_174 = arith.muli %mul3A_173, %and3A_115 : vector<16xi32>
        %add3A_175 = arith.constant 0 : i32
        %add3A_176 = vector.broadcast %add3A_175 : i32 to vector<16xi32>
        %add3A_177 = arith.addi %mul3A_174, %add3A_176 : vector<16xi32>
        %gather3A_178 = arith.constant 0 : i32
        %gather3A_179 = arith.constant 0 : i32
        %gather3A_180 = tpu.memref_slice %arg4[%rem3A_57, %gather3A_178, %gather3A_179] : memref<3x64x128xf32, #tpu.memory_space<vmem>> -> memref<1x64x128xf32, #tpu.memory_space<vmem>>
        %gather3A_181 = tpu.memref_squeeze %gather3A_180 : memref<1x64x128xf32, #tpu.memory_space<vmem>> -> memref<64x128xf32, #tpu.memory_space<vmem>>
        %gather3A_182 = tpu.vector_load_idx %gather3A_181[%and3A_171, %add3A_177] : memref<64x128xf32, #tpu.memory_space<vmem>>[vector<16xi32>, vector<16xi32>], vector<16xf32>,
        %add3A_183 = arith.constant 0 : i32
        %add3A_184 = vector.broadcast %add3A_183 : i32 to vector<16xi32>
        %add3A_185 = arith.addi %iota3A, %add3A_184 : vector<16xi32>
        %and3A_186 = arith.constant 63 : i32
        %and3A_187 = vector.broadcast %and3A_186 : i32 to vector<16xi32>
        %and3A_188 = arith.andi %add3A_185, %and3A_187 : vector<16xi32>
        %mul3A_189 = arith.constant 2 : i32
        %mul3A_190 = vector.broadcast %mul3A_189 : i32 to vector<16xi32>
        %mul3A_191 = arith.muli %mul3A_190, %and3A_115 : vector<16xi32>
        %add3A_192 = arith.constant 1 : i32
        %add3A_193 = vector.broadcast %add3A_192 : i32 to vector<16xi32>
        %add3A_194 = arith.addi %mul3A_191, %add3A_193 : vector<16xi32>
        %gather3A_195 = arith.constant 0 : i32
        %gather3A_196 = arith.constant 0 : i32
        %gather3A_197 = tpu.memref_slice %arg4[%rem3A_57, %gather3A_195, %gather3A_196] : memref<3x64x128xf32, #tpu.memory_space<vmem>> -> memref<1x64x128xf32, #tpu.memory_space<vmem>>
        %gather3A_198 = tpu.memref_squeeze %gather3A_197 : memref<1x64x128xf32, #tpu.memory_space<vmem>> -> memref<64x128xf32, #tpu.memory_space<vmem>>
        %gather3A_199 = tpu.vector_load_idx %gather3A_198[%and3A_188, %add3A_194] : memref<64x128xf32, #tpu.memory_space<vmem>>[vector<16xi32>, vector<16xi32>], vector<16xf32>,
        %add3A_200 = arith.constant 16 : i32
        %add3A_201 = vector.broadcast %add3A_200 : i32 to vector<16xi32>
        %add3A_202 = arith.addi %iota3A, %add3A_201 : vector<16xi32>
        %and3A_203 = arith.constant 63 : i32
        %and3A_204 = vector.broadcast %and3A_203 : i32 to vector<16xi32>
        %and3A_205 = arith.andi %add3A_202, %and3A_204 : vector<16xi32>
        %mul3A_206 = arith.constant 2 : i32
        %mul3A_207 = vector.broadcast %mul3A_206 : i32 to vector<16xi32>
        %mul3A_208 = arith.muli %mul3A_207, %and3A_115 : vector<16xi32>
        %add3A_209 = arith.constant 1 : i32
        %add3A_210 = vector.broadcast %add3A_209 : i32 to vector<16xi32>
        %add3A_211 = arith.addi %mul3A_208, %add3A_210 : vector<16xi32>
        %gather3A_212 = arith.constant 0 : i32
        %gather3A_213 = arith.constant 0 : i32
        %gather3A_214 = tpu.memref_slice %arg4[%rem3A_57, %gather3A_212, %gather3A_213] : memref<3x64x128xf32, #tpu.memory_space<vmem>> -> memref<1x64x128xf32, #tpu.memory_space<vmem>>
        %gather3A_215 = tpu.memref_squeeze %gather3A_214 : memref<1x64x128xf32, #tpu.memory_space<vmem>> -> memref<64x128xf32, #tpu.memory_space<vmem>>
        %gather3A_216 = tpu.vector_load_idx %gather3A_215[%and3A_205, %add3A_211] : memref<64x128xf32, #tpu.memory_space<vmem>>[vector<16xi32>, vector<16xi32>], vector<16xf32>,
        %add3A_217 = arith.constant 32 : i32
        %add3A_218 = vector.broadcast %add3A_217 : i32 to vector<16xi32>
        %add3A_219 = arith.addi %iota3A, %add3A_218 : vector<16xi32>
        %and3A_220 = arith.constant 63 : i32
        %and3A_221 = vector.broadcast %and3A_220 : i32 to vector<16xi32>
        %and3A_222 = arith.andi %add3A_219, %and3A_221 : vector<16xi32>
        %mul3A_223 = arith.constant 2 : i32
        %mul3A_224 = vector.broadcast %mul3A_223 : i32 to vector<16xi32>
        %mul3A_225 = arith.muli %mul3A_224, %and3A_115 : vector<16xi32>
        %add3A_226 = arith.constant 1 : i32
        %add3A_227 = vector.broadcast %add3A_226 : i32 to vector<16xi32>
        %add3A_228 = arith.addi %mul3A_225, %add3A_227 : vector<16xi32>
        %gather3A_229 = arith.constant 0 : i32
        %gather3A_230 = arith.constant 0 : i32
        %gather3A_231 = tpu.memref_slice %arg4[%rem3A_57, %gather3A_229, %gather3A_230] : memref<3x64x128xf32, #tpu.memory_space<vmem>> -> memref<1x64x128xf32, #tpu.memory_space<vmem>>
        %gather3A_232 = tpu.memref_squeeze %gather3A_231 : memref<1x64x128xf32, #tpu.memory_space<vmem>> -> memref<64x128xf32, #tpu.memory_space<vmem>>
        %gather3A_233 = tpu.vector_load_idx %gather3A_232[%and3A_222, %add3A_228] : memref<64x128xf32, #tpu.memory_space<vmem>>[vector<16xi32>, vector<16xi32>], vector<16xf32>,
        %add3A_234 = arith.constant 48 : i32
        %add3A_235 = vector.broadcast %add3A_234 : i32 to vector<16xi32>
        %add3A_236 = arith.addi %iota3A, %add3A_235 : vector<16xi32>
        %and3A_237 = arith.constant 63 : i32
        %and3A_238 = vector.broadcast %and3A_237 : i32 to vector<16xi32>
        %and3A_239 = arith.andi %add3A_236, %and3A_238 : vector<16xi32>
        %mul3A_240 = arith.constant 2 : i32
        %mul3A_241 = vector.broadcast %mul3A_240 : i32 to vector<16xi32>
        %mul3A_242 = arith.muli %mul3A_241, %and3A_115 : vector<16xi32>
        %add3A_243 = arith.constant 1 : i32
        %add3A_244 = vector.broadcast %add3A_243 : i32 to vector<16xi32>
        %add3A_245 = arith.addi %mul3A_242, %add3A_244 : vector<16xi32>
        %gather3A_246 = arith.constant 0 : i32
        %gather3A_247 = arith.constant 0 : i32
        %gather3A_248 = tpu.memref_slice %arg4[%rem3A_57, %gather3A_246, %gather3A_247] : memref<3x64x128xf32, #tpu.memory_space<vmem>> -> memref<1x64x128xf32, #tpu.memory_space<vmem>>
        %gather3A_249 = tpu.memref_squeeze %gather3A_248 : memref<1x64x128xf32, #tpu.memory_space<vmem>> -> memref<64x128xf32, #tpu.memory_space<vmem>>
        %gather3A_250 = tpu.vector_load_idx %gather3A_249[%and3A_239, %add3A_245] : memref<64x128xf32, #tpu.memory_space<vmem>>[vector<16xi32>, vector<16xi32>], vector<16xf32>,
        %add3A_251 = arith.constant 0 : i32
        %add3A_252 = vector.broadcast %add3A_251 : i32 to vector<16xi32>
        %add3A_253 = arith.addi %iota3A, %add3A_252 : vector<16xi32>
        %scatter3A = arith.constant 0 : i32
        %scatter3A_254 = arith.constant 0 : i32
        %scatter3A_255 = tpu.memref_slice %arg5[%rem3A_85, %scatter3A, %scatter3A_254] : memref<2x64x128xf32, #tpu.memory_space<vmem>> -> memref<1x64x128xf32, #tpu.memory_space<vmem>>
        %scatter3A_256 = tpu.memref_squeeze %scatter3A_255 : memref<1x64x128xf32, #tpu.memory_space<vmem>> -> memref<64x128xf32, #tpu.memory_space<vmem>>
        tpu.vector_store_idx %scatter3A_256[%and3A_115, %add3A_253], %gather3A_131 : memref<64x128xf32, #tpu.memory_space<vmem>>[vector<16xi32>, vector<16xi32>], vector<16xf32>,
        %add3A_257 = arith.constant 16 : i32
        %add3A_258 = vector.broadcast %add3A_257 : i32 to vector<16xi32>
        %add3A_259 = arith.addi %iota3A, %add3A_258 : vector<16xi32>
        %scatter3A_260 = arith.constant 0 : i32
        %scatter3A_261 = arith.constant 0 : i32
        %scatter3A_262 = tpu.memref_slice %arg5[%rem3A_85, %scatter3A_260, %scatter3A_261] : memref<2x64x128xf32, #tpu.memory_space<vmem>> -> memref<1x64x128xf32, #tpu.memory_space<vmem>>
        %scatter3A_263 = tpu.memref_squeeze %scatter3A_262 : memref<1x64x128xf32, #tpu.memory_space<vmem>> -> memref<64x128xf32, #tpu.memory_space<vmem>>
        tpu.vector_store_idx %scatter3A_263[%and3A_115, %add3A_259], %gather3A_148 : memref<64x128xf32, #tpu.memory_space<vmem>>[vector<16xi32>, vector<16xi32>], vector<16xf32>,
        %add3A_264 = arith.constant 32 : i32
        %add3A_265 = vector.broadcast %add3A_264 : i32 to vector<16xi32>
        %add3A_266 = arith.addi %iota3A, %add3A_265 : vector<16xi32>
        %scatter3A_267 = arith.constant 0 : i32
        %scatter3A_268 = arith.constant 0 : i32
        %scatter3A_269 = tpu.memref_slice %arg5[%rem3A_85, %scatter3A_267, %scatter3A_268] : memref<2x64x128xf32, #tpu.memory_space<vmem>> -> memref<1x64x128xf32, #tpu.memory_space<vmem>>
        %scatter3A_270 = tpu.memref_squeeze %scatter3A_269 : memref<1x64x128xf32, #tpu.memory_space<vmem>> -> memref<64x128xf32, #tpu.memory_space<vmem>>
        tpu.vector_store_idx %scatter3A_270[%and3A_115, %add3A_266], %gather3A_165 : memref<64x128xf32, #tpu.memory_space<vmem>>[vector<16xi32>, vector<16xi32>], vector<16xf32>,
        %add3A_271 = arith.constant 48 : i32
        %add3A_272 = vector.broadcast %add3A_271 : i32 to vector<16xi32>
        %add3A_273 = arith.addi %iota3A, %add3A_272 : vector<16xi32>
        %scatter3A_274 = arith.constant 0 : i32
        %scatter3A_275 = arith.constant 0 : i32
        %scatter3A_276 = tpu.memref_slice %arg5[%rem3A_85, %scatter3A_274, %scatter3A_275] : memref<2x64x128xf32, #tpu.memory_space<vmem>> -> memref<1x64x128xf32, #tpu.memory_space<vmem>>
        %scatter3A_277 = tpu.memref_squeeze %scatter3A_276 : memref<1x64x128xf32, #tpu.memory_space<vmem>> -> memref<64x128xf32, #tpu.memory_space<vmem>>
        tpu.vector_store_idx %scatter3A_277[%and3A_115, %add3A_273], %gather3A_182 : memref<64x128xf32, #tpu.memory_space<vmem>>[vector<16xi32>, vector<16xi32>], vector<16xf32>,
        %add3A_278 = arith.constant 64 : i32
        %add3A_279 = vector.broadcast %add3A_278 : i32 to vector<16xi32>
        %add3A_280 = arith.addi %iota3A, %add3A_279 : vector<16xi32>
        %scatter3A_281 = arith.constant 0 : i32
        %scatter3A_282 = arith.constant 0 : i32
        %scatter3A_283 = tpu.memref_slice %arg5[%rem3A_85, %scatter3A_281, %scatter3A_282] : memref<2x64x128xf32, #tpu.memory_space<vmem>> -> memref<1x64x128xf32, #tpu.memory_space<vmem>>
        %scatter3A_284 = tpu.memref_squeeze %scatter3A_283 : memref<1x64x128xf32, #tpu.memory_space<vmem>> -> memref<64x128xf32, #tpu.memory_space<vmem>>
        tpu.vector_store_idx %scatter3A_284[%and3A_115, %add3A_280], %gather3A_199 : memref<64x128xf32, #tpu.memory_space<vmem>>[vector<16xi32>, vector<16xi32>], vector<16xf32>,
        %add3A_285 = arith.constant 80 : i32
        %add3A_286 = vector.broadcast %add3A_285 : i32 to vector<16xi32>
        %add3A_287 = arith.addi %iota3A, %add3A_286 : vector<16xi32>
        %scatter3A_288 = arith.constant 0 : i32
        %scatter3A_289 = arith.constant 0 : i32
        %scatter3A_290 = tpu.memref_slice %arg5[%rem3A_85, %scatter3A_288, %scatter3A_289] : memref<2x64x128xf32, #tpu.memory_space<vmem>> -> memref<1x64x128xf32, #tpu.memory_space<vmem>>
        %scatter3A_291 = tpu.memref_squeeze %scatter3A_290 : memref<1x64x128xf32, #tpu.memory_space<vmem>> -> memref<64x128xf32, #tpu.memory_space<vmem>>
        tpu.vector_store_idx %scatter3A_291[%and3A_115, %add3A_287], %gather3A_216 : memref<64x128xf32, #tpu.memory_space<vmem>>[vector<16xi32>, vector<16xi32>], vector<16xf32>,
        %add3A_292 = arith.constant 96 : i32
        %add3A_293 = vector.broadcast %add3A_292 : i32 to vector<16xi32>
        %add3A_294 = arith.addi %iota3A, %add3A_293 : vector<16xi32>
        %scatter3A_295 = arith.constant 0 : i32
        %scatter3A_296 = arith.constant 0 : i32
        %scatter3A_297 = tpu.memref_slice %arg5[%rem3A_85, %scatter3A_295, %scatter3A_296] : memref<2x64x128xf32, #tpu.memory_space<vmem>> -> memref<1x64x128xf32, #tpu.memory_space<vmem>>
        %scatter3A_298 = tpu.memref_squeeze %scatter3A_297 : memref<1x64x128xf32, #tpu.memory_space<vmem>> -> memref<64x128xf32, #tpu.memory_space<vmem>>
        tpu.vector_store_idx %scatter3A_298[%and3A_115, %add3A_294], %gather3A_233 : memref<64x128xf32, #tpu.memory_space<vmem>>[vector<16xi32>, vector<16xi32>], vector<16xf32>,
        %add3A_299 = arith.constant 112 : i32
        %add3A_300 = vector.broadcast %add3A_299 : i32 to vector<16xi32>
        %add3A_301 = arith.addi %iota3A, %add3A_300 : vector<16xi32>
        %scatter3A_302 = arith.constant 0 : i32
        %scatter3A_303 = arith.constant 0 : i32
        %scatter3A_304 = tpu.memref_slice %arg5[%rem3A_85, %scatter3A_302, %scatter3A_303] : memref<2x64x128xf32, #tpu.memory_space<vmem>> -> memref<1x64x128xf32, #tpu.memory_space<vmem>>
        %scatter3A_305 = tpu.memref_squeeze %scatter3A_304 : memref<1x64x128xf32, #tpu.memory_space<vmem>> -> memref<64x128xf32, #tpu.memory_space<vmem>>
        tpu.vector_store_idx %scatter3A_305[%and3A_115, %add3A_301], %gather3A_250 : memref<64x128xf32, #tpu.memory_space<vmem>>[vector<16xi32>, vector<16xi32>], vector<16xf32>,
        %scan3A_306 = arith.constant 1 : i32
        %scan3A_307 = arith.addi %scan3A_111, %scan3A_306 : i32
        %add3A_308 = vector.broadcast %scan3A_307 : i32 to vector<16xi32>
        %add3A_309 = arith.addi %iota3A, %add3A_308 : vector<16xi32>
        %and3A_310 = arith.constant 63 : i32
        %and3A_311 = vector.broadcast %and3A_310 : i32 to vector<16xi32>
        %and3A_312 = arith.andi %add3A_309, %and3A_311 : vector<16xi32>
        %add3A_313 = arith.constant 0 : i32
        %add3A_314 = vector.broadcast %add3A_313 : i32 to vector<16xi32>
        %add3A_315 = arith.addi %iota3A, %add3A_314 : vector<16xi32>
        %and3A_316 = arith.constant 63 : i32
        %and3A_317 = vector.broadcast %and3A_316 : i32 to vector<16xi32>
        %and3A_318 = arith.andi %add3A_315, %and3A_317 : vector<16xi32>
        %mul3A_319 = arith.constant 2 : i32
        %mul3A_320 = vector.broadcast %mul3A_319 : i32 to vector<16xi32>
        %mul3A_321 = arith.muli %mul3A_320, %and3A_312 : vector<16xi32>
        %add3A_322 = arith.constant 0 : i32
        %add3A_323 = vector.broadcast %add3A_322 : i32 to vector<16xi32>
        %add3A_324 = arith.addi %mul3A_321, %add3A_323 : vector<16xi32>
        %gather3A_325 = arith.constant 0 : i32
        %gather3A_326 = arith.constant 0 : i32
        %gather3A_327 = tpu.memref_slice %arg4[%rem3A_57, %gather3A_325, %gather3A_326] : memref<3x64x128xf32, #tpu.memory_space<vmem>> -> memref<1x64x128xf32, #tpu.memory_space<vmem>>
        %gather3A_328 = tpu.memref_squeeze %gather3A_327 : memref<1x64x128xf32, #tpu.memory_space<vmem>> -> memref<64x128xf32, #tpu.memory_space<vmem>>
        %gather3A_329 = tpu.vector_load_idx %gather3A_328[%and3A_318, %add3A_324] : memref<64x128xf32, #tpu.memory_space<vmem>>[vector<16xi32>, vector<16xi32>], vector<16xf32>,
        %add3A_330 = arith.constant 16 : i32
        %add3A_331 = vector.broadcast %add3A_330 : i32 to vector<16xi32>
        %add3A_332 = arith.addi %iota3A, %add3A_331 : vector<16xi32>
        %and3A_333 = arith.constant 63 : i32
        %and3A_334 = vector.broadcast %and3A_333 : i32 to vector<16xi32>
        %and3A_335 = arith.andi %add3A_332, %and3A_334 : vector<16xi32>
        %mul3A_336 = arith.constant 2 : i32
        %mul3A_337 = vector.broadcast %mul3A_336 : i32 to vector<16xi32>
        %mul3A_338 = arith.muli %mul3A_337, %and3A_312 : vector<16xi32>
        %add3A_339 = arith.constant 0 : i32
        %add3A_340 = vector.broadcast %add3A_339 : i32 to vector<16xi32>
        %add3A_341 = arith.addi %mul3A_338, %add3A_340 : vector<16xi32>
        %gather3A_342 = arith.constant 0 : i32
        %gather3A_343 = arith.constant 0 : i32
        %gather3A_344 = tpu.memref_slice %arg4[%rem3A_57, %gather3A_342, %gather3A_343] : memref<3x64x128xf32, #tpu.memory_space<vmem>> -> memref<1x64x128xf32, #tpu.memory_space<vmem>>
        %gather3A_345 = tpu.memref_squeeze %gather3A_344 : memref<1x64x128xf32, #tpu.memory_space<vmem>> -> memref<64x128xf32, #tpu.memory_space<vmem>>
        %gather3A_346 = tpu.vector_load_idx %gather3A_345[%and3A_335, %add3A_341] : memref<64x128xf32, #tpu.memory_space<vmem>>[vector<16xi32>, vector<16xi32>], vector<16xf32>,
        %add3A_347 = arith.constant 32 : i32
        %add3A_348 = vector.broadcast %add3A_347 : i32 to vector<16xi32>
        %add3A_349 = arith.addi %iota3A, %add3A_348 : vector<16xi32>
        %and3A_350 = arith.constant 63 : i32
        %and3A_351 = vector.broadcast %and3A_350 : i32 to vector<16xi32>
        %and3A_352 = arith.andi %add3A_349, %and3A_351 : vector<16xi32>
        %mul3A_353 = arith.constant 2 : i32
        %mul3A_354 = vector.broadcast %mul3A_353 : i32 to vector<16xi32>
        %mul3A_355 = arith.muli %mul3A_354, %and3A_312 : vector<16xi32>
        %add3A_356 = arith.constant 0 : i32
        %add3A_357 = vector.broadcast %add3A_356 : i32 to vector<16xi32>
        %add3A_358 = arith.addi %mul3A_355, %add3A_357 : vector<16xi32>
        %gather3A_359 = arith.constant 0 : i32
        %gather3A_360 = arith.constant 0 : i32
        %gather3A_361 = tpu.memref_slice %arg4[%rem3A_57, %gather3A_359, %gather3A_360] : memref<3x64x128xf32, #tpu.memory_space<vmem>> -> memref<1x64x128xf32, #tpu.memory_space<vmem>>
        %gather3A_362 = tpu.memref_squeeze %gather3A_361 : memref<1x64x128xf32, #tpu.memory_space<vmem>> -> memref<64x128xf32, #tpu.memory_space<vmem>>
        %gather3A_363 = tpu.vector_load_idx %gather3A_362[%and3A_352, %add3A_358] : memref<64x128xf32, #tpu.memory_space<vmem>>[vector<16xi32>, vector<16xi32>], vector<16xf32>,
        %add3A_364 = arith.constant 48 : i32
        %add3A_365 = vector.broadcast %add3A_364 : i32 to vector<16xi32>
        %add3A_366 = arith.addi %iota3A, %add3A_365 : vector<16xi32>
        %and3A_367 = arith.constant 63 : i32
        %and3A_368 = vector.broadcast %and3A_367 : i32 to vector<16xi32>
        %and3A_369 = arith.andi %add3A_366, %and3A_368 : vector<16xi32>
        %mul3A_370 = arith.constant 2 : i32
        %mul3A_371 = vector.broadcast %mul3A_370 : i32 to vector<16xi32>
        %mul3A_372 = arith.muli %mul3A_371, %and3A_312 : vector<16xi32>
        %add3A_373 = arith.constant 0 : i32
        %add3A_374 = vector.broadcast %add3A_373 : i32 to vector<16xi32>
        %add3A_375 = arith.addi %mul3A_372, %add3A_374 : vector<16xi32>
        %gather3A_376 = arith.constant 0 : i32
        %gather3A_377 = arith.constant 0 : i32
        %gather3A_378 = tpu.memref_slice %arg4[%rem3A_57, %gather3A_376, %gather3A_377] : memref<3x64x128xf32, #tpu.memory_space<vmem>> -> memref<1x64x128xf32, #tpu.memory_space<vmem>>
        %gather3A_379 = tpu.memref_squeeze %gather3A_378 : memref<1x64x128xf32, #tpu.memory_space<vmem>> -> memref<64x128xf32, #tpu.memory_space<vmem>>
        %gather3A_380 = tpu.vector_load_idx %gather3A_379[%and3A_369, %add3A_375] : memref<64x128xf32, #tpu.memory_space<vmem>>[vector<16xi32>, vector<16xi32>], vector<16xf32>,
        %add3A_381 = arith.constant 0 : i32
        %add3A_382 = vector.broadcast %add3A_381 : i32 to vector<16xi32>
        %add3A_383 = arith.addi %iota3A, %add3A_382 : vector<16xi32>
        %and3A_384 = arith.constant 63 : i32
        %and3A_385 = vector.broadcast %and3A_384 : i32 to vector<16xi32>
        %and3A_386 = arith.andi %add3A_383, %and3A_385 : vector<16xi32>
        %mul3A_387 = arith.constant 2 : i32
        %mul3A_388 = vector.broadcast %mul3A_387 : i32 to vector<16xi32>
        %mul3A_389 = arith.muli %mul3A_388, %and3A_312 : vector<16xi32>
        %add3A_390 = arith.constant 1 : i32
        %add3A_391 = vector.broadcast %add3A_390 : i32 to vector<16xi32>
        %add3A_392 = arith.addi %mul3A_389, %add3A_391 : vector<16xi32>
        %gather3A_393 = arith.constant 0 : i32
        %gather3A_394 = arith.constant 0 : i32
        %gather3A_395 = tpu.memref_slice %arg4[%rem3A_57, %gather3A_393, %gather3A_394] : memref<3x64x128xf32, #tpu.memory_space<vmem>> -> memref<1x64x128xf32, #tpu.memory_space<vmem>>
        %gather3A_396 = tpu.memref_squeeze %gather3A_395 : memref<1x64x128xf32, #tpu.memory_space<vmem>> -> memref<64x128xf32, #tpu.memory_space<vmem>>
        %gather3A_397 = tpu.vector_load_idx %gather3A_396[%and3A_386, %add3A_392] : memref<64x128xf32, #tpu.memory_space<vmem>>[vector<16xi32>, vector<16xi32>], vector<16xf32>,
        %add3A_398 = arith.constant 16 : i32
        %add3A_399 = vector.broadcast %add3A_398 : i32 to vector<16xi32>
        %add3A_400 = arith.addi %iota3A, %add3A_399 : vector<16xi32>
        %and3A_401 = arith.constant 63 : i32
        %and3A_402 = vector.broadcast %and3A_401 : i32 to vector<16xi32>
        %and3A_403 = arith.andi %add3A_400, %and3A_402 : vector<16xi32>
        %mul3A_404 = arith.constant 2 : i32
        %mul3A_405 = vector.broadcast %mul3A_404 : i32 to vector<16xi32>
        %mul3A_406 = arith.muli %mul3A_405, %and3A_312 : vector<16xi32>
        %add3A_407 = arith.constant 1 : i32
        %add3A_408 = vector.broadcast %add3A_407 : i32 to vector<16xi32>
        %add3A_409 = arith.addi %mul3A_406, %add3A_408 : vector<16xi32>
        %gather3A_410 = arith.constant 0 : i32
        %gather3A_411 = arith.constant 0 : i32
        %gather3A_412 = tpu.memref_slice %arg4[%rem3A_57, %gather3A_410, %gather3A_411] : memref<3x64x128xf32, #tpu.memory_space<vmem>> -> memref<1x64x128xf32, #tpu.memory_space<vmem>>
        %gather3A_413 = tpu.memref_squeeze %gather3A_412 : memref<1x64x128xf32, #tpu.memory_space<vmem>> -> memref<64x128xf32, #tpu.memory_space<vmem>>
        %gather3A_414 = tpu.vector_load_idx %gather3A_413[%and3A_403, %add3A_409] : memref<64x128xf32, #tpu.memory_space<vmem>>[vector<16xi32>, vector<16xi32>], vector<16xf32>,
        %add3A_415 = arith.constant 32 : i32
        %add3A_416 = vector.broadcast %add3A_415 : i32 to vector<16xi32>
        %add3A_417 = arith.addi %iota3A, %add3A_416 : vector<16xi32>
        %and3A_418 = arith.constant 63 : i32
        %and3A_419 = vector.broadcast %and3A_418 : i32 to vector<16xi32>
        %and3A_420 = arith.andi %add3A_417, %and3A_419 : vector<16xi32>
        %mul3A_421 = arith.constant 2 : i32
        %mul3A_422 = vector.broadcast %mul3A_421 : i32 to vector<16xi32>
        %mul3A_423 = arith.muli %mul3A_422, %and3A_312 : vector<16xi32>
        %add3A_424 = arith.constant 1 : i32
        %add3A_425 = vector.broadcast %add3A_424 : i32 to vector<16xi32>
        %add3A_426 = arith.addi %mul3A_423, %add3A_425 : vector<16xi32>
        %gather3A_427 = arith.constant 0 : i32
        %gather3A_428 = arith.constant 0 : i32
        %gather3A_429 = tpu.memref_slice %arg4[%rem3A_57, %gather3A_427, %gather3A_428] : memref<3x64x128xf32, #tpu.memory_space<vmem>> -> memref<1x64x128xf32, #tpu.memory_space<vmem>>
        %gather3A_430 = tpu.memref_squeeze %gather3A_429 : memref<1x64x128xf32, #tpu.memory_space<vmem>> -> memref<64x128xf32, #tpu.memory_space<vmem>>
        %gather3A_431 = tpu.vector_load_idx %gather3A_430[%and3A_420, %add3A_426] : memref<64x128xf32, #tpu.memory_space<vmem>>[vector<16xi32>, vector<16xi32>], vector<16xf32>,
        %add3A_432 = arith.constant 48 : i32
        %add3A_433 = vector.broadcast %add3A_432 : i32 to vector<16xi32>
        %add3A_434 = arith.addi %iota3A, %add3A_433 : vector<16xi32>
        %and3A_435 = arith.constant 63 : i32
        %and3A_436 = vector.broadcast %and3A_435 : i32 to vector<16xi32>
        %and3A_437 = arith.andi %add3A_434, %and3A_436 : vector<16xi32>
        %mul3A_438 = arith.constant 2 : i32
        %mul3A_439 = vector.broadcast %mul3A_438 : i32 to vector<16xi32>
        %mul3A_440 = arith.muli %mul3A_439, %and3A_312 : vector<16xi32>
        %add3A_441 = arith.constant 1 : i32
        %add3A_442 = vector.broadcast %add3A_441 : i32 to vector<16xi32>
        %add3A_443 = arith.addi %mul3A_440, %add3A_442 : vector<16xi32>
        %gather3A_444 = arith.constant 0 : i32
        %gather3A_445 = arith.constant 0 : i32
        %gather3A_446 = tpu.memref_slice %arg4[%rem3A_57, %gather3A_444, %gather3A_445] : memref<3x64x128xf32, #tpu.memory_space<vmem>> -> memref<1x64x128xf32, #tpu.memory_space<vmem>>
        %gather3A_447 = tpu.memref_squeeze %gather3A_446 : memref<1x64x128xf32, #tpu.memory_space<vmem>> -> memref<64x128xf32, #tpu.memory_space<vmem>>
        %gather3A_448 = tpu.vector_load_idx %gather3A_447[%and3A_437, %add3A_443] : memref<64x128xf32, #tpu.memory_space<vmem>>[vector<16xi32>, vector<16xi32>], vector<16xf32>,
        %add3A_449 = arith.constant 0 : i32
        %add3A_450 = vector.broadcast %add3A_449 : i32 to vector<16xi32>
        %add3A_451 = arith.addi %iota3A, %add3A_450 : vector<16xi32>
        %scatter3A_452 = arith.constant 0 : i32
        %scatter3A_453 = arith.constant 0 : i32
        %scatter3A_454 = tpu.memref_slice %arg5[%rem3A_85, %scatter3A_452, %scatter3A_453] : memref<2x64x128xf32, #tpu.memory_space<vmem>> -> memref<1x64x128xf32, #tpu.memory_space<vmem>>
        %scatter3A_455 = tpu.memref_squeeze %scatter3A_454 : memref<1x64x128xf32, #tpu.memory_space<vmem>> -> memref<64x128xf32, #tpu.memory_space<vmem>>
        tpu.vector_store_idx %scatter3A_455[%and3A_312, %add3A_451], %gather3A_329 : memref<64x128xf32, #tpu.memory_space<vmem>>[vector<16xi32>, vector<16xi32>], vector<16xf32>,
        %add3A_456 = arith.constant 16 : i32
        %add3A_457 = vector.broadcast %add3A_456 : i32 to vector<16xi32>
        %add3A_458 = arith.addi %iota3A, %add3A_457 : vector<16xi32>
        %scatter3A_459 = arith.constant 0 : i32
        %scatter3A_460 = arith.constant 0 : i32
        %scatter3A_461 = tpu.memref_slice %arg5[%rem3A_85, %scatter3A_459, %scatter3A_460] : memref<2x64x128xf32, #tpu.memory_space<vmem>> -> memref<1x64x128xf32, #tpu.memory_space<vmem>>
        %scatter3A_462 = tpu.memref_squeeze %scatter3A_461 : memref<1x64x128xf32, #tpu.memory_space<vmem>> -> memref<64x128xf32, #tpu.memory_space<vmem>>
        tpu.vector_store_idx %scatter3A_462[%and3A_312, %add3A_458], %gather3A_346 : memref<64x128xf32, #tpu.memory_space<vmem>>[vector<16xi32>, vector<16xi32>], vector<16xf32>,
        %add3A_463 = arith.constant 32 : i32
        %add3A_464 = vector.broadcast %add3A_463 : i32 to vector<16xi32>
        %add3A_465 = arith.addi %iota3A, %add3A_464 : vector<16xi32>
        %scatter3A_466 = arith.constant 0 : i32
        %scatter3A_467 = arith.constant 0 : i32
        %scatter3A_468 = tpu.memref_slice %arg5[%rem3A_85, %scatter3A_466, %scatter3A_467] : memref<2x64x128xf32, #tpu.memory_space<vmem>> -> memref<1x64x128xf32, #tpu.memory_space<vmem>>
        %scatter3A_469 = tpu.memref_squeeze %scatter3A_468 : memref<1x64x128xf32, #tpu.memory_space<vmem>> -> memref<64x128xf32, #tpu.memory_space<vmem>>
        tpu.vector_store_idx %scatter3A_469[%and3A_312, %add3A_465], %gather3A_363 : memref<64x128xf32, #tpu.memory_space<vmem>>[vector<16xi32>, vector<16xi32>], vector<16xf32>,
        %add3A_470 = arith.constant 48 : i32
        %add3A_471 = vector.broadcast %add3A_470 : i32 to vector<16xi32>
        %add3A_472 = arith.addi %iota3A, %add3A_471 : vector<16xi32>
        %scatter3A_473 = arith.constant 0 : i32
        %scatter3A_474 = arith.constant 0 : i32
        %scatter3A_475 = tpu.memref_slice %arg5[%rem3A_85, %scatter3A_473, %scatter3A_474] : memref<2x64x128xf32, #tpu.memory_space<vmem>> -> memref<1x64x128xf32, #tpu.memory_space<vmem>>
        %scatter3A_476 = tpu.memref_squeeze %scatter3A_475 : memref<1x64x128xf32, #tpu.memory_space<vmem>> -> memref<64x128xf32, #tpu.memory_space<vmem>>
        tpu.vector_store_idx %scatter3A_476[%and3A_312, %add3A_472], %gather3A_380 : memref<64x128xf32, #tpu.memory_space<vmem>>[vector<16xi32>, vector<16xi32>], vector<16xf32>,
        %add3A_477 = arith.constant 64 : i32
        %add3A_478 = vector.broadcast %add3A_477 : i32 to vector<16xi32>
        %add3A_479 = arith.addi %iota3A, %add3A_478 : vector<16xi32>
        %scatter3A_480 = arith.constant 0 : i32
        %scatter3A_481 = arith.constant 0 : i32
        %scatter3A_482 = tpu.memref_slice %arg5[%rem3A_85, %scatter3A_480, %scatter3A_481] : memref<2x64x128xf32, #tpu.memory_space<vmem>> -> memref<1x64x128xf32, #tpu.memory_space<vmem>>
        %scatter3A_483 = tpu.memref_squeeze %scatter3A_482 : memref<1x64x128xf32, #tpu.memory_space<vmem>> -> memref<64x128xf32, #tpu.memory_space<vmem>>
        tpu.vector_store_idx %scatter3A_483[%and3A_312, %add3A_479], %gather3A_397 : memref<64x128xf32, #tpu.memory_space<vmem>>[vector<16xi32>, vector<16xi32>], vector<16xf32>,
        %add3A_484 = arith.constant 80 : i32
        %add3A_485 = vector.broadcast %add3A_484 : i32 to vector<16xi32>
        %add3A_486 = arith.addi %iota3A, %add3A_485 : vector<16xi32>
        %scatter3A_487 = arith.constant 0 : i32
        %scatter3A_488 = arith.constant 0 : i32
        %scatter3A_489 = tpu.memref_slice %arg5[%rem3A_85, %scatter3A_487, %scatter3A_488] : memref<2x64x128xf32, #tpu.memory_space<vmem>> -> memref<1x64x128xf32, #tpu.memory_space<vmem>>
        %scatter3A_490 = tpu.memref_squeeze %scatter3A_489 : memref<1x64x128xf32, #tpu.memory_space<vmem>> -> memref<64x128xf32, #tpu.memory_space<vmem>>
        tpu.vector_store_idx %scatter3A_490[%and3A_312, %add3A_486], %gather3A_414 : memref<64x128xf32, #tpu.memory_space<vmem>>[vector<16xi32>, vector<16xi32>], vector<16xf32>,
        %add3A_491 = arith.constant 96 : i32
        %add3A_492 = vector.broadcast %add3A_491 : i32 to vector<16xi32>
        %add3A_493 = arith.addi %iota3A, %add3A_492 : vector<16xi32>
        %scatter3A_494 = arith.constant 0 : i32
        %scatter3A_495 = arith.constant 0 : i32
        %scatter3A_496 = tpu.memref_slice %arg5[%rem3A_85, %scatter3A_494, %scatter3A_495] : memref<2x64x128xf32, #tpu.memory_space<vmem>> -> memref<1x64x128xf32, #tpu.memory_space<vmem>>
        %scatter3A_497 = tpu.memref_squeeze %scatter3A_496 : memref<1x64x128xf32, #tpu.memory_space<vmem>> -> memref<64x128xf32, #tpu.memory_space<vmem>>
        tpu.vector_store_idx %scatter3A_497[%and3A_312, %add3A_493], %gather3A_431 : memref<64x128xf32, #tpu.memory_space<vmem>>[vector<16xi32>, vector<16xi32>], vector<16xf32>,
        %add3A_498 = arith.constant 112 : i32
        %add3A_499 = vector.broadcast %add3A_498 : i32 to vector<16xi32>
        %add3A_500 = arith.addi %iota3A, %add3A_499 : vector<16xi32>
        %scatter3A_501 = arith.constant 0 : i32
        %scatter3A_502 = arith.constant 0 : i32
        %scatter3A_503 = tpu.memref_slice %arg5[%rem3A_85, %scatter3A_501, %scatter3A_502] : memref<2x64x128xf32, #tpu.memory_space<vmem>> -> memref<1x64x128xf32, #tpu.memory_space<vmem>>
        %scatter3A_504 = tpu.memref_squeeze %scatter3A_503 : memref<1x64x128xf32, #tpu.memory_space<vmem>> -> memref<64x128xf32, #tpu.memory_space<vmem>>
        tpu.vector_store_idx %scatter3A_504[%and3A_312, %add3A_500], %gather3A_448 : memref<64x128xf32, #tpu.memory_space<vmem>>[vector<16xi32>, vector<16xi32>], vector<16xf32>,
        %scan3A_505 = arith.constant 2 : i32
        %scan3A_506 = arith.addi %scan3A_111, %scan3A_505 : i32
        %add3A_507 = vector.broadcast %scan3A_506 : i32 to vector<16xi32>
        %add3A_508 = arith.addi %iota3A, %add3A_507 : vector<16xi32>
        %and3A_509 = arith.constant 63 : i32
        %and3A_510 = vector.broadcast %and3A_509 : i32 to vector<16xi32>
        %and3A_511 = arith.andi %add3A_508, %and3A_510 : vector<16xi32>
        %add3A_512 = arith.constant 0 : i32
        %add3A_513 = vector.broadcast %add3A_512 : i32 to vector<16xi32>
        %add3A_514 = arith.addi %iota3A, %add3A_513 : vector<16xi32>
        %and3A_515 = arith.constant 63 : i32
        %and3A_516 = vector.broadcast %and3A_515 : i32 to vector<16xi32>
        %and3A_517 = arith.andi %add3A_514, %and3A_516 : vector<16xi32>
        %mul3A_518 = arith.constant 2 : i32
        %mul3A_519 = vector.broadcast %mul3A_518 : i32 to vector<16xi32>
        %mul3A_520 = arith.muli %mul3A_519, %and3A_511 : vector<16xi32>
        %add3A_521 = arith.constant 0 : i32
        %add3A_522 = vector.broadcast %add3A_521 : i32 to vector<16xi32>
        %add3A_523 = arith.addi %mul3A_520, %add3A_522 : vector<16xi32>
        %gather3A_524 = arith.constant 0 : i32
        %gather3A_525 = arith.constant 0 : i32
        %gather3A_526 = tpu.memref_slice %arg4[%rem3A_57, %gather3A_524, %gather3A_525] : memref<3x64x128xf32, #tpu.memory_space<vmem>> -> memref<1x64x128xf32, #tpu.memory_space<vmem>>
        %gather3A_527 = tpu.memref_squeeze %gather3A_526 : memref<1x64x128xf32, #tpu.memory_space<vmem>> -> memref<64x128xf32, #tpu.memory_space<vmem>>
        %gather3A_528 = tpu.vector_load_idx %gather3A_527[%and3A_517, %add3A_523] : memref<64x128xf32, #tpu.memory_space<vmem>>[vector<16xi32>, vector<16xi32>], vector<16xf32>,
        %add3A_529 = arith.constant 16 : i32
        %add3A_530 = vector.broadcast %add3A_529 : i32 to vector<16xi32>
        %add3A_531 = arith.addi %iota3A, %add3A_530 : vector<16xi32>
        %and3A_532 = arith.constant 63 : i32
        %and3A_533 = vector.broadcast %and3A_532 : i32 to vector<16xi32>
        %and3A_534 = arith.andi %add3A_531, %and3A_533 : vector<16xi32>
        %mul3A_535 = arith.constant 2 : i32
        %mul3A_536 = vector.broadcast %mul3A_535 : i32 to vector<16xi32>
        %mul3A_537 = arith.muli %mul3A_536, %and3A_511 : vector<16xi32>
        %add3A_538 = arith.constant 0 : i32
        %add3A_539 = vector.broadcast %add3A_538 : i32 to vector<16xi32>
        %add3A_540 = arith.addi %mul3A_537, %add3A_539 : vector<16xi32>
        %gather3A_541 = arith.constant 0 : i32
        %gather3A_542 = arith.constant 0 : i32
        %gather3A_543 = tpu.memref_slice %arg4[%rem3A_57, %gather3A_541, %gather3A_542] : memref<3x64x128xf32, #tpu.memory_space<vmem>> -> memref<1x64x128xf32, #tpu.memory_space<vmem>>
        %gather3A_544 = tpu.memref_squeeze %gather3A_543 : memref<1x64x128xf32, #tpu.memory_space<vmem>> -> memref<64x128xf32, #tpu.memory_space<vmem>>
        %gather3A_545 = tpu.vector_load_idx %gather3A_544[%and3A_534, %add3A_540] : memref<64x128xf32, #tpu.memory_space<vmem>>[vector<16xi32>, vector<16xi32>], vector<16xf32>,
        %add3A_546 = arith.constant 32 : i32
        %add3A_547 = vector.broadcast %add3A_546 : i32 to vector<16xi32>
        %add3A_548 = arith.addi %iota3A, %add3A_547 : vector<16xi32>
        %and3A_549 = arith.constant 63 : i32
        %and3A_550 = vector.broadcast %and3A_549 : i32 to vector<16xi32>
        %and3A_551 = arith.andi %add3A_548, %and3A_550 : vector<16xi32>
        %mul3A_552 = arith.constant 2 : i32
        %mul3A_553 = vector.broadcast %mul3A_552 : i32 to vector<16xi32>
        %mul3A_554 = arith.muli %mul3A_553, %and3A_511 : vector<16xi32>
        %add3A_555 = arith.constant 0 : i32
        %add3A_556 = vector.broadcast %add3A_555 : i32 to vector<16xi32>
        %add3A_557 = arith.addi %mul3A_554, %add3A_556 : vector<16xi32>
        %gather3A_558 = arith.constant 0 : i32
        %gather3A_559 = arith.constant 0 : i32
        %gather3A_560 = tpu.memref_slice %arg4[%rem3A_57, %gather3A_558, %gather3A_559] : memref<3x64x128xf32, #tpu.memory_space<vmem>> -> memref<1x64x128xf32, #tpu.memory_space<vmem>>
        %gather3A_561 = tpu.memref_squeeze %gather3A_560 : memref<1x64x128xf32, #tpu.memory_space<vmem>> -> memref<64x128xf32, #tpu.memory_space<vmem>>
        %gather3A_562 = tpu.vector_load_idx %gather3A_561[%and3A_551, %add3A_557] : memref<64x128xf32, #tpu.memory_space<vmem>>[vector<16xi32>, vector<16xi32>], vector<16xf32>,
        %add3A_563 = arith.constant 48 : i32
        %add3A_564 = vector.broadcast %add3A_563 : i32 to vector<16xi32>
        %add3A_565 = arith.addi %iota3A, %add3A_564 : vector<16xi32>
        %and3A_566 = arith.constant 63 : i32
        %and3A_567 = vector.broadcast %and3A_566 : i32 to vector<16xi32>
        %and3A_568 = arith.andi %add3A_565, %and3A_567 : vector<16xi32>
        %mul3A_569 = arith.constant 2 : i32
        %mul3A_570 = vector.broadcast %mul3A_569 : i32 to vector<16xi32>
        %mul3A_571 = arith.muli %mul3A_570, %and3A_511 : vector<16xi32>
        %add3A_572 = arith.constant 0 : i32
        %add3A_573 = vector.broadcast %add3A_572 : i32 to vector<16xi32>
        %add3A_574 = arith.addi %mul3A_571, %add3A_573 : vector<16xi32>
        %gather3A_575 = arith.constant 0 : i32
        %gather3A_576 = arith.constant 0 : i32
        %gather3A_577 = tpu.memref_slice %arg4[%rem3A_57, %gather3A_575, %gather3A_576] : memref<3x64x128xf32, #tpu.memory_space<vmem>> -> memref<1x64x128xf32, #tpu.memory_space<vmem>>
        %gather3A_578 = tpu.memref_squeeze %gather3A_577 : memref<1x64x128xf32, #tpu.memory_space<vmem>> -> memref<64x128xf32, #tpu.memory_space<vmem>>
        %gather3A_579 = tpu.vector_load_idx %gather3A_578[%and3A_568, %add3A_574] : memref<64x128xf32, #tpu.memory_space<vmem>>[vector<16xi32>, vector<16xi32>], vector<16xf32>,
        %add3A_580 = arith.constant 0 : i32
        %add3A_581 = vector.broadcast %add3A_580 : i32 to vector<16xi32>
        %add3A_582 = arith.addi %iota3A, %add3A_581 : vector<16xi32>
        %and3A_583 = arith.constant 63 : i32
        %and3A_584 = vector.broadcast %and3A_583 : i32 to vector<16xi32>
        %and3A_585 = arith.andi %add3A_582, %and3A_584 : vector<16xi32>
        %mul3A_586 = arith.constant 2 : i32
        %mul3A_587 = vector.broadcast %mul3A_586 : i32 to vector<16xi32>
        %mul3A_588 = arith.muli %mul3A_587, %and3A_511 : vector<16xi32>
        %add3A_589 = arith.constant 1 : i32
        %add3A_590 = vector.broadcast %add3A_589 : i32 to vector<16xi32>
        %add3A_591 = arith.addi %mul3A_588, %add3A_590 : vector<16xi32>
        %gather3A_592 = arith.constant 0 : i32
        %gather3A_593 = arith.constant 0 : i32
        %gather3A_594 = tpu.memref_slice %arg4[%rem3A_57, %gather3A_592, %gather3A_593] : memref<3x64x128xf32, #tpu.memory_space<vmem>> -> memref<1x64x128xf32, #tpu.memory_space<vmem>>
        %gather3A_595 = tpu.memref_squeeze %gather3A_594 : memref<1x64x128xf32, #tpu.memory_space<vmem>> -> memref<64x128xf32, #tpu.memory_space<vmem>>
        %gather3A_596 = tpu.vector_load_idx %gather3A_595[%and3A_585, %add3A_591] : memref<64x128xf32, #tpu.memory_space<vmem>>[vector<16xi32>, vector<16xi32>], vector<16xf32>,
        %add3A_597 = arith.constant 16 : i32
        %add3A_598 = vector.broadcast %add3A_597 : i32 to vector<16xi32>
        %add3A_599 = arith.addi %iota3A, %add3A_598 : vector<16xi32>
        %and3A_600 = arith.constant 63 : i32
        %and3A_601 = vector.broadcast %and3A_600 : i32 to vector<16xi32>
        %and3A_602 = arith.andi %add3A_599, %and3A_601 : vector<16xi32>
        %mul3A_603 = arith.constant 2 : i32
        %mul3A_604 = vector.broadcast %mul3A_603 : i32 to vector<16xi32>
        %mul3A_605 = arith.muli %mul3A_604, %and3A_511 : vector<16xi32>
        %add3A_606 = arith.constant 1 : i32
        %add3A_607 = vector.broadcast %add3A_606 : i32 to vector<16xi32>
        %add3A_608 = arith.addi %mul3A_605, %add3A_607 : vector<16xi32>
        %gather3A_609 = arith.constant 0 : i32
        %gather3A_610 = arith.constant 0 : i32
        %gather3A_611 = tpu.memref_slice %arg4[%rem3A_57, %gather3A_609, %gather3A_610] : memref<3x64x128xf32, #tpu.memory_space<vmem>> -> memref<1x64x128xf32, #tpu.memory_space<vmem>>
        %gather3A_612 = tpu.memref_squeeze %gather3A_611 : memref<1x64x128xf32, #tpu.memory_space<vmem>> -> memref<64x128xf32, #tpu.memory_space<vmem>>
        %gather3A_613 = tpu.vector_load_idx %gather3A_612[%and3A_602, %add3A_608] : memref<64x128xf32, #tpu.memory_space<vmem>>[vector<16xi32>, vector<16xi32>], vector<16xf32>,
        %add3A_614 = arith.constant 32 : i32
        %add3A_615 = vector.broadcast %add3A_614 : i32 to vector<16xi32>
        %add3A_616 = arith.addi %iota3A, %add3A_615 : vector<16xi32>
        %and3A_617 = arith.constant 63 : i32
        %and3A_618 = vector.broadcast %and3A_617 : i32 to vector<16xi32>
        %and3A_619 = arith.andi %add3A_616, %and3A_618 : vector<16xi32>
        %mul3A_620 = arith.constant 2 : i32
        %mul3A_621 = vector.broadcast %mul3A_620 : i32 to vector<16xi32>
        %mul3A_622 = arith.muli %mul3A_621, %and3A_511 : vector<16xi32>
        %add3A_623 = arith.constant 1 : i32
        %add3A_624 = vector.broadcast %add3A_623 : i32 to vector<16xi32>
        %add3A_625 = arith.addi %mul3A_622, %add3A_624 : vector<16xi32>
        %gather3A_626 = arith.constant 0 : i32
        %gather3A_627 = arith.constant 0 : i32
        %gather3A_628 = tpu.memref_slice %arg4[%rem3A_57, %gather3A_626, %gather3A_627] : memref<3x64x128xf32, #tpu.memory_space<vmem>> -> memref<1x64x128xf32, #tpu.memory_space<vmem>>
        %gather3A_629 = tpu.memref_squeeze %gather3A_628 : memref<1x64x128xf32, #tpu.memory_space<vmem>> -> memref<64x128xf32, #tpu.memory_space<vmem>>
        %gather3A_630 = tpu.vector_load_idx %gather3A_629[%and3A_619, %add3A_625] : memref<64x128xf32, #tpu.memory_space<vmem>>[vector<16xi32>, vector<16xi32>], vector<16xf32>,
        %add3A_631 = arith.constant 48 : i32
        %add3A_632 = vector.broadcast %add3A_631 : i32 to vector<16xi32>
        %add3A_633 = arith.addi %iota3A, %add3A_632 : vector<16xi32>
        %and3A_634 = arith.constant 63 : i32
        %and3A_635 = vector.broadcast %and3A_634 : i32 to vector<16xi32>
        %and3A_636 = arith.andi %add3A_633, %and3A_635 : vector<16xi32>
        %mul3A_637 = arith.constant 2 : i32
        %mul3A_638 = vector.broadcast %mul3A_637 : i32 to vector<16xi32>
        %mul3A_639 = arith.muli %mul3A_638, %and3A_511 : vector<16xi32>
        %add3A_640 = arith.constant 1 : i32
        %add3A_641 = vector.broadcast %add3A_640 : i32 to vector<16xi32>
        %add3A_642 = arith.addi %mul3A_639, %add3A_641 : vector<16xi32>
        %gather3A_643 = arith.constant 0 : i32
        %gather3A_644 = arith.constant 0 : i32
        %gather3A_645 = tpu.memref_slice %arg4[%rem3A_57, %gather3A_643, %gather3A_644] : memref<3x64x128xf32, #tpu.memory_space<vmem>> -> memref<1x64x128xf32, #tpu.memory_space<vmem>>
        %gather3A_646 = tpu.memref_squeeze %gather3A_645 : memref<1x64x128xf32, #tpu.memory_space<vmem>> -> memref<64x128xf32, #tpu.memory_space<vmem>>
        %gather3A_647 = tpu.vector_load_idx %gather3A_646[%and3A_636, %add3A_642] : memref<64x128xf32, #tpu.memory_space<vmem>>[vector<16xi32>, vector<16xi32>], vector<16xf32>,
        %add3A_648 = arith.constant 0 : i32
        %add3A_649 = vector.broadcast %add3A_648 : i32 to vector<16xi32>
        %add3A_650 = arith.addi %iota3A, %add3A_649 : vector<16xi32>
        %scatter3A_651 = arith.constant 0 : i32
        %scatter3A_652 = arith.constant 0 : i32
        %scatter3A_653 = tpu.memref_slice %arg5[%rem3A_85, %scatter3A_651, %scatter3A_652] : memref<2x64x128xf32, #tpu.memory_space<vmem>> -> memref<1x64x128xf32, #tpu.memory_space<vmem>>
        %scatter3A_654 = tpu.memref_squeeze %scatter3A_653 : memref<1x64x128xf32, #tpu.memory_space<vmem>> -> memref<64x128xf32, #tpu.memory_space<vmem>>
        tpu.vector_store_idx %scatter3A_654[%and3A_511, %add3A_650], %gather3A_528 : memref<64x128xf32, #tpu.memory_space<vmem>>[vector<16xi32>, vector<16xi32>], vector<16xf32>,
        %add3A_655 = arith.constant 16 : i32
        %add3A_656 = vector.broadcast %add3A_655 : i32 to vector<16xi32>
        %add3A_657 = arith.addi %iota3A, %add3A_656 : vector<16xi32>
        %scatter3A_658 = arith.constant 0 : i32
        %scatter3A_659 = arith.constant 0 : i32
        %scatter3A_660 = tpu.memref_slice %arg5[%rem3A_85, %scatter3A_658, %scatter3A_659] : memref<2x64x128xf32, #tpu.memory_space<vmem>> -> memref<1x64x128xf32, #tpu.memory_space<vmem>>
        %scatter3A_661 = tpu.memref_squeeze %scatter3A_660 : memref<1x64x128xf32, #tpu.memory_space<vmem>> -> memref<64x128xf32, #tpu.memory_space<vmem>>
        tpu.vector_store_idx %scatter3A_661[%and3A_511, %add3A_657], %gather3A_545 : memref<64x128xf32, #tpu.memory_space<vmem>>[vector<16xi32>, vector<16xi32>], vector<16xf32>,
        %add3A_662 = arith.constant 32 : i32
        %add3A_663 = vector.broadcast %add3A_662 : i32 to vector<16xi32>
        %add3A_664 = arith.addi %iota3A, %add3A_663 : vector<16xi32>
        %scatter3A_665 = arith.constant 0 : i32
        %scatter3A_666 = arith.constant 0 : i32
        %scatter3A_667 = tpu.memref_slice %arg5[%rem3A_85, %scatter3A_665, %scatter3A_666] : memref<2x64x128xf32, #tpu.memory_space<vmem>> -> memref<1x64x128xf32, #tpu.memory_space<vmem>>
        %scatter3A_668 = tpu.memref_squeeze %scatter3A_667 : memref<1x64x128xf32, #tpu.memory_space<vmem>> -> memref<64x128xf32, #tpu.memory_space<vmem>>
        tpu.vector_store_idx %scatter3A_668[%and3A_511, %add3A_664], %gather3A_562 : memref<64x128xf32, #tpu.memory_space<vmem>>[vector<16xi32>, vector<16xi32>], vector<16xf32>,
        %add3A_669 = arith.constant 48 : i32
        %add3A_670 = vector.broadcast %add3A_669 : i32 to vector<16xi32>
        %add3A_671 = arith.addi %iota3A, %add3A_670 : vector<16xi32>
        %scatter3A_672 = arith.constant 0 : i32
        %scatter3A_673 = arith.constant 0 : i32
        %scatter3A_674 = tpu.memref_slice %arg5[%rem3A_85, %scatter3A_672, %scatter3A_673] : memref<2x64x128xf32, #tpu.memory_space<vmem>> -> memref<1x64x128xf32, #tpu.memory_space<vmem>>
        %scatter3A_675 = tpu.memref_squeeze %scatter3A_674 : memref<1x64x128xf32, #tpu.memory_space<vmem>> -> memref<64x128xf32, #tpu.memory_space<vmem>>
        tpu.vector_store_idx %scatter3A_675[%and3A_511, %add3A_671], %gather3A_579 : memref<64x128xf32, #tpu.memory_space<vmem>>[vector<16xi32>, vector<16xi32>], vector<16xf32>,
        %add3A_676 = arith.constant 64 : i32
        %add3A_677 = vector.broadcast %add3A_676 : i32 to vector<16xi32>
        %add3A_678 = arith.addi %iota3A, %add3A_677 : vector<16xi32>
        %scatter3A_679 = arith.constant 0 : i32
        %scatter3A_680 = arith.constant 0 : i32
        %scatter3A_681 = tpu.memref_slice %arg5[%rem3A_85, %scatter3A_679, %scatter3A_680] : memref<2x64x128xf32, #tpu.memory_space<vmem>> -> memref<1x64x128xf32, #tpu.memory_space<vmem>>
        %scatter3A_682 = tpu.memref_squeeze %scatter3A_681 : memref<1x64x128xf32, #tpu.memory_space<vmem>> -> memref<64x128xf32, #tpu.memory_space<vmem>>
        tpu.vector_store_idx %scatter3A_682[%and3A_511, %add3A_678], %gather3A_596 : memref<64x128xf32, #tpu.memory_space<vmem>>[vector<16xi32>, vector<16xi32>], vector<16xf32>,
        %add3A_683 = arith.constant 80 : i32
        %add3A_684 = vector.broadcast %add3A_683 : i32 to vector<16xi32>
        %add3A_685 = arith.addi %iota3A, %add3A_684 : vector<16xi32>
        %scatter3A_686 = arith.constant 0 : i32
        %scatter3A_687 = arith.constant 0 : i32
        %scatter3A_688 = tpu.memref_slice %arg5[%rem3A_85, %scatter3A_686, %scatter3A_687] : memref<2x64x128xf32, #tpu.memory_space<vmem>> -> memref<1x64x128xf32, #tpu.memory_space<vmem>>
        %scatter3A_689 = tpu.memref_squeeze %scatter3A_688 : memref<1x64x128xf32, #tpu.memory_space<vmem>> -> memref<64x128xf32, #tpu.memory_space<vmem>>
        tpu.vector_store_idx %scatter3A_689[%and3A_511, %add3A_685], %gather3A_613 : memref<64x128xf32, #tpu.memory_space<vmem>>[vector<16xi32>, vector<16xi32>], vector<16xf32>,
        %add3A_690 = arith.constant 96 : i32
        %add3A_691 = vector.broadcast %add3A_690 : i32 to vector<16xi32>
        %add3A_692 = arith.addi %iota3A, %add3A_691 : vector<16xi32>
        %scatter3A_693 = arith.constant 0 : i32
        %scatter3A_694 = arith.constant 0 : i32
        %scatter3A_695 = tpu.memref_slice %arg5[%rem3A_85, %scatter3A_693, %scatter3A_694] : memref<2x64x128xf32, #tpu.memory_space<vmem>> -> memref<1x64x128xf32, #tpu.memory_space<vmem>>
        %scatter3A_696 = tpu.memref_squeeze %scatter3A_695 : memref<1x64x128xf32, #tpu.memory_space<vmem>> -> memref<64x128xf32, #tpu.memory_space<vmem>>
        tpu.vector_store_idx %scatter3A_696[%and3A_511, %add3A_692], %gather3A_630 : memref<64x128xf32, #tpu.memory_space<vmem>>[vector<16xi32>, vector<16xi32>], vector<16xf32>,
        %add3A_697 = arith.constant 112 : i32
        %add3A_698 = vector.broadcast %add3A_697 : i32 to vector<16xi32>
        %add3A_699 = arith.addi %iota3A, %add3A_698 : vector<16xi32>
        %scatter3A_700 = arith.constant 0 : i32
        %scatter3A_701 = arith.constant 0 : i32
        %scatter3A_702 = tpu.memref_slice %arg5[%rem3A_85, %scatter3A_700, %scatter3A_701] : memref<2x64x128xf32, #tpu.memory_space<vmem>> -> memref<1x64x128xf32, #tpu.memory_space<vmem>>
        %scatter3A_703 = tpu.memref_squeeze %scatter3A_702 : memref<1x64x128xf32, #tpu.memory_space<vmem>> -> memref<64x128xf32, #tpu.memory_space<vmem>>
        tpu.vector_store_idx %scatter3A_703[%and3A_511, %add3A_699], %gather3A_647 : memref<64x128xf32, #tpu.memory_space<vmem>>[vector<16xi32>, vector<16xi32>], vector<16xf32>,
        %scan3A_704 = arith.constant 3 : i32
        %scan3A_705 = arith.addi %scan3A_111, %scan3A_704 : i32
        %add3A_706 = vector.broadcast %scan3A_705 : i32 to vector<16xi32>
        %add3A_707 = arith.addi %iota3A, %add3A_706 : vector<16xi32>
        %and3A_708 = arith.constant 63 : i32
        %and3A_709 = vector.broadcast %and3A_708 : i32 to vector<16xi32>
        %and3A_710 = arith.andi %add3A_707, %and3A_709 : vector<16xi32>
        %add3A_711 = arith.constant 0 : i32
        %add3A_712 = vector.broadcast %add3A_711 : i32 to vector<16xi32>
        %add3A_713 = arith.addi %iota3A, %add3A_712 : vector<16xi32>
        %and3A_714 = arith.constant 63 : i32
        %and3A_715 = vector.broadcast %and3A_714 : i32 to vector<16xi32>
        %and3A_716 = arith.andi %add3A_713, %and3A_715 : vector<16xi32>
        %mul3A_717 = arith.constant 2 : i32
        %mul3A_718 = vector.broadcast %mul3A_717 : i32 to vector<16xi32>
        %mul3A_719 = arith.muli %mul3A_718, %and3A_710 : vector<16xi32>
        %add3A_720 = arith.constant 0 : i32
        %add3A_721 = vector.broadcast %add3A_720 : i32 to vector<16xi32>
        %add3A_722 = arith.addi %mul3A_719, %add3A_721 : vector<16xi32>
        %gather3A_723 = arith.constant 0 : i32
        %gather3A_724 = arith.constant 0 : i32
        %gather3A_725 = tpu.memref_slice %arg4[%rem3A_57, %gather3A_723, %gather3A_724] : memref<3x64x128xf32, #tpu.memory_space<vmem>> -> memref<1x64x128xf32, #tpu.memory_space<vmem>>
        %gather3A_726 = tpu.memref_squeeze %gather3A_725 : memref<1x64x128xf32, #tpu.memory_space<vmem>> -> memref<64x128xf32, #tpu.memory_space<vmem>>
        %gather3A_727 = tpu.vector_load_idx %gather3A_726[%and3A_716, %add3A_722] : memref<64x128xf32, #tpu.memory_space<vmem>>[vector<16xi32>, vector<16xi32>], vector<16xf32>,
        %add3A_728 = arith.constant 16 : i32
        %add3A_729 = vector.broadcast %add3A_728 : i32 to vector<16xi32>
        %add3A_730 = arith.addi %iota3A, %add3A_729 : vector<16xi32>
        %and3A_731 = arith.constant 63 : i32
        %and3A_732 = vector.broadcast %and3A_731 : i32 to vector<16xi32>
        %and3A_733 = arith.andi %add3A_730, %and3A_732 : vector<16xi32>
        %mul3A_734 = arith.constant 2 : i32
        %mul3A_735 = vector.broadcast %mul3A_734 : i32 to vector<16xi32>
        %mul3A_736 = arith.muli %mul3A_735, %and3A_710 : vector<16xi32>
        %add3A_737 = arith.constant 0 : i32
        %add3A_738 = vector.broadcast %add3A_737 : i32 to vector<16xi32>
        %add3A_739 = arith.addi %mul3A_736, %add3A_738 : vector<16xi32>
        %gather3A_740 = arith.constant 0 : i32
        %gather3A_741 = arith.constant 0 : i32
        %gather3A_742 = tpu.memref_slice %arg4[%rem3A_57, %gather3A_740, %gather3A_741] : memref<3x64x128xf32, #tpu.memory_space<vmem>> -> memref<1x64x128xf32, #tpu.memory_space<vmem>>
        %gather3A_743 = tpu.memref_squeeze %gather3A_742 : memref<1x64x128xf32, #tpu.memory_space<vmem>> -> memref<64x128xf32, #tpu.memory_space<vmem>>
        %gather3A_744 = tpu.vector_load_idx %gather3A_743[%and3A_733, %add3A_739] : memref<64x128xf32, #tpu.memory_space<vmem>>[vector<16xi32>, vector<16xi32>], vector<16xf32>,
        %add3A_745 = arith.constant 32 : i32
        %add3A_746 = vector.broadcast %add3A_745 : i32 to vector<16xi32>
        %add3A_747 = arith.addi %iota3A, %add3A_746 : vector<16xi32>
        %and3A_748 = arith.constant 63 : i32
        %and3A_749 = vector.broadcast %and3A_748 : i32 to vector<16xi32>
        %and3A_750 = arith.andi %add3A_747, %and3A_749 : vector<16xi32>
        %mul3A_751 = arith.constant 2 : i32
        %mul3A_752 = vector.broadcast %mul3A_751 : i32 to vector<16xi32>
        %mul3A_753 = arith.muli %mul3A_752, %and3A_710 : vector<16xi32>
        %add3A_754 = arith.constant 0 : i32
        %add3A_755 = vector.broadcast %add3A_754 : i32 to vector<16xi32>
        %add3A_756 = arith.addi %mul3A_753, %add3A_755 : vector<16xi32>
        %gather3A_757 = arith.constant 0 : i32
        %gather3A_758 = arith.constant 0 : i32
        %gather3A_759 = tpu.memref_slice %arg4[%rem3A_57, %gather3A_757, %gather3A_758] : memref<3x64x128xf32, #tpu.memory_space<vmem>> -> memref<1x64x128xf32, #tpu.memory_space<vmem>>
        %gather3A_760 = tpu.memref_squeeze %gather3A_759 : memref<1x64x128xf32, #tpu.memory_space<vmem>> -> memref<64x128xf32, #tpu.memory_space<vmem>>
        %gather3A_761 = tpu.vector_load_idx %gather3A_760[%and3A_750, %add3A_756] : memref<64x128xf32, #tpu.memory_space<vmem>>[vector<16xi32>, vector<16xi32>], vector<16xf32>,
        %add3A_762 = arith.constant 48 : i32
        %add3A_763 = vector.broadcast %add3A_762 : i32 to vector<16xi32>
        %add3A_764 = arith.addi %iota3A, %add3A_763 : vector<16xi32>
        %and3A_765 = arith.constant 63 : i32
        %and3A_766 = vector.broadcast %and3A_765 : i32 to vector<16xi32>
        %and3A_767 = arith.andi %add3A_764, %and3A_766 : vector<16xi32>
        %mul3A_768 = arith.constant 2 : i32
        %mul3A_769 = vector.broadcast %mul3A_768 : i32 to vector<16xi32>
        %mul3A_770 = arith.muli %mul3A_769, %and3A_710 : vector<16xi32>
        %add3A_771 = arith.constant 0 : i32
        %add3A_772 = vector.broadcast %add3A_771 : i32 to vector<16xi32>
        %add3A_773 = arith.addi %mul3A_770, %add3A_772 : vector<16xi32>
        %gather3A_774 = arith.constant 0 : i32
        %gather3A_775 = arith.constant 0 : i32
        %gather3A_776 = tpu.memref_slice %arg4[%rem3A_57, %gather3A_774, %gather3A_775] : memref<3x64x128xf32, #tpu.memory_space<vmem>> -> memref<1x64x128xf32, #tpu.memory_space<vmem>>
        %gather3A_777 = tpu.memref_squeeze %gather3A_776 : memref<1x64x128xf32, #tpu.memory_space<vmem>> -> memref<64x128xf32, #tpu.memory_space<vmem>>
        %gather3A_778 = tpu.vector_load_idx %gather3A_777[%and3A_767, %add3A_773] : memref<64x128xf32, #tpu.memory_space<vmem>>[vector<16xi32>, vector<16xi32>], vector<16xf32>,
        %add3A_779 = arith.constant 0 : i32
        %add3A_780 = vector.broadcast %add3A_779 : i32 to vector<16xi32>
        %add3A_781 = arith.addi %iota3A, %add3A_780 : vector<16xi32>
        %and3A_782 = arith.constant 63 : i32
        %and3A_783 = vector.broadcast %and3A_782 : i32 to vector<16xi32>
        %and3A_784 = arith.andi %add3A_781, %and3A_783 : vector<16xi32>
        %mul3A_785 = arith.constant 2 : i32
        %mul3A_786 = vector.broadcast %mul3A_785 : i32 to vector<16xi32>
        %mul3A_787 = arith.muli %mul3A_786, %and3A_710 : vector<16xi32>
        %add3A_788 = arith.constant 1 : i32
        %add3A_789 = vector.broadcast %add3A_788 : i32 to vector<16xi32>
        %add3A_790 = arith.addi %mul3A_787, %add3A_789 : vector<16xi32>
        %gather3A_791 = arith.constant 0 : i32
        %gather3A_792 = arith.constant 0 : i32
        %gather3A_793 = tpu.memref_slice %arg4[%rem3A_57, %gather3A_791, %gather3A_792] : memref<3x64x128xf32, #tpu.memory_space<vmem>> -> memref<1x64x128xf32, #tpu.memory_space<vmem>>
        %gather3A_794 = tpu.memref_squeeze %gather3A_793 : memref<1x64x128xf32, #tpu.memory_space<vmem>> -> memref<64x128xf32, #tpu.memory_space<vmem>>
        %gather3A_795 = tpu.vector_load_idx %gather3A_794[%and3A_784, %add3A_790] : memref<64x128xf32, #tpu.memory_space<vmem>>[vector<16xi32>, vector<16xi32>], vector<16xf32>,
        %add3A_796 = arith.constant 16 : i32
        %add3A_797 = vector.broadcast %add3A_796 : i32 to vector<16xi32>
        %add3A_798 = arith.addi %iota3A, %add3A_797 : vector<16xi32>
        %and3A_799 = arith.constant 63 : i32
        %and3A_800 = vector.broadcast %and3A_799 : i32 to vector<16xi32>
        %and3A_801 = arith.andi %add3A_798, %and3A_800 : vector<16xi32>
        %mul3A_802 = arith.constant 2 : i32
        %mul3A_803 = vector.broadcast %mul3A_802 : i32 to vector<16xi32>
        %mul3A_804 = arith.muli %mul3A_803, %and3A_710 : vector<16xi32>
        %add3A_805 = arith.constant 1 : i32
        %add3A_806 = vector.broadcast %add3A_805 : i32 to vector<16xi32>
        %add3A_807 = arith.addi %mul3A_804, %add3A_806 : vector<16xi32>
        %gather3A_808 = arith.constant 0 : i32
        %gather3A_809 = arith.constant 0 : i32
        %gather3A_810 = tpu.memref_slice %arg4[%rem3A_57, %gather3A_808, %gather3A_809] : memref<3x64x128xf32, #tpu.memory_space<vmem>> -> memref<1x64x128xf32, #tpu.memory_space<vmem>>
        %gather3A_811 = tpu.memref_squeeze %gather3A_810 : memref<1x64x128xf32, #tpu.memory_space<vmem>> -> memref<64x128xf32, #tpu.memory_space<vmem>>
        %gather3A_812 = tpu.vector_load_idx %gather3A_811[%and3A_801, %add3A_807] : memref<64x128xf32, #tpu.memory_space<vmem>>[vector<16xi32>, vector<16xi32>], vector<16xf32>,
        %add3A_813 = arith.constant 32 : i32
        %add3A_814 = vector.broadcast %add3A_813 : i32 to vector<16xi32>
        %add3A_815 = arith.addi %iota3A, %add3A_814 : vector<16xi32>
        %and3A_816 = arith.constant 63 : i32
        %and3A_817 = vector.broadcast %and3A_816 : i32 to vector<16xi32>
        %and3A_818 = arith.andi %add3A_815, %and3A_817 : vector<16xi32>
        %mul3A_819 = arith.constant 2 : i32
        %mul3A_820 = vector.broadcast %mul3A_819 : i32 to vector<16xi32>
        %mul3A_821 = arith.muli %mul3A_820, %and3A_710 : vector<16xi32>
        %add3A_822 = arith.constant 1 : i32
        %add3A_823 = vector.broadcast %add3A_822 : i32 to vector<16xi32>
        %add3A_824 = arith.addi %mul3A_821, %add3A_823 : vector<16xi32>
        %gather3A_825 = arith.constant 0 : i32
        %gather3A_826 = arith.constant 0 : i32
        %gather3A_827 = tpu.memref_slice %arg4[%rem3A_57, %gather3A_825, %gather3A_826] : memref<3x64x128xf32, #tpu.memory_space<vmem>> -> memref<1x64x128xf32, #tpu.memory_space<vmem>>
        %gather3A_828 = tpu.memref_squeeze %gather3A_827 : memref<1x64x128xf32, #tpu.memory_space<vmem>> -> memref<64x128xf32, #tpu.memory_space<vmem>>
        %gather3A_829 = tpu.vector_load_idx %gather3A_828[%and3A_818, %add3A_824] : memref<64x128xf32, #tpu.memory_space<vmem>>[vector<16xi32>, vector<16xi32>], vector<16xf32>,
        %add3A_830 = arith.constant 48 : i32
        %add3A_831 = vector.broadcast %add3A_830 : i32 to vector<16xi32>
        %add3A_832 = arith.addi %iota3A, %add3A_831 : vector<16xi32>
        %and3A_833 = arith.constant 63 : i32
        %and3A_834 = vector.broadcast %and3A_833 : i32 to vector<16xi32>
        %and3A_835 = arith.andi %add3A_832, %and3A_834 : vector<16xi32>
        %mul3A_836 = arith.constant 2 : i32
        %mul3A_837 = vector.broadcast %mul3A_836 : i32 to vector<16xi32>
        %mul3A_838 = arith.muli %mul3A_837, %and3A_710 : vector<16xi32>
        %add3A_839 = arith.constant 1 : i32
        %add3A_840 = vector.broadcast %add3A_839 : i32 to vector<16xi32>
        %add3A_841 = arith.addi %mul3A_838, %add3A_840 : vector<16xi32>
        %gather3A_842 = arith.constant 0 : i32
        %gather3A_843 = arith.constant 0 : i32
        %gather3A_844 = tpu.memref_slice %arg4[%rem3A_57, %gather3A_842, %gather3A_843] : memref<3x64x128xf32, #tpu.memory_space<vmem>> -> memref<1x64x128xf32, #tpu.memory_space<vmem>>
        %gather3A_845 = tpu.memref_squeeze %gather3A_844 : memref<1x64x128xf32, #tpu.memory_space<vmem>> -> memref<64x128xf32, #tpu.memory_space<vmem>>
        %gather3A_846 = tpu.vector_load_idx %gather3A_845[%and3A_835, %add3A_841] : memref<64x128xf32, #tpu.memory_space<vmem>>[vector<16xi32>, vector<16xi32>], vector<16xf32>,
        %add3A_847 = arith.constant 0 : i32
        %add3A_848 = vector.broadcast %add3A_847 : i32 to vector<16xi32>
        %add3A_849 = arith.addi %iota3A, %add3A_848 : vector<16xi32>
        %scatter3A_850 = arith.constant 0 : i32
        %scatter3A_851 = arith.constant 0 : i32
        %scatter3A_852 = tpu.memref_slice %arg5[%rem3A_85, %scatter3A_850, %scatter3A_851] : memref<2x64x128xf32, #tpu.memory_space<vmem>> -> memref<1x64x128xf32, #tpu.memory_space<vmem>>
        %scatter3A_853 = tpu.memref_squeeze %scatter3A_852 : memref<1x64x128xf32, #tpu.memory_space<vmem>> -> memref<64x128xf32, #tpu.memory_space<vmem>>
        tpu.vector_store_idx %scatter3A_853[%and3A_710, %add3A_849], %gather3A_727 : memref<64x128xf32, #tpu.memory_space<vmem>>[vector<16xi32>, vector<16xi32>], vector<16xf32>,
        %add3A_854 = arith.constant 16 : i32
        %add3A_855 = vector.broadcast %add3A_854 : i32 to vector<16xi32>
        %add3A_856 = arith.addi %iota3A, %add3A_855 : vector<16xi32>
        %scatter3A_857 = arith.constant 0 : i32
        %scatter3A_858 = arith.constant 0 : i32
        %scatter3A_859 = tpu.memref_slice %arg5[%rem3A_85, %scatter3A_857, %scatter3A_858] : memref<2x64x128xf32, #tpu.memory_space<vmem>> -> memref<1x64x128xf32, #tpu.memory_space<vmem>>
        %scatter3A_860 = tpu.memref_squeeze %scatter3A_859 : memref<1x64x128xf32, #tpu.memory_space<vmem>> -> memref<64x128xf32, #tpu.memory_space<vmem>>
        tpu.vector_store_idx %scatter3A_860[%and3A_710, %add3A_856], %gather3A_744 : memref<64x128xf32, #tpu.memory_space<vmem>>[vector<16xi32>, vector<16xi32>], vector<16xf32>,
        %add3A_861 = arith.constant 32 : i32
        %add3A_862 = vector.broadcast %add3A_861 : i32 to vector<16xi32>
        %add3A_863 = arith.addi %iota3A, %add3A_862 : vector<16xi32>
        %scatter3A_864 = arith.constant 0 : i32
        %scatter3A_865 = arith.constant 0 : i32
        %scatter3A_866 = tpu.memref_slice %arg5[%rem3A_85, %scatter3A_864, %scatter3A_865] : memref<2x64x128xf32, #tpu.memory_space<vmem>> -> memref<1x64x128xf32, #tpu.memory_space<vmem>>
        %scatter3A_867 = tpu.memref_squeeze %scatter3A_866 : memref<1x64x128xf32, #tpu.memory_space<vmem>> -> memref<64x128xf32, #tpu.memory_space<vmem>>
        tpu.vector_store_idx %scatter3A_867[%and3A_710, %add3A_863], %gather3A_761 : memref<64x128xf32, #tpu.memory_space<vmem>>[vector<16xi32>, vector<16xi32>], vector<16xf32>,
        %add3A_868 = arith.constant 48 : i32
        %add3A_869 = vector.broadcast %add3A_868 : i32 to vector<16xi32>
        %add3A_870 = arith.addi %iota3A, %add3A_869 : vector<16xi32>
        %scatter3A_871 = arith.constant 0 : i32
        %scatter3A_872 = arith.constant 0 : i32
        %scatter3A_873 = tpu.memref_slice %arg5[%rem3A_85, %scatter3A_871, %scatter3A_872] : memref<2x64x128xf32, #tpu.memory_space<vmem>> -> memref<1x64x128xf32, #tpu.memory_space<vmem>>
        %scatter3A_874 = tpu.memref_squeeze %scatter3A_873 : memref<1x64x128xf32, #tpu.memory_space<vmem>> -> memref<64x128xf32, #tpu.memory_space<vmem>>
        tpu.vector_store_idx %scatter3A_874[%and3A_710, %add3A_870], %gather3A_778 : memref<64x128xf32, #tpu.memory_space<vmem>>[vector<16xi32>, vector<16xi32>], vector<16xf32>,
        %add3A_875 = arith.constant 64 : i32
        %add3A_876 = vector.broadcast %add3A_875 : i32 to vector<16xi32>
        %add3A_877 = arith.addi %iota3A, %add3A_876 : vector<16xi32>
        %scatter3A_878 = arith.constant 0 : i32
        %scatter3A_879 = arith.constant 0 : i32
        %scatter3A_880 = tpu.memref_slice %arg5[%rem3A_85, %scatter3A_878, %scatter3A_879] : memref<2x64x128xf32, #tpu.memory_space<vmem>> -> memref<1x64x128xf32, #tpu.memory_space<vmem>>
        %scatter3A_881 = tpu.memref_squeeze %scatter3A_880 : memref<1x64x128xf32, #tpu.memory_space<vmem>> -> memref<64x128xf32, #tpu.memory_space<vmem>>
        tpu.vector_store_idx %scatter3A_881[%and3A_710, %add3A_877], %gather3A_795 : memref<64x128xf32, #tpu.memory_space<vmem>>[vector<16xi32>, vector<16xi32>], vector<16xf32>,
        %add3A_882 = arith.constant 80 : i32
        %add3A_883 = vector.broadcast %add3A_882 : i32 to vector<16xi32>
        %add3A_884 = arith.addi %iota3A, %add3A_883 : vector<16xi32>
        %scatter3A_885 = arith.constant 0 : i32
        %scatter3A_886 = arith.constant 0 : i32
        %scatter3A_887 = tpu.memref_slice %arg5[%rem3A_85, %scatter3A_885, %scatter3A_886] : memref<2x64x128xf32, #tpu.memory_space<vmem>> -> memref<1x64x128xf32, #tpu.memory_space<vmem>>
        %scatter3A_888 = tpu.memref_squeeze %scatter3A_887 : memref<1x64x128xf32, #tpu.memory_space<vmem>> -> memref<64x128xf32, #tpu.memory_space<vmem>>
        tpu.vector_store_idx %scatter3A_888[%and3A_710, %add3A_884], %gather3A_812 : memref<64x128xf32, #tpu.memory_space<vmem>>[vector<16xi32>, vector<16xi32>], vector<16xf32>,
        %add3A_889 = arith.constant 96 : i32
        %add3A_890 = vector.broadcast %add3A_889 : i32 to vector<16xi32>
        %add3A_891 = arith.addi %iota3A, %add3A_890 : vector<16xi32>
        %scatter3A_892 = arith.constant 0 : i32
        %scatter3A_893 = arith.constant 0 : i32
        %scatter3A_894 = tpu.memref_slice %arg5[%rem3A_85, %scatter3A_892, %scatter3A_893] : memref<2x64x128xf32, #tpu.memory_space<vmem>> -> memref<1x64x128xf32, #tpu.memory_space<vmem>>
        %scatter3A_895 = tpu.memref_squeeze %scatter3A_894 : memref<1x64x128xf32, #tpu.memory_space<vmem>> -> memref<64x128xf32, #tpu.memory_space<vmem>>
        tpu.vector_store_idx %scatter3A_895[%and3A_710, %add3A_891], %gather3A_829 : memref<64x128xf32, #tpu.memory_space<vmem>>[vector<16xi32>, vector<16xi32>], vector<16xf32>,
        %add3A_896 = arith.constant 112 : i32
        %add3A_897 = vector.broadcast %add3A_896 : i32 to vector<16xi32>
        %add3A_898 = arith.addi %iota3A, %add3A_897 : vector<16xi32>
        %scatter3A_899 = arith.constant 0 : i32
        %scatter3A_900 = arith.constant 0 : i32
        %scatter3A_901 = tpu.memref_slice %arg5[%rem3A_85, %scatter3A_899, %scatter3A_900] : memref<2x64x128xf32, #tpu.memory_space<vmem>> -> memref<1x64x128xf32, #tpu.memory_space<vmem>>
        %scatter3A_902 = tpu.memref_squeeze %scatter3A_901 : memref<1x64x128xf32, #tpu.memory_space<vmem>> -> memref<64x128xf32, #tpu.memory_space<vmem>>
        tpu.vector_store_idx %scatter3A_902[%and3A_710, %add3A_898], %gather3A_846 : memref<64x128xf32, #tpu.memory_space<vmem>>[vector<16xi32>, vector<16xi32>], vector<16xf32>,
      }
      %scan3A_90 = arith.constant 64 : i32
      %mul3A_91 = arith.constant 64 : i32
      %mul3A_92 = arith.muli %add3A_60, %mul3A_91 : i32
      %dma_start3A_93 = arith.constant 0 : i32
      %dma_start3A_94 = arith.constant 0 : i32
      %dma_start3A_95 = tpu.memref_slice %arg5[%rem3A_85, %dma_start3A_93, %dma_start3A_94] : memref<2x64x128xf32, #tpu.memory_space<vmem>> -> memref<1x64x128xf32, #tpu.memory_space<vmem>>
      %dma_start3A_96 = tpu.memref_squeeze %dma_start3A_95 : memref<1x64x128xf32, #tpu.memory_space<vmem>> -> memref<64x128xf32, #tpu.memory_space<vmem>>
      %dma_start3A_97 = arith.constant 0 : i32
      %dma_start3A_98 = arith.constant 0 : i32
      %dma_start3A_99 = tpu.memref_slice %dma_start3A_96[%dma_start3A_97, %dma_start3A_98] : memref<64x128xf32, #tpu.memory_space<vmem>> -> memref<64x128xf32, #tpu.memory_space<vmem>>
      %dma_start3A_100 = arith.constant 0 : i32
      %dma_start3A_101 = tpu.memref_slice %arg3[%mul3A_92, %dma_start3A_100] : memref<500000x128xf32, #tpu.memory_space<hbm>> -> memref<64x128xf32, #tpu.memory_space<hbm>>
      %dma_start3A_102 = arith.constant 0 : i32
      %dma_start3A_103 = tpu.memref_slice %arg3[%mul3A_92, %dma_start3A_102] : memref<500000x128xf32, #tpu.memory_space<hbm>> -> memref<64x128xf32, #tpu.memory_space<hbm>>
      %dma_start3A_104 = arith.constant 0 : i32
      %dma_start3A_105 = arith.constant 0 : i32
      %dma_start3A_106 = tpu.memref_slice %arg5[%rem3A_85, %dma_start3A_104, %dma_start3A_105] : memref<2x64x128xf32, #tpu.memory_space<vmem>> -> memref<1x64x128xf32, #tpu.memory_space<vmem>>
      %dma_start3A_107 = tpu.memref_squeeze %dma_start3A_106 : memref<1x64x128xf32, #tpu.memory_space<vmem>> -> memref<64x128xf32, #tpu.memory_space<vmem>>
      %dma_start3A_108 = arith.constant 0 : i32
      %dma_start3A_109 = arith.constant 0 : i32
      %dma_start3A_110 = tpu.memref_slice %dma_start3A_107[%dma_start3A_108, %dma_start3A_109] : memref<64x128xf32, #tpu.memory_space<vmem>> -> memref<64x128xf32, #tpu.memory_space<vmem>>
      tpu.enqueue_dma source(%dma_start3A_110 : memref<64x128xf32, #tpu.memory_space<vmem>>) target(%dma_start3A_103 : memref<64x128xf32, #tpu.memory_space<hbm>>) target_semaphore(%arg7 : memref<!tpu.dma_semaphore, #tpu.memory_space<semaphore_mem>>)
    }
    %sub3A = arith.constant 2 : i32
    %sub3A_47 = arith.subi %add3A_4, %sub3A : i32
    %lt3A_48 = arith.cmpi slt, %sub3A_47, %add3A_4 : i32
    %convert_element_type3A = arith.extui %lt3A_48 : i1 to i32
    %cond3A = arith.constant 0 : i32
    %cond3A_49 = arith.cmpi ne, %convert_element_type3A, %cond3A : i32
    scf.if %cond3A_49 {
      %jit3A_56 = arith.constant 2 : i32
      %eq3A = arith.constant 0 : i32
      %eq3A_57 = arith.cmpi eq, %jit3A_56, %eq3A : i32
      %jit3A_58 = arith.constant 1 : i32
      %select_n3A_59 = arith.select %eq3A_57, %jit3A_58, %jit3A_56 : i32
      %rem3A = arith.remsi %sub3A_47, %select_n3A_59 : i32
      %ne3A = arith.constant 0 : i32
      %ne3A_60 = arith.cmpi ne, %rem3A, %ne3A : i32
      %lt3A_61 = arith.constant 0 : i32
      %lt3A_62 = arith.cmpi slt, %rem3A, %lt3A_61 : i32
      %lt3A_63 = arith.constant 0 : i32
      %lt3A_64 = arith.cmpi slt, %select_n3A_59, %lt3A_63 : i32
      %ne3A_65 = arith.xori %lt3A_62, %lt3A_64 : i1
      %and3A = arith.andi %ne3A_65, %ne3A_60 : i1
      %add3A_66 = arith.addi %rem3A, %select_n3A_59 : i32
      %select_n3A_67 = arith.select %and3A, %add3A_66, %rem3A : i32
      %dma_wait3A = arith.constant 0 : i32
      %dma_wait3A_68 = arith.constant 0 : i32
      %dma_wait3A_69 = tpu.memref_slice %arg5[%select_n3A_67, %dma_wait3A, %dma_wait3A_68] : memref<2x64x128xf32, #tpu.memory_space<vmem>> -> memref<1x64x128xf32, #tpu.memory_space<vmem>>
      %dma_wait3A_70 = tpu.memref_squeeze %dma_wait3A_69 : memref<1x64x128xf32, #tpu.memory_space<vmem>> -> memref<64x128xf32, #tpu.memory_space<vmem>>
      %dma_wait3A_71 = arith.constant 0 : i32
      %dma_wait3A_72 = arith.constant 0 : i32
      %dma_wait3A_73 = tpu.memref_slice %arg3[%dma_wait3A_71, %dma_wait3A_72] : memref<500000x128xf32, #tpu.memory_space<hbm>> -> memref<64x128xf32, #tpu.memory_space<hbm>>
      %dma_wait3A_74 = arith.constant 0 : i32
      %dma_wait3A_75 = arith.constant 0 : i32
      %dma_wait3A_76 = tpu.memref_slice %arg3[%dma_wait3A_74, %dma_wait3A_75] : memref<500000x128xf32, #tpu.memory_space<hbm>> -> memref<64x128xf32, #tpu.memory_space<hbm>>
      %dma_wait3A_77 = arith.constant 0 : i32
      %dma_wait3A_78 = arith.constant 0 : i32
      %dma_wait3A_79 = tpu.memref_slice %arg5[%select_n3A_67, %dma_wait3A_77, %dma_wait3A_78] : memref<2x64x128xf32, #tpu.memory_space<vmem>> -> memref<1x64x128xf32, #tpu.memory_space<vmem>>
      %dma_wait3A_80 = tpu.memref_squeeze %dma_wait3A_79 : memref<1x64x128xf32, #tpu.memory_space<vmem>> -> memref<64x128xf32, #tpu.memory_space<vmem>>
      tpu.wait_dma2 semaphore(%arg7 : memref<!tpu.dma_semaphore, #tpu.memory_space<semaphore_mem>>) src(%dma_wait3A_80 : memref<64x128xf32, #tpu.memory_space<vmem>>) dst(%dma_wait3A_76 : memref<64x128xf32, #tpu.memory_space<hbm>>)
    } else {
    }
    %sub3A_50 = arith.constant 1 : i32
    %sub3A_51 = arith.subi %add3A_4, %sub3A_50 : i32
    %lt3A_52 = arith.cmpi slt, %sub3A_51, %add3A_4 : i32
    %convert_element_type3A_53 = arith.extui %lt3A_52 : i1 to i32
    %cond3A_54 = arith.constant 0 : i32
    %cond3A_55 = arith.cmpi ne, %convert_element_type3A_53, %cond3A_54 : i32
    scf.if %cond3A_55 {
      %jit3A_56 = arith.constant 2 : i32
      %eq3A = arith.constant 0 : i32
      %eq3A_57 = arith.cmpi eq, %jit3A_56, %eq3A : i32
      %jit3A_58 = arith.constant 1 : i32
      %select_n3A_59 = arith.select %eq3A_57, %jit3A_58, %jit3A_56 : i32
      %rem3A = arith.remsi %sub3A_51, %select_n3A_59 : i32
      %ne3A = arith.constant 0 : i32
      %ne3A_60 = arith.cmpi ne, %rem3A, %ne3A : i32
      %lt3A_61 = arith.constant 0 : i32
      %lt3A_62 = arith.cmpi slt, %rem3A, %lt3A_61 : i32
      %lt3A_63 = arith.constant 0 : i32
      %lt3A_64 = arith.cmpi slt, %select_n3A_59, %lt3A_63 : i32
      %ne3A_65 = arith.xori %lt3A_62, %lt3A_64 : i1
      %and3A = arith.andi %ne3A_65, %ne3A_60 : i1
      %add3A_66 = arith.addi %rem3A, %select_n3A_59 : i32
      %select_n3A_67 = arith.select %and3A, %add3A_66, %rem3A : i32
      %dma_wait3A = arith.constant 0 : i32
      %dma_wait3A_68 = arith.constant 0 : i32
      %dma_wait3A_69 = tpu.memref_slice %arg5[%select_n3A_67, %dma_wait3A, %dma_wait3A_68] : memref<2x64x128xf32, #tpu.memory_space<vmem>> -> memref<1x64x128xf32, #tpu.memory_space<vmem>>
      %dma_wait3A_70 = tpu.memref_squeeze %dma_wait3A_69 : memref<1x64x128xf32, #tpu.memory_space<vmem>> -> memref<64x128xf32, #tpu.memory_space<vmem>>
      %dma_wait3A_71 = arith.constant 0 : i32
      %dma_wait3A_72 = arith.constant 0 : i32
      %dma_wait3A_73 = tpu.memref_slice %arg3[%dma_wait3A_71, %dma_wait3A_72] : memref<500000x128xf32, #tpu.memory_space<hbm>> -> memref<64x128xf32, #tpu.memory_space<hbm>>
      %dma_wait3A_74 = arith.constant 0 : i32
      %dma_wait3A_75 = arith.constant 0 : i32
      %dma_wait3A_76 = tpu.memref_slice %arg3[%dma_wait3A_74, %dma_wait3A_75] : memref<500000x128xf32, #tpu.memory_space<hbm>> -> memref<64x128xf32, #tpu.memory_space<hbm>>
      %dma_wait3A_77 = arith.constant 0 : i32
      %dma_wait3A_78 = arith.constant 0 : i32
      %dma_wait3A_79 = tpu.memref_slice %arg5[%select_n3A_67, %dma_wait3A_77, %dma_wait3A_78] : memref<2x64x128xf32, #tpu.memory_space<vmem>> -> memref<1x64x128xf32, #tpu.memory_space<vmem>>
      %dma_wait3A_80 = tpu.memref_squeeze %dma_wait3A_79 : memref<1x64x128xf32, #tpu.memory_space<vmem>> -> memref<64x128xf32, #tpu.memory_space<vmem>>
      tpu.wait_dma2 semaphore(%arg7 : memref<!tpu.dma_semaphore, #tpu.memory_space<semaphore_mem>>) src(%dma_wait3A_80 : memref<64x128xf32, #tpu.memory_space<vmem>>) dst(%dma_wait3A_76 : memref<64x128xf32, #tpu.memory_space<hbm>>)
    } else {
    }
    return
  }
}

</mosaic_0001>

<sc_bundles>
// kernel: kernel.4.cloned.1.call-start
scs
__scs_entry_jumppad:
0x0: {  	(pc) =	sbr.rel $0x88, $3  }
0x1: {  	(tag) =	ssettag $0x0;
	lr =	simm.s32 $0x1  }
0x2: {  	[smem:$0x3F9F] =	sst lr;
	_ =	strace $0xD0000000  }
0x3: {  	_ = 	snop  }
0x4: {  	_ = 	snop  }
0x5: {  	_ = 	snop  }
0x6: {  	_ = 	snop  }
0x7: {  	_ = 	snop  }
__scs_overlays_trampoline_lowered:
0x8: {  	[smem:$0x3FAE] =	sst s0  }
0x9: {  	[smem:$0x3FAF] =	sst s1  }
0xa: {  	[smem:$0x3FB0] =	sst s2  }
0xb: {  	[smem:$0x3FB1] =	sst s3  }
0xc: {  	[smem:$0x3FB2] =	sst s4  }
0xd: {  	[smem:$0x3FB3] =	sst s5  }
0xe: {  	[smem:$0x3FB4] =	sst s6  }
0xf: {  	[smem:$0x3FB5] =	sst s7  }
0x10: {  	[smem:$0x3FB6] =	sst s8  }
0x11: {  	[smem:$0x3FB7] =	sst s9;
	s0 =	simm.s32 @!p0 $0x0  }
0x12: {  	s1 =	sld [smem:$0x3F9D];
	s0 =	simm.s32 @p0 $0x1  }
0x13: {  	[smem:$0x3FB8] =	sst s0;
	s0 =	simm.s32 @!p1 $0x0  }
0x14: {  	s2 =	sld [smem:$0x3F9C];
	s0 =	simm.s32 @p1 $0x1  }
0x15: {  	[smem:$0x3FB9] =	sst s0;
	s0 =	simm.s32 @!p2 $0x0  }
0x16: {  	s3 =	sld [smem:$0x3FDB];
	s0 =	simm.s32 @p2 $0x1  }
0x17: {  	s4 =	simm.s32 $0x1BF5;
	[smem:$0x3FBB] =	sst s0  }
0x18: {  	s0 =	sld [smem:$0x3F9E];
	_ =	swait.ge [sflag:s4], $0x0  }
0x19: {  	s7 =	sld [smem:$0x3F9F]  }
0x1a: {  	s8 =	sadd.s32 $0xFFFFE003, lr  }
0x1b: {  	s9 =	sadd.s32 $0xFFFFFEF7, lr;
	s5 =	simm.s32 $0xFFFFFFFF;
	p2 =	slt.u32 s8, $0xFFFFF086  }
0x1c: {  	p1 =	slt.u32 s9, $0xF7A;
	s5 =	simm.s32 @!p2 $0x0  }
0x1d: {  	s5 =	simm.s32 @p1 $0x1;
	p0 =	seq.s32 s7, s2  }
0x1e: {  	s7 =	smul.u32 @!p0 $0xF7A, s2;
	p2 =	seq.s32 @!p0 s5, $0x0  }
0x1f: {  	s9 =	smul.u32 $0xF7A, s1;
	s8 =	simm.s32 @!p0 $0x1BF5;
	p2 =	por !p2, p0  }
0x20: {  	[sflag:s8] =	ssyncset.s32 @!p0 $0xFFFFF086;
	s6 =	sadd.s32 @!p0 s3, s7;
	s7 =	simm.s32 @!p0 $0x108  }
0x21: {  	s3 =	sadd.s32 s3, s9;
	s6 =	sadd.s32 @!p0 $0x88, s6;
	s7 =	simm.s32 @p2 $0x1082  }
0x22: {  	[simem:s7], [sflag:s8] =	dma.local @!p0 [hbm:s6], $0xF7A  }
0x23: {  	s9 =	sor.u32 $0xD0000000, s2;
	s6 =	simm.s32 $0x108;
	_ =	swait.ge @!p0 [sflag:s8], $0x0  }
0x24: {  	s3 =	sadd.s32 $0x88, s3;
	s6 =	simm.s32 @!p1 $0x1082;
	[sflag:s4] =	ssyncset.s32 $0xFFFFF086  }
0x25: {  	[simem:s6], [sflag:s4] =	dma.local [hbm:s3], $0xF7A  }
0x26: {  	[smem:$0x3F9F] =	sst s1;
	(tag) =	ssettag s2;
	_ =	strace s9  }
0x27: {  	s1 =	sld [smem:$0x3FAF]  }
0x28: {  	s2 =	sld [smem:$0x3FB0]  }
0x29: {  	s4 =	sld [smem:$0x3FB2]  }
0x2a: {  	p0 =	seq.s32 s5, $0x0;
	s5 =	sld [smem:$0x3FB3]  }
0x2b: {  	s6 =	sld [smem:$0x3FB4]  }
0x2c: {  	s7 =	sld [smem:$0x3FB5]  }
0x2d: {  	s3 =	simm.s32 $0x108;
	s8 =	sld [smem:$0x3FB6]  }
0x2e: {  	s3 =	simm.s32 @!p0 $0x1082;
	s9 =	sld [smem:$0x3FB7]  }
0x2f: {  	lr =	sadd.s32 s0, s3;
	s0 =	sld [smem:$0x3FAE]  }
0x30: {  	s3 =	sld [smem:$0x3FB1]  }
0x31: {  	[smem:$0x3FBA] =	sst s10  }
0x32: {  	s10 =	sld [smem:$0x3FB8];
	_ =	sdelay $0x3  }
0x33: {  	p0 =	seq.s32 s10, $0x1;
	s10 =	sld [smem:$0x3FBA];
	_ =	sdelay $0x3  }
0x34: {  	[smem:$0x3FBA] =	sst s10  }
0x35: {  	s10 =	sld [smem:$0x3FB9];
	_ =	sdelay $0x3  }
0x36: {  	p1 =	seq.s32 s10, $0x1;
	s10 =	sld [smem:$0x3FBA];
	_ =	sdelay $0x3  }
0x37: {  	[smem:$0x3FBA] =	sst s10  }
0x38: {  	s10 =	sld [smem:$0x3FBB]  }
0x39: {  	_ = 	snop;
	(pc) =	sbr.ind lr, $3  }
0x3a: {  	_ = 	snop  }
0x3b: {  	_ = 	snop  }
0x3c: {  	p2 =	seq.s32 s10, $0x1;
	s10 =	sld [smem:$0x3FBA]  }
0x3d: {  	_ =	shalt  }
0x3e: {  	_ =	shalt  }
0x3f: {  	_ =	shalt  }
0x40: {  	_ =	shalt  }
0x41: {  	_ =	shalt  }
0x42: {  	_ =	shalt  }
0x43: {  	_ =	shalt  }
0x44: {  	_ =	shalt  }
0x45: {  	_ =	shalt  }
0x46: {  	_ =	shalt  }
0x47: {  	_ =	shalt  }
0x48: {  	_ =	shalt  }
0x49: {  	_ =	shalt  }
0x4a: {  	_ =	shalt  }
0x4b: {  	_ =	shalt  }
0x4c: {  	_ =	shalt  }
0x4d: {  	_ =	shalt  }
0x4e: {  	_ =	shalt  }
0x4f: {  	_ =	shalt  }
0x50: {  	_ =	shalt  }
0x51: {  	_ =	shalt  }
0x52: {  	_ =	shalt  }
0x53: {  	_ =	shalt  }
0x54: {  	_ =	shalt  }
0x55: {  	_ =	shalt  }
0x56: {  	_ =	shalt  }
0x57: {  	_ =	shalt  }
0x58: {  	_ =	shalt  }
0x59: {  	_ =	shalt  }
0x5a: {  	_ =	shalt  }
0x5b: {  	_ =	shalt  }
0x5c: {  	_ =	shalt  }
0x5d: {  	_ =	shalt  }
0x5e: {  	_ =	shalt  }
0x5f: {  	_ =	shalt  }
0x60: {  	_ =	shalt  }
0x61: {  	_ =	shalt  }
0x62: {  	_ =	shalt  }
0x63: {  	_ =	shalt  }
0x64: {  	_ =	shalt  }
0x65: {  	_ =	shalt  }
0x66: {  	_ =	shalt  }
0x67: {  	_ =	shalt  }
0x68: {  	_ =	shalt  }
0x69: {  	_ =	shalt  }
0x6a: {  	_ =	shalt  }
0x6b: {  	_ =	shalt  }
0x6c: {  	_ =	shalt  }
0x6d: {  	_ =	shalt  }
0x6e: {  	_ =	shalt  }
0x6f: {  	_ =	shalt  }
0x70: {  	_ =	shalt  }
0x71: {  	_ =	shalt  }
0x72: {  	_ =	shalt  }
0x73: {  	_ =	shalt  }
0x74: {  	_ =	shalt  }
0x75: {  	_ =	shalt  }
0x76: {  	_ =	shalt  }
0x77: {  	_ =	shalt  }
0x78: {  	_ =	shalt  }
0x79: {  	_ =	shalt  }
0x7a: {  	_ =	shalt  }
0x7b: {  	_ =	shalt  }
0x7c: {  	_ =	shalt  }
0x7d: {  	_ =	shalt  }
0x7e: {  	_ =	shalt  }
0x7f: {  	_ =	shalt  }
0x80: {  	_ =	shalt  }
0x81: {  	_ =	shalt  }
0x82: {  	_ =	shalt  }
0x83: {  	_ =	shalt  }
0x84: {  	_ =	shalt  }
0x85: {  	_ =	shalt  }
0x86: {  	_ =	shalt  }
0x87: {  	_ =	shalt  }
.Lfunc_end0:
.L_simem_size_0:
called_computation_lowered:
.L_overlay_start_0:
0x88: {  	s2 =	sld [smem:$0x3FD9]  }
0x89: {  	s3 =	sld [smem:$0x3FFE];
	_ =	sdelay $0x1  }
0x8a: {  	s1 =	srdreg.scid  }
0x8b: {  	s0 =	sand.u32 $0x1, s1  }
0x8c: {  	s17 =	sshll.u32 s0, $0xA;
	s2 =	sadd.s32 s3, s2  }
0x8d: {  	s2 =	sadd.s32 s2, s17  }
0x8e: {  	[smem:$0x3FC6] =	sst s2  }
0x8f: {  	_ = 	snop  }
0x90: {  	s2 =	sld [smem:$0x3FC8];
	(tm) =	ssettm $0x1  }
0x91: {  	s18 =	sld [smem:$0x3FFB];
	_ =	sdelay $0x3  }
0x92: {  	_ =	strace s18  }
0x93: {  	s3 =	sld [smem:$0x3FFC];
	_ =	sdelay $0x3  }
0x94: {  	_ =	strace s3  }
0x95: {  	s3 =	sld [smem:$0x3FFD];
	_ =	sdelay $0x3  }
0x96: {  	_ =	strace s3  }
0x97: {  	_ =	strace $0x8FFFFFFF  }
0x98: {  	s19 =	sld [smem:$0x3FDB];
	_ =	sdelay $0x1  }
0x99: {  	s4 =	simm.s32 $_scs_section_size  }
0x9a: {  	s5 =	simm.s32 $_size__tile_overlayer_lowered;
	s6 =	simm.s32 $_tile_overlayer_lowered  }
0x9b: {  	s22 =	simm.s32 $0x1BFF;
	s21 =	sshll.u32 s6, $0x1;
	s3 =	sadd.s32 s4, s19  }
0x9c: {  	s7 =	simm.s32 $0x0;
	s20 =	sshll.u32 s5, $0x1;
	s5 =	sadd.s32 s21, s3  }
0x9d: {  	[timem:s7], [sflag:s22] =	dma.local [hbm:s5], s20  }
0x9e: {  	_ =	swait.ge [sflag:s22], s20  }
0x9f: {  	s4 =	ssub.s32 $0x0, s20;
	[sflag:s22] =	ssyncset.done $0x0  }
0xa0: {  	[sflag:s22] =	ssyncadd.s32 s4;
	_ =	sdelay $0x1  }
0xa1: {  	s23 =	simm.s32 $0x1B8B  }
0xa2: {  	_ =	swait.ge [sflag:s23], $0x1  }
0xa3: {  	[sflag:s23] =	ssyncset.done $0x0  }
0xa4: {  	s25 =	simm.s32 $0x1B8E;
	s24 =	sld [smem:$0x3FFE];
	[sflag:s23] =	ssyncadd.s32 $0xFFFFFFFF  }
0xa5: {  	s26 =	simm.s32 $execute0_lowered;
	[smem:$0x3FD2] =	sst s25  }
0xa6: {  	s5 =	sshll.u32 s26, $0x1;
	_ =	strace $0x80000046;
	[dreg:$0x1] =	wrdreg $0xFFFFFFFF  }
0xa7: {  	s28 =	simm.s32 $_size_execute0_lowered;
	s3 =	sadd.s32 s3, s5;
	[dreg:$0x0] =	wrdreg $0x0  }
0xa8: {  	s5 =	sshll.u32 s28, $0x1;
	[dreg:$0x2] =	wrdreg s3  }
0xa9: {  	[dreg:$0x3] =	wrdreg s5  }
0xaa: {  	[dreg:$0x4] =	wrdreg $0xC0  }
0xab: {  	_ =	task [dreg:s7], $0x5FFFF  }
0xac: {  	[dreg:$0x1] =	wrdreg $0xFFFFFFFF  }
0xad: {  	[dreg:$0x0] =	wrdreg $0x60  }
0xae: {  	[dreg:$0x2] =	wrdreg s2  }
0xaf: {  	[dreg:$0x3] =	wrdreg s24  }
0xb0: {  	[dreg:$0x4] =	wrdreg $0x9  }
0xb1: {  	_ =	task.clear_ibuf [dreg:s7], $0x5FFFF;
	_ =	strace $0x90000046  }
0xb2: {  	s29 =	simm.s32 $0x9;
	_ =	strace $0x80000048  }
0xb3: {  	_ =	swait.ge [sflag:s29], $0x1  }
0xb4: {  	[sflag:s29] =	ssyncadd.s32 $0xFFFFFFFF  }
0xb5: {  	_ =	strace $0x90000048  }
0xb6: {  	_ =	sfence  }
0xb7: {  	s30 =	sld [smem:$0x0];
	_ =	sdelay $0x2  }
0xb8: {  	s31 =	sshll.u32 s1, $0xD;
	s1 =	sshrl.u32 s1, $0x2  }
0xb9: {  	s3 =	sand.u32 $0x4000, s31;
	s1 =	sadd.s32 s1, s30  }
0xba: {  	s0 =	sor.u32 s3, s0;
	s1 =	sshll.u32 s1, $0x11  }
0xbb: {  	s0 =	sor.u32 s1, s0  }
0xbc: {  	s0 =	sadd.s32 $0x8F2B, s0  }
0xbd: {  	[sflag:s0] =	ssyncadd.remote.s32 $0x1  }
0xbe: {  	_ =	sfence.sel $0xFFFF  }
0xbf: {  	[dreg:$0x0] =	wrdreg $0xFFFFFFFF;
	(pc) =	sbr.abs _section_cstart, $3  }
0xc0: {  	[dreg:$0x1] =	wrdreg $0xFFFFFFFF  }
0xc1: {  	_ =	task.clear_ibuf [dreg:s7], $0x2FFFF;
	_ =	strace $0x9FFFFFFF  }
0xc2: {  	(tm) =	ssettm $0x7FFFFFFF  }
0xc3: {  	_ =	shalt  }
tec
execute0_lowered:
.L_overlay_start_1:
0x0: {  	(tag) =	ssettag $0x1  }
0x1: {  	s1 =	rddreg [dreg:$0x0]  }
0x2: {  	s4 =	rddreg [dreg:$0x1];
	s2 =	srdreg.scid  }
0x3: {  	s0 =	rddreg [dreg:$0x2];
	s3 =	simm.s32 $0x0;
	s10 =	simm.s32 $0x400  }
0x4: {  	s12 =	simm.s32 $0x7A1400;
	s13 =	simm.s32 $0x2000;
	s14 =	simm.s32 $0x1  }
0x5: {  	s15 =	simm.s32 $0x2;
	s16 =	simm.s32 $0x0;
	s5 =	sand.u32 $0x1, s2  }
0x6: {  	v0 =	vlaneseq.u32;
	[smem:$0x7FF] =	sst s3;
	s2 =	stileid.u32;
	s4 =	sadd.s32 $0x800, s4  }
0x7: {  	v1 =	vmul.u32 $0x80, v0;
	v9 =	vor.u32 $0x10, v0;
	v10 =	vor.u32 $0x20, v0;
	s6 =	ssub.s32 $0x2, s5;
	_ =	strace $0x80000047;
	s8 =	sshll.u32 s2, $0x1  }
0x8: {  	v11 =	vor.u32 $0x30, v0;
	v12 =	vor.u32 $0x40, v0;
	v13 =	vor.u32 $0x50, v0;
	p0 =	slt.u32 s2, $0x2;
	s7 =	sshrl.u32 s6, $0x1;
	s9 =	sor.u32 s5, s8  }
0x9: {  	v14 =	vor.u32 $0x60, v0;
	v15 =	vor.u32 $0x70, v0;
	s5 =	simm.s32 $0xF5;
	v2 =	vor.u32 $0x800, v1;
	s11 =	ssub.s32 s6, s7;
	s31 =	sshll.u32 s9, $0x7  }
0xa: {  	v3 =	vor.u32 $0x1000, v1;
	v4 =	vor.u32 $0x1800, v1;
	v5 =	vor.u32 $0x1, v1;
	s5 =	simm.s32 @!p0 $0xF4;
	s7 =	sshll.u32 s9, $0xA;
	s6 =	sadd.s32 s1, s31  }
0xb: {  	v6 =	vor.u32 $0x801, v1;
	v7 =	vor.u32 $0x1001, v1;
	v8 =	vor.u32 $0x1801, v1;
	s9 =	sshll.u32 s9, $0xD;
	s11 =	smax.u32 s11, $0x1;
	s8 =	sadd.s32 $0x1000, s6  }
.LBB2_1:
0xc: {  	[tilespmem:s3], [sflag:$0x1] =	stream.strided.gather [hbm4b:s6+s10], $0x2000, s12, s10, $0x38;
	[tilespmem:$0xA000] =	vst v63  }
0xd: {  	s17 =	simm.s32 $0x0  }
0xe: {  	[tilespmem:s13], [sflag:$0x1] =	stream.strided.gather [hbm4b:s8+s10], $0x2000, s12, s10, $0x38;
	[tilespmem:$0xA000] =	vst v63  }
.LBB2_2:
0xf: {  	s18 =	sadd.s32 $0x2, s17  }
0x10: {  	p0 =	sge.u32 s18, s5  }
0x11: {  	s19 =	smulhi.u32 @!p0 $0xAAAAAAAB, s18;
	_ =	sdelay $0x1  }
0x12: {  	_ =	swait.ge [sflag:s14], $0x2000;
	s20 =	smulhi.u32 $0xAAAAAAAB, s17;
	s19 =	sshrl.u32 @!p0 s19, $0x1  }
0x13: {  	[sflag:s14] =	ssyncset.done $0x0;
	s21 =	sshll.u32 @!p0 s18, $0xF;
	s19 =	smul.u32 @!p0 $0x3, s19  }
0x14: {  	s25 =	simm.s32 $0x0;
	[sflag:s14] =	ssyncadd.s32 $0xFFFFE000;
	s21 =	sor.u32 @!p0 s7, s21  }
0x15: {  	v16 =	vadd.s32 s25, v0;
	s22 =	simm.s32 @!p0 $0x7A1400;
	s21 =	sshrl.u32 @!p0 s21, $0x3;
	s18 =	ssub.s32 @!p0 s18, s19  }
0x16: {  	v16 =	vand.u32 $0x3F, v16;
	s19 =	sadd.s32 @!p0 s1, s21;
	s21 =	simm.s32 @!p0 $0x400;
	s18 =	sshll.u32 @!p0 s18, $0xD  }
0x17: {  	v17 =	vshll.u32 v16, $0x1;
	[tilespmem:s18], [sflag:$0x1] =	stream.strided.gather @!p0 [hbm4b:s19+s21], $0x2000, s22, s21, $0x38;
	[tilespmem:$0xA000] =	vst v63  }
0x18: {  	s26 =	sshrl.u32 s20, $0x1;
	v18 =	vor.u32 v2, v17;
	p0 =	slt.u32 s17, $0x2  }
0x19: {  	v19 =	vor.u32 v4, v17;
	s18 =	smul.u32 $0x3, s26;
	s19 =	simm.s32 @!p0 $0x2  }
0x1a: {  	v20 =	vor.u32 v1, v17;
	_ =	swait.ge @!p0 [sflag:s19], $0x2000  }
0x1b: {  	v21 =	vor.u32 v3, v17;
	s18 =	ssub.s32 s17, s18;
	[sflag:s19] =	ssyncset.done @!p0 $0x0  }
0x1c: {  	v22 =	vor.u32 v7, v17;
	s18 =	sshll.u32 s18, $0xD;
	[sflag:s19] =	ssyncadd.s32 @!p0 $0xFFFFE000  }
0x1d: {  	v23 =	vor.u32 v8, v17;
	v18 =	vld.idx.msk [tilespmem:v18+s18+$0x0], $0xffff  }
0x1e: {  	v16 =	vshll.u32 v16, $0x7;
	v24 =	vor.u32 v5, v17;
	v19 =	vld.idx.msk [tilespmem:v19+s18+$0x0], $0xffff  }
0x1f: {  	v17 =	vor.u32 v6, v17;
	v25 =	vor.u32 v0, v16;
	v20 =	vld.idx.msk [tilespmem:v20+s18+$0x0], $0xffff  }
0x20: {  	v26 =	vor.u32 v9, v16;
	v21 =	vld.idx.msk [tilespmem:v21+s18+$0x0], $0xffff  }
0x21: {  	s28 =	sshll.u32 s17, $0xD;
	v27 =	vor.u32 v10, v16;
	v22 =	vld.idx.msk [tilespmem:v22+s18+$0x0], $0xffff  }
0x22: {  	v28 =	vor.u32 v11, v16;
	s19 =	sand.u32 $0x2000, s28;
	v23 =	vld.idx.msk [tilespmem:v23+s18+$0x0], $0xffff  }
0x23: {  	s29 =	simm.s32 $0x1;
	v29 =	vor.u32 v12, v16;
	v24 =	vld.idx.msk [tilespmem:v24+s18+$0x0], $0xffff;
	s19 =	sadd.s32 $0x6000, s19  }
0x24: {  	v17 =	vld.idx.msk [tilespmem:v17+s18+$0x0], $0xffff;
	[tilespmem:v25+s19+$0x0] =	vst.idx.msk $0xffff, v20;
	v20 =	vor.u32 v13, v16;
	v25 =	vadd.s32 s29, v0  }
0x25: {  	[tilespmem:v26+s19+$0x0] =	vst.idx.msk $0xffff, v18;
	v18 =	vor.u32 v14, v16;
	v25 =	vand.u32 $0x3F, v25  }
0x26: {  	v16 =	vor.u32 v15, v16;
	[tilespmem:v27+s19+$0x0] =	vst.idx.msk $0xffff, v21;
	v21 =	vshll.u32 v25, $0x1  }
0x27: {  	[tilespmem:v28+s19+$0x0] =	vst.idx.msk $0xffff, v19;
	v19 =	vor.u32 v3, v21  }
0x28: {  	[tilespmem:v29+s19+$0x0] =	vst.idx.msk $0xffff, v24;
	v24 =	vor.u32 v2, v21  }
0x29: {  	[tilespmem:v20+s19+$0x0] =	vst.idx.msk $0xffff, v17;
	v17 =	vor.u32 v1, v21  }
0x2a: {  	v20 =	vor.u32 v7, v21;
	[tilespmem:v18+s19+$0x0] =	vst.idx.msk $0xffff, v22  }
0x2b: {  	v18 =	vor.u32 v4, v21;
	[tilespmem:v16+s19+$0x0] =	vst.idx.msk $0xffff, v23  }
0x2c: {  	v16 =	vor.u32 v8, v21;
	v19 =	vld.idx.msk [tilespmem:v19+s18+$0x0], $0xffff  }
0x2d: {  	v23 =	vor.u32 v5, v21;
	v22 =	vld.idx.msk [tilespmem:v24+s18+$0x0], $0xffff;
	v24 =	vshll.u32 v25, $0x7  }
0x2e: {  	v21 =	vor.u32 v6, v21;
	v17 =	vld.idx.msk [tilespmem:v17+s18+$0x0], $0xffff;
	v25 =	vor.u32 v0, v24  }
0x2f: {  	v26 =	vor.u32 v9, v24;
	v20 =	vld.idx.msk [tilespmem:v20+s18+$0x0], $0xffff  }
0x30: {  	v27 =	vor.u32 v10, v24;
	v18 =	vld.idx.msk [tilespmem:v18+s18+$0x0], $0xffff  }
0x31: {  	v28 =	vor.u32 v11, v24;
	v16 =	vld.idx.msk [tilespmem:v16+s18+$0x0], $0xffff  }
0x32: {  	s30 =	simm.s32 $0x2;
	v29 =	vor.u32 v12, v24;
	v23 =	vld.idx.msk [tilespmem:v23+s18+$0x0], $0xffff  }
0x33: {  	v21 =	vld.idx.msk [tilespmem:v21+s18+$0x0], $0xffff;
	[tilespmem:v25+s19+$0x0] =	vst.idx.msk $0xffff, v17;
	v17 =	vor.u32 v13, v24;
	v25 =	vadd.s32 s30, v0  }
0x34: {  	[tilespmem:v26+s19+$0x0] =	vst.idx.msk $0xffff, v22;
	v22 =	vor.u32 v14, v24;
	v25 =	vand.u32 $0x3F, v25  }
0x35: {  	[tilespmem:v27+s19+$0x0] =	vst.idx.msk $0xffff, v19;
	v19 =	vor.u32 v15, v24;
	v24 =	vshll.u32 v25, $0x1  }
0x36: {  	[tilespmem:v28+s19+$0x0] =	vst.idx.msk $0xffff, v18;
	v18 =	vor.u32 v3, v24  }
0x37: {  	[tilespmem:v29+s19+$0x0] =	vst.idx.msk $0xffff, v23;
	v23 =	vor.u32 v2, v24  }
0x38: {  	[tilespmem:v17+s19+$0x0] =	vst.idx.msk $0xffff, v21;
	v17 =	vor.u32 v1, v24  }
0x39: {  	[tilespmem:v22+s19+$0x0] =	vst.idx.msk $0xffff, v20;
	v20 =	vor.u32 v4, v24  }
0x3a: {  	v22 =	vor.u32 v8, v24;
	[tilespmem:v19+s19+$0x0] =	vst.idx.msk $0xffff, v16  }
0x3b: {  	v16 =	vor.u32 v5, v24;
	v18 =	vld.idx.msk [tilespmem:v18+s18+$0x0], $0xffff  }
0x3c: {  	v19 =	vor.u32 v6, v24;
	v21 =	vld.idx.msk [tilespmem:v23+s18+$0x0], $0xffff;
	v23 =	vshll.u32 v25, $0x7  }
0x3d: {  	v24 =	vor.u32 v7, v24;
	v17 =	vld.idx.msk [tilespmem:v17+s18+$0x0], $0xffff;
	v25 =	vor.u32 v0, v23  }
0x3e: {  	v26 =	vor.u32 v9, v23;
	v20 =	vld.idx.msk [tilespmem:v20+s18+$0x0], $0xffff  }
0x3f: {  	v27 =	vor.u32 v10, v23;
	v22 =	vld.idx.msk [tilespmem:v22+s18+$0x0], $0xffff  }
0x40: {  	v28 =	vor.u32 v11, v23;
	v16 =	vld.idx.msk [tilespmem:v16+s18+$0x0], $0xffff  }
0x41: {  	s31 =	simm.s32 $0x3;
	v29 =	vor.u32 v12, v23;
	v19 =	vld.idx.msk [tilespmem:v19+s18+$0x0], $0xffff  }
0x42: {  	v24 =	vld.idx.msk [tilespmem:v24+s18+$0x0], $0xffff;
	[tilespmem:v25+s19+$0x0] =	vst.idx.msk $0xffff, v17;
	v17 =	vor.u32 v13, v23;
	v25 =	vadd.s32 s31, v0  }
0x43: {  	[tilespmem:v26+s19+$0x0] =	vst.idx.msk $0xffff, v21;
	v21 =	vor.u32 v14, v23;
	v25 =	vand.u32 $0x3F, v25  }
0x44: {  	[tilespmem:v27+s19+$0x0] =	vst.idx.msk $0xffff, v18;
	v18 =	vor.u32 v15, v23;
	v23 =	vshll.u32 v25, $0x1  }
0x45: {  	[tilespmem:v28+s19+$0x0] =	vst.idx.msk $0xffff, v20;
	v20 =	vor.u32 v3, v23  }
0x46: {  	v26 =	vor.u32 v1, v23;
	[tilespmem:v29+s19+$0x0] =	vst.idx.msk $0xffff, v16  }
0x47: {  	v16 =	vor.u32 v2, v23;
	[tilespmem:v17+s19+$0x0] =	vst.idx.msk $0xffff, v19  }
0x48: {  	[tilespmem:v21+s19+$0x0] =	vst.idx.msk $0xffff, v24;
	v21 =	vor.u32 v4, v23  }
0x49: {  	v29 =	vor.u32 v5, v23;
	[tilespmem:v18+s19+$0x0] =	vst.idx.msk $0xffff, v22  }
0x4a: {  	v28 =	vor.u32 v6, v23;
	v18 =	vld.idx.msk [tilespmem:v20+s18+$0x0], $0xffff  }
0x4b: {  	v27 =	vor.u32 v8, v23;
	v22 =	vld.idx.msk [tilespmem:v26+s18+$0x0], $0xffff  }
0x4c: {  	v17 =	vshll.u32 v25, $0x7;
	v26 =	vor.u32 v7, v23;
	v19 =	vld.idx.msk [tilespmem:v16+s18+$0x0], $0xffff  }
0x4d: {  	v25 =	vor.u32 v0, v17;
	v20 =	vld.idx.msk [tilespmem:v21+s18+$0x0], $0xffff  }
0x4e: {  	s20 =	simm.s32 $0x4;
	v24 =	vor.u32 v9, v17;
	v23 =	vor.u32 v10, v17;
	v16 =	vor.u32 v11, v17;
	v21 =	vld.idx.msk [tilespmem:v29+s18+$0x0], $0xffff  }
.LBB2_3:
0x4f: {  	p0 =	slt.u32 s20, $0x3C;
	v28 =	vld.idx.msk [tilespmem:v28+s18+$0x0], $0xffff;
	s21 =	smov.u32 s20;
	s20 =	sadd.s32 $0x4, s20  }
0x50: {  	v30 =	vor.u32 v12, v17;
	v29 =	vadd.s32 s21, v0;
	v27 =	vld.idx.msk [tilespmem:v27+s18+$0x0], $0xffff  }
0x51: {  	v31 =	vor.u32 v13, v17;
	v32 =	vor.u32 v15, v17;
	v29 =	vand.u32 $0x3F, v29;
	v26 =	vld.idx.msk [tilespmem:v26+s18+$0x0], $0xffff  }
0x52: {  	v17 =	vor.u32 v14, v17;
	v33 =	vshll.u32 v29, $0x1;
	v29 =	vshll.u32 v29, $0x7;
	[tilespmem:v25+s19+$0x0] =	vst.idx.msk $0xffff, v22  }
0x53: {  	v22 =	vor.u32 v1, v33;
	v25 =	vor.u32 v2, v33;
	[tilespmem:v24+s19+$0x0] =	vst.idx.msk $0xffff, v19  }
0x54: {  	v19 =	vor.u32 v4, v33;
	v24 =	vor.u32 v5, v33;
	[tilespmem:v23+s19+$0x0] =	vst.idx.msk $0xffff, v18  }
0x55: {  	v18 =	vor.u32 v7, v33;
	v23 =	vor.u32 v8, v33;
	[tilespmem:v16+s19+$0x0] =	vst.idx.msk $0xffff, v20  }
0x56: {  	v16 =	vor.u32 v3, v33;
	[tilespmem:v30+s19+$0x0] =	vst.idx.msk $0xffff, v21  }
0x57: {  	[tilespmem:v31+s19+$0x0] =	vst.idx.msk $0xffff, v28  }
0x58: {  	v20 =	vor.u32 v6, v33;
	[tilespmem:v17+s19+$0x0] =	vst.idx.msk $0xffff, v26  }
0x59: {  	[tilespmem:v32+s19+$0x0] =	vst.idx.msk $0xffff, v27  }
0x5a: {  	v17 =	vld.idx.msk [tilespmem:v25+s18+$0x0], $0xffff  }
0x5b: {  	v19 =	vld.idx.msk [tilespmem:v19+s18+$0x0], $0xffff  }
0x5c: {  	v21 =	vld.idx.msk [tilespmem:v22+s18+$0x0], $0xffff  }
0x5d: {  	v22 =	vor.u32 v0, v29;
	v16 =	vld.idx.msk [tilespmem:v16+s18+$0x0], $0xffff  }
0x5e: {  	v25 =	vor.u32 v9, v29;
	v18 =	vld.idx.msk [tilespmem:v18+s18+$0x0], $0xffff  }
0x5f: {  	v26 =	vor.u32 v10, v29;
	v23 =	vld.idx.msk [tilespmem:v23+s18+$0x0], $0xffff  }
0x60: {  	v27 =	vor.u32 v11, v29;
	v24 =	vld.idx.msk [tilespmem:v24+s18+$0x0], $0xffff  }
0x61: {  	s22 =	sadd.s32 $0x1, s21;
	v28 =	vor.u32 v12, v29;
	v20 =	vld.idx.msk [tilespmem:v20+s18+$0x0], $0xffff  }
0x62: {  	[tilespmem:v22+s19+$0x0] =	vst.idx.msk $0xffff, v21;
	v21 =	vor.u32 v13, v29;
	v22 =	vadd.s32 s22, v0  }
0x63: {  	[tilespmem:v25+s19+$0x0] =	vst.idx.msk $0xffff, v17;
	v17 =	vor.u32 v14, v29;
	v22 =	vand.u32 $0x3F, v22  }
0x64: {  	[tilespmem:v26+s19+$0x0] =	vst.idx.msk $0xffff, v16;
	v16 =	vor.u32 v15, v29;
	v25 =	vshll.u32 v22, $0x1;
	v22 =	vshll.u32 v22, $0x7  }
0x65: {  	[tilespmem:v27+s19+$0x0] =	vst.idx.msk $0xffff, v19;
	v19 =	vor.u32 v3, v25  }
0x66: {  	[tilespmem:v28+s19+$0x0] =	vst.idx.msk $0xffff, v24;
	v24 =	vor.u32 v2, v25  }
0x67: {  	[tilespmem:v21+s19+$0x0] =	vst.idx.msk $0xffff, v20;
	v20 =	vor.u32 v1, v25  }
0x68: {  	[tilespmem:v17+s19+$0x0] =	vst.idx.msk $0xffff, v18;
	v17 =	vor.u32 v4, v25  }
0x69: {  	[tilespmem:v16+s19+$0x0] =	vst.idx.msk $0xffff, v23;
	v16 =	vor.u32 v8, v25  }
0x6a: {  	v18 =	vld.idx.msk [tilespmem:v19+s18+$0x0], $0xffff;
	v19 =	vor.u32 v7, v25  }
0x6b: {  	v23 =	vor.u32 v5, v25;
	v21 =	vld.idx.msk [tilespmem:v24+s18+$0x0], $0xffff  }
0x6c: {  	v24 =	vor.u32 v6, v25;
	v20 =	vld.idx.msk [tilespmem:v20+s18+$0x0], $0xffff  }
0x6d: {  	v25 =	vor.u32 v0, v22;
	v17 =	vld.idx.msk [tilespmem:v17+s18+$0x0], $0xffff  }
0x6e: {  	v26 =	vor.u32 v9, v22;
	v16 =	vld.idx.msk [tilespmem:v16+s18+$0x0], $0xffff  }
0x6f: {  	v27 =	vor.u32 v10, v22;
	v19 =	vld.idx.msk [tilespmem:v19+s18+$0x0], $0xffff  }
0x70: {  	v28 =	vor.u32 v11, v22;
	v23 =	vld.idx.msk [tilespmem:v23+s18+$0x0], $0xffff  }
0x71: {  	s22 =	sadd.s32 $0x2, s21;
	v29 =	vor.u32 v12, v22;
	v24 =	vld.idx.msk [tilespmem:v24+s18+$0x0], $0xffff  }
0x72: {  	[tilespmem:v25+s19+$0x0] =	vst.idx.msk $0xffff, v20;
	v20 =	vor.u32 v13, v22;
	v25 =	vadd.s32 s22, v0  }
0x73: {  	[tilespmem:v26+s19+$0x0] =	vst.idx.msk $0xffff, v21;
	v21 =	vor.u32 v14, v22;
	v25 =	vand.u32 $0x3F, v25  }
0x74: {  	[tilespmem:v27+s19+$0x0] =	vst.idx.msk $0xffff, v18;
	v18 =	vor.u32 v15, v22;
	v22 =	vshll.u32 v25, $0x1;
	v25 =	vshll.u32 v25, $0x7  }
0x75: {  	[tilespmem:v28+s19+$0x0] =	vst.idx.msk $0xffff, v17;
	v17 =	vor.u32 v3, v22  }
0x76: {  	[tilespmem:v29+s19+$0x0] =	vst.idx.msk $0xffff, v23;
	v23 =	vor.u32 v2, v22  }
0x77: {  	[tilespmem:v20+s19+$0x0] =	vst.idx.msk $0xffff, v24;
	v20 =	vor.u32 v1, v22  }
0x78: {  	[tilespmem:v21+s19+$0x0] =	vst.idx.msk $0xffff, v19;
	v19 =	vor.u32 v4, v22  }
0x79: {  	[tilespmem:v18+s19+$0x0] =	vst.idx.msk $0xffff, v16;
	v16 =	vor.u32 v5, v22  }
0x7a: {  	v18 =	vor.u32 v6, v22;
	v17 =	vld.idx.msk [tilespmem:v17+s18+$0x0], $0xffff  }
0x7b: {  	v21 =	vld.idx.msk [tilespmem:v23+s18+$0x0], $0xffff;
	v23 =	vor.u32 v8, v22  }
0x7c: {  	v22 =	vor.u32 v7, v22;
	v20 =	vld.idx.msk [tilespmem:v20+s18+$0x0], $0xffff  }
0x7d: {  	v24 =	vor.u32 v0, v25;
	v19 =	vld.idx.msk [tilespmem:v19+s18+$0x0], $0xffff  }
0x7e: {  	v26 =	vld.idx.msk [tilespmem:v16+s18+$0x0], $0xffff;
	v16 =	vor.u32 v9, v25  }
0x7f: {  	v27 =	vor.u32 v10, v25;
	v18 =	vld.idx.msk [tilespmem:v18+s18+$0x0], $0xffff  }
0x80: {  	v28 =	vor.u32 v11, v25;
	v23 =	vld.idx.msk [tilespmem:v23+s18+$0x0], $0xffff  }
0x81: {  	s21 =	sadd.s32 $0x3, s21;
	v29 =	vor.u32 v12, v25;
	v22 =	vld.idx.msk [tilespmem:v22+s18+$0x0], $0xffff  }
0x82: {  	[tilespmem:v24+s19+$0x0] =	vst.idx.msk $0xffff, v20;
	v20 =	vor.u32 v13, v25;
	v24 =	vadd.s32 s21, v0  }
0x83: {  	[tilespmem:v16+s19+$0x0] =	vst.idx.msk $0xffff, v21;
	v21 =	vor.u32 v14, v25;
	v16 =	vand.u32 $0x3F, v24  }
0x84: {  	v24 =	vor.u32 v15, v25;
	[tilespmem:v27+s19+$0x0] =	vst.idx.msk $0xffff, v17;
	v25 =	vshll.u32 v16, $0x1;
	v17 =	vshll.u32 v16, $0x7  }
0x85: {  	[tilespmem:v28+s19+$0x0] =	vst.idx.msk $0xffff, v19;
	v19 =	vor.u32 v3, v25;
	v16 =	vor.u32 v11, v17  }
0x86: {  	v27 =	vor.u32 v2, v25;
	[tilespmem:v29+s19+$0x0] =	vst.idx.msk $0xffff, v26;
	v26 =	vor.u32 v1, v25  }
0x87: {  	[tilespmem:v20+s19+$0x0] =	vst.idx.msk $0xffff, v18  }
0x88: {  	v20 =	vor.u32 v4, v25;
	[tilespmem:v21+s19+$0x0] =	vst.idx.msk $0xffff, v22  }
0x89: {  	v21 =	vor.u32 v5, v25;
	[tilespmem:v24+s19+$0x0] =	vst.idx.msk $0xffff, v23  }
.Ltmp0:
0x8a: {  	v28 =	vor.u32 v6, v25;
	v18 =	vld.idx.msk [tilespmem:v19+s18+$0x0], $0xffff;
	(pc) =	sbr.rel @p0 .LBB2_3-.Ltmp0, $4  }
0x8b: {  	v19 =	vld.idx.msk [tilespmem:v27+s18+$0x0], $0xffff;
	v27 =	vor.u32 v8, v25  }
0x8c: {  	v22 =	vld.idx.msk [tilespmem:v26+s18+$0x0], $0xffff;
	v26 =	vor.u32 v7, v25;
	v25 =	vor.u32 v0, v17  }
0x8d: {  	v24 =	vor.u32 v9, v17;
	v20 =	vld.idx.msk [tilespmem:v20+s18+$0x0], $0xffff  }
0x8e: {  	v23 =	vor.u32 v10, v17;
	v21 =	vld.idx.msk [tilespmem:v21+s18+$0x0], $0xffff  }
0x8f: {  	_ =	sdelay $0x3  }
0x90: {  	v28 =	vld.idx.msk [tilespmem:v28+s18+$0x0], $0xffff  }
0x91: {  	v27 =	vld.idx.msk [tilespmem:v27+s18+$0x0], $0xffff;
	v29 =	vor.u32 v12, v17  }
0x92: {  	v26 =	vld.idx.msk [tilespmem:v26+s18+$0x0], $0xffff;
	v30 =	vor.u32 v13, v17;
	[tilespmem:v25+s19+$0x0] =	vst.idx.msk $0xffff, v22  }
0x93: {  	v63 =	vor.u32 v14, v17;
	[tilespmem:v24+s19+$0x0] =	vst.idx.msk $0xffff, v19  }
0x94: {  	v17 =	vor.u32 v15, v17;
	s31 =	sshll.u32 s17, $0x12;
	s17 =	sadd.s32 $0x1, s17;
	[tilespmem:v23+s19+$0x0] =	vst.idx.msk $0xffff, v18  }
0x95: {  	p0 =	sne.s32 s17, s5;
	[tilespmem:v16+s19+$0x0] =	vst.idx.msk $0xffff, v20  }
.Ltmp1:
0x96: {  	[tilespmem:v29+s19+$0x0] =	vst.idx.msk $0xffff, v21;
	(pc) =	sbr.rel @p0 .LBB2_2-.Ltmp1, $4  }
0x97: {  	s18 =	sor.u32 s9, s31;
	[tilespmem:v30+s19+$0x0] =	vst.idx.msk $0xffff, v28  }
0x98: {  	s18 =	sshrl.u32 s18, $0x3;
	[tilespmem:v63+s19+$0x0] =	vst.idx.msk $0xffff, v26  }
0x99: {  	s18 =	sadd.s32 s4, s18;
	[tilespmem:v17+s19+$0x0] =	vst.idx.msk $0xffff, v27  }
0x9a: {  	[hbm4b:s18+s3] =	stream.linear.scatter [tilespmem:s19], [sflag:$0x2], $0x2000, $0x38;
	[tilespmem:$0xA000] =	vst v63  }
0x9b: {  	s16 =	sadd.s32 $0x1, s16  }
0x9c: {  	_ =	swait.ge [sflag:s15], $0x2000;
	p0 =	sne.s32 s16, s11  }
.Ltmp2:
0x9d: {  	[sflag:s15] =	ssyncset.done $0x0;
	(pc) =	sbr.rel @p0 .LBB2_1-.Ltmp2, $4  }
0x9e: {  	[sflag:s15] =	ssyncadd.s32 $0xFFFFE000  }
0x9f: {  	_ =	swait.ge [sflag:s15], $0x2000  }
0xa0: {  	[sflag:s15] =	ssyncset.done $0x0  }
0xa1: {  	[sflag:s15] =	ssyncadd.s32 $0xFFFFE000  }
0xa2: {  	_ =	sfence.sel $0x180000  }
0xa3: {  	[bflag:$0x0] =	sbarrier.arrive $0xFFFF  }
0xa4: {  	p0 =	sne.s32 s2, $0x0;
	_ =	strace $0x90000047  }
0xa5: {  	s0 =	sadd.s32 @!p0 $0x100000, s0;
	[bflag:$0x2] =	sbarrier.arrive $0xFFFF  }
0xa6: {  	[sflag:s0] =	ssyncadd.tile.s32 @!p0 $0x1;
	_ =	shalt  }
.Lfunc_end2:
_tile_overlayer_lowered:
.L_overlay_start_2:
0xa7: {  	(tag) =	ssettag $0x2  }
0xa8: {  	s0 =	rddreg [dreg:$0x0];
	s2 =	stileid.u32  }
0xa9: {  	s1 =	rddreg [dreg:$0x1];
	p0 =	sne.s32 s2, $0x0  }
0xaa: {  	s3 =	rddreg [dreg:$0x2];
	[bflag:$0x3] =	sbarrier.arrive $0xFFFF;
	s2 =	simm.s32 @!p0 $0x1C03  }
0xab: {  	[timem:s3], [sflag:s2] =	dma.local @!p0 [hbm:s0], s1  }
0xac: {  	s0 =	simm.s32 @!p0 $0x3  }
0xad: {  	_ =	swait.ge @!p0 [sflag:s0], s1  }
0xae: {  	s1 =	ssub.s32 @!p0 $0x0, s1;
	[sflag:s0] =	ssyncset.done @!p0 $0x0  }
0xaf: {  	[sflag:s0] =	ssyncadd.s32 @!p0 s1  }
0xb0: {  	[bflag:$0x3] =	sbarrier.arrive $0xFFFF  }
0xb1: {  	_ =	shalt  }

// kernel: kernel.7.cloned.1.call-start
scs
__scs_entry_jumppad:
0x0: {  	(pc) =	sbr.rel $0x88, $3  }
0x1: {  	(tag) =	ssettag $0x0;
	lr =	simm.s32 $0x1  }
0x2: {  	[smem:$0x3F9F] =	sst lr;
	_ =	strace $0xD0000000  }
0x3: {  	_ = 	snop  }
0x4: {  	_ = 	snop  }
0x5: {  	_ = 	snop  }
0x6: {  	_ = 	snop  }
0x7: {  	_ = 	snop  }
__scs_overlays_trampoline_lowered:
0x8: {  	[smem:$0x3FAE] =	sst s0  }
0x9: {  	[smem:$0x3FAF] =	sst s1  }
0xa: {  	[smem:$0x3FB0] =	sst s2  }
0xb: {  	[smem:$0x3FB1] =	sst s3  }
0xc: {  	[smem:$0x3FB2] =	sst s4  }
0xd: {  	[smem:$0x3FB3] =	sst s5  }
0xe: {  	[smem:$0x3FB4] =	sst s6  }
0xf: {  	[smem:$0x3FB5] =	sst s7  }
0x10: {  	[smem:$0x3FB6] =	sst s8  }
0x11: {  	[smem:$0x3FB7] =	sst s9;
	s0 =	simm.s32 @!p0 $0x0  }
0x12: {  	s1 =	sld [smem:$0x3F9D];
	s0 =	simm.s32 @p0 $0x1  }
0x13: {  	[smem:$0x3FB8] =	sst s0;
	s0 =	simm.s32 @!p1 $0x0  }
0x14: {  	s2 =	sld [smem:$0x3F9C];
	s0 =	simm.s32 @p1 $0x1  }
0x15: {  	[smem:$0x3FB9] =	sst s0;
	s0 =	simm.s32 @!p2 $0x0  }
0x16: {  	s3 =	sld [smem:$0x3FDB];
	s0 =	simm.s32 @p2 $0x1  }
0x17: {  	s4 =	simm.s32 $0x1BF5;
	[smem:$0x3FBB] =	sst s0  }
0x18: {  	s0 =	sld [smem:$0x3F9E];
	_ =	swait.ge [sflag:s4], $0x0  }
0x19: {  	s7 =	sld [smem:$0x3F9F]  }
0x1a: {  	s8 =	sadd.s32 $0xFFFFE003, lr  }
0x1b: {  	s9 =	sadd.s32 $0xFFFFFEF7, lr;
	s5 =	simm.s32 $0xFFFFFFFF;
	p2 =	slt.u32 s8, $0xFFFFF086  }
0x1c: {  	p1 =	slt.u32 s9, $0xF7A;
	s5 =	simm.s32 @!p2 $0x0  }
0x1d: {  	s5 =	simm.s32 @p1 $0x1;
	p0 =	seq.s32 s7, s2  }
0x1e: {  	s7 =	smul.u32 @!p0 $0xF7A, s2;
	p2 =	seq.s32 @!p0 s5, $0x0  }
0x1f: {  	s9 =	smul.u32 $0xF7A, s1;
	s8 =	simm.s32 @!p0 $0x1BF5;
	p2 =	por !p2, p0  }
0x20: {  	[sflag:s8] =	ssyncset.s32 @!p0 $0xFFFFF086;
	s6 =	sadd.s32 @!p0 s3, s7;
	s7 =	simm.s32 @!p0 $0x108  }
0x21: {  	s3 =	sadd.s32 s3, s9;
	s6 =	sadd.s32 @!p0 $0x88, s6;
	s7 =	simm.s32 @p2 $0x1082  }
0x22: {  	[simem:s7], [sflag:s8] =	dma.local @!p0 [hbm:s6], $0xF7A  }
0x23: {  	s9 =	sor.u32 $0xD0000000, s2;
	s6 =	simm.s32 $0x108;
	_ =	swait.ge @!p0 [sflag:s8], $0x0  }
0x24: {  	s3 =	sadd.s32 $0x88, s3;
	s6 =	simm.s32 @!p1 $0x1082;
	[sflag:s4] =	ssyncset.s32 $0xFFFFF086  }
0x25: {  	[simem:s6], [sflag:s4] =	dma.local [hbm:s3], $0xF7A  }
0x26: {  	[smem:$0x3F9F] =	sst s1;
	(tag) =	ssettag s2;
	_ =	strace s9  }
0x27: {  	s1 =	sld [smem:$0x3FAF]  }
0x28: {  	s2 =	sld [smem:$0x3FB0]  }
0x29: {  	s4 =	sld [smem:$0x3FB2]  }
0x2a: {  	p0 =	seq.s32 s5, $0x0;
	s5 =	sld [smem:$0x3FB3]  }
0x2b: {  	s6 =	sld [smem:$0x3FB4]  }
0x2c: {  	s7 =	sld [smem:$0x3FB5]  }
0x2d: {  	s3 =	simm.s32 $0x108;
	s8 =	sld [smem:$0x3FB6]  }
0x2e: {  	s3 =	simm.s32 @!p0 $0x1082;
	s9 =	sld [smem:$0x3FB7]  }
0x2f: {  	lr =	sadd.s32 s0, s3;
	s0 =	sld [smem:$0x3FAE]  }
0x30: {  	s3 =	sld [smem:$0x3FB1]  }
0x31: {  	[smem:$0x3FBA] =	sst s10  }
0x32: {  	s10 =	sld [smem:$0x3FB8];
	_ =	sdelay $0x3  }
0x33: {  	p0 =	seq.s32 s10, $0x1;
	s10 =	sld [smem:$0x3FBA];
	_ =	sdelay $0x3  }
0x34: {  	[smem:$0x3FBA] =	sst s10  }
0x35: {  	s10 =	sld [smem:$0x3FB9];
	_ =	sdelay $0x3  }
0x36: {  	p1 =	seq.s32 s10, $0x1;
	s10 =	sld [smem:$0x3FBA];
	_ =	sdelay $0x3  }
0x37: {  	[smem:$0x3FBA] =	sst s10  }
0x38: {  	s10 =	sld [smem:$0x3FBB]  }
0x39: {  	_ = 	snop;
	(pc) =	sbr.ind lr, $3  }
0x3a: {  	_ = 	snop  }
0x3b: {  	_ = 	snop  }
0x3c: {  	p2 =	seq.s32 s10, $0x1;
	s10 =	sld [smem:$0x3FBA]  }
0x3d: {  	_ =	shalt  }
0x3e: {  	_ =	shalt  }
0x3f: {  	_ =	shalt  }
0x40: {  	_ =	shalt  }
0x41: {  	_ =	shalt  }
0x42: {  	_ =	shalt  }
0x43: {  	_ =	shalt  }
0x44: {  	_ =	shalt  }
0x45: {  	_ =	shalt  }
0x46: {  	_ =	shalt  }
0x47: {  	_ =	shalt  }
0x48: {  	_ =	shalt  }
0x49: {  	_ =	shalt  }
0x4a: {  	_ =	shalt  }
0x4b: {  	_ =	shalt  }
0x4c: {  	_ =	shalt  }
0x4d: {  	_ =	shalt  }
0x4e: {  	_ =	shalt  }
0x4f: {  	_ =	shalt  }
0x50: {  	_ =	shalt  }
0x51: {  	_ =	shalt  }
0x52: {  	_ =	shalt  }
0x53: {  	_ =	shalt  }
0x54: {  	_ =	shalt  }
0x55: {  	_ =	shalt  }
0x56: {  	_ =	shalt  }
0x57: {  	_ =	shalt  }
0x58: {  	_ =	shalt  }
0x59: {  	_ =	shalt  }
0x5a: {  	_ =	shalt  }
0x5b: {  	_ =	shalt  }
0x5c: {  	_ =	shalt  }
0x5d: {  	_ =	shalt  }
0x5e: {  	_ =	shalt  }
0x5f: {  	_ =	shalt  }
0x60: {  	_ =	shalt  }
0x61: {  	_ =	shalt  }
0x62: {  	_ =	shalt  }
0x63: {  	_ =	shalt  }
0x64: {  	_ =	shalt  }
0x65: {  	_ =	shalt  }
0x66: {  	_ =	shalt  }
0x67: {  	_ =	shalt  }
0x68: {  	_ =	shalt  }
0x69: {  	_ =	shalt  }
0x6a: {  	_ =	shalt  }
0x6b: {  	_ =	shalt  }
0x6c: {  	_ =	shalt  }
0x6d: {  	_ =	shalt  }
0x6e: {  	_ =	shalt  }
0x6f: {  	_ =	shalt  }
0x70: {  	_ =	shalt  }
0x71: {  	_ =	shalt  }
0x72: {  	_ =	shalt  }
0x73: {  	_ =	shalt  }
0x74: {  	_ =	shalt  }
0x75: {  	_ =	shalt  }
0x76: {  	_ =	shalt  }
0x77: {  	_ =	shalt  }
0x78: {  	_ =	shalt  }
0x79: {  	_ =	shalt  }
0x7a: {  	_ =	shalt  }
0x7b: {  	_ =	shalt  }
0x7c: {  	_ =	shalt  }
0x7d: {  	_ =	shalt  }
0x7e: {  	_ =	shalt  }
0x7f: {  	_ =	shalt  }
0x80: {  	_ =	shalt  }
0x81: {  	_ =	shalt  }
0x82: {  	_ =	shalt  }
0x83: {  	_ =	shalt  }
0x84: {  	_ =	shalt  }
0x85: {  	_ =	shalt  }
0x86: {  	_ =	shalt  }
0x87: {  	_ =	shalt  }
.Lfunc_end0:
.L_simem_size_0:
called_computation.1_lowered:
.L_overlay_start_0:
0x88: {  	s2 =	sld [smem:$0x3FD9]  }
0x89: {  	s3 =	sld [smem:$0x3FFE];
	_ =	sdelay $0x1  }
0x8a: {  	s1 =	srdreg.scid  }
0x8b: {  	s0 =	sand.u32 $0x1, s1  }
0x8c: {  	s17 =	sshll.u32 s0, $0xA;
	s2 =	sadd.s32 s3, s2  }
0x8d: {  	s2 =	sadd.s32 s2, s17  }
0x8e: {  	[smem:$0x3FC6] =	sst s2  }
0x8f: {  	_ = 	snop  }
0x90: {  	s2 =	sld [smem:$0x3FC9]  }
0x91: {  	s18 =	sld [smem:$0x3FD0];
	(tm) =	ssettm $0x1  }
0x92: {  	s4 =	sld [smem:$0x3FFB];
	_ =	sdelay $0x3  }
0x93: {  	_ =	strace s4  }
0x94: {  	s4 =	sld [smem:$0x3FFC];
	_ =	sdelay $0x3  }
0x95: {  	_ =	strace s4  }
0x96: {  	s4 =	sld [smem:$0x3FFD];
	_ =	sdelay $0x3  }
0x97: {  	_ =	strace s4  }
0x98: {  	_ =	strace $0x8FFFFFFF  }
0x99: {  	s19 =	sld [smem:$0x3FDB];
	_ =	sdelay $0x1  }
0x9a: {  	s5 =	simm.s32 $_scs_section_size  }
0x9b: {  	s6 =	simm.s32 $_size__tile_overlayer_lowered;
	s7 =	simm.s32 $_tile_overlayer_lowered  }
0x9c: {  	s22 =	simm.s32 $0x1BFF;
	s21 =	sshll.u32 s7, $0x1;
	s4 =	sadd.s32 s5, s19  }
0x9d: {  	s8 =	simm.s32 $0x0;
	s20 =	sshll.u32 s6, $0x1;
	s6 =	sadd.s32 s21, s4  }
0x9e: {  	[timem:s8], [sflag:s22] =	dma.local [hbm:s6], s20  }
0x9f: {  	_ =	swait.ge [sflag:s22], s20  }
0xa0: {  	s5 =	ssub.s32 $0x0, s20;
	[sflag:s22] =	ssyncset.done $0x0  }
0xa1: {  	[sflag:s22] =	ssyncadd.s32 s5;
	_ =	sdelay $0x1  }
0xa2: {  	s23 =	simm.s32 $0x1B8B  }
0xa3: {  	_ =	swait.ge [sflag:s23], $0x1  }
0xa4: {  	[sflag:s23] =	ssyncset.done $0x0  }
0xa5: {  	s25 =	simm.s32 $0x1B8E;
	s24 =	sld [smem:$0x3FFE];
	[sflag:s23] =	ssyncadd.s32 $0xFFFFFFFF  }
0xa6: {  	s26 =	simm.s32 $execute0_lowered;
	[smem:$0x3FD2] =	sst s25  }
0xa7: {  	s6 =	sshll.u32 s26, $0x1;
	_ =	strace $0x80000049;
	[dreg:$0x1] =	wrdreg $0xFFFFFFFF  }
0xa8: {  	s28 =	simm.s32 $_size_execute0_lowered;
	s4 =	sadd.s32 s4, s6;
	[dreg:$0x0] =	wrdreg $0x0  }
0xa9: {  	s6 =	sshll.u32 s28, $0x1;
	[dreg:$0x2] =	wrdreg s4  }
0xaa: {  	[dreg:$0x3] =	wrdreg s6  }
0xab: {  	[dreg:$0x4] =	wrdreg $0xC0  }
0xac: {  	_ =	task [dreg:s8], $0x5FFFF  }
0xad: {  	[dreg:$0x1] =	wrdreg $0xFFFFFFFF  }
0xae: {  	[dreg:$0x0] =	wrdreg $0x60  }
0xaf: {  	[dreg:$0x2] =	wrdreg s2  }
0xb0: {  	[dreg:$0x3] =	wrdreg s24  }
0xb1: {  	[dreg:$0x4] =	wrdreg s18  }
0xb2: {  	[dreg:$0x5] =	wrdreg $0x9  }
0xb3: {  	_ =	task.clear_ibuf [dreg:s8], $0x6FFFF;
	_ =	strace $0x90000049  }
0xb4: {  	s29 =	simm.s32 $0x9;
	_ =	strace $0x8000004B  }
0xb5: {  	_ =	swait.ge [sflag:s29], $0x1  }
0xb6: {  	[sflag:s29] =	ssyncadd.s32 $0xFFFFFFFF  }
0xb7: {  	_ =	strace $0x9000004B  }
0xb8: {  	_ =	sfence  }
0xb9: {  	s30 =	sld [smem:$0x0];
	_ =	sdelay $0x2  }
0xba: {  	s31 =	sshll.u32 s1, $0xD;
	s1 =	sshrl.u32 s1, $0x2  }
0xbb: {  	s3 =	sand.u32 $0x4000, s31;
	s1 =	sadd.s32 s1, s30  }
0xbc: {  	s0 =	sor.u32 s3, s0;
	s1 =	sshll.u32 s1, $0x11  }
0xbd: {  	s0 =	sor.u32 s1, s0  }
0xbe: {  	s0 =	sadd.s32 $0x8F2B, s0  }
0xbf: {  	[sflag:s0] =	ssyncadd.remote.s32 $0x1  }
0xc0: {  	_ =	sfence.sel $0xFFFF  }
0xc1: {  	[dreg:$0x0] =	wrdreg $0xFFFFFFFF;
	(pc) =	sbr.abs _section_cstart, $3  }
0xc2: {  	[dreg:$0x1] =	wrdreg $0xFFFFFFFF  }
0xc3: {  	_ =	task.clear_ibuf [dreg:s8], $0x2FFFF;
	_ =	strace $0x9FFFFFFF  }
0xc4: {  	(tm) =	ssettm $0x7FFFFFFF  }
0xc5: {  	_ =	shalt  }
tec
execute0_lowered:
.L_overlay_start_1:
0x0: {  	(tag) =	ssettag $0x1  }
0x1: {  	s6 =	rddreg [dreg:$0x0]  }
0x2: {  	s5 =	rddreg [dreg:$0x1]  }
0x3: {  	s2 =	rddreg [dreg:$0x2];
	s3 =	srdreg.scid  }
0x4: {  	s0 =	rddreg [dreg:$0x3];
	s1 =	stileid.u32;
	s10 =	simm.s32 $0x3  }
0x5: {  	s11 =	simm.s32 $0x80;
	s12 =	simm.s32 $0x6400;
	s13 =	simm.s32 $0xC800  }
0x6: {  	s14 =	simm.s32 $0x6480;
	s15 =	simm.s32 $0x10800;
	s16 =	simm.s32 $0x1  }
0x7: {  	v0 =	vlaneseq.u32;
	s17 =	simm.s32 $0x2;
	s18 =	simm.s32 $0x0;
	s4 =	sand.u32 $0x1, s3  }
0x8: {  	s3 =	simm.s32 $0x0;
	s7 =	sshll.u32 s1, $0xB;
	v1 =	vmul.u32 $0x80, v0;
	s5 =	sadd.s32 $0x800, s5;
	v9 =	vor.u32 $0x10, v0;
	v10 =	vor.u32 $0x20, v0  }
0x9: {  	v11 =	vor.u32 $0x30, v0;
	v12 =	vor.u32 $0x40, v0;
	v13 =	vor.u32 $0x50, v0;
	s8 =	sshll.u32 s4, $0xA;
	[smem:$0x7FF] =	sst s3;
	s9 =	ssub.s32 $0x2, s4  }
0xa: {  	v14 =	vor.u32 $0x60, v0;
	v15 =	vor.u32 $0x70, v0;
	s4 =	sor.u32 s8, s7;
	_ =	strace $0x8000004A;
	s31 =	sshrl.u32 s9, $0x1;
	v2 =	vor.u32 $0x800, v1  }
0xb: {  	v3 =	vor.u32 $0x1000, v1;
	v4 =	vor.u32 $0x1800, v1;
	v5 =	vor.u32 $0x2000, v1;
	s8 =	sshrl.u32 s4, $0x3;
	s7 =	ssub.s32 s9, s31;
	s9 =	simm.s32 $0x8000  }
0xc: {  	v6 =	vor.u32 $0x2800, v1;
	v7 =	vor.u32 $0x3000, v1;
	v8 =	vor.u32 $0x3800, v1;
	s6 =	sadd.s32 s6, s8;
	s7 =	smax.u32 s7, $0x1;
	s8 =	simm.s32 $0x400  }
.LBB2_1:
0xd: {  	[tilespmem:s3], [sflag:$0x3] =	stream.strided.gather [hbm4b:s6+s8], $0x6400, s9, s8, $0x38;
	[tilespmem:$0x1C800] =	vst v63  }
0xe: {  	_ =	swait.ge [sflag:s10], $0x6400  }
0xf: {  	[sflag:s10] =	ssyncset.done $0x0  }
0x10: {  	s20 =	simm.s32 $0x100;
	[sflag:s10] =	ssyncadd.s32 $0xFFFF9C00  }
0x11: {  	v16 =	vld [tilespmem:s20+$0xFFFFFF00];
	_ =	sdelay $0x4  }
0x12: {  	s19 =	simm.s32 $0x6500;
	v16 =	vshrl.u32 v16, $0x1  }
0x13: {  	[tilespmem:s19+$0xFFFFFF00] =	vst v16  }
0x14: {  	v16 =	vld [tilespmem:s20+$0xFFFFFF10];
	_ =	sdelay $0x4  }
0x15: {  	v16 =	vshrl.u32 v16, $0x1  }
0x16: {  	[tilespmem:s19+$0xFFFFFF10] =	vst v16  }
0x17: {  	v16 =	vld [tilespmem:s20+$0xFFFFFF20];
	_ =	sdelay $0x4  }
0x18: {  	v16 =	vshrl.u32 v16, $0x1  }
0x19: {  	[tilespmem:s19+$0xFFFFFF20] =	vst v16  }
0x1a: {  	v16 =	vld [tilespmem:s20+$0xFFFFFF30];
	_ =	sdelay $0x4  }
0x1b: {  	v16 =	vshrl.u32 v16, $0x1  }
0x1c: {  	[tilespmem:s19+$0xFFFFFF30] =	vst v16  }
0x1d: {  	v16 =	vld [tilespmem:s20+$0xFFFFFF40];
	_ =	sdelay $0x4  }
0x1e: {  	v16 =	vshrl.u32 v16, $0x1  }
0x1f: {  	[tilespmem:s19+$0xFFFFFF40] =	vst v16  }
0x20: {  	v16 =	vld [tilespmem:s20+$0xFFFFFF50];
	_ =	sdelay $0x4  }
0x21: {  	v16 =	vshrl.u32 v16, $0x1  }
0x22: {  	[tilespmem:s19+$0xFFFFFF50] =	vst v16  }
0x23: {  	v16 =	vld [tilespmem:s20+$0xFFFFFF60];
	_ =	sdelay $0x4  }
0x24: {  	v16 =	vshrl.u32 v16, $0x1  }
0x25: {  	[tilespmem:s19+$0xFFFFFF60] =	vst v16  }
0x26: {  	v16 =	vld [tilespmem:s20+$0xFFFFFF70];
	_ =	sdelay $0x4  }
0x27: {  	v16 =	vshrl.u32 v16, $0x1  }
0x28: {  	[tilespmem:s19+$0xFFFFFF70] =	vst v16  }
0x29: {  	v16 =	vld [tilespmem:s20+$0xFFFFFF80];
	_ =	sdelay $0x4  }
0x2a: {  	v16 =	vshrl.u32 v16, $0x1  }
0x2b: {  	[tilespmem:s19+$0xFFFFFF80] =	vst v16  }
0x2c: {  	v16 =	vld [tilespmem:s20+$0xFFFFFF90];
	_ =	sdelay $0x4  }
0x2d: {  	v16 =	vshrl.u32 v16, $0x1  }
0x2e: {  	[tilespmem:s19+$0xFFFFFF90] =	vst v16  }
0x2f: {  	v16 =	vld [tilespmem:s20+$0xFFFFFFA0];
	_ =	sdelay $0x4  }
0x30: {  	v16 =	vshrl.u32 v16, $0x1  }
0x31: {  	[tilespmem:s19+$0xFFFFFFA0] =	vst v16  }
0x32: {  	v16 =	vld [tilespmem:s20+$0xFFFFFFB0];
	_ =	sdelay $0x4  }
0x33: {  	v16 =	vshrl.u32 v16, $0x1  }
0x34: {  	[tilespmem:s19+$0xFFFFFFB0] =	vst v16  }
0x35: {  	v16 =	vld [tilespmem:s20+$0xFFFFFFC0];
	_ =	sdelay $0x4  }
0x36: {  	v16 =	vshrl.u32 v16, $0x1  }
0x37: {  	[tilespmem:s19+$0xFFFFFFC0] =	vst v16  }
0x38: {  	v16 =	vld [tilespmem:s20+$0xFFFFFFD0];
	_ =	sdelay $0x4  }
0x39: {  	v16 =	vshrl.u32 v16, $0x1  }
0x3a: {  	[tilespmem:s19+$0xFFFFFFD0] =	vst v16  }
0x3b: {  	v16 =	vld [tilespmem:s20+$0xFFFFFFE0];
	_ =	sdelay $0x4  }
0x3c: {  	v16 =	vshrl.u32 v16, $0x1  }
0x3d: {  	[tilespmem:s19+$0xFFFFFFE0] =	vst v16  }
0x3e: {  	v16 =	vld [tilespmem:s20+$0xFFFFFFF0];
	_ =	sdelay $0x4  }
0x3f: {  	v16 =	vshrl.u32 v16, $0x1  }
0x40: {  	[tilespmem:s19+$0xFFFFFFF0] =	vst v16  }
0x41: {  	v16 =	vld [tilespmem:s20+$0x0];
	_ =	sdelay $0x4  }
0x42: {  	v16 =	vshrl.u32 v16, $0x1  }
0x43: {  	[tilespmem:s19+$0x0] =	vst v16  }
0x44: {  	v16 =	vld [tilespmem:s20+$0x10];
	_ =	sdelay $0x4  }
0x45: {  	v16 =	vshrl.u32 v16, $0x1  }
0x46: {  	[tilespmem:s19+$0x10] =	vst v16  }
0x47: {  	v16 =	vld [tilespmem:s20+$0x20];
	_ =	sdelay $0x4  }
0x48: {  	v16 =	vshrl.u32 v16, $0x1  }
0x49: {  	[tilespmem:s19+$0x20] =	vst v16  }
0x4a: {  	v16 =	vld [tilespmem:s20+$0x30];
	_ =	sdelay $0x4  }
0x4b: {  	v16 =	vshrl.u32 v16, $0x1  }
0x4c: {  	[tilespmem:s19+$0x30] =	vst v16  }
0x4d: {  	v16 =	vld [tilespmem:s20+$0x40];
	_ =	sdelay $0x4  }
0x4e: {  	v16 =	vshrl.u32 v16, $0x1  }
0x4f: {  	[tilespmem:s19+$0x40] =	vst v16  }
0x50: {  	v16 =	vld [tilespmem:s20+$0x50];
	_ =	sdelay $0x4  }
0x51: {  	v16 =	vshrl.u32 v16, $0x1  }
0x52: {  	[tilespmem:s19+$0x50] =	vst v16  }
0x53: {  	v16 =	vld [tilespmem:s20+$0x60];
	_ =	sdelay $0x4  }
0x54: {  	v16 =	vshrl.u32 v16, $0x1  }
0x55: {  	[tilespmem:s19+$0x60] =	vst v16  }
0x56: {  	v16 =	vld [tilespmem:s20+$0x70];
	_ =	sdelay $0x4  }
0x57: {  	v16 =	vshrl.u32 v16, $0x1  }
0x58: {  	[tilespmem:s19+$0x70] =	vst v16  }
0x59: {  	v16 =	vld [tilespmem:s20+$0x80];
	_ =	sdelay $0x4  }
0x5a: {  	v16 =	vshrl.u32 v16, $0x1  }
0x5b: {  	[tilespmem:s19+$0x80] =	vst v16  }
0x5c: {  	v16 =	vld [tilespmem:s20+$0x90];
	_ =	sdelay $0x4  }
0x5d: {  	v16 =	vshrl.u32 v16, $0x1  }
0x5e: {  	[tilespmem:s19+$0x90] =	vst v16  }
0x5f: {  	v16 =	vld [tilespmem:s20+$0xA0];
	_ =	sdelay $0x4  }
0x60: {  	v16 =	vshrl.u32 v16, $0x1  }
0x61: {  	[tilespmem:s19+$0xA0] =	vst v16  }
0x62: {  	v16 =	vld [tilespmem:s20+$0xB0];
	_ =	sdelay $0x4  }
0x63: {  	v16 =	vshrl.u32 v16, $0x1  }
0x64: {  	[tilespmem:s19+$0xB0] =	vst v16  }
0x65: {  	v16 =	vld [tilespmem:s20+$0xC0];
	_ =	sdelay $0x4  }
0x66: {  	v16 =	vshrl.u32 v16, $0x1  }
0x67: {  	[tilespmem:s19+$0xC0] =	vst v16  }
0x68: {  	v16 =	vld [tilespmem:s20+$0xD0];
	_ =	sdelay $0x4  }
0x69: {  	v16 =	vshrl.u32 v16, $0x1  }
0x6a: {  	[tilespmem:s19+$0xD0] =	vst v16  }
0x6b: {  	v16 =	vld [tilespmem:s20+$0xE0];
	_ =	sdelay $0x4  }
0x6c: {  	v16 =	vshrl.u32 v16, $0x1  }
0x6d: {  	[tilespmem:s19+$0xE0] =	vst v16  }
0x6e: {  	v16 =	vld [tilespmem:s20+$0xF0];
	_ =	sdelay $0x4  }
0x6f: {  	v16 =	vshrl.u32 v16, $0x1  }
0x70: {  	s21 =	simm.s32 $0x300;
	s20 =	simm.s32 $0x0;
	[tilespmem:s19+$0xF0] =	vst v16  }
.LBB2_2:
0x71: {  	v16 =	vld [tilespmem:s21+$0xFFFFFF00];
	s20 =	sadd.s32 $0x4, s20  }
0x72: {  	p0 =	slt.u32 s20, $0xC4;
	_ =	sdelay $0x3  }
0x73: {  	s19 =	sadd.s32 $0x200, s19;
	v16 =	vshrl.u32 v16, $0x1  }
0x74: {  	[tilespmem:s19+$0xFFFFFF00] =	vst v16  }
0x75: {  	v16 =	vld [tilespmem:s21+$0xFFFFFF10];
	_ =	sdelay $0x4  }
0x76: {  	v16 =	vshrl.u32 v16, $0x1  }
0x77: {  	[tilespmem:s19+$0xFFFFFF10] =	vst v16  }
0x78: {  	v16 =	vld [tilespmem:s21+$0xFFFFFF20];
	_ =	sdelay $0x4  }
0x79: {  	v16 =	vshrl.u32 v16, $0x1  }
0x7a: {  	[tilespmem:s19+$0xFFFFFF20] =	vst v16  }
0x7b: {  	v16 =	vld [tilespmem:s21+$0xFFFFFF30];
	_ =	sdelay $0x4  }
0x7c: {  	v16 =	vshrl.u32 v16, $0x1  }
0x7d: {  	[tilespmem:s19+$0xFFFFFF30] =	vst v16  }
0x7e: {  	v16 =	vld [tilespmem:s21+$0xFFFFFF40];
	_ =	sdelay $0x4  }
0x7f: {  	v16 =	vshrl.u32 v16, $0x1  }
0x80: {  	[tilespmem:s19+$0xFFFFFF40] =	vst v16  }
0x81: {  	v16 =	vld [tilespmem:s21+$0xFFFFFF50];
	_ =	sdelay $0x4  }
0x82: {  	v16 =	vshrl.u32 v16, $0x1  }
0x83: {  	[tilespmem:s19+$0xFFFFFF50] =	vst v16  }
0x84: {  	v16 =	vld [tilespmem:s21+$0xFFFFFF60];
	_ =	sdelay $0x4  }
0x85: {  	v16 =	vshrl.u32 v16, $0x1  }
0x86: {  	[tilespmem:s19+$0xFFFFFF60] =	vst v16  }
0x87: {  	v16 =	vld [tilespmem:s21+$0xFFFFFF70];
	_ =	sdelay $0x4  }
0x88: {  	v16 =	vshrl.u32 v16, $0x1  }
0x89: {  	[tilespmem:s19+$0xFFFFFF70] =	vst v16  }
0x8a: {  	v16 =	vld [tilespmem:s21+$0xFFFFFF80];
	_ =	sdelay $0x4  }
0x8b: {  	v16 =	vshrl.u32 v16, $0x1  }
0x8c: {  	[tilespmem:s19+$0xFFFFFF80] =	vst v16  }
0x8d: {  	v16 =	vld [tilespmem:s21+$0xFFFFFF90];
	_ =	sdelay $0x4  }
0x8e: {  	v16 =	vshrl.u32 v16, $0x1  }
0x8f: {  	[tilespmem:s19+$0xFFFFFF90] =	vst v16  }
0x90: {  	v16 =	vld [tilespmem:s21+$0xFFFFFFA0];
	_ =	sdelay $0x4  }
0x91: {  	v16 =	vshrl.u32 v16, $0x1  }
0x92: {  	[tilespmem:s19+$0xFFFFFFA0] =	vst v16  }
0x93: {  	v16 =	vld [tilespmem:s21+$0xFFFFFFB0];
	_ =	sdelay $0x4  }
0x94: {  	v16 =	vshrl.u32 v16, $0x1  }
0x95: {  	[tilespmem:s19+$0xFFFFFFB0] =	vst v16  }
0x96: {  	v16 =	vld [tilespmem:s21+$0xFFFFFFC0];
	_ =	sdelay $0x4  }
0x97: {  	v16 =	vshrl.u32 v16, $0x1  }
0x98: {  	[tilespmem:s19+$0xFFFFFFC0] =	vst v16  }
0x99: {  	v16 =	vld [tilespmem:s21+$0xFFFFFFD0];
	_ =	sdelay $0x4  }
0x9a: {  	v16 =	vshrl.u32 v16, $0x1  }
0x9b: {  	[tilespmem:s19+$0xFFFFFFD0] =	vst v16  }
0x9c: {  	v16 =	vld [tilespmem:s21+$0xFFFFFFE0];
	_ =	sdelay $0x4  }
0x9d: {  	v16 =	vshrl.u32 v16, $0x1  }
0x9e: {  	[tilespmem:s19+$0xFFFFFFE0] =	vst v16  }
0x9f: {  	v16 =	vld [tilespmem:s21+$0xFFFFFFF0];
	_ =	sdelay $0x4  }
0xa0: {  	v16 =	vshrl.u32 v16, $0x1  }
0xa1: {  	[tilespmem:s19+$0xFFFFFFF0] =	vst v16  }
0xa2: {  	v16 =	vld [tilespmem:s21+$0x0];
	_ =	sdelay $0x4  }
0xa3: {  	v16 =	vshrl.u32 v16, $0x1  }
0xa4: {  	[tilespmem:s19+$0x0] =	vst v16  }
0xa5: {  	v16 =	vld [tilespmem:s21+$0x10];
	_ =	sdelay $0x4  }
0xa6: {  	v16 =	vshrl.u32 v16, $0x1  }
0xa7: {  	[tilespmem:s19+$0x10] =	vst v16  }
0xa8: {  	v16 =	vld [tilespmem:s21+$0x20];
	_ =	sdelay $0x4  }
0xa9: {  	v16 =	vshrl.u32 v16, $0x1  }
0xaa: {  	[tilespmem:s19+$0x20] =	vst v16  }
0xab: {  	v16 =	vld [tilespmem:s21+$0x30];
	_ =	sdelay $0x4  }
0xac: {  	v16 =	vshrl.u32 v16, $0x1  }
0xad: {  	[tilespmem:s19+$0x30] =	vst v16  }
0xae: {  	v16 =	vld [tilespmem:s21+$0x40];
	_ =	sdelay $0x4  }
0xaf: {  	v16 =	vshrl.u32 v16, $0x1  }
0xb0: {  	[tilespmem:s19+$0x40] =	vst v16  }
0xb1: {  	v16 =	vld [tilespmem:s21+$0x50];
	_ =	sdelay $0x4  }
0xb2: {  	v16 =	vshrl.u32 v16, $0x1  }
0xb3: {  	[tilespmem:s19+$0x50] =	vst v16  }
0xb4: {  	v16 =	vld [tilespmem:s21+$0x60];
	_ =	sdelay $0x4  }
0xb5: {  	v16 =	vshrl.u32 v16, $0x1  }
0xb6: {  	[tilespmem:s19+$0x60] =	vst v16  }
0xb7: {  	v16 =	vld [tilespmem:s21+$0x70];
	_ =	sdelay $0x4  }
0xb8: {  	v16 =	vshrl.u32 v16, $0x1  }
0xb9: {  	[tilespmem:s19+$0x70] =	vst v16  }
0xba: {  	v16 =	vld [tilespmem:s21+$0x80];
	_ =	sdelay $0x4  }
0xbb: {  	v16 =	vshrl.u32 v16, $0x1  }
0xbc: {  	[tilespmem:s19+$0x80] =	vst v16  }
0xbd: {  	v16 =	vld [tilespmem:s21+$0x90];
	_ =	sdelay $0x4  }
0xbe: {  	v16 =	vshrl.u32 v16, $0x1  }
0xbf: {  	[tilespmem:s19+$0x90] =	vst v16  }
0xc0: {  	v16 =	vld [tilespmem:s21+$0xA0];
	_ =	sdelay $0x4  }
0xc1: {  	v16 =	vshrl.u32 v16, $0x1  }
0xc2: {  	[tilespmem:s19+$0xA0] =	vst v16  }
0xc3: {  	v16 =	vld [tilespmem:s21+$0xB0];
	_ =	sdelay $0x4  }
0xc4: {  	v16 =	vshrl.u32 v16, $0x1  }
0xc5: {  	[tilespmem:s19+$0xB0] =	vst v16  }
0xc6: {  	v16 =	vld [tilespmem:s21+$0xC0];
	_ =	sdelay $0x4  }
0xc7: {  	v16 =	vshrl.u32 v16, $0x1  }
0xc8: {  	[tilespmem:s19+$0xC0] =	vst v16  }
0xc9: {  	v16 =	vld [tilespmem:s21+$0xD0];
	_ =	sdelay $0x4  }
0xca: {  	v16 =	vshrl.u32 v16, $0x1  }
0xcb: {  	[tilespmem:s19+$0xD0] =	vst v16  }
0xcc: {  	v16 =	vld [tilespmem:s21+$0xE0];
	_ =	sdelay $0x4  }
0xcd: {  	v16 =	vshrl.u32 v16, $0x1  }
0xce: {  	[tilespmem:s19+$0xE0] =	vst v16  }
0xcf: {  	v16 =	vld [tilespmem:s21+$0xF0];
	_ =	sdelay $0x1  }
.Ltmp0:
0xd0: {  	(pc) =	sbr.rel @p0 .LBB2_2-.Ltmp0, $3  }
0xd1: {  	_ =	sdelay $0x1  }
0xd2: {  	v16 =	vshrl.u32 v16, $0x1  }
0xd3: {  	s21 =	sadd.s32 $0x200, s21;
	[tilespmem:s19+$0xF0] =	vst v16  }
0xd4: {  	[tilespmem:s13], [sflag:$0x1] =	stream.indirect.gather [hbm4b:s5+s11], $0x80, s12, s11, $0xb8;
	[tilespmem:$0x1C800] =	vst v63  }
0xd5: {  	s19 =	simm.s32 $0x0  }
0xd6: {  	[tilespmem:s15], [sflag:$0x1] =	stream.indirect.gather [hbm4b:s5+s11], $0x80, s14, s11, $0xb8;
	[tilespmem:$0x1C800] =	vst v63  }
.LBB2_4:
0xd7: {  	p0 =	sgt.u32 s19, $0xC5  }
0xd8: {  	s20 =	sadd.s32 @!p0 $0x2, s19  }
0xd9: {  	s21 =	smul.u32 @!p0 $0xAB, s20;
	_ =	sdelay $0x1  }
0xda: {  	s21 =	sshrl.u32 @!p0 s21, $0x9  }
0xdb: {  	s21 =	sand.u32 @!p0 $0x7F, s21  }
0xdc: {  	s21 =	smul.u32 @!p0 $0x3, s21  }
0xdd: {  	_ =	swait.ge [sflag:s16], $0x4000  }
0xde: {  	[sflag:s16] =	ssyncset.done $0x0;
	s21 =	ssub.s32 @!p0 s20, s21  }
0xdf: {  	s22 =	simm.s32 @!p0 $0x80;
	s20 =	sshll.u32 @!p0 s20, $0x7;
	s21 =	sand.u32 @!p0 $0xFF, s21  }
0xe0: {  	p1 =	slt.u32 @!p0 s19, $0x2;
	s20 =	sand.u32 @!p0 $0x3FFFFF80, s20;
	s21 =	sshll.u32 @!p0 s21, $0xE  }
0xe1: {  	[sflag:s16] =	ssyncadd.s32 $0xFFFFC000;
	s20 =	sadd.s32 @!p0 $0x6400, s20;
	s21 =	sadd.s32 @!p0 $0xC800, s21  }
0xe2: {  	[tilespmem:s21], [sflag:$0x1] =	stream.indirect.gather @!p0 [hbm4b:s5+s22], $0x80, s20, s22, $0xb8;
	[tilespmem:$0x1C800] =	vst v63  }
0xe3: {  	p0 =	por p0, !p1  }
0xe4: {  	_ =	swait.ge @p0 [sflag:s17], $0x2000  }
0xe5: {  	s23 =	sshll.u32 s19, $0x7;
	[sflag:s17] =	ssyncset.done @p0 $0x0  }
0xe6: {  	s20 =	sand.u32 $0x3FFFFF80, s23;
	[sflag:s17] =	ssyncadd.s32 @p0 $0xFFFFE000  }
0xe7: {  	v16 =	vld [tilespmem:s20+$0x0]  }
0xe8: {  	v17 =	vld [tilespmem:s20+$0x10]  }
0xe9: {  	v18 =	vld [tilespmem:s20+$0x20]  }
0xea: {  	v19 =	vld [tilespmem:s20+$0x30]  }
0xeb: {  	v20 =	vld [tilespmem:s20+$0x40]  }
0xec: {  	v21 =	vld [tilespmem:s20+$0x50]  }
0xed: {  	v22 =	vld [tilespmem:s20+$0x60]  }
0xee: {  	s25 =	simm.s32 $0x0;
	v24 =	vld [tilespmem:s20+$0x70]  }
0xef: {  	v23 =	vadd.s32 s25, v0  }
0xf0: {  	s24 =	smul.u32 $0xAB, s19;
	v25 =	vand.u32 $0x3F, v23  }
0xf1: {  	v16 =	vshll.u32 v16, $0x6;
	v17 =	vshll.u32 v17, $0x6;
	v18 =	vshll.u32 v18, $0x6  }
0xf2: {  	s21 =	sshrl.u32 s24, $0x9;
	v19 =	vshll.u32 v19, $0x6;
	v20 =	vshll.u32 v20, $0x6;
	v21 =	vshll.u32 v21, $0x6  }
0xf3: {  	s21 =	sand.u32 $0x7F, s21;
	v22 =	vshll.u32 v22, $0x6;
	v24 =	vshll.u32 v24, $0x6;
	v16 =	vand.u32 $0x40, v16  }
0xf4: {  	s21 =	smul.u32 $0x3, s21;
	v17 =	vand.u32 $0x40, v17;
	v18 =	vand.u32 $0x40, v18;
	v16 =	vor.u32 v1, v16  }
0xf5: {  	v19 =	vand.u32 $0x40, v19;
	v17 =	vor.u32 v2, v17;
	v23 =	vor.u32 v25, v16  }
0xf6: {  	s26 =	ssub.s32 s19, s21;
	v20 =	vand.u32 $0x40, v20;
	v18 =	vor.u32 v3, v18;
	v26 =	vor.u32 v25, v17  }
0xf7: {  	s20 =	sand.u32 $0xFF, s26;
	v21 =	vand.u32 $0x40, v21;
	v19 =	vor.u32 v4, v19;
	v27 =	vor.u32 v25, v18  }
0xf8: {  	s20 =	sshll.u32 s20, $0xE;
	v22 =	vand.u32 $0x40, v22;
	v20 =	vor.u32 v5, v20;
	v28 =	vor.u32 v25, v19  }
0xf9: {  	s20 =	sadd.s32 $0xC800, s20;
	v24 =	vand.u32 $0x40, v24;
	v21 =	vor.u32 v6, v21;
	v29 =	vor.u32 v25, v20  }
0xfa: {  	v22 =	vor.u32 v7, v22;
	v30 =	vor.u32 v25, v21;
	v31 =	vld.idx.msk [tilespmem:v23+s20+$0x0], $0xffff;
	v23 =	vor.u32 v8, v24  }
0xfb: {  	v24 =	vor.u32 v25, v22;
	v26 =	vld.idx.msk [tilespmem:v26+s20+$0x0], $0xffff;
	v32 =	vor.u32 v25, v23;
	v25 =	vshll.u32 v25, $0x7  }
0xfc: {  	v27 =	vld.idx.msk [tilespmem:v27+s20+$0x0], $0xffff;
	v33 =	vor.u32 v0, v25  }
0xfd: {  	v28 =	vld.idx.msk [tilespmem:v28+s20+$0x0], $0xffff;
	v34 =	vor.u32 v9, v25  }
0xfe: {  	s28 =	sshll.u32 s19, $0xD;
	v29 =	vld.idx.msk [tilespmem:v29+s20+$0x0], $0xffff;
	v35 =	vor.u32 v10, v25  }
0xff: {  	s21 =	sand.u32 $0x2000, s28;
	v30 =	vld.idx.msk [tilespmem:v30+s20+$0x0], $0xffff;
	v36 =	vor.u32 v11, v25;
	v31 =	vmul.f32 $8.000000000e+00, v31  }
0x100: {  	s21 =	sor.u32 $0x18800, s21;
	v37 =	vor.u32 v12, v25;
	v24 =	vld.idx.msk [tilespmem:v24+s20+$0x0], $0xffff;
	v26 =	vmul.f32 $8.000000000e+00, v26  }
0x101: {  	s29 =	simm.s32 $0x1;
	v27 =	vmul.f32 $8.000000000e+00, v27;
	v32 =	vld.idx.msk [tilespmem:v32+s20+$0x0], $0xffff;
	[tilespmem:v33+s21+$0x0] =	vst.idx.msk $0xffff, v31;
	v31 =	vor.u32 v13, v25  }
0x102: {  	v41 =	vadd.s32 s29, v0;
	[tilespmem:v34+s21+$0x0] =	vst.idx.msk $0xffff, v26;
	v26 =	vmul.f32 $8.000000000e+00, v28;
	v28 =	vor.u32 v14, v25  }
0x103: {  	v25 =	vor.u32 v15, v25;
	[tilespmem:v35+s21+$0x0] =	vst.idx.msk $0xffff, v27;
	v27 =	vmul.f32 $8.000000000e+00, v29;
	v29 =	vand.u32 $0x3F, v41  }
0x104: {  	[tilespmem:v36+s21+$0x0] =	vst.idx.msk $0xffff, v26;
	v26 =	vmul.f32 $8.000000000e+00, v30;
	v30 =	vor.u32 v29, v16  }
0x105: {  	v24 =	vmul.f32 $8.000000000e+00, v24;
	[tilespmem:v37+s21+$0x0] =	vst.idx.msk $0xffff, v27;
	v27 =	vor.u32 v29, v17  }
0x106: {  	[tilespmem:v31+s21+$0x0] =	vst.idx.msk $0xffff, v26;
	v26 =	vmul.f32 $8.000000000e+00, v32;
	v31 =	vor.u32 v29, v18  }
0x107: {  	[tilespmem:v28+s21+$0x0] =	vst.idx.msk $0xffff, v24;
	v24 =	vor.u32 v29, v19  }
0x108: {  	[tilespmem:v25+s21+$0x0] =	vst.idx.msk $0xffff, v26;
	v25 =	vor.u32 v29, v20  }
0x109: {  	v28 =	vor.u32 v29, v21;
	v26 =	vld.idx.msk [tilespmem:v30+s20+$0x0], $0xffff  }
0x10a: {  	v42 =	vshll.u32 v29, $0x7;
	v30 =	vor.u32 v29, v22;
	v27 =	vld.idx.msk [tilespmem:v27+s20+$0x0], $0xffff  }
0x10b: {  	v43 =	vor.u32 v0, v42;
	v29 =	vor.u32 v29, v23;
	v31 =	vld.idx.msk [tilespmem:v31+s20+$0x0], $0xffff  }
0x10c: {  	v44 =	vor.u32 v9, v42;
	v24 =	vld.idx.msk [tilespmem:v24+s20+$0x0], $0xffff  }
0x10d: {  	v45 =	vor.u32 v10, v42;
	v25 =	vld.idx.msk [tilespmem:v25+s20+$0x0], $0xffff  }
0x10e: {  	v46 =	vor.u32 v11, v42;
	v28 =	vld.idx.msk [tilespmem:v28+s20+$0x0], $0xffff;
	v26 =	vmul.f32 $8.000000000e+00, v26  }
0x10f: {  	v47 =	vor.u32 v12, v42;
	v30 =	vld.idx.msk [tilespmem:v30+s20+$0x0], $0xffff;
	v27 =	vmul.f32 $8.000000000e+00, v27  }
0x110: {  	s30 =	simm.s32 $0x2;
	v29 =	vld.idx.msk [tilespmem:v29+s20+$0x0], $0xffff;
	[tilespmem:v43+s21+$0x0] =	vst.idx.msk $0xffff, v26;
	v26 =	vmul.f32 $8.000000000e+00, v31;
	v31 =	vor.u32 v13, v42  }
0x111: {  	v48 =	vadd.s32 s30, v0;
	[tilespmem:v44+s21+$0x0] =	vst.idx.msk $0xffff, v27;
	v24 =	vmul.f32 $8.000000000e+00, v24;
	v27 =	vor.u32 v14, v42  }
0x112: {  	v49 =	vand.u32 $0x3F, v48;
	[tilespmem:v45+s21+$0x0] =	vst.idx.msk $0xffff, v26;
	v25 =	vmul.f32 $8.000000000e+00, v25;
	v26 =	vor.u32 v15, v42  }
0x113: {  	[tilespmem:v46+s21+$0x0] =	vst.idx.msk $0xffff, v24;
	v24 =	vmul.f32 $8.000000000e+00, v28;
	v28 =	vor.u32 v49, v16  }
0x114: {  	[tilespmem:v47+s21+$0x0] =	vst.idx.msk $0xffff, v25;
	v25 =	vmul.f32 $8.000000000e+00, v30;
	v30 =	vor.u32 v49, v17  }
0x115: {  	[tilespmem:v31+s21+$0x0] =	vst.idx.msk $0xffff, v24;
	v24 =	vmul.f32 $8.000000000e+00, v29;
	v29 =	vor.u32 v49, v18  }
0x116: {  	[tilespmem:v27+s21+$0x0] =	vst.idx.msk $0xffff, v25;
	v25 =	vor.u32 v49, v19  }
0x117: {  	[tilespmem:v26+s21+$0x0] =	vst.idx.msk $0xffff, v24;
	v24 =	vor.u32 v49, v20  }
0x118: {  	v27 =	vor.u32 v49, v21;
	v26 =	vld.idx.msk [tilespmem:v28+s20+$0x0], $0xffff  }
0x119: {  	v31 =	vshll.u32 v49, $0x7;
	v28 =	vld.idx.msk [tilespmem:v30+s20+$0x0], $0xffff;
	v30 =	vor.u32 v49, v22  }
0x11a: {  	v32 =	vor.u32 v49, v23;
	v50 =	vor.u32 v0, v31;
	v29 =	vld.idx.msk [tilespmem:v29+s20+$0x0], $0xffff  }
0x11b: {  	v51 =	vor.u32 v9, v31;
	v25 =	vld.idx.msk [tilespmem:v25+s20+$0x0], $0xffff  }
0x11c: {  	v52 =	vor.u32 v10, v31;
	v24 =	vld.idx.msk [tilespmem:v24+s20+$0x0], $0xffff  }
0x11d: {  	v53 =	vor.u32 v11, v31;
	v27 =	vld.idx.msk [tilespmem:v27+s20+$0x0], $0xffff;
	v26 =	vmul.f32 $8.000000000e+00, v26  }
0x11e: {  	v54 =	vor.u32 v12, v31;
	v30 =	vld.idx.msk [tilespmem:v30+s20+$0x0], $0xffff;
	v28 =	vmul.f32 $8.000000000e+00, v28  }
0x11f: {  	s31 =	simm.s32 $0x3;
	v32 =	vld.idx.msk [tilespmem:v32+s20+$0x0], $0xffff;
	[tilespmem:v50+s21+$0x0] =	vst.idx.msk $0xffff, v26;
	v26 =	vmul.f32 $8.000000000e+00, v29;
	v29 =	vor.u32 v13, v31  }
0x120: {  	v55 =	vadd.s32 s31, v0;
	[tilespmem:v51+s21+$0x0] =	vst.idx.msk $0xffff, v28;
	v25 =	vmul.f32 $8.000000000e+00, v25;
	v28 =	vor.u32 v14, v31  }
0x121: {  	[tilespmem:v52+s21+$0x0] =	vst.idx.msk $0xffff, v26;
	v24 =	vmul.f32 $8.000000000e+00, v24;
	v26 =	vor.u32 v15, v31;
	v31 =	vand.u32 $0x3F, v55  }
0x122: {  	[tilespmem:v53+s21+$0x0] =	vst.idx.msk $0xffff, v25;
	v25 =	vmul.f32 $8.000000000e+00, v27;
	v27 =	vor.u32 v31, v16  }
0x123: {  	[tilespmem:v54+s21+$0x0] =	vst.idx.msk $0xffff, v24;
	v24 =	vmul.f32 $8.000000000e+00, v30;
	v30 =	vor.u32 v31, v17  }
0x124: {  	[tilespmem:v29+s21+$0x0] =	vst.idx.msk $0xffff, v25;
	v25 =	vmul.f32 $8.000000000e+00, v32;
	v29 =	vor.u32 v31, v18  }
0x125: {  	[tilespmem:v28+s21+$0x0] =	vst.idx.msk $0xffff, v24;
	v24 =	vor.u32 v31, v19  }
0x126: {  	[tilespmem:v26+s21+$0x0] =	vst.idx.msk $0xffff, v25;
	v25 =	vor.u32 v31, v20  }
0x127: {  	v26 =	vld.idx.msk [tilespmem:v27+s20+$0x0], $0xffff;
	v27 =	vor.u32 v31, v21  }
0x128: {  	v28 =	vld.idx.msk [tilespmem:v30+s20+$0x0], $0xffff;
	v30 =	vor.u32 v31, v22  }
0x129: {  	v56 =	vshll.u32 v31, $0x7;
	v31 =	vor.u32 v31, v23;
	v29 =	vld.idx.msk [tilespmem:v29+s20+$0x0], $0xffff  }
0x12a: {  	v57 =	vor.u32 v0, v56;
	v24 =	vld.idx.msk [tilespmem:v24+s20+$0x0], $0xffff  }
0x12b: {  	v58 =	vor.u32 v9, v56;
	v25 =	vld.idx.msk [tilespmem:v25+s20+$0x0], $0xffff  }
0x12c: {  	v59 =	vor.u32 v10, v56;
	v27 =	vld.idx.msk [tilespmem:v27+s20+$0x0], $0xffff  }
0x12d: {  	v60 =	vor.u32 v11, v56;
	v26 =	vmul.f32 $8.000000000e+00, v26;
	v36 =	vld.idx.msk [tilespmem:v30+s20+$0x0], $0xffff  }
0x12e: {  	v38 =	vld.idx.msk [tilespmem:v31+s20+$0x0], $0xffff;
	v28 =	vmul.f32 $8.000000000e+00, v28;
	v31 =	vor.u32 v12, v56  }
0x12f: {  	s22 =	simm.s32 $0x4;
	v39 =	vor.u32 v13, v56;
	[tilespmem:v57+s21+$0x0] =	vst.idx.msk $0xffff, v26;
	v26 =	vmul.f32 $8.000000000e+00, v29  }
0x130: {  	v40 =	vor.u32 v14, v56;
	v29 =	vadd.s32 s22, v0;
	[tilespmem:v58+s21+$0x0] =	vst.idx.msk $0xffff, v28;
	v61 =	vmul.f32 $8.000000000e+00, v24  }
0x131: {  	v30 =	vor.u32 v15, v56;
	v24 =	vand.u32 $0x3F, v29;
	[tilespmem:v59+s21+$0x0] =	vst.idx.msk $0xffff, v26;
	v25 =	vmul.f32 $8.000000000e+00, v25  }
0x132: {  	v28 =	vor.u32 v24, v16;
	v26 =	vor.u32 v24, v17;
	[tilespmem:v60+s21+$0x0] =	vst.idx.msk $0xffff, v61;
	v62 =	vmul.f32 $8.000000000e+00, v27  }
0x133: {  	v33 =	vor.u32 v24, v18;
	v29 =	vor.u32 v24, v19;
	[tilespmem:v31+s21+$0x0] =	vst.idx.msk $0xffff, v25;
	v63 =	vmul.f32 $8.000000000e+00, v36  }
0x134: {  	v32 =	vor.u32 v24, v22;
	v27 =	vor.u32 v24, v21;
	v34 =	vmul.f32 $8.000000000e+00, v38;
	[tilespmem:v39+s21+$0x0] =	vst.idx.msk $0xffff, v62  }
0x135: {  	s23 =	simm.s32 $0x8;
	v31 =	vor.u32 v24, v20;
	v25 =	vor.u32 v24, v23;
	[tilespmem:v40+s21+$0x0] =	vst.idx.msk $0xffff, v63  }
.LBB2_5:
0x136: {  	p0 =	slt.u32 s23, $0x3C;
	[tilespmem:v30+s21+$0x0] =	vst.idx.msk $0xffff, v34;
	s24 =	smov.u32 s23;
	s23 =	sadd.s32 $0x4, s23  }
0x137: {  	v28 =	vld.idx.msk [tilespmem:v28+s20+$0x0], $0xffff  }
0x138: {  	v26 =	vld.idx.msk [tilespmem:v26+s20+$0x0], $0xffff  }
0x139: {  	v24 =	vshll.u32 v24, $0x7;
	v30 =	vld.idx.msk [tilespmem:v33+s20+$0x0], $0xffff  }
0x13a: {  	v33 =	vor.u32 v0, v24;
	v29 =	vld.idx.msk [tilespmem:v29+s20+$0x0], $0xffff  }
0x13b: {  	v34 =	vor.u32 v9, v24;
	v31 =	vld.idx.msk [tilespmem:v31+s20+$0x0], $0xffff  }
0x13c: {  	v35 =	vor.u32 v10, v24;
	v27 =	vld.idx.msk [tilespmem:v27+s20+$0x0], $0xffff  }
0x13d: {  	v36 =	vor.u32 v11, v24;
	v28 =	vmul.f32 $8.000000000e+00, v28;
	v32 =	vld.idx.msk [tilespmem:v32+s20+$0x0], $0xffff  }
0x13e: {  	v37 =	vor.u32 v12, v24;
	v26 =	vmul.f32 $8.000000000e+00, v26;
	v25 =	vld.idx.msk [tilespmem:v25+s20+$0x0], $0xffff  }
0x13f: {  	s25 =	sadd.s32 $0x1, s22;
	[tilespmem:v33+s21+$0x0] =	vst.idx.msk $0xffff, v28;
	v28 =	vmul.f32 $8.000000000e+00, v30;
	v30 =	vor.u32 v13, v24  }
0x140: {  	v33 =	vadd.s32 s25, v0;
	[tilespmem:v34+s21+$0x0] =	vst.idx.msk $0xffff, v26;
	v26 =	vmul.f32 $8.000000000e+00, v29;
	v29 =	vor.u32 v14, v24  }
0x141: {  	v24 =	vor.u32 v15, v24;
	[tilespmem:v35+s21+$0x0] =	vst.idx.msk $0xffff, v28;
	v28 =	vmul.f32 $8.000000000e+00, v31;
	v31 =	vand.u32 $0x3F, v33  }
0x142: {  	[tilespmem:v36+s21+$0x0] =	vst.idx.msk $0xffff, v26;
	v26 =	vmul.f32 $8.000000000e+00, v27;
	v27 =	vor.u32 v31, v16;
	v33 =	vshll.u32 v31, $0x7  }
0x143: {  	[tilespmem:v37+s21+$0x0] =	vst.idx.msk $0xffff, v28;
	v28 =	vmul.f32 $8.000000000e+00, v32;
	v32 =	vor.u32 v31, v17  }
0x144: {  	v25 =	vmul.f32 $8.000000000e+00, v25;
	[tilespmem:v30+s21+$0x0] =	vst.idx.msk $0xffff, v26;
	v26 =	vor.u32 v31, v18  }
0x145: {  	[tilespmem:v29+s21+$0x0] =	vst.idx.msk $0xffff, v28;
	v28 =	vor.u32 v31, v19  }
0x146: {  	[tilespmem:v24+s21+$0x0] =	vst.idx.msk $0xffff, v25;
	v24 =	vor.u32 v31, v20  }
0x147: {  	v25 =	vld.idx.msk [tilespmem:v27+s20+$0x0], $0xffff;
	v27 =	vor.u32 v31, v21  }
0x148: {  	v30 =	vor.u32 v31, v22;
	v29 =	vld.idx.msk [tilespmem:v32+s20+$0x0], $0xffff  }
0x149: {  	v31 =	vor.u32 v31, v23;
	v26 =	vld.idx.msk [tilespmem:v26+s20+$0x0], $0xffff  }
0x14a: {  	v32 =	vor.u32 v0, v33;
	v28 =	vld.idx.msk [tilespmem:v28+s20+$0x0], $0xffff  }
0x14b: {  	v34 =	vor.u32 v9, v33;
	v24 =	vld.idx.msk [tilespmem:v24+s20+$0x0], $0xffff  }
0x14c: {  	v35 =	vor.u32 v10, v33;
	v27 =	vld.idx.msk [tilespmem:v27+s20+$0x0], $0xffff  }
0x14d: {  	v36 =	vor.u32 v11, v33;
	v25 =	vmul.f32 $8.000000000e+00, v25;
	v30 =	vld.idx.msk [tilespmem:v30+s20+$0x0], $0xffff  }
0x14e: {  	v37 =	vor.u32 v12, v33;
	v29 =	vmul.f32 $8.000000000e+00, v29;
	v31 =	vld.idx.msk [tilespmem:v31+s20+$0x0], $0xffff  }
0x14f: {  	s25 =	sadd.s32 $0x2, s22;
	[tilespmem:v32+s21+$0x0] =	vst.idx.msk $0xffff, v25;
	v25 =	vmul.f32 $8.000000000e+00, v26;
	v26 =	vor.u32 v13, v33  }
0x150: {  	v28 =	vmul.f32 $8.000000000e+00, v28;
	v32 =	vadd.s32 s25, v0;
	[tilespmem:v34+s21+$0x0] =	vst.idx.msk $0xffff, v29;
	v29 =	vor.u32 v14, v33  }
0x151: {  	v24 =	vmul.f32 $8.000000000e+00, v24;
	v32 =	vand.u32 $0x3F, v32;
	[tilespmem:v35+s21+$0x0] =	vst.idx.msk $0xffff, v25;
	v25 =	vor.u32 v15, v33  }
0x152: {  	v27 =	vmul.f32 $8.000000000e+00, v27;
	v33 =	vshll.u32 v32, $0x7;
	[tilespmem:v36+s21+$0x0] =	vst.idx.msk $0xffff, v28;
	v28 =	vor.u32 v32, v16  }
0x153: {  	[tilespmem:v37+s21+$0x0] =	vst.idx.msk $0xffff, v24;
	v24 =	vmul.f32 $8.000000000e+00, v30;
	v30 =	vor.u32 v32, v17  }
0x154: {  	[tilespmem:v26+s21+$0x0] =	vst.idx.msk $0xffff, v27;
	v26 =	vmul.f32 $8.000000000e+00, v31;
	v27 =	vor.u32 v32, v18  }
0x155: {  	[tilespmem:v29+s21+$0x0] =	vst.idx.msk $0xffff, v24;
	v24 =	vor.u32 v32, v19  }
0x156: {  	[tilespmem:v25+s21+$0x0] =	vst.idx.msk $0xffff, v26;
	v25 =	vor.u32 v32, v20  }
0x157: {  	v26 =	vld.idx.msk [tilespmem:v28+s20+$0x0], $0xffff;
	v28 =	vor.u32 v32, v21  }
0x158: {  	v29 =	vld.idx.msk [tilespmem:v30+s20+$0x0], $0xffff;
	v30 =	vor.u32 v32, v22  }
0x159: {  	v31 =	vor.u32 v32, v23;
	v27 =	vld.idx.msk [tilespmem:v27+s20+$0x0], $0xffff  }
0x15a: {  	v32 =	vor.u32 v0, v33;
	v24 =	vld.idx.msk [tilespmem:v24+s20+$0x0], $0xffff  }
0x15b: {  	v34 =	vor.u32 v9, v33;
	v25 =	vld.idx.msk [tilespmem:v25+s20+$0x0], $0xffff  }
0x15c: {  	v35 =	vor.u32 v10, v33;
	v28 =	vld.idx.msk [tilespmem:v28+s20+$0x0], $0xffff  }
0x15d: {  	v36 =	vor.u32 v11, v33;
	v26 =	vmul.f32 $8.000000000e+00, v26;
	v30 =	vld.idx.msk [tilespmem:v30+s20+$0x0], $0xffff  }
0x15e: {  	v37 =	vor.u32 v12, v33;
	v29 =	vmul.f32 $8.000000000e+00, v29;
	v31 =	vld.idx.msk [tilespmem:v31+s20+$0x0], $0xffff  }
0x15f: {  	s25 =	sadd.s32 $0x3, s22;
	s22 =	smov.u32 s24;
	[tilespmem:v32+s21+$0x0] =	vst.idx.msk $0xffff, v26;
	v26 =	vmul.f32 $8.000000000e+00, v27;
	v27 =	vor.u32 v13, v33  }
0x160: {  	v24 =	vmul.f32 $8.000000000e+00, v24;
	v32 =	vadd.s32 s25, v0;
	[tilespmem:v34+s21+$0x0] =	vst.idx.msk $0xffff, v29;
	v29 =	vor.u32 v14, v33  }
0x161: {  	v25 =	vmul.f32 $8.000000000e+00, v25;
	v32 =	vand.u32 $0x3F, v32;
	[tilespmem:v35+s21+$0x0] =	vst.idx.msk $0xffff, v26;
	v26 =	vor.u32 v15, v33  }
0x162: {  	v33 =	vshll.u32 v32, $0x7;
	[tilespmem:v36+s21+$0x0] =	vst.idx.msk $0xffff, v24;
	v24 =	vmul.f32 $8.000000000e+00, v28;
	v28 =	vor.u32 v32, v16  }
0x163: {  	[tilespmem:v37+s21+$0x0] =	vst.idx.msk $0xffff, v25;
	v25 =	vmul.f32 $8.000000000e+00, v30;
	v30 =	vor.u32 v32, v17  }
0x164: {  	[tilespmem:v27+s21+$0x0] =	vst.idx.msk $0xffff, v24;
	v24 =	vmul.f32 $8.000000000e+00, v31;
	v27 =	vor.u32 v32, v18  }
0x165: {  	[tilespmem:v29+s21+$0x0] =	vst.idx.msk $0xffff, v25;
	v25 =	vor.u32 v32, v19  }
0x166: {  	[tilespmem:v26+s21+$0x0] =	vst.idx.msk $0xffff, v24;
	v24 =	vor.u32 v32, v20  }
0x167: {  	v26 =	vld.idx.msk [tilespmem:v28+s20+$0x0], $0xffff;
	v28 =	vor.u32 v32, v21  }
0x168: {  	v29 =	vld.idx.msk [tilespmem:v30+s20+$0x0], $0xffff;
	v30 =	vor.u32 v32, v22  }
0x169: {  	v31 =	vor.u32 v32, v23;
	v27 =	vld.idx.msk [tilespmem:v27+s20+$0x0], $0xffff  }
0x16a: {  	v32 =	vor.u32 v0, v33;
	v25 =	vld.idx.msk [tilespmem:v25+s20+$0x0], $0xffff  }
0x16b: {  	v34 =	vld.idx.msk [tilespmem:v24+s20+$0x0], $0xffff;
	v24 =	vor.u32 v9, v33  }
0x16c: {  	v35 =	vld.idx.msk [tilespmem:v28+s20+$0x0], $0xffff;
	v28 =	vor.u32 v10, v33  }
0x16d: {  	v37 =	vor.u32 v11, v33;
	v26 =	vmul.f32 $8.000000000e+00, v26;
	v36 =	vld.idx.msk [tilespmem:v30+s20+$0x0], $0xffff  }
0x16e: {  	v29 =	vmul.f32 $8.000000000e+00, v29;
	v38 =	vld.idx.msk [tilespmem:v31+s20+$0x0], $0xffff;
	v31 =	vor.u32 v12, v33  }
0x16f: {  	[tilespmem:v32+s21+$0x0] =	vst.idx.msk $0xffff, v26;
	v26 =	vmul.f32 $8.000000000e+00, v27;
	v32 =	vor.u32 v13, v33  }
0x170: {  	v39 =	vor.u32 v14, v33;
	v27 =	vadd.s32 s22, v0;
	v25 =	vmul.f32 $8.000000000e+00, v25;
	[tilespmem:v24+s21+$0x0] =	vst.idx.msk $0xffff, v29  }
.Ltmp1:
0x171: {  	v30 =	vor.u32 v15, v33;
	v24 =	vand.u32 $0x3F, v27;
	v27 =	vmul.f32 $8.000000000e+00, v34;
	[tilespmem:v28+s21+$0x0] =	vst.idx.msk $0xffff, v26;
	(pc) =	sbr.rel @p0 .LBB2_5-.Ltmp1, $4  }
0x172: {  	v28 =	vor.u32 v24, v16;
	v26 =	vor.u32 v24, v17;
	[tilespmem:v37+s21+$0x0] =	vst.idx.msk $0xffff, v25;
	v25 =	vmul.f32 $8.000000000e+00, v35  }
0x173: {  	v33 =	vor.u32 v24, v18;
	v29 =	vor.u32 v24, v19;
	v35 =	vmul.f32 $8.000000000e+00, v36;
	[tilespmem:v31+s21+$0x0] =	vst.idx.msk $0xffff, v27  }
0x174: {  	v31 =	vor.u32 v24, v20;
	v27 =	vor.u32 v24, v21;
	v34 =	vmul.f32 $8.000000000e+00, v38;
	[tilespmem:v32+s21+$0x0] =	vst.idx.msk $0xffff, v25  }
0x175: {  	v32 =	vor.u32 v24, v22;
	v25 =	vor.u32 v24, v23;
	[tilespmem:v39+s21+$0x0] =	vst.idx.msk $0xffff, v35  }
0x176: {  	_ =	sdelay $0x3  }
0x177: {  	[tilespmem:v30+s21+$0x0] =	vst.idx.msk $0xffff, v34  }
0x178: {  	v28 =	vld.idx.msk [tilespmem:v28+s20+$0x0], $0xffff  }
0x179: {  	v24 =	vshll.u32 v24, $0x7;
	v26 =	vld.idx.msk [tilespmem:v26+s20+$0x0], $0xffff  }
0x17a: {  	v30 =	vld.idx.msk [tilespmem:v33+s20+$0x0], $0xffff;
	v43 =	vor.u32 v0, v24  }
0x17b: {  	v29 =	vld.idx.msk [tilespmem:v29+s20+$0x0], $0xffff;
	v44 =	vor.u32 v9, v24  }
0x17c: {  	v31 =	vld.idx.msk [tilespmem:v31+s20+$0x0], $0xffff;
	v35 =	vor.u32 v10, v24  }
0x17d: {  	v27 =	vld.idx.msk [tilespmem:v27+s20+$0x0], $0xffff;
	v36 =	vor.u32 v11, v24;
	v28 =	vmul.f32 $8.000000000e+00, v28  }
0x17e: {  	v32 =	vld.idx.msk [tilespmem:v32+s20+$0x0], $0xffff;
	v37 =	vor.u32 v12, v24;
	v26 =	vmul.f32 $8.000000000e+00, v26  }
0x17f: {  	s23 =	sadd.s32 $0x1, s22;
	v25 =	vld.idx.msk [tilespmem:v25+s20+$0x0], $0xffff;
	v46 =	vor.u32 v13, v24;
	v45 =	vmul.f32 $8.000000000e+00, v30;
	[tilespmem:v43+s21+$0x0] =	vst.idx.msk $0xffff, v28  }
0x180: {  	v48 =	vor.u32 v14, v24;
	v49 =	vadd.s32 s23, v0;
	v47 =	vmul.f32 $8.000000000e+00, v29;
	[tilespmem:v44+s21+$0x0] =	vst.idx.msk $0xffff, v26  }
0x181: {  	v24 =	vor.u32 v15, v24;
	v51 =	vand.u32 $0x3F, v49;
	v50 =	vmul.f32 $8.000000000e+00, v31;
	[tilespmem:v35+s21+$0x0] =	vst.idx.msk $0xffff, v45  }
0x182: {  	v53 =	vor.u32 v51, v16;
	v52 =	vmul.f32 $8.000000000e+00, v27;
	[tilespmem:v36+s21+$0x0] =	vst.idx.msk $0xffff, v47  }
0x183: {  	v55 =	vor.u32 v51, v17;
	v54 =	vmul.f32 $8.000000000e+00, v32;
	[tilespmem:v37+s21+$0x0] =	vst.idx.msk $0xffff, v50  }
0x184: {  	v56 =	vor.u32 v51, v18;
	v25 =	vmul.f32 $8.000000000e+00, v25;
	[tilespmem:v46+s21+$0x0] =	vst.idx.msk $0xffff, v52  }
0x185: {  	v57 =	vor.u32 v51, v19;
	[tilespmem:v48+s21+$0x0] =	vst.idx.msk $0xffff, v54  }
0x186: {  	v58 =	vor.u32 v51, v20;
	[tilespmem:v24+s21+$0x0] =	vst.idx.msk $0xffff, v25  }
0x187: {  	v59 =	vor.u32 v51, v21;
	v25 =	vld.idx.msk [tilespmem:v53+s20+$0x0], $0xffff  }
0x188: {  	v60 =	vor.u32 v51, v22;
	v61 =	vshll.u32 v51, $0x7;
	v29 =	vld.idx.msk [tilespmem:v55+s20+$0x0], $0xffff  }
0x189: {  	v62 =	vor.u32 v0, v61;
	v31 =	vor.u32 v51, v23;
	v26 =	vld.idx.msk [tilespmem:v56+s20+$0x0], $0xffff  }
0x18a: {  	v63 =	vor.u32 v9, v61;
	v28 =	vld.idx.msk [tilespmem:v57+s20+$0x0], $0xffff  }
0x18b: {  	v40 =	vor.u32 v10, v61;
	v24 =	vld.idx.msk [tilespmem:v58+s20+$0x0], $0xffff  }
0x18c: {  	v41 =	vor.u32 v11, v61;
	v27 =	vld.idx.msk [tilespmem:v59+s20+$0x0], $0xffff;
	v25 =	vmul.f32 $8.000000000e+00, v25  }
0x18d: {  	v42 =	vor.u32 v12, v61;
	v30 =	vld.idx.msk [tilespmem:v60+s20+$0x0], $0xffff;
	v29 =	vmul.f32 $8.000000000e+00, v29  }
0x18e: {  	s29 =	sadd.s32 $0x2, s22;
	v44 =	vor.u32 v13, v61;
	v31 =	vld.idx.msk [tilespmem:v31+s20+$0x0], $0xffff;
	v43 =	vmul.f32 $8.000000000e+00, v26;
	[tilespmem:v62+s21+$0x0] =	vst.idx.msk $0xffff, v25  }
0x18f: {  	v45 =	vor.u32 v14, v61;
	v46 =	vadd.s32 s29, v0;
	v28 =	vmul.f32 $8.000000000e+00, v28;
	[tilespmem:v63+s21+$0x0] =	vst.idx.msk $0xffff, v29  }
0x190: {  	v47 =	vor.u32 v15, v61;
	v48 =	vand.u32 $0x3F, v46;
	v24 =	vmul.f32 $8.000000000e+00, v24;
	[tilespmem:v40+s21+$0x0] =	vst.idx.msk $0xffff, v43  }
0x191: {  	v49 =	vor.u32 v48, v16;
	v27 =	vmul.f32 $8.000000000e+00, v27;
	[tilespmem:v41+s21+$0x0] =	vst.idx.msk $0xffff, v28  }
0x192: {  	v51 =	vor.u32 v48, v17;
	v50 =	vmul.f32 $8.000000000e+00, v30;
	[tilespmem:v42+s21+$0x0] =	vst.idx.msk $0xffff, v24  }
0x193: {  	v53 =	vor.u32 v48, v18;
	v52 =	vmul.f32 $8.000000000e+00, v31;
	[tilespmem:v44+s21+$0x0] =	vst.idx.msk $0xffff, v27  }
0x194: {  	v54 =	vor.u32 v48, v19;
	[tilespmem:v45+s21+$0x0] =	vst.idx.msk $0xffff, v50  }
0x195: {  	v55 =	vor.u32 v48, v20;
	[tilespmem:v47+s21+$0x0] =	vst.idx.msk $0xffff, v52  }
0x196: {  	v56 =	vor.u32 v48, v21;
	v26 =	vld.idx.msk [tilespmem:v49+s20+$0x0], $0xffff  }
0x197: {  	v57 =	vor.u32 v48, v22;
	v58 =	vshll.u32 v48, $0x7;
	v29 =	vld.idx.msk [tilespmem:v51+s20+$0x0], $0xffff  }
0x198: {  	v32 =	vor.u32 v48, v23;
	v59 =	vor.u32 v0, v58;
	v27 =	vld.idx.msk [tilespmem:v53+s20+$0x0], $0xffff  }
0x199: {  	v60 =	vor.u32 v9, v58;
	v24 =	vld.idx.msk [tilespmem:v54+s20+$0x0], $0xffff  }
0x19a: {  	v61 =	vor.u32 v10, v58;
	v25 =	vld.idx.msk [tilespmem:v55+s20+$0x0], $0xffff  }
0x19b: {  	v62 =	vor.u32 v11, v58;
	v28 =	vld.idx.msk [tilespmem:v56+s20+$0x0], $0xffff;
	v26 =	vmul.f32 $8.000000000e+00, v26  }
0x19c: {  	v63 =	vor.u32 v12, v58;
	v30 =	vld.idx.msk [tilespmem:v57+s20+$0x0], $0xffff;
	v29 =	vmul.f32 $8.000000000e+00, v29  }
0x19d: {  	s30 =	sadd.s32 $0x3, s22;
	v41 =	vor.u32 v13, v58;
	v32 =	vld.idx.msk [tilespmem:v32+s20+$0x0], $0xffff;
	v40 =	vmul.f32 $8.000000000e+00, v27;
	[tilespmem:v59+s21+$0x0] =	vst.idx.msk $0xffff, v26  }
0x19e: {  	v43 =	vadd.s32 s30, v0;
	v42 =	vor.u32 v14, v58;
	v24 =	vmul.f32 $8.000000000e+00, v24;
	[tilespmem:v60+s21+$0x0] =	vst.idx.msk $0xffff, v29  }
0x19f: {  	v44 =	vor.u32 v15, v58;
	v45 =	vand.u32 $0x3F, v43;
	v25 =	vmul.f32 $8.000000000e+00, v25;
	[tilespmem:v61+s21+$0x0] =	vst.idx.msk $0xffff, v40  }
0x1a0: {  	v16 =	vor.u32 v45, v16;
	v46 =	vmul.f32 $8.000000000e+00, v28;
	[tilespmem:v62+s21+$0x0] =	vst.idx.msk $0xffff, v24  }
0x1a1: {  	v17 =	vor.u32 v45, v17;
	v47 =	vmul.f32 $8.000000000e+00, v30;
	[tilespmem:v63+s21+$0x0] =	vst.idx.msk $0xffff, v25  }
0x1a2: {  	v49 =	vor.u32 v45, v18;
	v48 =	vmul.f32 $8.000000000e+00, v32;
	[tilespmem:v41+s21+$0x0] =	vst.idx.msk $0xffff, v46  }
0x1a3: {  	v50 =	vor.u32 v45, v19;
	[tilespmem:v42+s21+$0x0] =	vst.idx.msk $0xffff, v47  }
0x1a4: {  	v51 =	vor.u32 v45, v20;
	[tilespmem:v44+s21+$0x0] =	vst.idx.msk $0xffff, v48  }
0x1a5: {  	v52 =	vor.u32 v45, v21;
	v16 =	vld.idx.msk [tilespmem:v16+s20+$0x0], $0xffff  }
0x1a6: {  	v53 =	vor.u32 v45, v22;
	v54 =	vshll.u32 v45, $0x7;
	v17 =	vld.idx.msk [tilespmem:v17+s20+$0x0], $0xffff  }
0x1a7: {  	v55 =	vor.u32 v45, v23;
	v56 =	vor.u32 v0, v54;
	v18 =	vld.idx.msk [tilespmem:v49+s20+$0x0], $0xffff  }
0x1a8: {  	v57 =	vor.u32 v9, v54;
	v19 =	vld.idx.msk [tilespmem:v50+s20+$0x0], $0xffff  }
0x1a9: {  	v58 =	vor.u32 v10, v54;
	v20 =	vld.idx.msk [tilespmem:v51+s20+$0x0], $0xffff  }
0x1aa: {  	v59 =	vor.u32 v11, v54;
	v21 =	vld.idx.msk [tilespmem:v52+s20+$0x0], $0xffff;
	v16 =	vmul.f32 $8.000000000e+00, v16  }
0x1ab: {  	v60 =	vor.u32 v12, v54;
	v22 =	vld.idx.msk [tilespmem:v53+s20+$0x0], $0xffff;
	v17 =	vmul.f32 $8.000000000e+00, v17  }
0x1ac: {  	v61 =	vor.u32 v13, v54;
	v23 =	vld.idx.msk [tilespmem:v55+s20+$0x0], $0xffff;
	[tilespmem:v56+s21+$0x0] =	vst.idx.msk $0xffff, v16;
	v16 =	vmul.f32 $8.000000000e+00, v18  }
0x1ad: {  	v62 =	vor.u32 v14, v54;
	[tilespmem:v57+s21+$0x0] =	vst.idx.msk $0xffff, v17;
	v17 =	vmul.f32 $8.000000000e+00, v19  }
0x1ae: {  	s31 =	sshll.u32 s19, $0x12;
	s19 =	sadd.s32 $0x1, s19;
	v63 =	vor.u32 v15, v54;
	[tilespmem:v58+s21+$0x0] =	vst.idx.msk $0xffff, v16;
	v16 =	vmul.f32 $8.000000000e+00, v20  }
0x1af: {  	p0 =	sne.s32 s19, $0xC8;
	[tilespmem:v59+s21+$0x0] =	vst.idx.msk $0xffff, v17;
	v17 =	vmul.f32 $8.000000000e+00, v21  }
.Ltmp2:
0x1b0: {  	[tilespmem:v60+s21+$0x0] =	vst.idx.msk $0xffff, v16;
	v16 =	vmul.f32 $8.000000000e+00, v22;
	(pc) =	sbr.rel @p0 .LBB2_4-.Ltmp2, $4  }
0x1b1: {  	s20 =	sor.u32 s4, s31;
	[tilespmem:v61+s21+$0x0] =	vst.idx.msk $0xffff, v17;
	v17 =	vmul.f32 $8.000000000e+00, v23  }
0x1b2: {  	s20 =	sshrl.u32 s20, $0x3;
	[tilespmem:v62+s21+$0x0] =	vst.idx.msk $0xffff, v16  }
0x1b3: {  	s20 =	sadd.s32 s2, s20;
	[tilespmem:v63+s21+$0x0] =	vst.idx.msk $0xffff, v17  }
0x1b4: {  	[hbm4b:s20+s8] =	stream.strided.scatter [tilespmem:s21], [sflag:$0x2], $0x2000, s9, s8, $0x38;
	[tilespmem:$0x1C800] =	vst v63  }
0x1b5: {  	s18 =	sadd.s32 $0x1, s18  }
0x1b6: {  	_ =	swait.ge [sflag:s17], $0x2000;
	p0 =	sne.s32 s18, s7  }
.Ltmp3:
0x1b7: {  	[sflag:s17] =	ssyncset.done $0x0;
	(pc) =	sbr.rel @p0 .LBB2_1-.Ltmp3, $4  }
0x1b8: {  	[sflag:s17] =	ssyncadd.s32 $0xFFFFE000  }
0x1b9: {  	_ =	swait.ge [sflag:s17], $0x2000  }
0x1ba: {  	[sflag:s17] =	ssyncset.done $0x0  }
0x1bb: {  	[sflag:s17] =	ssyncadd.s32 $0xFFFFE000  }
0x1bc: {  	_ =	sfence.sel $0x180000  }
0x1bd: {  	[bflag:$0x0] =	sbarrier.arrive $0xFFFF  }
0x1be: {  	p0 =	sne.s32 s1, $0x0;
	_ =	strace $0x9000004A  }
0x1bf: {  	s0 =	sadd.s32 @!p0 $0x100000, s0;
	[bflag:$0x2] =	sbarrier.arrive $0xFFFF  }
0x1c0: {  	[sflag:s0] =	ssyncadd.tile.s32 @!p0 $0x1;
	_ =	shalt  }
.Lfunc_end2:
_tile_overlayer_lowered:
.L_overlay_start_2:
0x1c1: {  	(tag) =	ssettag $0x2  }
0x1c2: {  	s0 =	rddreg [dreg:$0x0];
	s2 =	stileid.u32  }
0x1c3: {  	s1 =	rddreg [dreg:$0x1];
	p0 =	sne.s32 s2, $0x0  }
0x1c4: {  	s3 =	rddreg [dreg:$0x2];
	[bflag:$0x3] =	sbarrier.arrive $0xFFFF;
	s2 =	simm.s32 @!p0 $0x1C03  }
0x1c5: {  	[timem:s3], [sflag:s2] =	dma.local @!p0 [hbm:s0], s1  }
0x1c6: {  	s0 =	simm.s32 @!p0 $0x3  }
0x1c7: {  	_ =	swait.ge @!p0 [sflag:s0], s1  }
0x1c8: {  	s1 =	ssub.s32 @!p0 $0x0, s1;
	[sflag:s0] =	ssyncset.done @!p0 $0x0  }
0x1c9: {  	[sflag:s0] =	ssyncadd.s32 @!p0 s1  }
0x1ca: {  	[bflag:$0x3] =	sbarrier.arrive $0xFFFF  }
0x1cb: {  	_ =	shalt  }

</sc_bundles>
